<compile_context>
chip_gen: v7x
topology: tpu7x:2x2x1
jax: 0.10.2.dev20260603
libtpu: 0.0.44.dev20260713+nightly
codegen_flags: <defaults>
</compile_context>

<pallas_src>
import functools

import jax
import jax.numpy as jnp
from jax import lax
from jax.experimental import pallas as pl
from jax.experimental.pallas import tpu as pltpu
from jax.experimental.pallas import tpu_sc as plsc

_TOP = 1000
_PAD = 1024
_DUMP = 1040
_DSTRIDE = 1056
_NEG = -1e9


def _monotone_i32(x):
    b = lax.bitcast_convert_type(x, jnp.int32)
    return b ^ ((b >> 31) & jnp.int32(0x7FFFFFFF))


def _select_body(sup_ref, logits_ref, lse_ref, slot_ref):
    S, V = logits_ref.shape[1], logits_ref.shape[2]
    x = logits_ref[0]
    col = lax.broadcasted_iota(jnp.int32, (S, V), 1)
    supmask = jnp.zeros((S, V), dtype=jnp.bool_)
    for i in range(sup_ref.shape[0]):
        supmask = supmask | (col == sup_ref[i])
    x = jnp.where(supmask, _NEG, x)
    m = _monotone_i32(x)

    def cnt(t):
        return jnp.sum((m >= t).astype(jnp.int32), axis=1, keepdims=True)

    imin = jnp.int32(-2147483648)
    imax = jnp.int32(2147483647)
    zero = jnp.zeros((S, 1), jnp.int32)
    c0 = cnt(zero)
    negside = c0 < _TOP
    lo = jnp.where(negside, imin, zero)
    hi = jnp.where(negside, jnp.int32(-1), imax)
    clo = jnp.where(negside, jnp.int32(V), c0)
    chi = jnp.where(negside, c0, jnp.int32(0))

    def cond(carry):
        lo, hi, clo, chi, it = carry
        return jnp.any(lo < hi)

    def body(carry):
        lo, hi, clo, chi, it = carry
        width = hi - lo
        mid = lo + ((width >> 1) + (width & 1))
        frac = (clo.astype(jnp.float32) - _TOP) / (
            clo.astype(jnp.float32) - chi.astype(jnp.float32))
        frac = jnp.clip(frac, 0.0, 0.999)
        sec = lo + 1 + (frac * (width - 1).astype(jnp.float32)).astype(jnp.int32)
        sec = jnp.clip(sec, lo + 1, hi)
        p = jnp.where((it & 1) == 0, sec, mid)
        act = lo < hi
        c = cnt(p)
        ok = act & (c >= _TOP)
        nok = act & jnp.logical_not(c >= _TOP)
        lo = jnp.where(ok, p, lo)
        clo = jnp.where(ok, c, clo)
        hi = jnp.where(nok, p - 1, hi)
        chi = jnp.where(nok, c, chi)
        return lo, hi, clo, chi, it + 1

    lo, hi, clo, chi, _ = lax.while_loop(
        cond, body, (lo, hi, clo, chi, jnp.int32(0)))
    tstar = lo

    G = jnp.sum((m > tstar).astype(jnp.int32), axis=1, keepdims=True)
    E = _TOP - G
    eqmask = m == tstar
    eqcnt = jnp.sum(eqmask.astype(jnp.int32), axis=1, keepdims=True)

    triv = eqcnt == E
    lo2 = jnp.where(triv, jnp.int32(V - 1), jnp.int32(0))
    hi2 = jnp.full((S, 1), V - 1, jnp.int32)

    def cond2(carry):
        lo2, hi2 = carry
        return jnp.any(lo2 < hi2)

    def body2(carry):
        lo2, hi2 = carry
        mid = (lo2 + hi2) >> 1
        ec = jnp.sum((eqmask & (col <= mid)).astype(jnp.int32),
                     axis=1, keepdims=True)
        act = lo2 < hi2
        ok = act & (ec >= E)
        hi2 = jnp.where(ok, mid, hi2)
        lo2 = jnp.where(act & jnp.logical_not(ec >= E), mid + 1, lo2)
        return lo2, hi2

    lo2, _ = lax.while_loop(cond2, body2, (lo2, hi2))
    cstar = lo2

    sel = (m > tstar) | (eqmask & (col <= cstar))
    M = jnp.max(x, axis=1, keepdims=True)
    sumexp = jnp.sum(jnp.where(sel, jnp.exp(x - M), 0.0), axis=1, keepdims=True)
    lse = jnp.log(sumexp) + M

    tbits = jnp.where(tstar >= 0, tstar, tstar ^ jnp.int32(0x7FFFFFFF))
    tf = lax.bitcast_convert_type(tbits, jnp.float32)

    lse_ref[...] = jnp.broadcast_to(lse, (S, 128))[None]
    selI = jnp.where(sel, 1, 0)
    acc = selI
    d = 1
    while d < V:
        sh = jnp.where(col >= d, pltpu.roll(acc, d, 1), 0)
        acc = acc + sh
        d <<= 1
    prefix = acc - selI
    b = pl.program_id(0)
    rowbase = (b * S + lax.broadcasted_iota(jnp.int32, (S, 1), 0)) * _DSTRIDE
    slot_ref[...] = (rowbase + jnp.where(sel, prefix, _DUMP))[None]


def _select(logits, token_ids_to_suppress):
    B, S, V = logits.shape
    return pl.pallas_call(
        _select_body,
        grid_spec=pltpu.PrefetchScalarGridSpec(
            num_scalar_prefetch=1,
            grid=(B,),
            in_specs=[pl.BlockSpec((1, S, V), lambda b, sup: (b, 0, 0))],
            out_specs=[
                pl.BlockSpec((1, S, 128), lambda b, sup: (b, 0, 0)),
                pl.BlockSpec((1, S, V), lambda b, sup: (b, 0, 0)),
            ],
        ),
        out_shape=[
            jax.ShapeDtypeStruct((B, S, 128), jnp.float32),
            jax.ShapeDtypeStruct((B, S, V), jnp.int32),
        ],
    )(token_ids_to_suppress, logits)


def _extract(logits2d, slots2d, iota2d):
    BS, V = logits2d.shape
    mesh = plsc.VectorSubcoreMesh(core_axis_name="c", subcore_axis_name="s")
    info = plsc.get_sparse_core_info()
    NC, NS, L = info.num_cores, info.num_subcores, info.num_lanes
    NW = NC * NS
    rows_per_w = BS // NW
    NCH = V // 128
    BURST = 8

    @functools.partial(
        pl.kernel,
        mesh=mesh,
        out_type=[
            jax.ShapeDtypeStruct((BS * _DSTRIDE,), jnp.float32),
            jax.ShapeDtypeStruct((BS * _DSTRIDE,), jnp.int32),
        ],
        scratch_types=[
            pltpu.VMEM((NCH, 128), jnp.float32),
            pltpu.VMEM((NCH, 128), jnp.int32),
            pltpu.VMEM((NCH, 128), jnp.int32),
            pltpu.SemaphoreType.DMA,
        ],
    )
    def sc_kernel(logits_hbm, slots_hbm, iota_hbm, ovals_hbm, oidx_hbm,
                  row_v, srow_v, iota_v, sem):
        wid = lax.axis_index("s") * NC + lax.axis_index("c")
        pltpu.sync_copy(iota_hbm.at[0], iota_v)

        def row_body(r, _):
            row = wid * rows_per_w + r
            pltpu.sync_copy(logits_hbm.at[row], row_v)
            pltpu.sync_copy(slots_hbm.at[row], srow_v)

            def burst(bi, _):
                copies = []
                for u in range(BURST):
                    j = bi * BURST + u
                    copies.append(pltpu.async_copy(
                        row_v.at[j], ovals_hbm.at[srow_v.at[j]], sem))
                    copies.append(pltpu.async_copy(
                        iota_v.at[j], oidx_hbm.at[srow_v.at[j]], sem))
                for c in copies:
                    c.wait()
                return 0

            lax.fori_loop(0, NCH // BURST, burst, 0)
            tail = []
            for j in range((NCH // BURST) * BURST, NCH):
                tail.append(pltpu.async_copy(
                    row_v.at[j], ovals_hbm.at[srow_v.at[j]], sem))
                tail.append(pltpu.async_copy(
                    iota_v.at[j], oidx_hbm.at[srow_v.at[j]], sem))
            for c in tail:
                c.wait()
            return 0

        lax.fori_loop(0, rows_per_w, row_body, 0)

    return sc_kernel(logits2d.reshape(BS, NCH, 128),
                     slots2d.reshape(BS, NCH, 128), iota2d)


def _lex_gt(av, ai, bv, bi):
    return (av > bv) | ((av == bv) & (ai < bi))


def _finish_body(cv_ref, ci_ref, g_ref, lse_ref, pos_ref, x_ref,
                 am_ref, lp_ref, tok_ref, fx_ref, fam_ref, fpos_ref):
    S = cv_ref.shape[1]
    N = cv_ref.shape[2]
    v = cv_ref[0]
    ii = ci_ref[0]
    lanes = lax.broadcasted_iota(jnp.int32, (S, N), 1)
    pre = lanes < _TOP
    v = jnp.where(pre, v, jnp.float32(-3e38))
    ii = jnp.where(pre, ii, jnp.int32(2147483647))

    k = 2
    while k <= N:
        j = k >> 1
        while j >= 1:
            pv = jnp.where((lanes & j) != 0,
                           pltpu.roll(v, j, 1), pltpu.roll(v, N - j, 1))
            pi = jnp.where((lanes & j) != 0,
                           pltpu.roll(ii, j, 1), pltpu.roll(ii, N - j, 1))
            i_high = (lanes & j) != 0
            asc = (lanes & k) != 0
            pg = _lex_gt(pv, pi, v, ii)
            take = pg ^ i_high ^ asc
            v = jnp.where(take, pv, v)
            ii = jnp.where(take, pi, ii)
            j >>= 1
        k <<= 1

    lse = lse_ref[0][:, :1]
    lp = v - lse
    y = jnp.where(lanes < _TOP, lp + g_ref[0], jnp.float32(-3e38))
    rowmax = jnp.max(y, axis=1, keepdims=True)
    winpos = jnp.min(jnp.where(y == rowmax, lanes, jnp.int32(N)),
                     axis=1, keepdims=True)
    onewin = lanes == winpos
    chosen_lp = jnp.sum(jnp.where(onewin, lp, 0.0), axis=1, keepdims=True)
    tok = jnp.sum(jnp.where(onewin, ii, 0), axis=1, keepdims=True)
    lp_ref[...] = jnp.broadcast_to(chosen_lp, (S, 128))[None]
    tok_ref[...] = jnp.broadcast_to(tok, (S, 128))[None]

    rep = lambda a: jnp.concatenate([a] * (128 // S), axis=1)
    p = rep(pos_ref[0])
    xs = rep(x_ref[0])
    am = rep(am_ref[0])
    l16 = lax.broadcasted_iota(jnp.int32, (1, 128), 1) % S
    rank = jnp.zeros((1, 128), jnp.int32)
    for sh in range(1, S):
        q = pltpu.roll(p, sh, 1)
        before = l16 >= sh
        rank = rank + ((q < p) | ((q == p) & before)).astype(jnp.int32)
    fp = jnp.zeros((1, 128), jnp.int32)
    fxv = jnp.zeros((1, 128), jnp.int32)
    fam = jnp.zeros((1, 128), jnp.int32)
    for sh in range(S):
        rr = pltpu.roll(rank, sh, 1)
        hit = rr == l16
        fp = fp + jnp.where(hit, pltpu.roll(p, sh, 1), 0)
        fxv = fxv + jnp.where(hit, pltpu.roll(xs, sh, 1), 0)
        fam = fam + jnp.where(hit, pltpu.roll(am, sh, 1), 0)
    fpos_ref[...] = fp[:, :S][None]
    fx_ref[...] = fxv[:, :S][None]
    fam_ref[...] = fam[:, :S][None]


def _finish(cvals, cidx, g, lse, positions, x, attention_mask):
    B = positions.shape[0]
    S = positions.shape[1]
    cvals = cvals.reshape(B, S, _PAD)
    cidx = cidx.reshape(B, S, _PAD)
    pos3 = positions.reshape(B, 1, S)
    x3 = x.reshape(B, 1, S)
    am3 = attention_mask.astype(jnp.int32).reshape(B, 1, S)
    bs = lambda b: (b, 0, 0)
    return pl.pallas_call(
        _finish_body,
        grid_spec=pltpu.PrefetchScalarGridSpec(
            num_scalar_prefetch=0,
            grid=(B,),
            in_specs=[
                pl.BlockSpec((1, S, _PAD), bs),
                pl.BlockSpec((1, S, _PAD), bs),
                pl.BlockSpec((1, S, _PAD), bs),
                pl.BlockSpec((1, S, 128), bs),
                pl.BlockSpec((1, 1, S), bs),
                pl.BlockSpec((1, 1, S), bs),
                pl.BlockSpec((1, 1, S), bs),
            ],
            out_specs=[
                pl.BlockSpec((1, S, 128), bs),
                pl.BlockSpec((1, S, 128), bs),
                pl.BlockSpec((1, 1, S), bs),
                pl.BlockSpec((1, 1, S), bs),
                pl.BlockSpec((1, 1, S), bs),
            ],
        ),
        out_shape=[
            jax.ShapeDtypeStruct((B, S, 128), jnp.float32),
            jax.ShapeDtypeStruct((B, S, 128), jnp.int32),
            jax.ShapeDtypeStruct((B, 1, S), jnp.int32),
            jax.ShapeDtypeStruct((B, 1, S), jnp.int32),
            jax.ShapeDtypeStruct((B, 1, S), jnp.int32),
        ],
    )(cvals, cidx, g, lse, pos3, x3, am3)


def kernel(logits, x, positions, attention_mask, token_ids_to_suppress, top):
    B, S, V = logits.shape

    skey = jax.random.fold_in(jax.random.key(0), 1)
    g = jax.random.gumbel(skey, (B, S, _TOP), jnp.float32)
    g = jnp.pad(g, ((0, 0), (0, 0), (0, _PAD - _TOP)),
                constant_values=-3e38)

    lse, slots = _select(logits, token_ids_to_suppress)
    iota2d = jnp.arange(V, dtype=jnp.int32).reshape(1, V // 128, 128)
    cvals, cidx = _extract(logits.reshape(B * S, V), slots.reshape(B * S, V),
                           iota2d)
    cvals = cvals.reshape(B * S, _DSTRIDE)[:, :_PAD]
    cidx = cidx.reshape(B * S, _DSTRIDE)[:, :_PAD]
    lp, tok, fx, fam, fpos = _finish(
        cvals, cidx, g, lse, positions, x, attention_mask)

    chosen_logprob = lp[:, :, 0]
    sampled_tokens = tok[:, :, 0]
    final_x = fx.reshape(B, S)
    final_attention_mask = fam.reshape(B, S).astype(jnp.bool_)
    final_positions = fpos.reshape(B, S)
    return (chosen_logprob, sampled_tokens, final_x,
            final_attention_mask, final_positions)

# --- scband reference (transcript-rebuilt; emitter-appended) ---
"""Pipeline reference for scband-itpredictor-34797825032644 (READ-ONLY COPY).

The authoritative reference and input builder live on the scoring server;
editing this copy changes nothing except your own understanding.
"""

import jax, jax.numpy as jnp
import numpy as np

B, S, V = 64, 16, 32000
TOP = 1000
N_SUP = 4


def setup_inputs(seed: int = 0) -> dict:
    key = jax.random.key(seed)
    k1, k2, k3, k4 = jax.random.split(key, 4)
    logits = jax.random.normal(k1, (B, S, V), dtype=jnp.float32)
    x = jax.random.randint(k2, (B, S), 0, V, dtype=jnp.int32)
    positions = jax.random.randint(k3, (B, S), 0, S, dtype=jnp.int32)
    attention_mask = jnp.ones((B, S), dtype=bool)
    token_ids_to_suppress = jax.random.randint(k4, (N_SUP,), 0, V, dtype=jnp.int32)
    return {
        "logits": logits,
        "x": x,
        "positions": positions,
        "attention_mask": attention_mask,
        "token_ids_to_suppress": token_ids_to_suppress,
        "top": TOP,
    }


def reference(logits, x, positions, attention_mask, token_ids_to_suppress, top=TOP):
    # --- suppress special tokens (mask/pad/cls/bos) in the vocab distribution ---
    neg = jnp.float32(-1e9)
    sup_mask = jnp.zeros((logits.shape[-1],), dtype=bool).at[token_ids_to_suppress].set(True)
    sup_logits = jnp.where(sup_mask[None, None, :], neg, logits)

    # --- sample_top_k: restrict to top-k vocab entries, renormalize, sample ---
    topk_vals, topk_idx = jax.lax.top_k(sup_logits, TOP)            # [B, S, top]
    topk_vals = topk_vals + jnp.zeros_like(topk_vals) * jnp.asarray(top, dtype=topk_vals.dtype)
    log_probs = jax.nn.log_softmax(topk_vals, axis=-1)              # [B, S, top]
    skey = jax.random.fold_in(jax.random.key(0), 1)
    choice = jax.random.categorical(skey, log_probs, axis=-1)       # [B, S]
    sampled_tokens = jnp.take_along_axis(topk_idx, choice[..., None], axis=-1)[..., 0]
    chosen_logprob = jnp.take_along_axis(log_probs, choice[..., None], axis=-1)[..., 0]

    # --- decode step: sort by positions and gather ids / attention mask ---
    perm = jnp.argsort(positions, axis=-1)                          # sorted_positions_indices
    final_positions = jnp.take_along_axis(positions, perm, axis=-1)
    final_x = jnp.take_along_axis(x, perm, axis=-1)
    final_attention_mask = jnp.take_along_axis(attention_mask, perm, axis=-1)

    return (chosen_logprob, sampled_tokens, final_x, final_attention_mask, final_positions)

if __name__ == "__main__":
    import jax
    _d = setup_inputs()
    print(jax.jit(kernel)(*tuple(_d.values())))

</pallas_src>

<mosaic_0001>
#map = affine_map<(d0, d1) -> (0, 0, 0)>
#map1 = affine_map<(d0, d1) -> (0)>
module attributes {stable_mosaic.version = 14 : i64} {
  func.func @sc_kernel(%arg0: i32, %arg1: i32, %arg2: memref<1024x250x128xf32, #tpu.memory_space<hbm>>, %arg3: memref<1024x250x128xi32, #tpu.memory_space<hbm>>, %arg4: memref<1x250x128xi32, #tpu.memory_space<hbm>>, %arg5: memref<1081344xf32, #tpu.memory_space<hbm>>, %arg6: memref<1081344xi32, #tpu.memory_space<hbm>>, %arg7: memref<250x128xf32, #tpu.memory_space<vmem>>, %arg8: memref<250x128xi32, #tpu.memory_space<vmem>>, %arg9: memref<250x128xi32, #tpu.memory_space<vmem>>, %arg10: memref<!tpu.dma_semaphore, #tpu.memory_space<semaphore_mem>>) attributes {dimension_semantics = [#tpu.dimension_semantics<core_parallel>, #tpu.dimension_semantics<subcore_parallel>], iteration_bounds = array<i64: 2, 16>, scalar_prefetch = 0 : i64, scratch_operands = 4 : i64, tpu.core_type = #tpu.core_type<sc_vector_subcore>, window_params = [{transform_indices = #map}, {transform_indices = #map}, {transform_indices = #map}, {transform_indices = #map1}, {transform_indices = #map1}]} {
    %mul3A = arith.constant 2 : i32
    %mul3A_0 = arith.muli %arg1, %mul3A : i32
    %add3A = arith.addi %mul3A_0, %arg0 : i32
    %run_scoped3A = arith.constant 0 : i32
    "tpu.region"() ({
      %run_scoped3A_7 = tpu.sem_alloc : memref<!tpu.dma_semaphore, #tpu.memory_space<semaphore_mem>>
      %dma_start3A = arith.constant 0 : i32
      %dma_start3A_8 = arith.constant 0 : i32
      %dma_start3A_9 = tpu.memref_slice %arg4[%run_scoped3A, %dma_start3A, %dma_start3A_8] : memref<1x250x128xi32, #tpu.memory_space<hbm>> -> memref<1x250x128xi32, #tpu.memory_space<hbm>>
      %dma_start3A_10 = tpu.memref_squeeze %dma_start3A_9 : memref<1x250x128xi32, #tpu.memory_space<hbm>> -> memref<250x128xi32, #tpu.memory_space<hbm>>
      %dma_start3A_11 = arith.constant 0 : i32
      %dma_start3A_12 = arith.constant 0 : i32
      %dma_start3A_13 = tpu.memref_slice %arg4[%run_scoped3A, %dma_start3A_11, %dma_start3A_12] : memref<1x250x128xi32, #tpu.memory_space<hbm>> -> memref<1x250x128xi32, #tpu.memory_space<hbm>>
      %dma_start3A_14 = tpu.memref_squeeze %dma_start3A_13 : memref<1x250x128xi32, #tpu.memory_space<hbm>> -> memref<250x128xi32, #tpu.memory_space<hbm>>
      tpu.enqueue_dma source(%dma_start3A_14 : memref<250x128xi32, #tpu.memory_space<hbm>>) target(%arg9 : memref<250x128xi32, #tpu.memory_space<vmem>>) target_semaphore(%run_scoped3A_7 : memref<!tpu.dma_semaphore, #tpu.memory_space<semaphore_mem>>)
      %dma_wait3A = arith.constant 0 : i32
      %dma_wait3A_15 = arith.constant 0 : i32
      %dma_wait3A_16 = tpu.memref_slice %arg4[%run_scoped3A, %dma_wait3A, %dma_wait3A_15] : memref<1x250x128xi32, #tpu.memory_space<hbm>> -> memref<1x250x128xi32, #tpu.memory_space<hbm>>
      %dma_wait3A_17 = tpu.memref_squeeze %dma_wait3A_16 : memref<1x250x128xi32, #tpu.memory_space<hbm>> -> memref<250x128xi32, #tpu.memory_space<hbm>>
      %dma_wait3A_18 = arith.constant 0 : i32
      %dma_wait3A_19 = arith.constant 0 : i32
      %dma_wait3A_20 = tpu.memref_slice %arg4[%run_scoped3A, %dma_wait3A_18, %dma_wait3A_19] : memref<1x250x128xi32, #tpu.memory_space<hbm>> -> memref<1x250x128xi32, #tpu.memory_space<hbm>>
      %dma_wait3A_21 = tpu.memref_squeeze %dma_wait3A_20 : memref<1x250x128xi32, #tpu.memory_space<hbm>> -> memref<250x128xi32, #tpu.memory_space<hbm>>
      tpu.wait_dma2 semaphore(%run_scoped3A_7 : memref<!tpu.dma_semaphore, #tpu.memory_space<semaphore_mem>>) src(%dma_wait3A_21 : memref<250x128xi32, #tpu.memory_space<hbm>>) dst(%arg9 : memref<250x128xi32, #tpu.memory_space<vmem>>)
      tpu.yield
    }) : () -> ()
    %scan3A = arith.constant 0 : i32
    %scan3A_1 = arith.constant 0 : i32
    %scan3A_2 = arith.constant 32 : i32
    %scan3A_3 = arith.addi %scan3A_1, %scan3A_2 : i32
    %scan3A_4 = arith.constant 1 : i32
    %scan3A_5 = scf.for %scan3A_7 = %scan3A_1 to %scan3A_3 step %scan3A_4 iter_args(%scan3A_8 = %scan3A) -> (i32)  : i32 {
      %mul3A_9 = arith.constant 32 : i32
      %mul3A_10 = arith.muli %add3A, %mul3A_9 : i32
      %add3A_11 = arith.addi %mul3A_10, %scan3A_7 : i32
      "tpu.region"() ({
        %run_scoped3A_98 = tpu.sem_alloc : memref<!tpu.dma_semaphore, #tpu.memory_space<semaphore_mem>>
        %dma_start3A_99 = arith.constant 0 : i32
        %dma_start3A_100 = arith.constant 0 : i32
        %dma_start3A_101 = tpu.memref_slice %arg2[%add3A_11, %dma_start3A_99, %dma_start3A_100] : memref<1024x250x128xf32, #tpu.memory_space<hbm>> -> memref<1x250x128xf32, #tpu.memory_space<hbm>>
        %dma_start3A_102 = tpu.memref_squeeze %dma_start3A_101 : memref<1x250x128xf32, #tpu.memory_space<hbm>> -> memref<250x128xf32, #tpu.memory_space<hbm>>
        %dma_start3A_103 = arith.constant 0 : i32
        %dma_start3A_104 = arith.constant 0 : i32
        %dma_start3A_105 = tpu.memref_slice %arg2[%add3A_11, %dma_start3A_103, %dma_start3A_104] : memref<1024x250x128xf32, #tpu.memory_space<hbm>> -> memref<1x250x128xf32, #tpu.memory_space<hbm>>
        %dma_start3A_106 = tpu.memref_squeeze %dma_start3A_105 : memref<1x250x128xf32, #tpu.memory_space<hbm>> -> memref<250x128xf32, #tpu.memory_space<hbm>>
        tpu.enqueue_dma source(%dma_start3A_106 : memref<250x128xf32, #tpu.memory_space<hbm>>) target(%arg7 : memref<250x128xf32, #tpu.memory_space<vmem>>) target_semaphore(%run_scoped3A_98 : memref<!tpu.dma_semaphore, #tpu.memory_space<semaphore_mem>>)
        %dma_wait3A_107 = arith.constant 0 : i32
        %dma_wait3A_108 = arith.constant 0 : i32
        %dma_wait3A_109 = tpu.memref_slice %arg2[%add3A_11, %dma_wait3A_107, %dma_wait3A_108] : memref<1024x250x128xf32, #tpu.memory_space<hbm>> -> memref<1x250x128xf32, #tpu.memory_space<hbm>>
        %dma_wait3A_110 = tpu.memref_squeeze %dma_wait3A_109 : memref<1x250x128xf32, #tpu.memory_space<hbm>> -> memref<250x128xf32, #tpu.memory_space<hbm>>
        %dma_wait3A_111 = arith.constant 0 : i32
        %dma_wait3A_112 = arith.constant 0 : i32
        %dma_wait3A_113 = tpu.memref_slice %arg2[%add3A_11, %dma_wait3A_111, %dma_wait3A_112] : memref<1024x250x128xf32, #tpu.memory_space<hbm>> -> memref<1x250x128xf32, #tpu.memory_space<hbm>>
        %dma_wait3A_114 = tpu.memref_squeeze %dma_wait3A_113 : memref<1x250x128xf32, #tpu.memory_space<hbm>> -> memref<250x128xf32, #tpu.memory_space<hbm>>
        tpu.wait_dma2 semaphore(%run_scoped3A_98 : memref<!tpu.dma_semaphore, #tpu.memory_space<semaphore_mem>>) src(%dma_wait3A_114 : memref<250x128xf32, #tpu.memory_space<hbm>>) dst(%arg7 : memref<250x128xf32, #tpu.memory_space<vmem>>)
        tpu.yield
      }) : () -> ()
      "tpu.region"() ({
        %run_scoped3A_98 = tpu.sem_alloc : memref<!tpu.dma_semaphore, #tpu.memory_space<semaphore_mem>>
        %dma_start3A_99 = arith.constant 0 : i32
        %dma_start3A_100 = arith.constant 0 : i32
        %dma_start3A_101 = tpu.memref_slice %arg3[%add3A_11, %dma_start3A_99, %dma_start3A_100] : memref<1024x250x128xi32, #tpu.memory_space<hbm>> -> memref<1x250x128xi32, #tpu.memory_space<hbm>>
        %dma_start3A_102 = tpu.memref_squeeze %dma_start3A_101 : memref<1x250x128xi32, #tpu.memory_space<hbm>> -> memref<250x128xi32, #tpu.memory_space<hbm>>
        %dma_start3A_103 = arith.constant 0 : i32
        %dma_start3A_104 = arith.constant 0 : i32
        %dma_start3A_105 = tpu.memref_slice %arg3[%add3A_11, %dma_start3A_103, %dma_start3A_104] : memref<1024x250x128xi32, #tpu.memory_space<hbm>> -> memref<1x250x128xi32, #tpu.memory_space<hbm>>
        %dma_start3A_106 = tpu.memref_squeeze %dma_start3A_105 : memref<1x250x128xi32, #tpu.memory_space<hbm>> -> memref<250x128xi32, #tpu.memory_space<hbm>>
        tpu.enqueue_dma source(%dma_start3A_106 : memref<250x128xi32, #tpu.memory_space<hbm>>) target(%arg8 : memref<250x128xi32, #tpu.memory_space<vmem>>) target_semaphore(%run_scoped3A_98 : memref<!tpu.dma_semaphore, #tpu.memory_space<semaphore_mem>>)
        %dma_wait3A_107 = arith.constant 0 : i32
        %dma_wait3A_108 = arith.constant 0 : i32
        %dma_wait3A_109 = tpu.memref_slice %arg3[%add3A_11, %dma_wait3A_107, %dma_wait3A_108] : memref<1024x250x128xi32, #tpu.memory_space<hbm>> -> memref<1x250x128xi32, #tpu.memory_space<hbm>>
        %dma_wait3A_110 = tpu.memref_squeeze %dma_wait3A_109 : memref<1x250x128xi32, #tpu.memory_space<hbm>> -> memref<250x128xi32, #tpu.memory_space<hbm>>
        %dma_wait3A_111 = arith.constant 0 : i32
        %dma_wait3A_112 = arith.constant 0 : i32
        %dma_wait3A_113 = tpu.memref_slice %arg3[%add3A_11, %dma_wait3A_111, %dma_wait3A_112] : memref<1024x250x128xi32, #tpu.memory_space<hbm>> -> memref<1x250x128xi32, #tpu.memory_space<hbm>>
        %dma_wait3A_114 = tpu.memref_squeeze %dma_wait3A_113 : memref<1x250x128xi32, #tpu.memory_space<hbm>> -> memref<250x128xi32, #tpu.memory_space<hbm>>
        tpu.wait_dma2 semaphore(%run_scoped3A_98 : memref<!tpu.dma_semaphore, #tpu.memory_space<semaphore_mem>>) src(%dma_wait3A_114 : memref<250x128xi32, #tpu.memory_space<hbm>>) dst(%arg8 : memref<250x128xi32, #tpu.memory_space<vmem>>)
        tpu.yield
      }) : () -> ()
      %scan3A_12 = arith.constant 0 : i32
      %scan3A_13 = arith.constant 0 : i32
      %scan3A_14 = arith.constant 31 : i32
      %scan3A_15 = arith.addi %scan3A_13, %scan3A_14 : i32
      %scan3A_16 = arith.constant 1 : i32
      %scan3A_17 = scf.for %scan3A_98 = %scan3A_13 to %scan3A_15 step %scan3A_16 iter_args(%scan3A_99 = %scan3A_12) -> (i32)  : i32 {
        %mul3A_100 = arith.constant 8 : i32
        %mul3A_101 = arith.muli %scan3A_98, %mul3A_100 : i32
        %add3A_102 = arith.constant 0 : i32
        %add3A_103 = arith.addi %mul3A_101, %add3A_102 : i32
        %dma_start3A_104 = arith.constant 0 : i32
        %dma_start3A_105 = tpu.memref_slice %arg7[%add3A_103, %dma_start3A_104] : memref<250x128xf32, #tpu.memory_space<vmem>> -> memref<1x128xf32, #tpu.memory_space<vmem>>
        %dma_start3A_106 = tpu.memref_squeeze %dma_start3A_105 : memref<1x128xf32, #tpu.memory_space<vmem>> -> memref<128xf32, #tpu.memory_space<vmem>>
        %dma_start3A_107 = arith.constant 0 : i32
        %dma_start3A_108 = tpu.memref_slice %arg8[%add3A_103, %dma_start3A_107] : memref<250x128xi32, #tpu.memory_space<vmem>> -> memref<1x128xi32, #tpu.memory_space<vmem>>
        %dma_start3A_109 = tpu.memref_squeeze %dma_start3A_108 : memref<1x128xi32, #tpu.memory_space<vmem>> -> memref<128xi32, #tpu.memory_space<vmem>>
        %dma_start3A_110 = arith.constant 0 : i32
        %dma_start3A_111 = tpu.memref_slice %arg5[%dma_start3A_110] : memref<1081344xf32, #tpu.memory_space<hbm>> -> memref<1081344xf32, #tpu.memory_space<hbm>>
        tpu.enqueue_indirect_dma source(%dma_start3A_106 : memref<128xf32, #tpu.memory_space<vmem>>) target(%dma_start3A_111 : memref<1081344xf32, #tpu.memory_space<hbm>>) offsets(%dma_start3A_109 : memref<128xi32, #tpu.memory_space<vmem>>) semaphore(%arg10 : memref<!tpu.dma_semaphore, #tpu.memory_space<semaphore_mem>>)
        %dma_start3A_112 = arith.constant 0 : i32
        %dma_start3A_113 = tpu.memref_slice %arg9[%add3A_103, %dma_start3A_112] : memref<250x128xi32, #tpu.memory_space<vmem>> -> memref<1x128xi32, #tpu.memory_space<vmem>>
        %dma_start3A_114 = tpu.memref_squeeze %dma_start3A_113 : memref<1x128xi32, #tpu.memory_space<vmem>> -> memref<128xi32, #tpu.memory_space<vmem>>
        %dma_start3A_115 = arith.constant 0 : i32
        %dma_start3A_116 = tpu.memref_slice %arg8[%add3A_103, %dma_start3A_115] : memref<250x128xi32, #tpu.memory_space<vmem>> -> memref<1x128xi32, #tpu.memory_space<vmem>>
        %dma_start3A_117 = tpu.memref_squeeze %dma_start3A_116 : memref<1x128xi32, #tpu.memory_space<vmem>> -> memref<128xi32, #tpu.memory_space<vmem>>
        %dma_start3A_118 = arith.constant 0 : i32
        %dma_start3A_119 = tpu.memref_slice %arg6[%dma_start3A_118] : memref<1081344xi32, #tpu.memory_space<hbm>> -> memref<1081344xi32, #tpu.memory_space<hbm>>
        tpu.enqueue_indirect_dma source(%dma_start3A_114 : memref<128xi32, #tpu.memory_space<vmem>>) target(%dma_start3A_119 : memref<1081344xi32, #tpu.memory_space<hbm>>) offsets(%dma_start3A_117 : memref<128xi32, #tpu.memory_space<vmem>>) semaphore(%arg10 : memref<!tpu.dma_semaphore, #tpu.memory_space<semaphore_mem>>)
        %mul3A_120 = arith.constant 8 : i32
        %mul3A_121 = arith.muli %scan3A_98, %mul3A_120 : i32
        %add3A_122 = arith.constant 1 : i32
        %add3A_123 = arith.addi %mul3A_121, %add3A_122 : i32
        %dma_start3A_124 = arith.constant 0 : i32
        %dma_start3A_125 = tpu.memref_slice %arg7[%add3A_123, %dma_start3A_124] : memref<250x128xf32, #tpu.memory_space<vmem>> -> memref<1x128xf32, #tpu.memory_space<vmem>>
        %dma_start3A_126 = tpu.memref_squeeze %dma_start3A_125 : memref<1x128xf32, #tpu.memory_space<vmem>> -> memref<128xf32, #tpu.memory_space<vmem>>
        %dma_start3A_127 = arith.constant 0 : i32
        %dma_start3A_128 = tpu.memref_slice %arg8[%add3A_123, %dma_start3A_127] : memref<250x128xi32, #tpu.memory_space<vmem>> -> memref<1x128xi32, #tpu.memory_space<vmem>>
        %dma_start3A_129 = tpu.memref_squeeze %dma_start3A_128 : memref<1x128xi32, #tpu.memory_space<vmem>> -> memref<128xi32, #tpu.memory_space<vmem>>
        %dma_start3A_130 = arith.constant 0 : i32
        %dma_start3A_131 = tpu.memref_slice %arg5[%dma_start3A_130] : memref<1081344xf32, #tpu.memory_space<hbm>> -> memref<1081344xf32, #tpu.memory_space<hbm>>
        tpu.enqueue_indirect_dma source(%dma_start3A_126 : memref<128xf32, #tpu.memory_space<vmem>>) target(%dma_start3A_131 : memref<1081344xf32, #tpu.memory_space<hbm>>) offsets(%dma_start3A_129 : memref<128xi32, #tpu.memory_space<vmem>>) semaphore(%arg10 : memref<!tpu.dma_semaphore, #tpu.memory_space<semaphore_mem>>)
        %dma_start3A_132 = arith.constant 0 : i32
        %dma_start3A_133 = tpu.memref_slice %arg9[%add3A_123, %dma_start3A_132] : memref<250x128xi32, #tpu.memory_space<vmem>> -> memref<1x128xi32, #tpu.memory_space<vmem>>
        %dma_start3A_134 = tpu.memref_squeeze %dma_start3A_133 : memref<1x128xi32, #tpu.memory_space<vmem>> -> memref<128xi32, #tpu.memory_space<vmem>>
        %dma_start3A_135 = arith.constant 0 : i32
        %dma_start3A_136 = tpu.memref_slice %arg8[%add3A_123, %dma_start3A_135] : memref<250x128xi32, #tpu.memory_space<vmem>> -> memref<1x128xi32, #tpu.memory_space<vmem>>
        %dma_start3A_137 = tpu.memref_squeeze %dma_start3A_136 : memref<1x128xi32, #tpu.memory_space<vmem>> -> memref<128xi32, #tpu.memory_space<vmem>>
        %dma_start3A_138 = arith.constant 0 : i32
        %dma_start3A_139 = tpu.memref_slice %arg6[%dma_start3A_138] : memref<1081344xi32, #tpu.memory_space<hbm>> -> memref<1081344xi32, #tpu.memory_space<hbm>>
        tpu.enqueue_indirect_dma source(%dma_start3A_134 : memref<128xi32, #tpu.memory_space<vmem>>) target(%dma_start3A_139 : memref<1081344xi32, #tpu.memory_space<hbm>>) offsets(%dma_start3A_137 : memref<128xi32, #tpu.memory_space<vmem>>) semaphore(%arg10 : memref<!tpu.dma_semaphore, #tpu.memory_space<semaphore_mem>>)
        %mul3A_140 = arith.constant 8 : i32
        %mul3A_141 = arith.muli %scan3A_98, %mul3A_140 : i32
        %add3A_142 = arith.constant 2 : i32
        %add3A_143 = arith.addi %mul3A_141, %add3A_142 : i32
        %dma_start3A_144 = arith.constant 0 : i32
        %dma_start3A_145 = tpu.memref_slice %arg7[%add3A_143, %dma_start3A_144] : memref<250x128xf32, #tpu.memory_space<vmem>> -> memref<1x128xf32, #tpu.memory_space<vmem>>
        %dma_start3A_146 = tpu.memref_squeeze %dma_start3A_145 : memref<1x128xf32, #tpu.memory_space<vmem>> -> memref<128xf32, #tpu.memory_space<vmem>>
        %dma_start3A_147 = arith.constant 0 : i32
        %dma_start3A_148 = tpu.memref_slice %arg8[%add3A_143, %dma_start3A_147] : memref<250x128xi32, #tpu.memory_space<vmem>> -> memref<1x128xi32, #tpu.memory_space<vmem>>
        %dma_start3A_149 = tpu.memref_squeeze %dma_start3A_148 : memref<1x128xi32, #tpu.memory_space<vmem>> -> memref<128xi32, #tpu.memory_space<vmem>>
        %dma_start3A_150 = arith.constant 0 : i32
        %dma_start3A_151 = tpu.memref_slice %arg5[%dma_start3A_150] : memref<1081344xf32, #tpu.memory_space<hbm>> -> memref<1081344xf32, #tpu.memory_space<hbm>>
        tpu.enqueue_indirect_dma source(%dma_start3A_146 : memref<128xf32, #tpu.memory_space<vmem>>) target(%dma_start3A_151 : memref<1081344xf32, #tpu.memory_space<hbm>>) offsets(%dma_start3A_149 : memref<128xi32, #tpu.memory_space<vmem>>) semaphore(%arg10 : memref<!tpu.dma_semaphore, #tpu.memory_space<semaphore_mem>>)
        %dma_start3A_152 = arith.constant 0 : i32
        %dma_start3A_153 = tpu.memref_slice %arg9[%add3A_143, %dma_start3A_152] : memref<250x128xi32, #tpu.memory_space<vmem>> -> memref<1x128xi32, #tpu.memory_space<vmem>>
        %dma_start3A_154 = tpu.memref_squeeze %dma_start3A_153 : memref<1x128xi32, #tpu.memory_space<vmem>> -> memref<128xi32, #tpu.memory_space<vmem>>
        %dma_start3A_155 = arith.constant 0 : i32
        %dma_start3A_156 = tpu.memref_slice %arg8[%add3A_143, %dma_start3A_155] : memref<250x128xi32, #tpu.memory_space<vmem>> -> memref<1x128xi32, #tpu.memory_space<vmem>>
        %dma_start3A_157 = tpu.memref_squeeze %dma_start3A_156 : memref<1x128xi32, #tpu.memory_space<vmem>> -> memref<128xi32, #tpu.memory_space<vmem>>
        %dma_start3A_158 = arith.constant 0 : i32
        %dma_start3A_159 = tpu.memref_slice %arg6[%dma_start3A_158] : memref<1081344xi32, #tpu.memory_space<hbm>> -> memref<1081344xi32, #tpu.memory_space<hbm>>
        tpu.enqueue_indirect_dma source(%dma_start3A_154 : memref<128xi32, #tpu.memory_space<vmem>>) target(%dma_start3A_159 : memref<1081344xi32, #tpu.memory_space<hbm>>) offsets(%dma_start3A_157 : memref<128xi32, #tpu.memory_space<vmem>>) semaphore(%arg10 : memref<!tpu.dma_semaphore, #tpu.memory_space<semaphore_mem>>)
        %mul3A_160 = arith.constant 8 : i32
        %mul3A_161 = arith.muli %scan3A_98, %mul3A_160 : i32
        %add3A_162 = arith.constant 3 : i32
        %add3A_163 = arith.addi %mul3A_161, %add3A_162 : i32
        %dma_start3A_164 = arith.constant 0 : i32
        %dma_start3A_165 = tpu.memref_slice %arg7[%add3A_163, %dma_start3A_164] : memref<250x128xf32, #tpu.memory_space<vmem>> -> memref<1x128xf32, #tpu.memory_space<vmem>>
        %dma_start3A_166 = tpu.memref_squeeze %dma_start3A_165 : memref<1x128xf32, #tpu.memory_space<vmem>> -> memref<128xf32, #tpu.memory_space<vmem>>
        %dma_start3A_167 = arith.constant 0 : i32
        %dma_start3A_168 = tpu.memref_slice %arg8[%add3A_163, %dma_start3A_167] : memref<250x128xi32, #tpu.memory_space<vmem>> -> memref<1x128xi32, #tpu.memory_space<vmem>>
        %dma_start3A_169 = tpu.memref_squeeze %dma_start3A_168 : memref<1x128xi32, #tpu.memory_space<vmem>> -> memref<128xi32, #tpu.memory_space<vmem>>
        %dma_start3A_170 = arith.constant 0 : i32
        %dma_start3A_171 = tpu.memref_slice %arg5[%dma_start3A_170] : memref<1081344xf32, #tpu.memory_space<hbm>> -> memref<1081344xf32, #tpu.memory_space<hbm>>
        tpu.enqueue_indirect_dma source(%dma_start3A_166 : memref<128xf32, #tpu.memory_space<vmem>>) target(%dma_start3A_171 : memref<1081344xf32, #tpu.memory_space<hbm>>) offsets(%dma_start3A_169 : memref<128xi32, #tpu.memory_space<vmem>>) semaphore(%arg10 : memref<!tpu.dma_semaphore, #tpu.memory_space<semaphore_mem>>)
        %dma_start3A_172 = arith.constant 0 : i32
        %dma_start3A_173 = tpu.memref_slice %arg9[%add3A_163, %dma_start3A_172] : memref<250x128xi32, #tpu.memory_space<vmem>> -> memref<1x128xi32, #tpu.memory_space<vmem>>
        %dma_start3A_174 = tpu.memref_squeeze %dma_start3A_173 : memref<1x128xi32, #tpu.memory_space<vmem>> -> memref<128xi32, #tpu.memory_space<vmem>>
        %dma_start3A_175 = arith.constant 0 : i32
        %dma_start3A_176 = tpu.memref_slice %arg8[%add3A_163, %dma_start3A_175] : memref<250x128xi32, #tpu.memory_space<vmem>> -> memref<1x128xi32, #tpu.memory_space<vmem>>
        %dma_start3A_177 = tpu.memref_squeeze %dma_start3A_176 : memref<1x128xi32, #tpu.memory_space<vmem>> -> memref<128xi32, #tpu.memory_space<vmem>>
        %dma_start3A_178 = arith.constant 0 : i32
        %dma_start3A_179 = tpu.memref_slice %arg6[%dma_start3A_178] : memref<1081344xi32, #tpu.memory_space<hbm>> -> memref<1081344xi32, #tpu.memory_space<hbm>>
        tpu.enqueue_indirect_dma source(%dma_start3A_174 : memref<128xi32, #tpu.memory_space<vmem>>) target(%dma_start3A_179 : memref<1081344xi32, #tpu.memory_space<hbm>>) offsets(%dma_start3A_177 : memref<128xi32, #tpu.memory_space<vmem>>) semaphore(%arg10 : memref<!tpu.dma_semaphore, #tpu.memory_space<semaphore_mem>>)
        %mul3A_180 = arith.constant 8 : i32
        %mul3A_181 = arith.muli %scan3A_98, %mul3A_180 : i32
        %add3A_182 = arith.constant 4 : i32
        %add3A_183 = arith.addi %mul3A_181, %add3A_182 : i32
        %dma_start3A_184 = arith.constant 0 : i32
        %dma_start3A_185 = tpu.memref_slice %arg7[%add3A_183, %dma_start3A_184] : memref<250x128xf32, #tpu.memory_space<vmem>> -> memref<1x128xf32, #tpu.memory_space<vmem>>
        %dma_start3A_186 = tpu.memref_squeeze %dma_start3A_185 : memref<1x128xf32, #tpu.memory_space<vmem>> -> memref<128xf32, #tpu.memory_space<vmem>>
        %dma_start3A_187 = arith.constant 0 : i32
        %dma_start3A_188 = tpu.memref_slice %arg8[%add3A_183, %dma_start3A_187] : memref<250x128xi32, #tpu.memory_space<vmem>> -> memref<1x128xi32, #tpu.memory_space<vmem>>
        %dma_start3A_189 = tpu.memref_squeeze %dma_start3A_188 : memref<1x128xi32, #tpu.memory_space<vmem>> -> memref<128xi32, #tpu.memory_space<vmem>>
        %dma_start3A_190 = arith.constant 0 : i32
        %dma_start3A_191 = tpu.memref_slice %arg5[%dma_start3A_190] : memref<1081344xf32, #tpu.memory_space<hbm>> -> memref<1081344xf32, #tpu.memory_space<hbm>>
        tpu.enqueue_indirect_dma source(%dma_start3A_186 : memref<128xf32, #tpu.memory_space<vmem>>) target(%dma_start3A_191 : memref<1081344xf32, #tpu.memory_space<hbm>>) offsets(%dma_start3A_189 : memref<128xi32, #tpu.memory_space<vmem>>) semaphore(%arg10 : memref<!tpu.dma_semaphore, #tpu.memory_space<semaphore_mem>>)
        %dma_start3A_192 = arith.constant 0 : i32
        %dma_start3A_193 = tpu.memref_slice %arg9[%add3A_183, %dma_start3A_192] : memref<250x128xi32, #tpu.memory_space<vmem>> -> memref<1x128xi32, #tpu.memory_space<vmem>>
        %dma_start3A_194 = tpu.memref_squeeze %dma_start3A_193 : memref<1x128xi32, #tpu.memory_space<vmem>> -> memref<128xi32, #tpu.memory_space<vmem>>
        %dma_start3A_195 = arith.constant 0 : i32
        %dma_start3A_196 = tpu.memref_slice %arg8[%add3A_183, %dma_start3A_195] : memref<250x128xi32, #tpu.memory_space<vmem>> -> memref<1x128xi32, #tpu.memory_space<vmem>>
        %dma_start3A_197 = tpu.memref_squeeze %dma_start3A_196 : memref<1x128xi32, #tpu.memory_space<vmem>> -> memref<128xi32, #tpu.memory_space<vmem>>
        %dma_start3A_198 = arith.constant 0 : i32
        %dma_start3A_199 = tpu.memref_slice %arg6[%dma_start3A_198] : memref<1081344xi32, #tpu.memory_space<hbm>> -> memref<1081344xi32, #tpu.memory_space<hbm>>
        tpu.enqueue_indirect_dma source(%dma_start3A_194 : memref<128xi32, #tpu.memory_space<vmem>>) target(%dma_start3A_199 : memref<1081344xi32, #tpu.memory_space<hbm>>) offsets(%dma_start3A_197 : memref<128xi32, #tpu.memory_space<vmem>>) semaphore(%arg10 : memref<!tpu.dma_semaphore, #tpu.memory_space<semaphore_mem>>)
        %mul3A_200 = arith.constant 8 : i32
        %mul3A_201 = arith.muli %scan3A_98, %mul3A_200 : i32
        %add3A_202 = arith.constant 5 : i32
        %add3A_203 = arith.addi %mul3A_201, %add3A_202 : i32
        %dma_start3A_204 = arith.constant 0 : i32
        %dma_start3A_205 = tpu.memref_slice %arg7[%add3A_203, %dma_start3A_204] : memref<250x128xf32, #tpu.memory_space<vmem>> -> memref<1x128xf32, #tpu.memory_space<vmem>>
        %dma_start3A_206 = tpu.memref_squeeze %dma_start3A_205 : memref<1x128xf32, #tpu.memory_space<vmem>> -> memref<128xf32, #tpu.memory_space<vmem>>
        %dma_start3A_207 = arith.constant 0 : i32
        %dma_start3A_208 = tpu.memref_slice %arg8[%add3A_203, %dma_start3A_207] : memref<250x128xi32, #tpu.memory_space<vmem>> -> memref<1x128xi32, #tpu.memory_space<vmem>>
        %dma_start3A_209 = tpu.memref_squeeze %dma_start3A_208 : memref<1x128xi32, #tpu.memory_space<vmem>> -> memref<128xi32, #tpu.memory_space<vmem>>
        %dma_start3A_210 = arith.constant 0 : i32
        %dma_start3A_211 = tpu.memref_slice %arg5[%dma_start3A_210] : memref<1081344xf32, #tpu.memory_space<hbm>> -> memref<1081344xf32, #tpu.memory_space<hbm>>
        tpu.enqueue_indirect_dma source(%dma_start3A_206 : memref<128xf32, #tpu.memory_space<vmem>>) target(%dma_start3A_211 : memref<1081344xf32, #tpu.memory_space<hbm>>) offsets(%dma_start3A_209 : memref<128xi32, #tpu.memory_space<vmem>>) semaphore(%arg10 : memref<!tpu.dma_semaphore, #tpu.memory_space<semaphore_mem>>)
        %dma_start3A_212 = arith.constant 0 : i32
        %dma_start3A_213 = tpu.memref_slice %arg9[%add3A_203, %dma_start3A_212] : memref<250x128xi32, #tpu.memory_space<vmem>> -> memref<1x128xi32, #tpu.memory_space<vmem>>
        %dma_start3A_214 = tpu.memref_squeeze %dma_start3A_213 : memref<1x128xi32, #tpu.memory_space<vmem>> -> memref<128xi32, #tpu.memory_space<vmem>>
        %dma_start3A_215 = arith.constant 0 : i32
        %dma_start3A_216 = tpu.memref_slice %arg8[%add3A_203, %dma_start3A_215] : memref<250x128xi32, #tpu.memory_space<vmem>> -> memref<1x128xi32, #tpu.memory_space<vmem>>
        %dma_start3A_217 = tpu.memref_squeeze %dma_start3A_216 : memref<1x128xi32, #tpu.memory_space<vmem>> -> memref<128xi32, #tpu.memory_space<vmem>>
        %dma_start3A_218 = arith.constant 0 : i32
        %dma_start3A_219 = tpu.memref_slice %arg6[%dma_start3A_218] : memref<1081344xi32, #tpu.memory_space<hbm>> -> memref<1081344xi32, #tpu.memory_space<hbm>>
        tpu.enqueue_indirect_dma source(%dma_start3A_214 : memref<128xi32, #tpu.memory_space<vmem>>) target(%dma_start3A_219 : memref<1081344xi32, #tpu.memory_space<hbm>>) offsets(%dma_start3A_217 : memref<128xi32, #tpu.memory_space<vmem>>) semaphore(%arg10 : memref<!tpu.dma_semaphore, #tpu.memory_space<semaphore_mem>>)
        %mul3A_220 = arith.constant 8 : i32
        %mul3A_221 = arith.muli %scan3A_98, %mul3A_220 : i32
        %add3A_222 = arith.constant 6 : i32
        %add3A_223 = arith.addi %mul3A_221, %add3A_222 : i32
        %dma_start3A_224 = arith.constant 0 : i32
        %dma_start3A_225 = tpu.memref_slice %arg7[%add3A_223, %dma_start3A_224] : memref<250x128xf32, #tpu.memory_space<vmem>> -> memref<1x128xf32, #tpu.memory_space<vmem>>
        %dma_start3A_226 = tpu.memref_squeeze %dma_start3A_225 : memref<1x128xf32, #tpu.memory_space<vmem>> -> memref<128xf32, #tpu.memory_space<vmem>>
        %dma_start3A_227 = arith.constant 0 : i32
        %dma_start3A_228 = tpu.memref_slice %arg8[%add3A_223, %dma_start3A_227] : memref<250x128xi32, #tpu.memory_space<vmem>> -> memref<1x128xi32, #tpu.memory_space<vmem>>
        %dma_start3A_229 = tpu.memref_squeeze %dma_start3A_228 : memref<1x128xi32, #tpu.memory_space<vmem>> -> memref<128xi32, #tpu.memory_space<vmem>>
        %dma_start3A_230 = arith.constant 0 : i32
        %dma_start3A_231 = tpu.memref_slice %arg5[%dma_start3A_230] : memref<1081344xf32, #tpu.memory_space<hbm>> -> memref<1081344xf32, #tpu.memory_space<hbm>>
        tpu.enqueue_indirect_dma source(%dma_start3A_226 : memref<128xf32, #tpu.memory_space<vmem>>) target(%dma_start3A_231 : memref<1081344xf32, #tpu.memory_space<hbm>>) offsets(%dma_start3A_229 : memref<128xi32, #tpu.memory_space<vmem>>) semaphore(%arg10 : memref<!tpu.dma_semaphore, #tpu.memory_space<semaphore_mem>>)
        %dma_start3A_232 = arith.constant 0 : i32
        %dma_start3A_233 = tpu.memref_slice %arg9[%add3A_223, %dma_start3A_232] : memref<250x128xi32, #tpu.memory_space<vmem>> -> memref<1x128xi32, #tpu.memory_space<vmem>>
        %dma_start3A_234 = tpu.memref_squeeze %dma_start3A_233 : memref<1x128xi32, #tpu.memory_space<vmem>> -> memref<128xi32, #tpu.memory_space<vmem>>
        %dma_start3A_235 = arith.constant 0 : i32
        %dma_start3A_236 = tpu.memref_slice %arg8[%add3A_223, %dma_start3A_235] : memref<250x128xi32, #tpu.memory_space<vmem>> -> memref<1x128xi32, #tpu.memory_space<vmem>>
        %dma_start3A_237 = tpu.memref_squeeze %dma_start3A_236 : memref<1x128xi32, #tpu.memory_space<vmem>> -> memref<128xi32, #tpu.memory_space<vmem>>
        %dma_start3A_238 = arith.constant 0 : i32
        %dma_start3A_239 = tpu.memref_slice %arg6[%dma_start3A_238] : memref<1081344xi32, #tpu.memory_space<hbm>> -> memref<1081344xi32, #tpu.memory_space<hbm>>
        tpu.enqueue_indirect_dma source(%dma_start3A_234 : memref<128xi32, #tpu.memory_space<vmem>>) target(%dma_start3A_239 : memref<1081344xi32, #tpu.memory_space<hbm>>) offsets(%dma_start3A_237 : memref<128xi32, #tpu.memory_space<vmem>>) semaphore(%arg10 : memref<!tpu.dma_semaphore, #tpu.memory_space<semaphore_mem>>)
        %mul3A_240 = arith.constant 8 : i32
        %mul3A_241 = arith.muli %scan3A_98, %mul3A_240 : i32
        %add3A_242 = arith.constant 7 : i32
        %add3A_243 = arith.addi %mul3A_241, %add3A_242 : i32
        %dma_start3A_244 = arith.constant 0 : i32
        %dma_start3A_245 = tpu.memref_slice %arg7[%add3A_243, %dma_start3A_244] : memref<250x128xf32, #tpu.memory_space<vmem>> -> memref<1x128xf32, #tpu.memory_space<vmem>>
        %dma_start3A_246 = tpu.memref_squeeze %dma_start3A_245 : memref<1x128xf32, #tpu.memory_space<vmem>> -> memref<128xf32, #tpu.memory_space<vmem>>
        %dma_start3A_247 = arith.constant 0 : i32
        %dma_start3A_248 = tpu.memref_slice %arg8[%add3A_243, %dma_start3A_247] : memref<250x128xi32, #tpu.memory_space<vmem>> -> memref<1x128xi32, #tpu.memory_space<vmem>>
        %dma_start3A_249 = tpu.memref_squeeze %dma_start3A_248 : memref<1x128xi32, #tpu.memory_space<vmem>> -> memref<128xi32, #tpu.memory_space<vmem>>
        %dma_start3A_250 = arith.constant 0 : i32
        %dma_start3A_251 = tpu.memref_slice %arg5[%dma_start3A_250] : memref<1081344xf32, #tpu.memory_space<hbm>> -> memref<1081344xf32, #tpu.memory_space<hbm>>
        tpu.enqueue_indirect_dma source(%dma_start3A_246 : memref<128xf32, #tpu.memory_space<vmem>>) target(%dma_start3A_251 : memref<1081344xf32, #tpu.memory_space<hbm>>) offsets(%dma_start3A_249 : memref<128xi32, #tpu.memory_space<vmem>>) semaphore(%arg10 : memref<!tpu.dma_semaphore, #tpu.memory_space<semaphore_mem>>)
        %dma_start3A_252 = arith.constant 0 : i32
        %dma_start3A_253 = tpu.memref_slice %arg9[%add3A_243, %dma_start3A_252] : memref<250x128xi32, #tpu.memory_space<vmem>> -> memref<1x128xi32, #tpu.memory_space<vmem>>
        %dma_start3A_254 = tpu.memref_squeeze %dma_start3A_253 : memref<1x128xi32, #tpu.memory_space<vmem>> -> memref<128xi32, #tpu.memory_space<vmem>>
        %dma_start3A_255 = arith.constant 0 : i32
        %dma_start3A_256 = tpu.memref_slice %arg8[%add3A_243, %dma_start3A_255] : memref<250x128xi32, #tpu.memory_space<vmem>> -> memref<1x128xi32, #tpu.memory_space<vmem>>
        %dma_start3A_257 = tpu.memref_squeeze %dma_start3A_256 : memref<1x128xi32, #tpu.memory_space<vmem>> -> memref<128xi32, #tpu.memory_space<vmem>>
        %dma_start3A_258 = arith.constant 0 : i32
        %dma_start3A_259 = tpu.memref_slice %arg6[%dma_start3A_258] : memref<1081344xi32, #tpu.memory_space<hbm>> -> memref<1081344xi32, #tpu.memory_space<hbm>>
        tpu.enqueue_indirect_dma source(%dma_start3A_254 : memref<128xi32, #tpu.memory_space<vmem>>) target(%dma_start3A_259 : memref<1081344xi32, #tpu.memory_space<hbm>>) offsets(%dma_start3A_257 : memref<128xi32, #tpu.memory_space<vmem>>) semaphore(%arg10 : memref<!tpu.dma_semaphore, #tpu.memory_space<semaphore_mem>>)
        %dma_wait3A_260 = arith.constant 0 : i32
        %dma_wait3A_261 = tpu.memref_slice %arg7[%add3A_103, %dma_wait3A_260] : memref<250x128xf32, #tpu.memory_space<vmem>> -> memref<1x128xf32, #tpu.memory_space<vmem>>
        %dma_wait3A_262 = tpu.memref_squeeze %dma_wait3A_261 : memref<1x128xf32, #tpu.memory_space<vmem>> -> memref<128xf32, #tpu.memory_space<vmem>>
        %dma_wait3A_263 = arith.constant 0 : i32
        %dma_wait3A_264 = tpu.memref_slice %arg8[%add3A_103, %dma_wait3A_263] : memref<250x128xi32, #tpu.memory_space<vmem>> -> memref<1x128xi32, #tpu.memory_space<vmem>>
        %dma_wait3A_265 = tpu.memref_squeeze %dma_wait3A_264 : memref<1x128xi32, #tpu.memory_space<vmem>> -> memref<128xi32, #tpu.memory_space<vmem>>
        %dma_wait3A_266 = arith.constant 0 : i32
        %dma_wait3A_267 = tpu.memref_slice %arg5[%dma_wait3A_266] : memref<1081344xf32, #tpu.memory_space<hbm>> -> memref<1081344xf32, #tpu.memory_space<hbm>>
        tpu.wait_indirect_dma semaphore(%arg10 : memref<!tpu.dma_semaphore, #tpu.memory_space<semaphore_mem>>) src(%dma_wait3A_262 : memref<128xf32, #tpu.memory_space<vmem>>) dst(%dma_wait3A_267 : memref<1081344xf32, #tpu.memory_space<hbm>>)
        %dma_wait3A_268 = arith.constant 0 : i32
        %dma_wait3A_269 = tpu.memref_slice %arg9[%add3A_103, %dma_wait3A_268] : memref<250x128xi32, #tpu.memory_space<vmem>> -> memref<1x128xi32, #tpu.memory_space<vmem>>
        %dma_wait3A_270 = tpu.memref_squeeze %dma_wait3A_269 : memref<1x128xi32, #tpu.memory_space<vmem>> -> memref<128xi32, #tpu.memory_space<vmem>>
        %dma_wait3A_271 = arith.constant 0 : i32
        %dma_wait3A_272 = tpu.memref_slice %arg8[%add3A_103, %dma_wait3A_271] : memref<250x128xi32, #tpu.memory_space<vmem>> -> memref<1x128xi32, #tpu.memory_space<vmem>>
        %dma_wait3A_273 = tpu.memref_squeeze %dma_wait3A_272 : memref<1x128xi32, #tpu.memory_space<vmem>> -> memref<128xi32, #tpu.memory_space<vmem>>
        %dma_wait3A_274 = arith.constant 0 : i32
        %dma_wait3A_275 = tpu.memref_slice %arg6[%dma_wait3A_274] : memref<1081344xi32, #tpu.memory_space<hbm>> -> memref<1081344xi32, #tpu.memory_space<hbm>>
        tpu.wait_indirect_dma semaphore(%arg10 : memref<!tpu.dma_semaphore, #tpu.memory_space<semaphore_mem>>) src(%dma_wait3A_270 : memref<128xi32, #tpu.memory_space<vmem>>) dst(%dma_wait3A_275 : memref<1081344xi32, #tpu.memory_space<hbm>>)
        %dma_wait3A_276 = arith.constant 0 : i32
        %dma_wait3A_277 = tpu.memref_slice %arg7[%add3A_123, %dma_wait3A_276] : memref<250x128xf32, #tpu.memory_space<vmem>> -> memref<1x128xf32, #tpu.memory_space<vmem>>
        %dma_wait3A_278 = tpu.memref_squeeze %dma_wait3A_277 : memref<1x128xf32, #tpu.memory_space<vmem>> -> memref<128xf32, #tpu.memory_space<vmem>>
        %dma_wait3A_279 = arith.constant 0 : i32
        %dma_wait3A_280 = tpu.memref_slice %arg8[%add3A_123, %dma_wait3A_279] : memref<250x128xi32, #tpu.memory_space<vmem>> -> memref<1x128xi32, #tpu.memory_space<vmem>>
        %dma_wait3A_281 = tpu.memref_squeeze %dma_wait3A_280 : memref<1x128xi32, #tpu.memory_space<vmem>> -> memref<128xi32, #tpu.memory_space<vmem>>
        %dma_wait3A_282 = arith.constant 0 : i32
        %dma_wait3A_283 = tpu.memref_slice %arg5[%dma_wait3A_282] : memref<1081344xf32, #tpu.memory_space<hbm>> -> memref<1081344xf32, #tpu.memory_space<hbm>>
        tpu.wait_indirect_dma semaphore(%arg10 : memref<!tpu.dma_semaphore, #tpu.memory_space<semaphore_mem>>) src(%dma_wait3A_278 : memref<128xf32, #tpu.memory_space<vmem>>) dst(%dma_wait3A_283 : memref<1081344xf32, #tpu.memory_space<hbm>>)
        %dma_wait3A_284 = arith.constant 0 : i32
        %dma_wait3A_285 = tpu.memref_slice %arg9[%add3A_123, %dma_wait3A_284] : memref<250x128xi32, #tpu.memory_space<vmem>> -> memref<1x128xi32, #tpu.memory_space<vmem>>
        %dma_wait3A_286 = tpu.memref_squeeze %dma_wait3A_285 : memref<1x128xi32, #tpu.memory_space<vmem>> -> memref<128xi32, #tpu.memory_space<vmem>>
        %dma_wait3A_287 = arith.constant 0 : i32
        %dma_wait3A_288 = tpu.memref_slice %arg8[%add3A_123, %dma_wait3A_287] : memref<250x128xi32, #tpu.memory_space<vmem>> -> memref<1x128xi32, #tpu.memory_space<vmem>>
        %dma_wait3A_289 = tpu.memref_squeeze %dma_wait3A_288 : memref<1x128xi32, #tpu.memory_space<vmem>> -> memref<128xi32, #tpu.memory_space<vmem>>
        %dma_wait3A_290 = arith.constant 0 : i32
        %dma_wait3A_291 = tpu.memref_slice %arg6[%dma_wait3A_290] : memref<1081344xi32, #tpu.memory_space<hbm>> -> memref<1081344xi32, #tpu.memory_space<hbm>>
        tpu.wait_indirect_dma semaphore(%arg10 : memref<!tpu.dma_semaphore, #tpu.memory_space<semaphore_mem>>) src(%dma_wait3A_286 : memref<128xi32, #tpu.memory_space<vmem>>) dst(%dma_wait3A_291 : memref<1081344xi32, #tpu.memory_space<hbm>>)
        %dma_wait3A_292 = arith.constant 0 : i32
        %dma_wait3A_293 = tpu.memref_slice %arg7[%add3A_143, %dma_wait3A_292] : memref<250x128xf32, #tpu.memory_space<vmem>> -> memref<1x128xf32, #tpu.memory_space<vmem>>
        %dma_wait3A_294 = tpu.memref_squeeze %dma_wait3A_293 : memref<1x128xf32, #tpu.memory_space<vmem>> -> memref<128xf32, #tpu.memory_space<vmem>>
        %dma_wait3A_295 = arith.constant 0 : i32
        %dma_wait3A_296 = tpu.memref_slice %arg8[%add3A_143, %dma_wait3A_295] : memref<250x128xi32, #tpu.memory_space<vmem>> -> memref<1x128xi32, #tpu.memory_space<vmem>>
        %dma_wait3A_297 = tpu.memref_squeeze %dma_wait3A_296 : memref<1x128xi32, #tpu.memory_space<vmem>> -> memref<128xi32, #tpu.memory_space<vmem>>
        %dma_wait3A_298 = arith.constant 0 : i32
        %dma_wait3A_299 = tpu.memref_slice %arg5[%dma_wait3A_298] : memref<1081344xf32, #tpu.memory_space<hbm>> -> memref<1081344xf32, #tpu.memory_space<hbm>>
        tpu.wait_indirect_dma semaphore(%arg10 : memref<!tpu.dma_semaphore, #tpu.memory_space<semaphore_mem>>) src(%dma_wait3A_294 : memref<128xf32, #tpu.memory_space<vmem>>) dst(%dma_wait3A_299 : memref<1081344xf32, #tpu.memory_space<hbm>>)
        %dma_wait3A_300 = arith.constant 0 : i32
        %dma_wait3A_301 = tpu.memref_slice %arg9[%add3A_143, %dma_wait3A_300] : memref<250x128xi32, #tpu.memory_space<vmem>> -> memref<1x128xi32, #tpu.memory_space<vmem>>
        %dma_wait3A_302 = tpu.memref_squeeze %dma_wait3A_301 : memref<1x128xi32, #tpu.memory_space<vmem>> -> memref<128xi32, #tpu.memory_space<vmem>>
        %dma_wait3A_303 = arith.constant 0 : i32
        %dma_wait3A_304 = tpu.memref_slice %arg8[%add3A_143, %dma_wait3A_303] : memref<250x128xi32, #tpu.memory_space<vmem>> -> memref<1x128xi32, #tpu.memory_space<vmem>>
        %dma_wait3A_305 = tpu.memref_squeeze %dma_wait3A_304 : memref<1x128xi32, #tpu.memory_space<vmem>> -> memref<128xi32, #tpu.memory_space<vmem>>
        %dma_wait3A_306 = arith.constant 0 : i32
        %dma_wait3A_307 = tpu.memref_slice %arg6[%dma_wait3A_306] : memref<1081344xi32, #tpu.memory_space<hbm>> -> memref<1081344xi32, #tpu.memory_space<hbm>>
        tpu.wait_indirect_dma semaphore(%arg10 : memref<!tpu.dma_semaphore, #tpu.memory_space<semaphore_mem>>) src(%dma_wait3A_302 : memref<128xi32, #tpu.memory_space<vmem>>) dst(%dma_wait3A_307 : memref<1081344xi32, #tpu.memory_space<hbm>>)
        %dma_wait3A_308 = arith.constant 0 : i32
        %dma_wait3A_309 = tpu.memref_slice %arg7[%add3A_163, %dma_wait3A_308] : memref<250x128xf32, #tpu.memory_space<vmem>> -> memref<1x128xf32, #tpu.memory_space<vmem>>
        %dma_wait3A_310 = tpu.memref_squeeze %dma_wait3A_309 : memref<1x128xf32, #tpu.memory_space<vmem>> -> memref<128xf32, #tpu.memory_space<vmem>>
        %dma_wait3A_311 = arith.constant 0 : i32
        %dma_wait3A_312 = tpu.memref_slice %arg8[%add3A_163, %dma_wait3A_311] : memref<250x128xi32, #tpu.memory_space<vmem>> -> memref<1x128xi32, #tpu.memory_space<vmem>>
        %dma_wait3A_313 = tpu.memref_squeeze %dma_wait3A_312 : memref<1x128xi32, #tpu.memory_space<vmem>> -> memref<128xi32, #tpu.memory_space<vmem>>
        %dma_wait3A_314 = arith.constant 0 : i32
        %dma_wait3A_315 = tpu.memref_slice %arg5[%dma_wait3A_314] : memref<1081344xf32, #tpu.memory_space<hbm>> -> memref<1081344xf32, #tpu.memory_space<hbm>>
        tpu.wait_indirect_dma semaphore(%arg10 : memref<!tpu.dma_semaphore, #tpu.memory_space<semaphore_mem>>) src(%dma_wait3A_310 : memref<128xf32, #tpu.memory_space<vmem>>) dst(%dma_wait3A_315 : memref<1081344xf32, #tpu.memory_space<hbm>>)
        %dma_wait3A_316 = arith.constant 0 : i32
        %dma_wait3A_317 = tpu.memref_slice %arg9[%add3A_163, %dma_wait3A_316] : memref<250x128xi32, #tpu.memory_space<vmem>> -> memref<1x128xi32, #tpu.memory_space<vmem>>
        %dma_wait3A_318 = tpu.memref_squeeze %dma_wait3A_317 : memref<1x128xi32, #tpu.memory_space<vmem>> -> memref<128xi32, #tpu.memory_space<vmem>>
        %dma_wait3A_319 = arith.constant 0 : i32
        %dma_wait3A_320 = tpu.memref_slice %arg8[%add3A_163, %dma_wait3A_319] : memref<250x128xi32, #tpu.memory_space<vmem>> -> memref<1x128xi32, #tpu.memory_space<vmem>>
        %dma_wait3A_321 = tpu.memref_squeeze %dma_wait3A_320 : memref<1x128xi32, #tpu.memory_space<vmem>> -> memref<128xi32, #tpu.memory_space<vmem>>
        %dma_wait3A_322 = arith.constant 0 : i32
        %dma_wait3A_323 = tpu.memref_slice %arg6[%dma_wait3A_322] : memref<1081344xi32, #tpu.memory_space<hbm>> -> memref<1081344xi32, #tpu.memory_space<hbm>>
        tpu.wait_indirect_dma semaphore(%arg10 : memref<!tpu.dma_semaphore, #tpu.memory_space<semaphore_mem>>) src(%dma_wait3A_318 : memref<128xi32, #tpu.memory_space<vmem>>) dst(%dma_wait3A_323 : memref<1081344xi32, #tpu.memory_space<hbm>>)
        %dma_wait3A_324 = arith.constant 0 : i32
        %dma_wait3A_325 = tpu.memref_slice %arg7[%add3A_183, %dma_wait3A_324] : memref<250x128xf32, #tpu.memory_space<vmem>> -> memref<1x128xf32, #tpu.memory_space<vmem>>
        %dma_wait3A_326 = tpu.memref_squeeze %dma_wait3A_325 : memref<1x128xf32, #tpu.memory_space<vmem>> -> memref<128xf32, #tpu.memory_space<vmem>>
        %dma_wait3A_327 = arith.constant 0 : i32
        %dma_wait3A_328 = tpu.memref_slice %arg8[%add3A_183, %dma_wait3A_327] : memref<250x128xi32, #tpu.memory_space<vmem>> -> memref<1x128xi32, #tpu.memory_space<vmem>>
        %dma_wait3A_329 = tpu.memref_squeeze %dma_wait3A_328 : memref<1x128xi32, #tpu.memory_space<vmem>> -> memref<128xi32, #tpu.memory_space<vmem>>
        %dma_wait3A_330 = arith.constant 0 : i32
        %dma_wait3A_331 = tpu.memref_slice %arg5[%dma_wait3A_330] : memref<1081344xf32, #tpu.memory_space<hbm>> -> memref<1081344xf32, #tpu.memory_space<hbm>>
        tpu.wait_indirect_dma semaphore(%arg10 : memref<!tpu.dma_semaphore, #tpu.memory_space<semaphore_mem>>) src(%dma_wait3A_326 : memref<128xf32, #tpu.memory_space<vmem>>) dst(%dma_wait3A_331 : memref<1081344xf32, #tpu.memory_space<hbm>>)
        %dma_wait3A_332 = arith.constant 0 : i32
        %dma_wait3A_333 = tpu.memref_slice %arg9[%add3A_183, %dma_wait3A_332] : memref<250x128xi32, #tpu.memory_space<vmem>> -> memref<1x128xi32, #tpu.memory_space<vmem>>
        %dma_wait3A_334 = tpu.memref_squeeze %dma_wait3A_333 : memref<1x128xi32, #tpu.memory_space<vmem>> -> memref<128xi32, #tpu.memory_space<vmem>>
        %dma_wait3A_335 = arith.constant 0 : i32
        %dma_wait3A_336 = tpu.memref_slice %arg8[%add3A_183, %dma_wait3A_335] : memref<250x128xi32, #tpu.memory_space<vmem>> -> memref<1x128xi32, #tpu.memory_space<vmem>>
        %dma_wait3A_337 = tpu.memref_squeeze %dma_wait3A_336 : memref<1x128xi32, #tpu.memory_space<vmem>> -> memref<128xi32, #tpu.memory_space<vmem>>
        %dma_wait3A_338 = arith.constant 0 : i32
        %dma_wait3A_339 = tpu.memref_slice %arg6[%dma_wait3A_338] : memref<1081344xi32, #tpu.memory_space<hbm>> -> memref<1081344xi32, #tpu.memory_space<hbm>>
        tpu.wait_indirect_dma semaphore(%arg10 : memref<!tpu.dma_semaphore, #tpu.memory_space<semaphore_mem>>) src(%dma_wait3A_334 : memref<128xi32, #tpu.memory_space<vmem>>) dst(%dma_wait3A_339 : memref<1081344xi32, #tpu.memory_space<hbm>>)
        %dma_wait3A_340 = arith.constant 0 : i32
        %dma_wait3A_341 = tpu.memref_slice %arg7[%add3A_203, %dma_wait3A_340] : memref<250x128xf32, #tpu.memory_space<vmem>> -> memref<1x128xf32, #tpu.memory_space<vmem>>
        %dma_wait3A_342 = tpu.memref_squeeze %dma_wait3A_341 : memref<1x128xf32, #tpu.memory_space<vmem>> -> memref<128xf32, #tpu.memory_space<vmem>>
        %dma_wait3A_343 = arith.constant 0 : i32
        %dma_wait3A_344 = tpu.memref_slice %arg8[%add3A_203, %dma_wait3A_343] : memref<250x128xi32, #tpu.memory_space<vmem>> -> memref<1x128xi32, #tpu.memory_space<vmem>>
        %dma_wait3A_345 = tpu.memref_squeeze %dma_wait3A_344 : memref<1x128xi32, #tpu.memory_space<vmem>> -> memref<128xi32, #tpu.memory_space<vmem>>
        %dma_wait3A_346 = arith.constant 0 : i32
        %dma_wait3A_347 = tpu.memref_slice %arg5[%dma_wait3A_346] : memref<1081344xf32, #tpu.memory_space<hbm>> -> memref<1081344xf32, #tpu.memory_space<hbm>>
        tpu.wait_indirect_dma semaphore(%arg10 : memref<!tpu.dma_semaphore, #tpu.memory_space<semaphore_mem>>) src(%dma_wait3A_342 : memref<128xf32, #tpu.memory_space<vmem>>) dst(%dma_wait3A_347 : memref<1081344xf32, #tpu.memory_space<hbm>>)
        %dma_wait3A_348 = arith.constant 0 : i32
        %dma_wait3A_349 = tpu.memref_slice %arg9[%add3A_203, %dma_wait3A_348] : memref<250x128xi32, #tpu.memory_space<vmem>> -> memref<1x128xi32, #tpu.memory_space<vmem>>
        %dma_wait3A_350 = tpu.memref_squeeze %dma_wait3A_349 : memref<1x128xi32, #tpu.memory_space<vmem>> -> memref<128xi32, #tpu.memory_space<vmem>>
        %dma_wait3A_351 = arith.constant 0 : i32
        %dma_wait3A_352 = tpu.memref_slice %arg8[%add3A_203, %dma_wait3A_351] : memref<250x128xi32, #tpu.memory_space<vmem>> -> memref<1x128xi32, #tpu.memory_space<vmem>>
        %dma_wait3A_353 = tpu.memref_squeeze %dma_wait3A_352 : memref<1x128xi32, #tpu.memory_space<vmem>> -> memref<128xi32, #tpu.memory_space<vmem>>
        %dma_wait3A_354 = arith.constant 0 : i32
        %dma_wait3A_355 = tpu.memref_slice %arg6[%dma_wait3A_354] : memref<1081344xi32, #tpu.memory_space<hbm>> -> memref<1081344xi32, #tpu.memory_space<hbm>>
        tpu.wait_indirect_dma semaphore(%arg10 : memref<!tpu.dma_semaphore, #tpu.memory_space<semaphore_mem>>) src(%dma_wait3A_350 : memref<128xi32, #tpu.memory_space<vmem>>) dst(%dma_wait3A_355 : memref<1081344xi32, #tpu.memory_space<hbm>>)
        %dma_wait3A_356 = arith.constant 0 : i32
        %dma_wait3A_357 = tpu.memref_slice %arg7[%add3A_223, %dma_wait3A_356] : memref<250x128xf32, #tpu.memory_space<vmem>> -> memref<1x128xf32, #tpu.memory_space<vmem>>
        %dma_wait3A_358 = tpu.memref_squeeze %dma_wait3A_357 : memref<1x128xf32, #tpu.memory_space<vmem>> -> memref<128xf32, #tpu.memory_space<vmem>>
        %dma_wait3A_359 = arith.constant 0 : i32
        %dma_wait3A_360 = tpu.memref_slice %arg8[%add3A_223, %dma_wait3A_359] : memref<250x128xi32, #tpu.memory_space<vmem>> -> memref<1x128xi32, #tpu.memory_space<vmem>>
        %dma_wait3A_361 = tpu.memref_squeeze %dma_wait3A_360 : memref<1x128xi32, #tpu.memory_space<vmem>> -> memref<128xi32, #tpu.memory_space<vmem>>
        %dma_wait3A_362 = arith.constant 0 : i32
        %dma_wait3A_363 = tpu.memref_slice %arg5[%dma_wait3A_362] : memref<1081344xf32, #tpu.memory_space<hbm>> -> memref<1081344xf32, #tpu.memory_space<hbm>>
        tpu.wait_indirect_dma semaphore(%arg10 : memref<!tpu.dma_semaphore, #tpu.memory_space<semaphore_mem>>) src(%dma_wait3A_358 : memref<128xf32, #tpu.memory_space<vmem>>) dst(%dma_wait3A_363 : memref<1081344xf32, #tpu.memory_space<hbm>>)
        %dma_wait3A_364 = arith.constant 0 : i32
        %dma_wait3A_365 = tpu.memref_slice %arg9[%add3A_223, %dma_wait3A_364] : memref<250x128xi32, #tpu.memory_space<vmem>> -> memref<1x128xi32, #tpu.memory_space<vmem>>
        %dma_wait3A_366 = tpu.memref_squeeze %dma_wait3A_365 : memref<1x128xi32, #tpu.memory_space<vmem>> -> memref<128xi32, #tpu.memory_space<vmem>>
        %dma_wait3A_367 = arith.constant 0 : i32
        %dma_wait3A_368 = tpu.memref_slice %arg8[%add3A_223, %dma_wait3A_367] : memref<250x128xi32, #tpu.memory_space<vmem>> -> memref<1x128xi32, #tpu.memory_space<vmem>>
        %dma_wait3A_369 = tpu.memref_squeeze %dma_wait3A_368 : memref<1x128xi32, #tpu.memory_space<vmem>> -> memref<128xi32, #tpu.memory_space<vmem>>
        %dma_wait3A_370 = arith.constant 0 : i32
        %dma_wait3A_371 = tpu.memref_slice %arg6[%dma_wait3A_370] : memref<1081344xi32, #tpu.memory_space<hbm>> -> memref<1081344xi32, #tpu.memory_space<hbm>>
        tpu.wait_indirect_dma semaphore(%arg10 : memref<!tpu.dma_semaphore, #tpu.memory_space<semaphore_mem>>) src(%dma_wait3A_366 : memref<128xi32, #tpu.memory_space<vmem>>) dst(%dma_wait3A_371 : memref<1081344xi32, #tpu.memory_space<hbm>>)
        %dma_wait3A_372 = arith.constant 0 : i32
        %dma_wait3A_373 = tpu.memref_slice %arg7[%add3A_243, %dma_wait3A_372] : memref<250x128xf32, #tpu.memory_space<vmem>> -> memref<1x128xf32, #tpu.memory_space<vmem>>
        %dma_wait3A_374 = tpu.memref_squeeze %dma_wait3A_373 : memref<1x128xf32, #tpu.memory_space<vmem>> -> memref<128xf32, #tpu.memory_space<vmem>>
        %dma_wait3A_375 = arith.constant 0 : i32
        %dma_wait3A_376 = tpu.memref_slice %arg8[%add3A_243, %dma_wait3A_375] : memref<250x128xi32, #tpu.memory_space<vmem>> -> memref<1x128xi32, #tpu.memory_space<vmem>>
        %dma_wait3A_377 = tpu.memref_squeeze %dma_wait3A_376 : memref<1x128xi32, #tpu.memory_space<vmem>> -> memref<128xi32, #tpu.memory_space<vmem>>
        %dma_wait3A_378 = arith.constant 0 : i32
        %dma_wait3A_379 = tpu.memref_slice %arg5[%dma_wait3A_378] : memref<1081344xf32, #tpu.memory_space<hbm>> -> memref<1081344xf32, #tpu.memory_space<hbm>>
        tpu.wait_indirect_dma semaphore(%arg10 : memref<!tpu.dma_semaphore, #tpu.memory_space<semaphore_mem>>) src(%dma_wait3A_374 : memref<128xf32, #tpu.memory_space<vmem>>) dst(%dma_wait3A_379 : memref<1081344xf32, #tpu.memory_space<hbm>>)
        %dma_wait3A_380 = arith.constant 0 : i32
        %dma_wait3A_381 = tpu.memref_slice %arg9[%add3A_243, %dma_wait3A_380] : memref<250x128xi32, #tpu.memory_space<vmem>> -> memref<1x128xi32, #tpu.memory_space<vmem>>
        %dma_wait3A_382 = tpu.memref_squeeze %dma_wait3A_381 : memref<1x128xi32, #tpu.memory_space<vmem>> -> memref<128xi32, #tpu.memory_space<vmem>>
        %dma_wait3A_383 = arith.constant 0 : i32
        %dma_wait3A_384 = tpu.memref_slice %arg8[%add3A_243, %dma_wait3A_383] : memref<250x128xi32, #tpu.memory_space<vmem>> -> memref<1x128xi32, #tpu.memory_space<vmem>>
        %dma_wait3A_385 = tpu.memref_squeeze %dma_wait3A_384 : memref<1x128xi32, #tpu.memory_space<vmem>> -> memref<128xi32, #tpu.memory_space<vmem>>
        %dma_wait3A_386 = arith.constant 0 : i32
        %dma_wait3A_387 = tpu.memref_slice %arg6[%dma_wait3A_386] : memref<1081344xi32, #tpu.memory_space<hbm>> -> memref<1081344xi32, #tpu.memory_space<hbm>>
        tpu.wait_indirect_dma semaphore(%arg10 : memref<!tpu.dma_semaphore, #tpu.memory_space<semaphore_mem>>) src(%dma_wait3A_382 : memref<128xi32, #tpu.memory_space<vmem>>) dst(%dma_wait3A_387 : memref<1081344xi32, #tpu.memory_space<hbm>>)
        %scan3A_388 = arith.constant 0 : i32
        scf.yield %scan3A_388 : i32
      }
      %scan3A_18 = arith.constant 31 : i32
      %dma_start3A = arith.constant 248 : i32
      %dma_start3A_19 = arith.constant 248 : i32
      %dma_start3A_20 = arith.constant 0 : i32
      %dma_start3A_21 = tpu.memref_slice %arg7[%dma_start3A, %dma_start3A_20] : memref<250x128xf32, #tpu.memory_space<vmem>> -> memref<1x128xf32, #tpu.memory_space<vmem>>
      %dma_start3A_22 = tpu.memref_squeeze %dma_start3A_21 : memref<1x128xf32, #tpu.memory_space<vmem>> -> memref<128xf32, #tpu.memory_space<vmem>>
      %dma_start3A_23 = arith.constant 0 : i32
      %dma_start3A_24 = tpu.memref_slice %arg8[%dma_start3A_19, %dma_start3A_23] : memref<250x128xi32, #tpu.memory_space<vmem>> -> memref<1x128xi32, #tpu.memory_space<vmem>>
      %dma_start3A_25 = tpu.memref_squeeze %dma_start3A_24 : memref<1x128xi32, #tpu.memory_space<vmem>> -> memref<128xi32, #tpu.memory_space<vmem>>
      %dma_start3A_26 = arith.constant 0 : i32
      %dma_start3A_27 = tpu.memref_slice %arg5[%dma_start3A_26] : memref<1081344xf32, #tpu.memory_space<hbm>> -> memref<1081344xf32, #tpu.memory_space<hbm>>
      tpu.enqueue_indirect_dma source(%dma_start3A_22 : memref<128xf32, #tpu.memory_space<vmem>>) target(%dma_start3A_27 : memref<1081344xf32, #tpu.memory_space<hbm>>) offsets(%dma_start3A_25 : memref<128xi32, #tpu.memory_space<vmem>>) semaphore(%arg10 : memref<!tpu.dma_semaphore, #tpu.memory_space<semaphore_mem>>)
      %dma_start3A_28 = arith.constant 248 : i32
      %dma_start3A_29 = arith.constant 248 : i32
      %dma_start3A_30 = arith.constant 0 : i32
      %dma_start3A_31 = tpu.memref_slice %arg9[%dma_start3A_28, %dma_start3A_30] : memref<250x128xi32, #tpu.memory_space<vmem>> -> memref<1x128xi32, #tpu.memory_space<vmem>>
      %dma_start3A_32 = tpu.memref_squeeze %dma_start3A_31 : memref<1x128xi32, #tpu.memory_space<vmem>> -> memref<128xi32, #tpu.memory_space<vmem>>
      %dma_start3A_33 = arith.constant 0 : i32
      %dma_start3A_34 = tpu.memref_slice %arg8[%dma_start3A_29, %dma_start3A_33] : memref<250x128xi32, #tpu.memory_space<vmem>> -> memref<1x128xi32, #tpu.memory_space<vmem>>
      %dma_start3A_35 = tpu.memref_squeeze %dma_start3A_34 : memref<1x128xi32, #tpu.memory_space<vmem>> -> memref<128xi32, #tpu.memory_space<vmem>>
      %dma_start3A_36 = arith.constant 0 : i32
      %dma_start3A_37 = tpu.memref_slice %arg6[%dma_start3A_36] : memref<1081344xi32, #tpu.memory_space<hbm>> -> memref<1081344xi32, #tpu.memory_space<hbm>>
      tpu.enqueue_indirect_dma source(%dma_start3A_32 : memref<128xi32, #tpu.memory_space<vmem>>) target(%dma_start3A_37 : memref<1081344xi32, #tpu.memory_space<hbm>>) offsets(%dma_start3A_35 : memref<128xi32, #tpu.memory_space<vmem>>) semaphore(%arg10 : memref<!tpu.dma_semaphore, #tpu.memory_space<semaphore_mem>>)
      %dma_start3A_38 = arith.constant 249 : i32
      %dma_start3A_39 = arith.constant 249 : i32
      %dma_start3A_40 = arith.constant 0 : i32
      %dma_start3A_41 = tpu.memref_slice %arg7[%dma_start3A_38, %dma_start3A_40] : memref<250x128xf32, #tpu.memory_space<vmem>> -> memref<1x128xf32, #tpu.memory_space<vmem>>
      %dma_start3A_42 = tpu.memref_squeeze %dma_start3A_41 : memref<1x128xf32, #tpu.memory_space<vmem>> -> memref<128xf32, #tpu.memory_space<vmem>>
      %dma_start3A_43 = arith.constant 0 : i32
      %dma_start3A_44 = tpu.memref_slice %arg8[%dma_start3A_39, %dma_start3A_43] : memref<250x128xi32, #tpu.memory_space<vmem>> -> memref<1x128xi32, #tpu.memory_space<vmem>>
      %dma_start3A_45 = tpu.memref_squeeze %dma_start3A_44 : memref<1x128xi32, #tpu.memory_space<vmem>> -> memref<128xi32, #tpu.memory_space<vmem>>
      %dma_start3A_46 = arith.constant 0 : i32
      %dma_start3A_47 = tpu.memref_slice %arg5[%dma_start3A_46] : memref<1081344xf32, #tpu.memory_space<hbm>> -> memref<1081344xf32, #tpu.memory_space<hbm>>
      tpu.enqueue_indirect_dma source(%dma_start3A_42 : memref<128xf32, #tpu.memory_space<vmem>>) target(%dma_start3A_47 : memref<1081344xf32, #tpu.memory_space<hbm>>) offsets(%dma_start3A_45 : memref<128xi32, #tpu.memory_space<vmem>>) semaphore(%arg10 : memref<!tpu.dma_semaphore, #tpu.memory_space<semaphore_mem>>)
      %dma_start3A_48 = arith.constant 249 : i32
      %dma_start3A_49 = arith.constant 249 : i32
      %dma_start3A_50 = arith.constant 0 : i32
      %dma_start3A_51 = tpu.memref_slice %arg9[%dma_start3A_48, %dma_start3A_50] : memref<250x128xi32, #tpu.memory_space<vmem>> -> memref<1x128xi32, #tpu.memory_space<vmem>>
      %dma_start3A_52 = tpu.memref_squeeze %dma_start3A_51 : memref<1x128xi32, #tpu.memory_space<vmem>> -> memref<128xi32, #tpu.memory_space<vmem>>
      %dma_start3A_53 = arith.constant 0 : i32
      %dma_start3A_54 = tpu.memref_slice %arg8[%dma_start3A_49, %dma_start3A_53] : memref<250x128xi32, #tpu.memory_space<vmem>> -> memref<1x128xi32, #tpu.memory_space<vmem>>
      %dma_start3A_55 = tpu.memref_squeeze %dma_start3A_54 : memref<1x128xi32, #tpu.memory_space<vmem>> -> memref<128xi32, #tpu.memory_space<vmem>>
      %dma_start3A_56 = arith.constant 0 : i32
      %dma_start3A_57 = tpu.memref_slice %arg6[%dma_start3A_56] : memref<1081344xi32, #tpu.memory_space<hbm>> -> memref<1081344xi32, #tpu.memory_space<hbm>>
      tpu.enqueue_indirect_dma source(%dma_start3A_52 : memref<128xi32, #tpu.memory_space<vmem>>) target(%dma_start3A_57 : memref<1081344xi32, #tpu.memory_space<hbm>>) offsets(%dma_start3A_55 : memref<128xi32, #tpu.memory_space<vmem>>) semaphore(%arg10 : memref<!tpu.dma_semaphore, #tpu.memory_space<semaphore_mem>>)
      %dma_wait3A = arith.constant 248 : i32
      %dma_wait3A_58 = arith.constant 248 : i32
      %dma_wait3A_59 = arith.constant 0 : i32
      %dma_wait3A_60 = tpu.memref_slice %arg7[%dma_wait3A, %dma_wait3A_59] : memref<250x128xf32, #tpu.memory_space<vmem>> -> memref<1x128xf32, #tpu.memory_space<vmem>>
      %dma_wait3A_61 = tpu.memref_squeeze %dma_wait3A_60 : memref<1x128xf32, #tpu.memory_space<vmem>> -> memref<128xf32, #tpu.memory_space<vmem>>
      %dma_wait3A_62 = arith.constant 0 : i32
      %dma_wait3A_63 = tpu.memref_slice %arg8[%dma_wait3A_58, %dma_wait3A_62] : memref<250x128xi32, #tpu.memory_space<vmem>> -> memref<1x128xi32, #tpu.memory_space<vmem>>
      %dma_wait3A_64 = tpu.memref_squeeze %dma_wait3A_63 : memref<1x128xi32, #tpu.memory_space<vmem>> -> memref<128xi32, #tpu.memory_space<vmem>>
      %dma_wait3A_65 = arith.constant 0 : i32
      %dma_wait3A_66 = tpu.memref_slice %arg5[%dma_wait3A_65] : memref<1081344xf32, #tpu.memory_space<hbm>> -> memref<1081344xf32, #tpu.memory_space<hbm>>
      tpu.wait_indirect_dma semaphore(%arg10 : memref<!tpu.dma_semaphore, #tpu.memory_space<semaphore_mem>>) src(%dma_wait3A_61 : memref<128xf32, #tpu.memory_space<vmem>>) dst(%dma_wait3A_66 : memref<1081344xf32, #tpu.memory_space<hbm>>)
      %dma_wait3A_67 = arith.constant 248 : i32
      %dma_wait3A_68 = arith.constant 248 : i32
      %dma_wait3A_69 = arith.constant 0 : i32
      %dma_wait3A_70 = tpu.memref_slice %arg9[%dma_wait3A_67, %dma_wait3A_69] : memref<250x128xi32, #tpu.memory_space<vmem>> -> memref<1x128xi32, #tpu.memory_space<vmem>>
      %dma_wait3A_71 = tpu.memref_squeeze %dma_wait3A_70 : memref<1x128xi32, #tpu.memory_space<vmem>> -> memref<128xi32, #tpu.memory_space<vmem>>
      %dma_wait3A_72 = arith.constant 0 : i32
      %dma_wait3A_73 = tpu.memref_slice %arg8[%dma_wait3A_68, %dma_wait3A_72] : memref<250x128xi32, #tpu.memory_space<vmem>> -> memref<1x128xi32, #tpu.memory_space<vmem>>
      %dma_wait3A_74 = tpu.memref_squeeze %dma_wait3A_73 : memref<1x128xi32, #tpu.memory_space<vmem>> -> memref<128xi32, #tpu.memory_space<vmem>>
      %dma_wait3A_75 = arith.constant 0 : i32
      %dma_wait3A_76 = tpu.memref_slice %arg6[%dma_wait3A_75] : memref<1081344xi32, #tpu.memory_space<hbm>> -> memref<1081344xi32, #tpu.memory_space<hbm>>
      tpu.wait_indirect_dma semaphore(%arg10 : memref<!tpu.dma_semaphore, #tpu.memory_space<semaphore_mem>>) src(%dma_wait3A_71 : memref<128xi32, #tpu.memory_space<vmem>>) dst(%dma_wait3A_76 : memref<1081344xi32, #tpu.memory_space<hbm>>)
      %dma_wait3A_77 = arith.constant 249 : i32
      %dma_wait3A_78 = arith.constant 249 : i32
      %dma_wait3A_79 = arith.constant 0 : i32
      %dma_wait3A_80 = tpu.memref_slice %arg7[%dma_wait3A_77, %dma_wait3A_79] : memref<250x128xf32, #tpu.memory_space<vmem>> -> memref<1x128xf32, #tpu.memory_space<vmem>>
      %dma_wait3A_81 = tpu.memref_squeeze %dma_wait3A_80 : memref<1x128xf32, #tpu.memory_space<vmem>> -> memref<128xf32, #tpu.memory_space<vmem>>
      %dma_wait3A_82 = arith.constant 0 : i32
      %dma_wait3A_83 = tpu.memref_slice %arg8[%dma_wait3A_78, %dma_wait3A_82] : memref<250x128xi32, #tpu.memory_space<vmem>> -> memref<1x128xi32, #tpu.memory_space<vmem>>
      %dma_wait3A_84 = tpu.memref_squeeze %dma_wait3A_83 : memref<1x128xi32, #tpu.memory_space<vmem>> -> memref<128xi32, #tpu.memory_space<vmem>>
      %dma_wait3A_85 = arith.constant 0 : i32
      %dma_wait3A_86 = tpu.memref_slice %arg5[%dma_wait3A_85] : memref<1081344xf32, #tpu.memory_space<hbm>> -> memref<1081344xf32, #tpu.memory_space<hbm>>
      tpu.wait_indirect_dma semaphore(%arg10 : memref<!tpu.dma_semaphore, #tpu.memory_space<semaphore_mem>>) src(%dma_wait3A_81 : memref<128xf32, #tpu.memory_space<vmem>>) dst(%dma_wait3A_86 : memref<1081344xf32, #tpu.memory_space<hbm>>)
      %dma_wait3A_87 = arith.constant 249 : i32
      %dma_wait3A_88 = arith.constant 249 : i32
      %dma_wait3A_89 = arith.constant 0 : i32
      %dma_wait3A_90 = tpu.memref_slice %arg9[%dma_wait3A_87, %dma_wait3A_89] : memref<250x128xi32, #tpu.memory_space<vmem>> -> memref<1x128xi32, #tpu.memory_space<vmem>>
      %dma_wait3A_91 = tpu.memref_squeeze %dma_wait3A_90 : memref<1x128xi32, #tpu.memory_space<vmem>> -> memref<128xi32, #tpu.memory_space<vmem>>
      %dma_wait3A_92 = arith.constant 0 : i32
      %dma_wait3A_93 = tpu.memref_slice %arg8[%dma_wait3A_88, %dma_wait3A_92] : memref<250x128xi32, #tpu.memory_space<vmem>> -> memref<1x128xi32, #tpu.memory_space<vmem>>
      %dma_wait3A_94 = tpu.memref_squeeze %dma_wait3A_93 : memref<1x128xi32, #tpu.memory_space<vmem>> -> memref<128xi32, #tpu.memory_space<vmem>>
      %dma_wait3A_95 = arith.constant 0 : i32
      %dma_wait3A_96 = tpu.memref_slice %arg6[%dma_wait3A_95] : memref<1081344xi32, #tpu.memory_space<hbm>> -> memref<1081344xi32, #tpu.memory_space<hbm>>
      tpu.wait_indirect_dma semaphore(%arg10 : memref<!tpu.dma_semaphore, #tpu.memory_space<semaphore_mem>>) src(%dma_wait3A_91 : memref<128xi32, #tpu.memory_space<vmem>>) dst(%dma_wait3A_96 : memref<1081344xi32, #tpu.memory_space<hbm>>)
      %scan3A_97 = arith.constant 0 : i32
      scf.yield %scan3A_97 : i32
    }
    %scan3A_6 = arith.constant 32 : i32
    return
  }
}

module attributes {stable_mosaic.version = 14 : i64} {
  func.func @_select_body(%arg0: i32, %arg1: memref<4xi32, #tpu.memory_space<smem>>, %arg2: memref<1x16x32000xf32, #tpu.memory_space<vmem>>, %arg3: memref<1x16x128xf32, #tpu.memory_space<vmem>>, %arg4: memref<1x16x32000xi32, #tpu.memory_space<vmem>>) attributes {dimension_semantics = [#tpu.dimension_semantics<arbitrary>], iteration_bounds = array<i64: 64>, scalar_prefetch = 1 : i64, scratch_operands = 0 : i64, tpu.core_type = #tpu.core_type<tc>, window_params = [{transform_indices = @transform_0, window_bounds = array<i64: 1, 16, 32000>}, {transform_indices = @transform_1, window_bounds = array<i64: 1, 16, 128>}, {transform_indices = @transform_2, window_bounds = array<i64: 1, 16, 32000>}]} {
    %get3A = arith.constant 0 : index
    %get3A_0 = arith.constant 0 : index
    %get3A_1 = arith.constant 0 : index
    %get3A_2 = vector.load %arg2[%get3A, %get3A_0, %get3A_1] : memref<1x16x32000xf32, #tpu.memory_space<vmem>>, vector<1x16x32000xf32>
    %get3A_3 = vector.shape_cast %get3A_2 : vector<1x16x32000xf32> to vector<16x32000xf32>
    %iota3A = tpu.iota {dimensions = array<i32: 1>} : vector<16x32000xi32>
    %broadcast_in_dim3A = arith.constant false
    %broadcast_in_dim3A_4 = vector.broadcast %broadcast_in_dim3A : i1 to vector<16x32000xi1>
    %get3A_5 = arith.constant 0 : index
    %get3A_6 = memref.load %arg1[%get3A_5] : memref<4xi32, #tpu.memory_space<smem>>
    %eq3A = vector.broadcast %get3A_6 : i32 to vector<16x32000xi32>
    %eq3A_7 = arith.cmpi eq, %iota3A, %eq3A : vector<16x32000xi32>
    %or3A = arith.ori %broadcast_in_dim3A_4, %eq3A_7 : vector<16x32000xi1>
    %get3A_8 = arith.constant 1 : index
    %get3A_9 = memref.load %arg1[%get3A_8] : memref<4xi32, #tpu.memory_space<smem>>
    %eq3A_10 = vector.broadcast %get3A_9 : i32 to vector<16x32000xi32>
    %eq3A_11 = arith.cmpi eq, %iota3A, %eq3A_10 : vector<16x32000xi32>
    %or3A_12 = arith.ori %or3A, %eq3A_11 : vector<16x32000xi1>
    %get3A_13 = arith.constant 2 : index
    %get3A_14 = memref.load %arg1[%get3A_13] : memref<4xi32, #tpu.memory_space<smem>>
    %eq3A_15 = vector.broadcast %get3A_14 : i32 to vector<16x32000xi32>
    %eq3A_16 = arith.cmpi eq, %iota3A, %eq3A_15 : vector<16x32000xi32>
    %or3A_17 = arith.ori %or3A_12, %eq3A_16 : vector<16x32000xi1>
    %get3A_18 = arith.constant 3 : index
    %get3A_19 = memref.load %arg1[%get3A_18] : memref<4xi32, #tpu.memory_space<smem>>
    %eq3A_20 = vector.broadcast %get3A_19 : i32 to vector<16x32000xi32>
    %eq3A_21 = arith.cmpi eq, %iota3A, %eq3A_20 : vector<16x32000xi32>
    %or3A_22 = arith.ori %or3A_17, %eq3A_21 : vector<16x32000xi1>
    %jit3A = arith.constant -1.000000e+09 : f32
    %broadcast_in_dim3A_23 = vector.broadcast %jit3A : f32 to vector<16x32000xf32>
    %select_n3A = arith.select %or3A_22, %broadcast_in_dim3A_23, %get3A_3 : vector<16x32000xi1>, vector<16x32000xf32>
    %bitcast_convert_type3A = tpu.bitcast %select_n3A : vector<16x32000xf32> -> vector<16x32000xi32>
    %shift_right_arithmetic3A = arith.constant 31 : i32
    %shift_right_arithmetic3A_24 = vector.broadcast %shift_right_arithmetic3A : i32 to vector<16x32000xi32>
    %shift_right_arithmetic3A_25 = arith.shrsi %bitcast_convert_type3A, %shift_right_arithmetic3A_24 : vector<16x32000xi32>
    %and3A = arith.constant 2147483647 : i32
    %and3A_26 = vector.broadcast %and3A : i32 to vector<16x32000xi32>
    %and3A_27 = arith.andi %shift_right_arithmetic3A_25, %and3A_26 : vector<16x32000xi32>
    %xor3A = arith.xori %bitcast_convert_type3A, %and3A_27 : vector<16x32000xi32>
    %broadcast_in_dim3A_28 = arith.constant 0 : i32
    %broadcast_in_dim3A_29 = vector.broadcast %broadcast_in_dim3A_28 : i32 to vector<16x1xi32>
    %ge3A = vector.broadcast %broadcast_in_dim3A_29 : vector<16x1xi32> to vector<16x32000xi32>
    %ge3A_30 = arith.cmpi sge, %xor3A, %ge3A : vector<16x32000xi32>
    %convert_element_type3A = arith.extui %ge3A_30 : vector<16x32000xi1> to vector<16x32000xi32>
    %reduce_sum3A = arith.constant dense<0> : vector<16xi32>
    %reduce_sum3A_31 = vector.multi_reduction <add>, %convert_element_type3A, %reduce_sum3A [1] : vector<16x32000xi32> to vector<16xi32>
    %broadcast_in_dim3A_32 = vector.shape_cast %reduce_sum3A_31 : vector<16xi32> to vector<16x1xi32>
    %lt3A = arith.constant 1000 : i32
    %lt3A_33 = vector.broadcast %lt3A : i32 to vector<16x1xi32>
    %lt3A_34 = arith.cmpi slt, %broadcast_in_dim3A_32, %lt3A_33 : vector<16x1xi32>
    %jit3A_35 = arith.constant -2147483648 : i32
    %broadcast_in_dim3A_36 = vector.broadcast %jit3A_35 : i32 to vector<16x1xi32>
    %select_n3A_37 = arith.select %lt3A_34, %broadcast_in_dim3A_36, %broadcast_in_dim3A_29 : vector<16x1xi1>, vector<16x1xi32>
    %jit3A_38 = arith.constant -1 : i32
    %jit3A_39 = arith.constant 2147483647 : i32
    %broadcast_in_dim3A_40 = vector.broadcast %jit3A_38 : i32 to vector<16x1xi32>
    %broadcast_in_dim3A_41 = vector.broadcast %jit3A_39 : i32 to vector<16x1xi32>
    %select_n3A_42 = arith.select %lt3A_34, %broadcast_in_dim3A_40, %broadcast_in_dim3A_41 : vector<16x1xi1>, vector<16x1xi32>
    %jit3A_43 = arith.constant 32000 : i32
    %broadcast_in_dim3A_44 = vector.broadcast %jit3A_43 : i32 to vector<16x1xi32>
    %select_n3A_45 = arith.select %lt3A_34, %broadcast_in_dim3A_44, %broadcast_in_dim3A_32 : vector<16x1xi1>, vector<16x1xi32>
    %jit3A_46 = arith.constant 0 : i32
    %broadcast_in_dim3A_47 = vector.broadcast %jit3A_46 : i32 to vector<16x1xi32>
    %select_n3A_48 = arith.select %lt3A_34, %broadcast_in_dim3A_32, %broadcast_in_dim3A_47 : vector<16x1xi1>, vector<16x1xi32>
    %while3A = arith.constant 0 : i32
    %while3A_49:5 = scf.while (%while3A_250 = %select_n3A_37, %while3A_251 = %select_n3A_42, %while3A_252 = %select_n3A_45, %while3A_253 = %select_n3A_48, %while3A_254 = %while3A) : (vector<16x1xi32>, vector<16x1xi32>, vector<16x1xi32>, vector<16x1xi32>, i32) -> (vector<16x1xi32>, vector<16x1xi32>, vector<16x1xi32>, vector<16x1xi32>, i32) {
      %lt3A_255 = arith.cmpi slt, %while3A_250, %while3A_251 : vector<16x1xi32>
      %reduce_or3A = arith.constant 1.000000e+00 : f32
      %reduce_or3A_256 = arith.constant 0.000000e+00 : f32
      %reduce_or3A_257 = vector.broadcast %reduce_or3A : f32 to vector<16x1xf32>
      %reduce_or3A_258 = vector.broadcast %reduce_or3A_256 : f32 to vector<16x1xf32>
      %reduce_or3A_259 = arith.select %lt3A_255, %reduce_or3A_257, %reduce_or3A_258 : vector<16x1xi1>, vector<16x1xf32>
      %reduce_or3A_260 = vector.shape_cast %reduce_or3A_259 : vector<16x1xf32> to vector<1x16x1xf32>
      %reduce_or3A_261 = arith.constant dense<0xFF800000> : vector<1xf32>
      %reduce_or3A_262 = vector.multi_reduction <maximumf>, %reduce_or3A_260, %reduce_or3A_261 [1, 2] : vector<1x16x1xf32> to vector<1xf32>
      %reduce_or3A_263 = vector.shape_cast %reduce_or3A_262 : vector<1xf32> to vector<1x1x1xf32>
      %reduce_or3A_264 = vector.extract %reduce_or3A_263[0, 0, 0] : f32 from vector<1x1x1xf32>
      %reduce_or3A_265 = arith.constant 0.000000e+00 : f32
      %reduce_or3A_266 = arith.cmpf ogt, %reduce_or3A_264, %reduce_or3A_265 : f32
      scf.condition(%reduce_or3A_266) %while3A_250, %while3A_251, %while3A_252, %while3A_253, %while3A_254 : vector<16x1xi32>, vector<16x1xi32>, vector<16x1xi32>, vector<16x1xi32>, i32
    } do {
    ^bb0(%while3A_250: vector<16x1xi32>, %while3A_251: vector<16x1xi32>, %while3A_252: vector<16x1xi32>, %while3A_253: vector<16x1xi32>, %while3A_254: i32):
      %sub3A_255 = arith.subi %while3A_251, %while3A_250 : vector<16x1xi32>
      %shift_right_arithmetic3A_256 = arith.constant 1 : i32
      %shift_right_arithmetic3A_257 = vector.broadcast %shift_right_arithmetic3A_256 : i32 to vector<16x1xi32>
      %shift_right_arithmetic3A_258 = arith.shrsi %sub3A_255, %shift_right_arithmetic3A_257 : vector<16x1xi32>
      %and3A_259 = arith.constant 1 : i32
      %and3A_260 = vector.broadcast %and3A_259 : i32 to vector<16x1xi32>
      %and3A_261 = arith.andi %sub3A_255, %and3A_260 : vector<16x1xi32>
      %add3A_262 = arith.addi %shift_right_arithmetic3A_258, %and3A_261 : vector<16x1xi32>
      %add3A_263 = arith.addi %while3A_250, %add3A_262 : vector<16x1xi32>
      %convert_element_type3A_264 = arith.sitofp %while3A_252 : vector<16x1xi32> to vector<16x1xf32>
      %sub3A_265 = arith.constant 1.000000e+03 : f32
      %sub3A_266 = vector.broadcast %sub3A_265 : f32 to vector<16x1xf32>
      %sub3A_267 = arith.subf %convert_element_type3A_264, %sub3A_266 : vector<16x1xf32>
      %convert_element_type3A_268 = arith.sitofp %while3A_252 : vector<16x1xi32> to vector<16x1xf32>
      %convert_element_type3A_269 = arith.sitofp %while3A_253 : vector<16x1xi32> to vector<16x1xf32>
      %sub3A_270 = arith.subf %convert_element_type3A_268, %convert_element_type3A_269 : vector<16x1xf32>
      %div3A = arith.divf %sub3A_267, %sub3A_270 : vector<16x1xf32>
      %jit3A_271 = arith.constant 0.000000e+00 : f32
      %jit3A_272 = arith.constant 9.990000e-01 : f32
      %max3A = vector.broadcast %jit3A_271 : f32 to vector<16x1xf32>
      %max3A_273 = arith.maximumf %max3A, %div3A : vector<16x1xf32>
      %min3A = vector.broadcast %jit3A_272 : f32 to vector<16x1xf32>
      %min3A_274 = arith.minimumf %min3A, %max3A_273 : vector<16x1xf32>
      %add3A_275 = arith.constant 1 : i32
      %add3A_276 = vector.broadcast %add3A_275 : i32 to vector<16x1xi32>
      %add3A_277 = arith.addi %while3A_250, %add3A_276 : vector<16x1xi32>
      %sub3A_278 = arith.constant 1 : i32
      %sub3A_279 = vector.broadcast %sub3A_278 : i32 to vector<16x1xi32>
      %sub3A_280 = arith.subi %sub3A_255, %sub3A_279 : vector<16x1xi32>
      %convert_element_type3A_281 = arith.sitofp %sub3A_280 : vector<16x1xi32> to vector<16x1xf32>
      %mul3A_282 = arith.mulf %min3A_274, %convert_element_type3A_281 : vector<16x1xf32>
      %convert_element_type3A_283 = arith.fptosi %mul3A_282 : vector<16x1xf32> to vector<16x1xi32>
      %add3A_284 = arith.addi %add3A_277, %convert_element_type3A_283 : vector<16x1xi32>
      %add3A_285 = arith.constant 1 : i32
      %add3A_286 = vector.broadcast %add3A_285 : i32 to vector<16x1xi32>
      %add3A_287 = arith.addi %while3A_250, %add3A_286 : vector<16x1xi32>
      %max3A_288 = arith.maxsi %add3A_287, %add3A_284 : vector<16x1xi32>
      %min3A_289 = arith.minsi %while3A_251, %max3A_288 : vector<16x1xi32>
      %and3A_290 = arith.constant 1 : i32
      %and3A_291 = arith.andi %while3A_254, %and3A_290 : i32
      %eq3A_292 = arith.constant 0 : i32
      %eq3A_293 = arith.cmpi eq, %and3A_291, %eq3A_292 : i32
      %select_n3A_294 = arith.select %eq3A_293, %min3A_289, %add3A_263 : vector<16x1xi32>
      %lt3A_295 = arith.cmpi slt, %while3A_250, %while3A_251 : vector<16x1xi32>
      %ge3A_296 = vector.broadcast %select_n3A_294 : vector<16x1xi32> to vector<16x32000xi32>
      %ge3A_297 = arith.cmpi sge, %xor3A, %ge3A_296 : vector<16x32000xi32>
      %convert_element_type3A_298 = arith.extui %ge3A_297 : vector<16x32000xi1> to vector<16x32000xi32>
      %reduce_sum3A_299 = arith.constant dense<0> : vector<16xi32>
      %reduce_sum3A_300 = vector.multi_reduction <add>, %convert_element_type3A_298, %reduce_sum3A_299 [1] : vector<16x32000xi32> to vector<16xi32>
      %broadcast_in_dim3A_301 = vector.shape_cast %reduce_sum3A_300 : vector<16xi32> to vector<16x1xi32>
      %ge3A_302 = arith.constant 1000 : i32
      %ge3A_303 = vector.broadcast %ge3A_302 : i32 to vector<16x1xi32>
      %ge3A_304 = arith.cmpi sge, %broadcast_in_dim3A_301, %ge3A_303 : vector<16x1xi32>
      %and3A_305 = arith.andi %lt3A_295, %ge3A_304 : vector<16x1xi1>
      %ge3A_306 = arith.constant 1000 : i32
      %ge3A_307 = vector.broadcast %ge3A_306 : i32 to vector<16x1xi32>
      %ge3A_308 = arith.cmpi sge, %broadcast_in_dim3A_301, %ge3A_307 : vector<16x1xi32>
      %not3A = arith.constant dense<true> : vector<16x1xi1>
      %not3A_309 = arith.xori %ge3A_308, %not3A : vector<16x1xi1>
      %and3A_310 = arith.andi %lt3A_295, %not3A_309 : vector<16x1xi1>
      %select_n3A_311 = arith.select %and3A_305, %select_n3A_294, %while3A_250 : vector<16x1xi1>, vector<16x1xi32>
      %select_n3A_312 = arith.select %and3A_305, %broadcast_in_dim3A_301, %while3A_252 : vector<16x1xi1>, vector<16x1xi32>
      %sub3A_313 = arith.constant 1 : i32
      %sub3A_314 = vector.broadcast %sub3A_313 : i32 to vector<16x1xi32>
      %sub3A_315 = arith.subi %select_n3A_294, %sub3A_314 : vector<16x1xi32>
      %select_n3A_316 = arith.select %and3A_310, %sub3A_315, %while3A_251 : vector<16x1xi1>, vector<16x1xi32>
      %select_n3A_317 = arith.select %and3A_310, %broadcast_in_dim3A_301, %while3A_253 : vector<16x1xi1>, vector<16x1xi32>
      %add3A_318 = arith.constant 1 : i32
      %add3A_319 = arith.addi %while3A_254, %add3A_318 : i32
      scf.yield %select_n3A_311, %select_n3A_316, %select_n3A_312, %select_n3A_317, %add3A_319 : vector<16x1xi32>, vector<16x1xi32>, vector<16x1xi32>, vector<16x1xi32>, i32
    }
    %gt3A = vector.broadcast %while3A_49#0 : vector<16x1xi32> to vector<16x32000xi32>
    %gt3A_50 = arith.cmpi sgt, %xor3A, %gt3A : vector<16x32000xi32>
    %convert_element_type3A_51 = arith.extui %gt3A_50 : vector<16x32000xi1> to vector<16x32000xi32>
    %reduce_sum3A_52 = arith.constant dense<0> : vector<16xi32>
    %reduce_sum3A_53 = vector.multi_reduction <add>, %convert_element_type3A_51, %reduce_sum3A_52 [1] : vector<16x32000xi32> to vector<16xi32>
    %broadcast_in_dim3A_54 = vector.shape_cast %reduce_sum3A_53 : vector<16xi32> to vector<16x1xi32>
    %sub3A = arith.constant 1000 : i32
    %sub3A_55 = vector.broadcast %sub3A : i32 to vector<16x1xi32>
    %sub3A_56 = arith.subi %sub3A_55, %broadcast_in_dim3A_54 : vector<16x1xi32>
    %eq3A_57 = vector.broadcast %while3A_49#0 : vector<16x1xi32> to vector<16x32000xi32>
    %eq3A_58 = arith.cmpi eq, %xor3A, %eq3A_57 : vector<16x32000xi32>
    %convert_element_type3A_59 = arith.extui %eq3A_58 : vector<16x32000xi1> to vector<16x32000xi32>
    %reduce_sum3A_60 = arith.constant dense<0> : vector<16xi32>
    %reduce_sum3A_61 = vector.multi_reduction <add>, %convert_element_type3A_59, %reduce_sum3A_60 [1] : vector<16x32000xi32> to vector<16xi32>
    %broadcast_in_dim3A_62 = vector.shape_cast %reduce_sum3A_61 : vector<16xi32> to vector<16x1xi32>
    %eq3A_63 = arith.cmpi eq, %broadcast_in_dim3A_62, %sub3A_56 : vector<16x1xi32>
    %jit3A_64 = arith.constant 31999 : i32
    %jit3A_65 = arith.constant 0 : i32
    %broadcast_in_dim3A_66 = vector.broadcast %jit3A_64 : i32 to vector<16x1xi32>
    %broadcast_in_dim3A_67 = vector.broadcast %jit3A_65 : i32 to vector<16x1xi32>
    %select_n3A_68 = arith.select %eq3A_63, %broadcast_in_dim3A_66, %broadcast_in_dim3A_67 : vector<16x1xi1>, vector<16x1xi32>
    %broadcast_in_dim3A_69 = arith.constant 31999 : i32
    %broadcast_in_dim3A_70 = vector.broadcast %broadcast_in_dim3A_69 : i32 to vector<16x1xi32>
    %while3A_71:2 = scf.while (%while3A_250 = %select_n3A_68, %while3A_251 = %broadcast_in_dim3A_70) : (vector<16x1xi32>, vector<16x1xi32>) -> (vector<16x1xi32>, vector<16x1xi32>) {
      %lt3A_252 = arith.cmpi slt, %while3A_250, %while3A_251 : vector<16x1xi32>
      %reduce_or3A = arith.constant 1.000000e+00 : f32
      %reduce_or3A_253 = arith.constant 0.000000e+00 : f32
      %reduce_or3A_254 = vector.broadcast %reduce_or3A : f32 to vector<16x1xf32>
      %reduce_or3A_255 = vector.broadcast %reduce_or3A_253 : f32 to vector<16x1xf32>
      %reduce_or3A_256 = arith.select %lt3A_252, %reduce_or3A_254, %reduce_or3A_255 : vector<16x1xi1>, vector<16x1xf32>
      %reduce_or3A_257 = vector.shape_cast %reduce_or3A_256 : vector<16x1xf32> to vector<1x16x1xf32>
      %reduce_or3A_258 = arith.constant dense<0xFF800000> : vector<1xf32>
      %reduce_or3A_259 = vector.multi_reduction <maximumf>, %reduce_or3A_257, %reduce_or3A_258 [1, 2] : vector<1x16x1xf32> to vector<1xf32>
      %reduce_or3A_260 = vector.shape_cast %reduce_or3A_259 : vector<1xf32> to vector<1x1x1xf32>
      %reduce_or3A_261 = vector.extract %reduce_or3A_260[0, 0, 0] : f32 from vector<1x1x1xf32>
      %reduce_or3A_262 = arith.constant 0.000000e+00 : f32
      %reduce_or3A_263 = arith.cmpf ogt, %reduce_or3A_261, %reduce_or3A_262 : f32
      scf.condition(%reduce_or3A_263) %while3A_250, %while3A_251 : vector<16x1xi32>, vector<16x1xi32>
    } do {
    ^bb0(%while3A_250: vector<16x1xi32>, %while3A_251: vector<16x1xi32>):
      %add3A_252 = arith.addi %while3A_250, %while3A_251 : vector<16x1xi32>
      %shift_right_arithmetic3A_253 = arith.constant 1 : i32
      %shift_right_arithmetic3A_254 = vector.broadcast %shift_right_arithmetic3A_253 : i32 to vector<16x1xi32>
      %shift_right_arithmetic3A_255 = arith.shrsi %add3A_252, %shift_right_arithmetic3A_254 : vector<16x1xi32>
      %le3A_256 = vector.broadcast %shift_right_arithmetic3A_255 : vector<16x1xi32> to vector<16x32000xi32>
      %le3A_257 = arith.cmpi sle, %iota3A, %le3A_256 : vector<16x32000xi32>
      %and3A_258 = arith.andi %eq3A_58, %le3A_257 : vector<16x32000xi1>
      %convert_element_type3A_259 = arith.extui %and3A_258 : vector<16x32000xi1> to vector<16x32000xi32>
      %reduce_sum3A_260 = arith.constant dense<0> : vector<16xi32>
      %reduce_sum3A_261 = vector.multi_reduction <add>, %convert_element_type3A_259, %reduce_sum3A_260 [1] : vector<16x32000xi32> to vector<16xi32>
      %broadcast_in_dim3A_262 = vector.shape_cast %reduce_sum3A_261 : vector<16xi32> to vector<16x1xi32>
      %lt3A_263 = arith.cmpi slt, %while3A_250, %while3A_251 : vector<16x1xi32>
      %ge3A_264 = arith.cmpi sge, %broadcast_in_dim3A_262, %sub3A_56 : vector<16x1xi32>
      %and3A_265 = arith.andi %lt3A_263, %ge3A_264 : vector<16x1xi1>
      %select_n3A_266 = arith.select %and3A_265, %shift_right_arithmetic3A_255, %while3A_251 : vector<16x1xi1>, vector<16x1xi32>
      %ge3A_267 = arith.cmpi sge, %broadcast_in_dim3A_262, %sub3A_56 : vector<16x1xi32>
      %not3A = arith.constant dense<true> : vector<16x1xi1>
      %not3A_268 = arith.xori %ge3A_267, %not3A : vector<16x1xi1>
      %and3A_269 = arith.andi %lt3A_263, %not3A_268 : vector<16x1xi1>
      %add3A_270 = arith.constant 1 : i32
      %add3A_271 = vector.broadcast %add3A_270 : i32 to vector<16x1xi32>
      %add3A_272 = arith.addi %shift_right_arithmetic3A_255, %add3A_271 : vector<16x1xi32>
      %select_n3A_273 = arith.select %and3A_269, %add3A_272, %while3A_250 : vector<16x1xi1>, vector<16x1xi32>
      scf.yield %select_n3A_273, %select_n3A_266 : vector<16x1xi32>, vector<16x1xi32>
    }
    %gt3A_72 = vector.broadcast %while3A_49#0 : vector<16x1xi32> to vector<16x32000xi32>
    %gt3A_73 = arith.cmpi sgt, %xor3A, %gt3A_72 : vector<16x32000xi32>
    %le3A = vector.broadcast %while3A_71#0 : vector<16x1xi32> to vector<16x32000xi32>
    %le3A_74 = arith.cmpi sle, %iota3A, %le3A : vector<16x32000xi32>
    %and3A_75 = arith.andi %eq3A_58, %le3A_74 : vector<16x32000xi1>
    %or3A_76 = arith.ori %gt3A_73, %and3A_75 : vector<16x32000xi1>
    %reduce_max3A = arith.constant dense<0xFF800000> : vector<16xf32>
    %reduce_max3A_77 = vector.multi_reduction <maximumf>, %select_n3A, %reduce_max3A [1] : vector<16x32000xf32> to vector<16xf32>
    %broadcast_in_dim3A_78 = vector.shape_cast %reduce_max3A_77 : vector<16xf32> to vector<16x1xf32>
    %sub3A_79 = vector.broadcast %broadcast_in_dim3A_78 : vector<16x1xf32> to vector<16x32000xf32>
    %sub3A_80 = arith.subf %select_n3A, %sub3A_79 : vector<16x32000xf32>
    %exp3A = math.exp %sub3A_80 : vector<16x32000xf32>
    %jit3A_81 = arith.constant 0.000000e+00 : f32
    %broadcast_in_dim3A_82 = vector.broadcast %jit3A_81 : f32 to vector<16x32000xf32>
    %select_n3A_83 = arith.select %or3A_76, %exp3A, %broadcast_in_dim3A_82 : vector<16x32000xi1>, vector<16x32000xf32>
    %reduce_sum3A_84 = arith.constant dense<0.000000e+00> : vector<16xf32>
    %reduce_sum3A_85 = vector.multi_reduction <add>, %select_n3A_83, %reduce_sum3A_84 [1] : vector<16x32000xf32> to vector<16xf32>
    %broadcast_in_dim3A_86 = vector.shape_cast %reduce_sum3A_85 : vector<16xf32> to vector<16x1xf32>
    %log3A = math.log %broadcast_in_dim3A_86 : vector<16x1xf32>
    %add3A = arith.addf %log3A, %broadcast_in_dim3A_78 : vector<16x1xf32>
    %broadcast_in_dim3A_87 = vector.shape_cast %add3A : vector<16x1xf32> to vector<16x1xf32>
    %broadcast_in_dim3A_88 = vector.broadcast %broadcast_in_dim3A_87 : vector<16x1xf32> to vector<16x128xf32>
    %broadcast_in_dim3A_89 = vector.shape_cast %broadcast_in_dim3A_88 : vector<16x128xf32> to vector<1x16x128xf32>
    %swap3A = arith.constant 0 : index
    %swap3A_90 = arith.constant 0 : index
    %swap3A_91 = arith.constant 0 : index
    %swap3A_92 = vector.load %arg3[%swap3A, %swap3A_90, %swap3A_91] : memref<1x16x128xf32, #tpu.memory_space<vmem>>, vector<1x16x128xf32>
    tpu.vector_store %arg3[%swap3A, %swap3A_90, %swap3A_91], %broadcast_in_dim3A_89 {strides = array<i32>} : memref<1x16x128xf32, #tpu.memory_space<vmem>>, vector<1x16x128xf32>,
    %jit3A_93 = arith.constant 1 : i32
    %jit3A_94 = arith.constant 0 : i32
    %broadcast_in_dim3A_95 = vector.broadcast %jit3A_93 : i32 to vector<16x32000xi32>
    %broadcast_in_dim3A_96 = vector.broadcast %jit3A_94 : i32 to vector<16x32000xi32>
    %select_n3A_97 = arith.select %or3A_76, %broadcast_in_dim3A_95, %broadcast_in_dim3A_96 : vector<16x32000xi1>, vector<16x32000xi32>
    %ge3A_98 = arith.constant 1 : i32
    %ge3A_99 = vector.broadcast %ge3A_98 : i32 to vector<16x32000xi32>
    %ge3A_100 = arith.cmpi sge, %iota3A, %ge3A_99 : vector<16x32000xi32>
    %roll3A = arith.constant 1 : i32
    %roll3A_101 = tpu.dynamic_rotate %select_n3A_97 by %roll3A dim 1 : vector<16x32000xi32>, i32 -> vector<16x32000xi32>
    %jit3A_102 = arith.constant 0 : i32
    %broadcast_in_dim3A_103 = vector.broadcast %jit3A_102 : i32 to vector<16x32000xi32>
    %select_n3A_104 = arith.select %ge3A_100, %roll3A_101, %broadcast_in_dim3A_103 : vector<16x32000xi1>, vector<16x32000xi32>
    %add3A_105 = arith.addi %select_n3A_97, %select_n3A_104 : vector<16x32000xi32>
    %ge3A_106 = arith.constant 2 : i32
    %ge3A_107 = vector.broadcast %ge3A_106 : i32 to vector<16x32000xi32>
    %ge3A_108 = arith.cmpi sge, %iota3A, %ge3A_107 : vector<16x32000xi32>
    %roll3A_109 = arith.constant 2 : i32
    %roll3A_110 = tpu.dynamic_rotate %add3A_105 by %roll3A_109 dim 1 : vector<16x32000xi32>, i32 -> vector<16x32000xi32>
    %jit3A_111 = arith.constant 0 : i32
    %broadcast_in_dim3A_112 = vector.broadcast %jit3A_111 : i32 to vector<16x32000xi32>
    %select_n3A_113 = arith.select %ge3A_108, %roll3A_110, %broadcast_in_dim3A_112 : vector<16x32000xi1>, vector<16x32000xi32>
    %add3A_114 = arith.addi %add3A_105, %select_n3A_113 : vector<16x32000xi32>
    %ge3A_115 = arith.constant 4 : i32
    %ge3A_116 = vector.broadcast %ge3A_115 : i32 to vector<16x32000xi32>
    %ge3A_117 = arith.cmpi sge, %iota3A, %ge3A_116 : vector<16x32000xi32>
    %roll3A_118 = arith.constant 4 : i32
    %roll3A_119 = tpu.dynamic_rotate %add3A_114 by %roll3A_118 dim 1 : vector<16x32000xi32>, i32 -> vector<16x32000xi32>
    %jit3A_120 = arith.constant 0 : i32
    %broadcast_in_dim3A_121 = vector.broadcast %jit3A_120 : i32 to vector<16x32000xi32>
    %select_n3A_122 = arith.select %ge3A_117, %roll3A_119, %broadcast_in_dim3A_121 : vector<16x32000xi1>, vector<16x32000xi32>
    %add3A_123 = arith.addi %add3A_114, %select_n3A_122 : vector<16x32000xi32>
    %ge3A_124 = arith.constant 8 : i32
    %ge3A_125 = vector.broadcast %ge3A_124 : i32 to vector<16x32000xi32>
    %ge3A_126 = arith.cmpi sge, %iota3A, %ge3A_125 : vector<16x32000xi32>
    %roll3A_127 = arith.constant 8 : i32
    %roll3A_128 = tpu.dynamic_rotate %add3A_123 by %roll3A_127 dim 1 : vector<16x32000xi32>, i32 -> vector<16x32000xi32>
    %jit3A_129 = arith.constant 0 : i32
    %broadcast_in_dim3A_130 = vector.broadcast %jit3A_129 : i32 to vector<16x32000xi32>
    %select_n3A_131 = arith.select %ge3A_126, %roll3A_128, %broadcast_in_dim3A_130 : vector<16x32000xi1>, vector<16x32000xi32>
    %add3A_132 = arith.addi %add3A_123, %select_n3A_131 : vector<16x32000xi32>
    %ge3A_133 = arith.constant 16 : i32
    %ge3A_134 = vector.broadcast %ge3A_133 : i32 to vector<16x32000xi32>
    %ge3A_135 = arith.cmpi sge, %iota3A, %ge3A_134 : vector<16x32000xi32>
    %roll3A_136 = arith.constant 16 : i32
    %roll3A_137 = tpu.dynamic_rotate %add3A_132 by %roll3A_136 dim 1 : vector<16x32000xi32>, i32 -> vector<16x32000xi32>
    %jit3A_138 = arith.constant 0 : i32
    %broadcast_in_dim3A_139 = vector.broadcast %jit3A_138 : i32 to vector<16x32000xi32>
    %select_n3A_140 = arith.select %ge3A_135, %roll3A_137, %broadcast_in_dim3A_139 : vector<16x32000xi1>, vector<16x32000xi32>
    %add3A_141 = arith.addi %add3A_132, %select_n3A_140 : vector<16x32000xi32>
    %ge3A_142 = arith.constant 32 : i32
    %ge3A_143 = vector.broadcast %ge3A_142 : i32 to vector<16x32000xi32>
    %ge3A_144 = arith.cmpi sge, %iota3A, %ge3A_143 : vector<16x32000xi32>
    %roll3A_145 = arith.constant 32 : i32
    %roll3A_146 = tpu.dynamic_rotate %add3A_141 by %roll3A_145 dim 1 : vector<16x32000xi32>, i32 -> vector<16x32000xi32>
    %jit3A_147 = arith.constant 0 : i32
    %broadcast_in_dim3A_148 = vector.broadcast %jit3A_147 : i32 to vector<16x32000xi32>
    %select_n3A_149 = arith.select %ge3A_144, %roll3A_146, %broadcast_in_dim3A_148 : vector<16x32000xi1>, vector<16x32000xi32>
    %add3A_150 = arith.addi %add3A_141, %select_n3A_149 : vector<16x32000xi32>
    %ge3A_151 = arith.constant 64 : i32
    %ge3A_152 = vector.broadcast %ge3A_151 : i32 to vector<16x32000xi32>
    %ge3A_153 = arith.cmpi sge, %iota3A, %ge3A_152 : vector<16x32000xi32>
    %roll3A_154 = arith.constant 64 : i32
    %roll3A_155 = tpu.dynamic_rotate %add3A_150 by %roll3A_154 dim 1 : vector<16x32000xi32>, i32 -> vector<16x32000xi32>
    %jit3A_156 = arith.constant 0 : i32
    %broadcast_in_dim3A_157 = vector.broadcast %jit3A_156 : i32 to vector<16x32000xi32>
    %select_n3A_158 = arith.select %ge3A_153, %roll3A_155, %broadcast_in_dim3A_157 : vector<16x32000xi1>, vector<16x32000xi32>
    %add3A_159 = arith.addi %add3A_150, %select_n3A_158 : vector<16x32000xi32>
    %ge3A_160 = arith.constant 128 : i32
    %ge3A_161 = vector.broadcast %ge3A_160 : i32 to vector<16x32000xi32>
    %ge3A_162 = arith.cmpi sge, %iota3A, %ge3A_161 : vector<16x32000xi32>
    %roll3A_163 = arith.constant 128 : i32
    %roll3A_164 = tpu.dynamic_rotate %add3A_159 by %roll3A_163 dim 1 : vector<16x32000xi32>, i32 -> vector<16x32000xi32>
    %jit3A_165 = arith.constant 0 : i32
    %broadcast_in_dim3A_166 = vector.broadcast %jit3A_165 : i32 to vector<16x32000xi32>
    %select_n3A_167 = arith.select %ge3A_162, %roll3A_164, %broadcast_in_dim3A_166 : vector<16x32000xi1>, vector<16x32000xi32>
    %add3A_168 = arith.addi %add3A_159, %select_n3A_167 : vector<16x32000xi32>
    %ge3A_169 = arith.constant 256 : i32
    %ge3A_170 = vector.broadcast %ge3A_169 : i32 to vector<16x32000xi32>
    %ge3A_171 = arith.cmpi sge, %iota3A, %ge3A_170 : vector<16x32000xi32>
    %roll3A_172 = arith.constant 256 : i32
    %roll3A_173 = tpu.dynamic_rotate %add3A_168 by %roll3A_172 dim 1 : vector<16x32000xi32>, i32 -> vector<16x32000xi32>
    %jit3A_174 = arith.constant 0 : i32
    %broadcast_in_dim3A_175 = vector.broadcast %jit3A_174 : i32 to vector<16x32000xi32>
    %select_n3A_176 = arith.select %ge3A_171, %roll3A_173, %broadcast_in_dim3A_175 : vector<16x32000xi1>, vector<16x32000xi32>
    %add3A_177 = arith.addi %add3A_168, %select_n3A_176 : vector<16x32000xi32>
    %ge3A_178 = arith.constant 512 : i32
    %ge3A_179 = vector.broadcast %ge3A_178 : i32 to vector<16x32000xi32>
    %ge3A_180 = arith.cmpi sge, %iota3A, %ge3A_179 : vector<16x32000xi32>
    %roll3A_181 = arith.constant 512 : i32
    %roll3A_182 = tpu.dynamic_rotate %add3A_177 by %roll3A_181 dim 1 : vector<16x32000xi32>, i32 -> vector<16x32000xi32>
    %jit3A_183 = arith.constant 0 : i32
    %broadcast_in_dim3A_184 = vector.broadcast %jit3A_183 : i32 to vector<16x32000xi32>
    %select_n3A_185 = arith.select %ge3A_180, %roll3A_182, %broadcast_in_dim3A_184 : vector<16x32000xi1>, vector<16x32000xi32>
    %add3A_186 = arith.addi %add3A_177, %select_n3A_185 : vector<16x32000xi32>
    %ge3A_187 = arith.constant 1024 : i32
    %ge3A_188 = vector.broadcast %ge3A_187 : i32 to vector<16x32000xi32>
    %ge3A_189 = arith.cmpi sge, %iota3A, %ge3A_188 : vector<16x32000xi32>
    %roll3A_190 = arith.constant 1024 : i32
    %roll3A_191 = tpu.dynamic_rotate %add3A_186 by %roll3A_190 dim 1 : vector<16x32000xi32>, i32 -> vector<16x32000xi32>
    %jit3A_192 = arith.constant 0 : i32
    %broadcast_in_dim3A_193 = vector.broadcast %jit3A_192 : i32 to vector<16x32000xi32>
    %select_n3A_194 = arith.select %ge3A_189, %roll3A_191, %broadcast_in_dim3A_193 : vector<16x32000xi1>, vector<16x32000xi32>
    %add3A_195 = arith.addi %add3A_186, %select_n3A_194 : vector<16x32000xi32>
    %ge3A_196 = arith.constant 2048 : i32
    %ge3A_197 = vector.broadcast %ge3A_196 : i32 to vector<16x32000xi32>
    %ge3A_198 = arith.cmpi sge, %iota3A, %ge3A_197 : vector<16x32000xi32>
    %roll3A_199 = arith.constant 2048 : i32
    %roll3A_200 = tpu.dynamic_rotate %add3A_195 by %roll3A_199 dim 1 : vector<16x32000xi32>, i32 -> vector<16x32000xi32>
    %jit3A_201 = arith.constant 0 : i32
    %broadcast_in_dim3A_202 = vector.broadcast %jit3A_201 : i32 to vector<16x32000xi32>
    %select_n3A_203 = arith.select %ge3A_198, %roll3A_200, %broadcast_in_dim3A_202 : vector<16x32000xi1>, vector<16x32000xi32>
    %add3A_204 = arith.addi %add3A_195, %select_n3A_203 : vector<16x32000xi32>
    %ge3A_205 = arith.constant 4096 : i32
    %ge3A_206 = vector.broadcast %ge3A_205 : i32 to vector<16x32000xi32>
    %ge3A_207 = arith.cmpi sge, %iota3A, %ge3A_206 : vector<16x32000xi32>
    %roll3A_208 = arith.constant 4096 : i32
    %roll3A_209 = tpu.dynamic_rotate %add3A_204 by %roll3A_208 dim 1 : vector<16x32000xi32>, i32 -> vector<16x32000xi32>
    %jit3A_210 = arith.constant 0 : i32
    %broadcast_in_dim3A_211 = vector.broadcast %jit3A_210 : i32 to vector<16x32000xi32>
    %select_n3A_212 = arith.select %ge3A_207, %roll3A_209, %broadcast_in_dim3A_211 : vector<16x32000xi1>, vector<16x32000xi32>
    %add3A_213 = arith.addi %add3A_204, %select_n3A_212 : vector<16x32000xi32>
    %ge3A_214 = arith.constant 8192 : i32
    %ge3A_215 = vector.broadcast %ge3A_214 : i32 to vector<16x32000xi32>
    %ge3A_216 = arith.cmpi sge, %iota3A, %ge3A_215 : vector<16x32000xi32>
    %roll3A_217 = arith.constant 8192 : i32
    %roll3A_218 = tpu.dynamic_rotate %add3A_213 by %roll3A_217 dim 1 : vector<16x32000xi32>, i32 -> vector<16x32000xi32>
    %jit3A_219 = arith.constant 0 : i32
    %broadcast_in_dim3A_220 = vector.broadcast %jit3A_219 : i32 to vector<16x32000xi32>
    %select_n3A_221 = arith.select %ge3A_216, %roll3A_218, %broadcast_in_dim3A_220 : vector<16x32000xi1>, vector<16x32000xi32>
    %add3A_222 = arith.addi %add3A_213, %select_n3A_221 : vector<16x32000xi32>
    %ge3A_223 = arith.constant 16384 : i32
    %ge3A_224 = vector.broadcast %ge3A_223 : i32 to vector<16x32000xi32>
    %ge3A_225 = arith.cmpi sge, %iota3A, %ge3A_224 : vector<16x32000xi32>
    %roll3A_226 = arith.constant 16384 : i32
    %roll3A_227 = tpu.dynamic_rotate %add3A_222 by %roll3A_226 dim 1 : vector<16x32000xi32>, i32 -> vector<16x32000xi32>
    %jit3A_228 = arith.constant 0 : i32
    %broadcast_in_dim3A_229 = vector.broadcast %jit3A_228 : i32 to vector<16x32000xi32>
    %select_n3A_230 = arith.select %ge3A_225, %roll3A_227, %broadcast_in_dim3A_229 : vector<16x32000xi1>, vector<16x32000xi32>
    %add3A_231 = arith.addi %add3A_222, %select_n3A_230 : vector<16x32000xi32>
    %sub3A_232 = arith.subi %add3A_231, %select_n3A_97 : vector<16x32000xi32>
    %mul3A = arith.constant 16 : i32
    %mul3A_233 = arith.muli %arg0, %mul3A : i32
    %iota3A_234 = tpu.iota {dimensions = array<i32: 0>} : vector<16x1xi32>
    %add3A_235 = vector.broadcast %mul3A_233 : i32 to vector<16x1xi32>
    %add3A_236 = arith.addi %add3A_235, %iota3A_234 : vector<16x1xi32>
    %mul3A_237 = arith.constant 1056 : i32
    %mul3A_238 = vector.broadcast %mul3A_237 : i32 to vector<16x1xi32>
    %mul3A_239 = arith.muli %add3A_236, %mul3A_238 : vector<16x1xi32>
    %jit3A_240 = arith.constant 1040 : i32
    %broadcast_in_dim3A_241 = vector.broadcast %jit3A_240 : i32 to vector<16x32000xi32>
    %select_n3A_242 = arith.select %or3A_76, %sub3A_232, %broadcast_in_dim3A_241 : vector<16x32000xi1>, vector<16x32000xi32>
    %add3A_243 = vector.broadcast %mul3A_239 : vector<16x1xi32> to vector<16x32000xi32>
    %add3A_244 = arith.addi %add3A_243, %select_n3A_242 : vector<16x32000xi32>
    %broadcast_in_dim3A_245 = vector.shape_cast %add3A_244 : vector<16x32000xi32> to vector<1x16x32000xi32>
    %swap3A_246 = arith.constant 0 : index
    %swap3A_247 = arith.constant 0 : index
    %swap3A_248 = arith.constant 0 : index
    %swap3A_249 = vector.load %arg4[%swap3A_246, %swap3A_247, %swap3A_248] : memref<1x16x32000xi32, #tpu.memory_space<vmem>>, vector<1x16x32000xi32>
    tpu.vector_store %arg4[%swap3A_246, %swap3A_247, %swap3A_248], %broadcast_in_dim3A_245 {strides = array<i32>} : memref<1x16x32000xi32, #tpu.memory_space<vmem>>, vector<1x16x32000xi32>,
    return
  }
  func.func @transform_0(%arg0: i32, %arg1: memref<4xi32, #tpu.memory_space<smem>>) -> (i32, i32, i32) {
    %c0_i32 = arith.constant 0 : i32
    %c0_i32_0 = arith.constant 0 : i32
    %c0_i32_1 = arith.constant 0 : i32
    return %arg0, %c0_i32, %c0_i32_0 : i32, i32, i32
  }
  func.func @transform_1(%arg0: i32, %arg1: memref<4xi32, #tpu.memory_space<smem>>) -> (i32, i32, i32) {
    %c0_i32 = arith.constant 0 : i32
    %c0_i32_0 = arith.constant 0 : i32
    %c0_i32_1 = arith.constant 0 : i32
    return %arg0, %c0_i32, %c0_i32_0 : i32, i32, i32
  }
  func.func @transform_2(%arg0: i32, %arg1: memref<4xi32, #tpu.memory_space<smem>>) -> (i32, i32, i32) {
    %c0_i32 = arith.constant 0 : i32
    %c0_i32_0 = arith.constant 0 : i32
    %c0_i32_1 = arith.constant 0 : i32
    return %arg0, %c0_i32, %c0_i32_0 : i32, i32, i32
  }
}

module attributes {stable_mosaic.version = 14 : i64} {
  func.func @_finish_body(%arg0: i32, %arg1: memref<1x16x1024xf32, #tpu.memory_space<vmem>>, %arg2: memref<1x16x1024xi32, #tpu.memory_space<vmem>>, %arg3: memref<1x16x1024xf32, #tpu.memory_space<vmem>>, %arg4: memref<1x16x128xf32, #tpu.memory_space<vmem>>, %arg5: memref<1x1x16xi32, #tpu.memory_space<vmem>>, %arg6: memref<1x1x16xi32, #tpu.memory_space<vmem>>, %arg7: memref<1x1x16xi32, #tpu.memory_space<vmem>>, %arg8: memref<1x16x128xf32, #tpu.memory_space<vmem>>, %arg9: memref<1x16x128xi32, #tpu.memory_space<vmem>>, %arg10: memref<1x1x16xi32, #tpu.memory_space<vmem>>, %arg11: memref<1x1x16xi32, #tpu.memory_space<vmem>>, %arg12: memref<1x1x16xi32, #tpu.memory_space<vmem>>) attributes {dimension_semantics = [#tpu.dimension_semantics<arbitrary>], iteration_bounds = array<i64: 64>, scalar_prefetch = 0 : i64, scratch_operands = 0 : i64, tpu.core_type = #tpu.core_type<tc>, window_params = [{transform_indices = @transform_0, window_bounds = array<i64: 1, 16, 1024>}, {transform_indices = @transform_1, window_bounds = array<i64: 1, 16, 1024>}, {transform_indices = @transform_2, window_bounds = array<i64: 1, 16, 1024>}, {transform_indices = @transform_3, window_bounds = array<i64: 1, 16, 128>}, {transform_indices = @transform_4, window_bounds = array<i64: 1, 1, 16>}, {transform_indices = @transform_5, window_bounds = array<i64: 1, 1, 16>}, {transform_indices = @transform_6, window_bounds = array<i64: 1, 1, 16>}, {transform_indices = @transform_7, window_bounds = array<i64: 1, 16, 128>}, {transform_indices = @transform_8, window_bounds = array<i64: 1, 16, 128>}, {transform_indices = @transform_9, window_bounds = array<i64: 1, 1, 16>}, {transform_indices = @transform_10, window_bounds = array<i64: 1, 1, 16>}, {transform_indices = @transform_11, window_bounds = array<i64: 1, 1, 16>}]} {
    %get3A = arith.constant 0 : index
    %get3A_0 = arith.constant 0 : index
    %get3A_1 = arith.constant 0 : index
    %get3A_2 = vector.load %arg1[%get3A, %get3A_0, %get3A_1] : memref<1x16x1024xf32, #tpu.memory_space<vmem>>, vector<1x16x1024xf32>
    %get3A_3 = vector.shape_cast %get3A_2 : vector<1x16x1024xf32> to vector<16x1024xf32>
    %get3A_4 = arith.constant 0 : index
    %get3A_5 = arith.constant 0 : index
    %get3A_6 = arith.constant 0 : index
    %get3A_7 = vector.load %arg2[%get3A_4, %get3A_5, %get3A_6] : memref<1x16x1024xi32, #tpu.memory_space<vmem>>, vector<1x16x1024xi32>
    %get3A_8 = vector.shape_cast %get3A_7 : vector<1x16x1024xi32> to vector<16x1024xi32>
    %iota3A = tpu.iota {dimensions = array<i32: 1>} : vector<16x1024xi32>
    %lt3A = arith.constant 1000 : i32
    %lt3A_9 = vector.broadcast %lt3A : i32 to vector<16x1024xi32>
    %lt3A_10 = arith.cmpi slt, %iota3A, %lt3A_9 : vector<16x1024xi32>
    %jit3A = arith.constant -3.000000e+38 : f32
    %broadcast_in_dim3A = vector.broadcast %jit3A : f32 to vector<16x1024xf32>
    %select_n3A = arith.select %lt3A_10, %get3A_3, %broadcast_in_dim3A : vector<16x1024xi1>, vector<16x1024xf32>
    %jit3A_11 = arith.constant 2147483647 : i32
    %broadcast_in_dim3A_12 = vector.broadcast %jit3A_11 : i32 to vector<16x1024xi32>
    %select_n3A_13 = arith.select %lt3A_10, %get3A_8, %broadcast_in_dim3A_12 : vector<16x1024xi1>, vector<16x1024xi32>
    %and3A = arith.constant 1 : i32
    %and3A_14 = vector.broadcast %and3A : i32 to vector<16x1024xi32>
    %and3A_15 = arith.andi %iota3A, %and3A_14 : vector<16x1024xi32>
    %ne3A = arith.constant 0 : i32
    %ne3A_16 = vector.broadcast %ne3A : i32 to vector<16x1024xi32>
    %ne3A_17 = arith.cmpi ne, %and3A_15, %ne3A_16 : vector<16x1024xi32>
    %roll3A = arith.constant 1 : i32
    %roll3A_18 = tpu.dynamic_rotate %select_n3A by %roll3A dim 1 : vector<16x1024xf32>, i32 -> vector<16x1024xf32>
    %roll3A_19 = arith.constant 1023 : i32
    %roll3A_20 = tpu.dynamic_rotate %select_n3A by %roll3A_19 dim 1 : vector<16x1024xf32>, i32 -> vector<16x1024xf32>
    %select_n3A_21 = arith.select %ne3A_17, %roll3A_18, %roll3A_20 : vector<16x1024xi1>, vector<16x1024xf32>
    %and3A_22 = arith.constant 1 : i32
    %and3A_23 = vector.broadcast %and3A_22 : i32 to vector<16x1024xi32>
    %and3A_24 = arith.andi %iota3A, %and3A_23 : vector<16x1024xi32>
    %ne3A_25 = arith.constant 0 : i32
    %ne3A_26 = vector.broadcast %ne3A_25 : i32 to vector<16x1024xi32>
    %ne3A_27 = arith.cmpi ne, %and3A_24, %ne3A_26 : vector<16x1024xi32>
    %roll3A_28 = arith.constant 1 : i32
    %roll3A_29 = tpu.dynamic_rotate %select_n3A_13 by %roll3A_28 dim 1 : vector<16x1024xi32>, i32 -> vector<16x1024xi32>
    %roll3A_30 = arith.constant 1023 : i32
    %roll3A_31 = tpu.dynamic_rotate %select_n3A_13 by %roll3A_30 dim 1 : vector<16x1024xi32>, i32 -> vector<16x1024xi32>
    %select_n3A_32 = arith.select %ne3A_27, %roll3A_29, %roll3A_31 : vector<16x1024xi1>, vector<16x1024xi32>
    %and3A_33 = arith.constant 1 : i32
    %and3A_34 = vector.broadcast %and3A_33 : i32 to vector<16x1024xi32>
    %and3A_35 = arith.andi %iota3A, %and3A_34 : vector<16x1024xi32>
    %ne3A_36 = arith.constant 0 : i32
    %ne3A_37 = vector.broadcast %ne3A_36 : i32 to vector<16x1024xi32>
    %ne3A_38 = arith.cmpi ne, %and3A_35, %ne3A_37 : vector<16x1024xi32>
    %and3A_39 = arith.constant 2 : i32
    %and3A_40 = vector.broadcast %and3A_39 : i32 to vector<16x1024xi32>
    %and3A_41 = arith.andi %iota3A, %and3A_40 : vector<16x1024xi32>
    %ne3A_42 = arith.constant 0 : i32
    %ne3A_43 = vector.broadcast %ne3A_42 : i32 to vector<16x1024xi32>
    %ne3A_44 = arith.cmpi ne, %and3A_41, %ne3A_43 : vector<16x1024xi32>
    %gt3A = arith.cmpf ogt, %select_n3A_21, %select_n3A : vector<16x1024xf32>
    %eq3A = arith.cmpf oeq, %select_n3A_21, %select_n3A : vector<16x1024xf32>
    %lt3A_45 = arith.cmpi slt, %select_n3A_32, %select_n3A_13 : vector<16x1024xi32>
    %and3A_46 = arith.andi %eq3A, %lt3A_45 : vector<16x1024xi1>
    %or3A = arith.ori %gt3A, %and3A_46 : vector<16x1024xi1>
    %xor3A = arith.xori %or3A, %ne3A_38 : vector<16x1024xi1>
    %xor3A_47 = arith.xori %xor3A, %ne3A_44 : vector<16x1024xi1>
    %select_n3A_48 = arith.select %xor3A_47, %select_n3A_21, %select_n3A : vector<16x1024xi1>, vector<16x1024xf32>
    %select_n3A_49 = arith.select %xor3A_47, %select_n3A_32, %select_n3A_13 : vector<16x1024xi1>, vector<16x1024xi32>
    %and3A_50 = arith.constant 2 : i32
    %and3A_51 = vector.broadcast %and3A_50 : i32 to vector<16x1024xi32>
    %and3A_52 = arith.andi %iota3A, %and3A_51 : vector<16x1024xi32>
    %ne3A_53 = arith.constant 0 : i32
    %ne3A_54 = vector.broadcast %ne3A_53 : i32 to vector<16x1024xi32>
    %ne3A_55 = arith.cmpi ne, %and3A_52, %ne3A_54 : vector<16x1024xi32>
    %roll3A_56 = arith.constant 2 : i32
    %roll3A_57 = tpu.dynamic_rotate %select_n3A_48 by %roll3A_56 dim 1 : vector<16x1024xf32>, i32 -> vector<16x1024xf32>
    %roll3A_58 = arith.constant 1022 : i32
    %roll3A_59 = tpu.dynamic_rotate %select_n3A_48 by %roll3A_58 dim 1 : vector<16x1024xf32>, i32 -> vector<16x1024xf32>
    %select_n3A_60 = arith.select %ne3A_55, %roll3A_57, %roll3A_59 : vector<16x1024xi1>, vector<16x1024xf32>
    %and3A_61 = arith.constant 2 : i32
    %and3A_62 = vector.broadcast %and3A_61 : i32 to vector<16x1024xi32>
    %and3A_63 = arith.andi %iota3A, %and3A_62 : vector<16x1024xi32>
    %ne3A_64 = arith.constant 0 : i32
    %ne3A_65 = vector.broadcast %ne3A_64 : i32 to vector<16x1024xi32>
    %ne3A_66 = arith.cmpi ne, %and3A_63, %ne3A_65 : vector<16x1024xi32>
    %roll3A_67 = arith.constant 2 : i32
    %roll3A_68 = tpu.dynamic_rotate %select_n3A_49 by %roll3A_67 dim 1 : vector<16x1024xi32>, i32 -> vector<16x1024xi32>
    %roll3A_69 = arith.constant 1022 : i32
    %roll3A_70 = tpu.dynamic_rotate %select_n3A_49 by %roll3A_69 dim 1 : vector<16x1024xi32>, i32 -> vector<16x1024xi32>
    %select_n3A_71 = arith.select %ne3A_66, %roll3A_68, %roll3A_70 : vector<16x1024xi1>, vector<16x1024xi32>
    %and3A_72 = arith.constant 2 : i32
    %and3A_73 = vector.broadcast %and3A_72 : i32 to vector<16x1024xi32>
    %and3A_74 = arith.andi %iota3A, %and3A_73 : vector<16x1024xi32>
    %ne3A_75 = arith.constant 0 : i32
    %ne3A_76 = vector.broadcast %ne3A_75 : i32 to vector<16x1024xi32>
    %ne3A_77 = arith.cmpi ne, %and3A_74, %ne3A_76 : vector<16x1024xi32>
    %and3A_78 = arith.constant 4 : i32
    %and3A_79 = vector.broadcast %and3A_78 : i32 to vector<16x1024xi32>
    %and3A_80 = arith.andi %iota3A, %and3A_79 : vector<16x1024xi32>
    %ne3A_81 = arith.constant 0 : i32
    %ne3A_82 = vector.broadcast %ne3A_81 : i32 to vector<16x1024xi32>
    %ne3A_83 = arith.cmpi ne, %and3A_80, %ne3A_82 : vector<16x1024xi32>
    %gt3A_84 = arith.cmpf ogt, %select_n3A_60, %select_n3A_48 : vector<16x1024xf32>
    %eq3A_85 = arith.cmpf oeq, %select_n3A_60, %select_n3A_48 : vector<16x1024xf32>
    %lt3A_86 = arith.cmpi slt, %select_n3A_71, %select_n3A_49 : vector<16x1024xi32>
    %and3A_87 = arith.andi %eq3A_85, %lt3A_86 : vector<16x1024xi1>
    %or3A_88 = arith.ori %gt3A_84, %and3A_87 : vector<16x1024xi1>
    %xor3A_89 = arith.xori %or3A_88, %ne3A_77 : vector<16x1024xi1>
    %xor3A_90 = arith.xori %xor3A_89, %ne3A_83 : vector<16x1024xi1>
    %select_n3A_91 = arith.select %xor3A_90, %select_n3A_60, %select_n3A_48 : vector<16x1024xi1>, vector<16x1024xf32>
    %select_n3A_92 = arith.select %xor3A_90, %select_n3A_71, %select_n3A_49 : vector<16x1024xi1>, vector<16x1024xi32>
    %and3A_93 = arith.constant 1 : i32
    %and3A_94 = vector.broadcast %and3A_93 : i32 to vector<16x1024xi32>
    %and3A_95 = arith.andi %iota3A, %and3A_94 : vector<16x1024xi32>
    %ne3A_96 = arith.constant 0 : i32
    %ne3A_97 = vector.broadcast %ne3A_96 : i32 to vector<16x1024xi32>
    %ne3A_98 = arith.cmpi ne, %and3A_95, %ne3A_97 : vector<16x1024xi32>
    %roll3A_99 = arith.constant 1 : i32
    %roll3A_100 = tpu.dynamic_rotate %select_n3A_91 by %roll3A_99 dim 1 : vector<16x1024xf32>, i32 -> vector<16x1024xf32>
    %roll3A_101 = arith.constant 1023 : i32
    %roll3A_102 = tpu.dynamic_rotate %select_n3A_91 by %roll3A_101 dim 1 : vector<16x1024xf32>, i32 -> vector<16x1024xf32>
    %select_n3A_103 = arith.select %ne3A_98, %roll3A_100, %roll3A_102 : vector<16x1024xi1>, vector<16x1024xf32>
    %and3A_104 = arith.constant 1 : i32
    %and3A_105 = vector.broadcast %and3A_104 : i32 to vector<16x1024xi32>
    %and3A_106 = arith.andi %iota3A, %and3A_105 : vector<16x1024xi32>
    %ne3A_107 = arith.constant 0 : i32
    %ne3A_108 = vector.broadcast %ne3A_107 : i32 to vector<16x1024xi32>
    %ne3A_109 = arith.cmpi ne, %and3A_106, %ne3A_108 : vector<16x1024xi32>
    %roll3A_110 = arith.constant 1 : i32
    %roll3A_111 = tpu.dynamic_rotate %select_n3A_92 by %roll3A_110 dim 1 : vector<16x1024xi32>, i32 -> vector<16x1024xi32>
    %roll3A_112 = arith.constant 1023 : i32
    %roll3A_113 = tpu.dynamic_rotate %select_n3A_92 by %roll3A_112 dim 1 : vector<16x1024xi32>, i32 -> vector<16x1024xi32>
    %select_n3A_114 = arith.select %ne3A_109, %roll3A_111, %roll3A_113 : vector<16x1024xi1>, vector<16x1024xi32>
    %and3A_115 = arith.constant 1 : i32
    %and3A_116 = vector.broadcast %and3A_115 : i32 to vector<16x1024xi32>
    %and3A_117 = arith.andi %iota3A, %and3A_116 : vector<16x1024xi32>
    %ne3A_118 = arith.constant 0 : i32
    %ne3A_119 = vector.broadcast %ne3A_118 : i32 to vector<16x1024xi32>
    %ne3A_120 = arith.cmpi ne, %and3A_117, %ne3A_119 : vector<16x1024xi32>
    %and3A_121 = arith.constant 4 : i32
    %and3A_122 = vector.broadcast %and3A_121 : i32 to vector<16x1024xi32>
    %and3A_123 = arith.andi %iota3A, %and3A_122 : vector<16x1024xi32>
    %ne3A_124 = arith.constant 0 : i32
    %ne3A_125 = vector.broadcast %ne3A_124 : i32 to vector<16x1024xi32>
    %ne3A_126 = arith.cmpi ne, %and3A_123, %ne3A_125 : vector<16x1024xi32>
    %gt3A_127 = arith.cmpf ogt, %select_n3A_103, %select_n3A_91 : vector<16x1024xf32>
    %eq3A_128 = arith.cmpf oeq, %select_n3A_103, %select_n3A_91 : vector<16x1024xf32>
    %lt3A_129 = arith.cmpi slt, %select_n3A_114, %select_n3A_92 : vector<16x1024xi32>
    %and3A_130 = arith.andi %eq3A_128, %lt3A_129 : vector<16x1024xi1>
    %or3A_131 = arith.ori %gt3A_127, %and3A_130 : vector<16x1024xi1>
    %xor3A_132 = arith.xori %or3A_131, %ne3A_120 : vector<16x1024xi1>
    %xor3A_133 = arith.xori %xor3A_132, %ne3A_126 : vector<16x1024xi1>
    %select_n3A_134 = arith.select %xor3A_133, %select_n3A_103, %select_n3A_91 : vector<16x1024xi1>, vector<16x1024xf32>
    %select_n3A_135 = arith.select %xor3A_133, %select_n3A_114, %select_n3A_92 : vector<16x1024xi1>, vector<16x1024xi32>
    %and3A_136 = arith.constant 4 : i32
    %and3A_137 = vector.broadcast %and3A_136 : i32 to vector<16x1024xi32>
    %and3A_138 = arith.andi %iota3A, %and3A_137 : vector<16x1024xi32>
    %ne3A_139 = arith.constant 0 : i32
    %ne3A_140 = vector.broadcast %ne3A_139 : i32 to vector<16x1024xi32>
    %ne3A_141 = arith.cmpi ne, %and3A_138, %ne3A_140 : vector<16x1024xi32>
    %roll3A_142 = arith.constant 4 : i32
    %roll3A_143 = tpu.dynamic_rotate %select_n3A_134 by %roll3A_142 dim 1 : vector<16x1024xf32>, i32 -> vector<16x1024xf32>
    %roll3A_144 = arith.constant 1020 : i32
    %roll3A_145 = tpu.dynamic_rotate %select_n3A_134 by %roll3A_144 dim 1 : vector<16x1024xf32>, i32 -> vector<16x1024xf32>
    %select_n3A_146 = arith.select %ne3A_141, %roll3A_143, %roll3A_145 : vector<16x1024xi1>, vector<16x1024xf32>
    %and3A_147 = arith.constant 4 : i32
    %and3A_148 = vector.broadcast %and3A_147 : i32 to vector<16x1024xi32>
    %and3A_149 = arith.andi %iota3A, %and3A_148 : vector<16x1024xi32>
    %ne3A_150 = arith.constant 0 : i32
    %ne3A_151 = vector.broadcast %ne3A_150 : i32 to vector<16x1024xi32>
    %ne3A_152 = arith.cmpi ne, %and3A_149, %ne3A_151 : vector<16x1024xi32>
    %roll3A_153 = arith.constant 4 : i32
    %roll3A_154 = tpu.dynamic_rotate %select_n3A_135 by %roll3A_153 dim 1 : vector<16x1024xi32>, i32 -> vector<16x1024xi32>
    %roll3A_155 = arith.constant 1020 : i32
    %roll3A_156 = tpu.dynamic_rotate %select_n3A_135 by %roll3A_155 dim 1 : vector<16x1024xi32>, i32 -> vector<16x1024xi32>
    %select_n3A_157 = arith.select %ne3A_152, %roll3A_154, %roll3A_156 : vector<16x1024xi1>, vector<16x1024xi32>
    %and3A_158 = arith.constant 4 : i32
    %and3A_159 = vector.broadcast %and3A_158 : i32 to vector<16x1024xi32>
    %and3A_160 = arith.andi %iota3A, %and3A_159 : vector<16x1024xi32>
    %ne3A_161 = arith.constant 0 : i32
    %ne3A_162 = vector.broadcast %ne3A_161 : i32 to vector<16x1024xi32>
    %ne3A_163 = arith.cmpi ne, %and3A_160, %ne3A_162 : vector<16x1024xi32>
    %and3A_164 = arith.constant 8 : i32
    %and3A_165 = vector.broadcast %and3A_164 : i32 to vector<16x1024xi32>
    %and3A_166 = arith.andi %iota3A, %and3A_165 : vector<16x1024xi32>
    %ne3A_167 = arith.constant 0 : i32
    %ne3A_168 = vector.broadcast %ne3A_167 : i32 to vector<16x1024xi32>
    %ne3A_169 = arith.cmpi ne, %and3A_166, %ne3A_168 : vector<16x1024xi32>
    %gt3A_170 = arith.cmpf ogt, %select_n3A_146, %select_n3A_134 : vector<16x1024xf32>
    %eq3A_171 = arith.cmpf oeq, %select_n3A_146, %select_n3A_134 : vector<16x1024xf32>
    %lt3A_172 = arith.cmpi slt, %select_n3A_157, %select_n3A_135 : vector<16x1024xi32>
    %and3A_173 = arith.andi %eq3A_171, %lt3A_172 : vector<16x1024xi1>
    %or3A_174 = arith.ori %gt3A_170, %and3A_173 : vector<16x1024xi1>
    %xor3A_175 = arith.xori %or3A_174, %ne3A_163 : vector<16x1024xi1>
    %xor3A_176 = arith.xori %xor3A_175, %ne3A_169 : vector<16x1024xi1>
    %select_n3A_177 = arith.select %xor3A_176, %select_n3A_146, %select_n3A_134 : vector<16x1024xi1>, vector<16x1024xf32>
    %select_n3A_178 = arith.select %xor3A_176, %select_n3A_157, %select_n3A_135 : vector<16x1024xi1>, vector<16x1024xi32>
    %and3A_179 = arith.constant 2 : i32
    %and3A_180 = vector.broadcast %and3A_179 : i32 to vector<16x1024xi32>
    %and3A_181 = arith.andi %iota3A, %and3A_180 : vector<16x1024xi32>
    %ne3A_182 = arith.constant 0 : i32
    %ne3A_183 = vector.broadcast %ne3A_182 : i32 to vector<16x1024xi32>
    %ne3A_184 = arith.cmpi ne, %and3A_181, %ne3A_183 : vector<16x1024xi32>
    %roll3A_185 = arith.constant 2 : i32
    %roll3A_186 = tpu.dynamic_rotate %select_n3A_177 by %roll3A_185 dim 1 : vector<16x1024xf32>, i32 -> vector<16x1024xf32>
    %roll3A_187 = arith.constant 1022 : i32
    %roll3A_188 = tpu.dynamic_rotate %select_n3A_177 by %roll3A_187 dim 1 : vector<16x1024xf32>, i32 -> vector<16x1024xf32>
    %select_n3A_189 = arith.select %ne3A_184, %roll3A_186, %roll3A_188 : vector<16x1024xi1>, vector<16x1024xf32>
    %and3A_190 = arith.constant 2 : i32
    %and3A_191 = vector.broadcast %and3A_190 : i32 to vector<16x1024xi32>
    %and3A_192 = arith.andi %iota3A, %and3A_191 : vector<16x1024xi32>
    %ne3A_193 = arith.constant 0 : i32
    %ne3A_194 = vector.broadcast %ne3A_193 : i32 to vector<16x1024xi32>
    %ne3A_195 = arith.cmpi ne, %and3A_192, %ne3A_194 : vector<16x1024xi32>
    %roll3A_196 = arith.constant 2 : i32
    %roll3A_197 = tpu.dynamic_rotate %select_n3A_178 by %roll3A_196 dim 1 : vector<16x1024xi32>, i32 -> vector<16x1024xi32>
    %roll3A_198 = arith.constant 1022 : i32
    %roll3A_199 = tpu.dynamic_rotate %select_n3A_178 by %roll3A_198 dim 1 : vector<16x1024xi32>, i32 -> vector<16x1024xi32>
    %select_n3A_200 = arith.select %ne3A_195, %roll3A_197, %roll3A_199 : vector<16x1024xi1>, vector<16x1024xi32>
    %and3A_201 = arith.constant 2 : i32
    %and3A_202 = vector.broadcast %and3A_201 : i32 to vector<16x1024xi32>
    %and3A_203 = arith.andi %iota3A, %and3A_202 : vector<16x1024xi32>
    %ne3A_204 = arith.constant 0 : i32
    %ne3A_205 = vector.broadcast %ne3A_204 : i32 to vector<16x1024xi32>
    %ne3A_206 = arith.cmpi ne, %and3A_203, %ne3A_205 : vector<16x1024xi32>
    %and3A_207 = arith.constant 8 : i32
    %and3A_208 = vector.broadcast %and3A_207 : i32 to vector<16x1024xi32>
    %and3A_209 = arith.andi %iota3A, %and3A_208 : vector<16x1024xi32>
    %ne3A_210 = arith.constant 0 : i32
    %ne3A_211 = vector.broadcast %ne3A_210 : i32 to vector<16x1024xi32>
    %ne3A_212 = arith.cmpi ne, %and3A_209, %ne3A_211 : vector<16x1024xi32>
    %gt3A_213 = arith.cmpf ogt, %select_n3A_189, %select_n3A_177 : vector<16x1024xf32>
    %eq3A_214 = arith.cmpf oeq, %select_n3A_189, %select_n3A_177 : vector<16x1024xf32>
    %lt3A_215 = arith.cmpi slt, %select_n3A_200, %select_n3A_178 : vector<16x1024xi32>
    %and3A_216 = arith.andi %eq3A_214, %lt3A_215 : vector<16x1024xi1>
    %or3A_217 = arith.ori %gt3A_213, %and3A_216 : vector<16x1024xi1>
    %xor3A_218 = arith.xori %or3A_217, %ne3A_206 : vector<16x1024xi1>
    %xor3A_219 = arith.xori %xor3A_218, %ne3A_212 : vector<16x1024xi1>
    %select_n3A_220 = arith.select %xor3A_219, %select_n3A_189, %select_n3A_177 : vector<16x1024xi1>, vector<16x1024xf32>
    %select_n3A_221 = arith.select %xor3A_219, %select_n3A_200, %select_n3A_178 : vector<16x1024xi1>, vector<16x1024xi32>
    %and3A_222 = arith.constant 1 : i32
    %and3A_223 = vector.broadcast %and3A_222 : i32 to vector<16x1024xi32>
    %and3A_224 = arith.andi %iota3A, %and3A_223 : vector<16x1024xi32>
    %ne3A_225 = arith.constant 0 : i32
    %ne3A_226 = vector.broadcast %ne3A_225 : i32 to vector<16x1024xi32>
    %ne3A_227 = arith.cmpi ne, %and3A_224, %ne3A_226 : vector<16x1024xi32>
    %roll3A_228 = arith.constant 1 : i32
    %roll3A_229 = tpu.dynamic_rotate %select_n3A_220 by %roll3A_228 dim 1 : vector<16x1024xf32>, i32 -> vector<16x1024xf32>
    %roll3A_230 = arith.constant 1023 : i32
    %roll3A_231 = tpu.dynamic_rotate %select_n3A_220 by %roll3A_230 dim 1 : vector<16x1024xf32>, i32 -> vector<16x1024xf32>
    %select_n3A_232 = arith.select %ne3A_227, %roll3A_229, %roll3A_231 : vector<16x1024xi1>, vector<16x1024xf32>
    %and3A_233 = arith.constant 1 : i32
    %and3A_234 = vector.broadcast %and3A_233 : i32 to vector<16x1024xi32>
    %and3A_235 = arith.andi %iota3A, %and3A_234 : vector<16x1024xi32>
    %ne3A_236 = arith.constant 0 : i32
    %ne3A_237 = vector.broadcast %ne3A_236 : i32 to vector<16x1024xi32>
    %ne3A_238 = arith.cmpi ne, %and3A_235, %ne3A_237 : vector<16x1024xi32>
    %roll3A_239 = arith.constant 1 : i32
    %roll3A_240 = tpu.dynamic_rotate %select_n3A_221 by %roll3A_239 dim 1 : vector<16x1024xi32>, i32 -> vector<16x1024xi32>
    %roll3A_241 = arith.constant 1023 : i32
    %roll3A_242 = tpu.dynamic_rotate %select_n3A_221 by %roll3A_241 dim 1 : vector<16x1024xi32>, i32 -> vector<16x1024xi32>
    %select_n3A_243 = arith.select %ne3A_238, %roll3A_240, %roll3A_242 : vector<16x1024xi1>, vector<16x1024xi32>
    %and3A_244 = arith.constant 1 : i32
    %and3A_245 = vector.broadcast %and3A_244 : i32 to vector<16x1024xi32>
    %and3A_246 = arith.andi %iota3A, %and3A_245 : vector<16x1024xi32>
    %ne3A_247 = arith.constant 0 : i32
    %ne3A_248 = vector.broadcast %ne3A_247 : i32 to vector<16x1024xi32>
    %ne3A_249 = arith.cmpi ne, %and3A_246, %ne3A_248 : vector<16x1024xi32>
    %and3A_250 = arith.constant 8 : i32
    %and3A_251 = vector.broadcast %and3A_250 : i32 to vector<16x1024xi32>
    %and3A_252 = arith.andi %iota3A, %and3A_251 : vector<16x1024xi32>
    %ne3A_253 = arith.constant 0 : i32
    %ne3A_254 = vector.broadcast %ne3A_253 : i32 to vector<16x1024xi32>
    %ne3A_255 = arith.cmpi ne, %and3A_252, %ne3A_254 : vector<16x1024xi32>
    %gt3A_256 = arith.cmpf ogt, %select_n3A_232, %select_n3A_220 : vector<16x1024xf32>
    %eq3A_257 = arith.cmpf oeq, %select_n3A_232, %select_n3A_220 : vector<16x1024xf32>
    %lt3A_258 = arith.cmpi slt, %select_n3A_243, %select_n3A_221 : vector<16x1024xi32>
    %and3A_259 = arith.andi %eq3A_257, %lt3A_258 : vector<16x1024xi1>
    %or3A_260 = arith.ori %gt3A_256, %and3A_259 : vector<16x1024xi1>
    %xor3A_261 = arith.xori %or3A_260, %ne3A_249 : vector<16x1024xi1>
    %xor3A_262 = arith.xori %xor3A_261, %ne3A_255 : vector<16x1024xi1>
    %select_n3A_263 = arith.select %xor3A_262, %select_n3A_232, %select_n3A_220 : vector<16x1024xi1>, vector<16x1024xf32>
    %select_n3A_264 = arith.select %xor3A_262, %select_n3A_243, %select_n3A_221 : vector<16x1024xi1>, vector<16x1024xi32>
    %and3A_265 = arith.constant 8 : i32
    %and3A_266 = vector.broadcast %and3A_265 : i32 to vector<16x1024xi32>
    %and3A_267 = arith.andi %iota3A, %and3A_266 : vector<16x1024xi32>
    %ne3A_268 = arith.constant 0 : i32
    %ne3A_269 = vector.broadcast %ne3A_268 : i32 to vector<16x1024xi32>
    %ne3A_270 = arith.cmpi ne, %and3A_267, %ne3A_269 : vector<16x1024xi32>
    %roll3A_271 = arith.constant 8 : i32
    %roll3A_272 = tpu.dynamic_rotate %select_n3A_263 by %roll3A_271 dim 1 : vector<16x1024xf32>, i32 -> vector<16x1024xf32>
    %roll3A_273 = arith.constant 1016 : i32
    %roll3A_274 = tpu.dynamic_rotate %select_n3A_263 by %roll3A_273 dim 1 : vector<16x1024xf32>, i32 -> vector<16x1024xf32>
    %select_n3A_275 = arith.select %ne3A_270, %roll3A_272, %roll3A_274 : vector<16x1024xi1>, vector<16x1024xf32>
    %and3A_276 = arith.constant 8 : i32
    %and3A_277 = vector.broadcast %and3A_276 : i32 to vector<16x1024xi32>
    %and3A_278 = arith.andi %iota3A, %and3A_277 : vector<16x1024xi32>
    %ne3A_279 = arith.constant 0 : i32
    %ne3A_280 = vector.broadcast %ne3A_279 : i32 to vector<16x1024xi32>
    %ne3A_281 = arith.cmpi ne, %and3A_278, %ne3A_280 : vector<16x1024xi32>
    %roll3A_282 = arith.constant 8 : i32
    %roll3A_283 = tpu.dynamic_rotate %select_n3A_264 by %roll3A_282 dim 1 : vector<16x1024xi32>, i32 -> vector<16x1024xi32>
    %roll3A_284 = arith.constant 1016 : i32
    %roll3A_285 = tpu.dynamic_rotate %select_n3A_264 by %roll3A_284 dim 1 : vector<16x1024xi32>, i32 -> vector<16x1024xi32>
    %select_n3A_286 = arith.select %ne3A_281, %roll3A_283, %roll3A_285 : vector<16x1024xi1>, vector<16x1024xi32>
    %and3A_287 = arith.constant 8 : i32
    %and3A_288 = vector.broadcast %and3A_287 : i32 to vector<16x1024xi32>
    %and3A_289 = arith.andi %iota3A, %and3A_288 : vector<16x1024xi32>
    %ne3A_290 = arith.constant 0 : i32
    %ne3A_291 = vector.broadcast %ne3A_290 : i32 to vector<16x1024xi32>
    %ne3A_292 = arith.cmpi ne, %and3A_289, %ne3A_291 : vector<16x1024xi32>
    %and3A_293 = arith.constant 16 : i32
    %and3A_294 = vector.broadcast %and3A_293 : i32 to vector<16x1024xi32>
    %and3A_295 = arith.andi %iota3A, %and3A_294 : vector<16x1024xi32>
    %ne3A_296 = arith.constant 0 : i32
    %ne3A_297 = vector.broadcast %ne3A_296 : i32 to vector<16x1024xi32>
    %ne3A_298 = arith.cmpi ne, %and3A_295, %ne3A_297 : vector<16x1024xi32>
    %gt3A_299 = arith.cmpf ogt, %select_n3A_275, %select_n3A_263 : vector<16x1024xf32>
    %eq3A_300 = arith.cmpf oeq, %select_n3A_275, %select_n3A_263 : vector<16x1024xf32>
    %lt3A_301 = arith.cmpi slt, %select_n3A_286, %select_n3A_264 : vector<16x1024xi32>
    %and3A_302 = arith.andi %eq3A_300, %lt3A_301 : vector<16x1024xi1>
    %or3A_303 = arith.ori %gt3A_299, %and3A_302 : vector<16x1024xi1>
    %xor3A_304 = arith.xori %or3A_303, %ne3A_292 : vector<16x1024xi1>
    %xor3A_305 = arith.xori %xor3A_304, %ne3A_298 : vector<16x1024xi1>
    %select_n3A_306 = arith.select %xor3A_305, %select_n3A_275, %select_n3A_263 : vector<16x1024xi1>, vector<16x1024xf32>
    %select_n3A_307 = arith.select %xor3A_305, %select_n3A_286, %select_n3A_264 : vector<16x1024xi1>, vector<16x1024xi32>
    %and3A_308 = arith.constant 4 : i32
    %and3A_309 = vector.broadcast %and3A_308 : i32 to vector<16x1024xi32>
    %and3A_310 = arith.andi %iota3A, %and3A_309 : vector<16x1024xi32>
    %ne3A_311 = arith.constant 0 : i32
    %ne3A_312 = vector.broadcast %ne3A_311 : i32 to vector<16x1024xi32>
    %ne3A_313 = arith.cmpi ne, %and3A_310, %ne3A_312 : vector<16x1024xi32>
    %roll3A_314 = arith.constant 4 : i32
    %roll3A_315 = tpu.dynamic_rotate %select_n3A_306 by %roll3A_314 dim 1 : vector<16x1024xf32>, i32 -> vector<16x1024xf32>
    %roll3A_316 = arith.constant 1020 : i32
    %roll3A_317 = tpu.dynamic_rotate %select_n3A_306 by %roll3A_316 dim 1 : vector<16x1024xf32>, i32 -> vector<16x1024xf32>
    %select_n3A_318 = arith.select %ne3A_313, %roll3A_315, %roll3A_317 : vector<16x1024xi1>, vector<16x1024xf32>
    %and3A_319 = arith.constant 4 : i32
    %and3A_320 = vector.broadcast %and3A_319 : i32 to vector<16x1024xi32>
    %and3A_321 = arith.andi %iota3A, %and3A_320 : vector<16x1024xi32>
    %ne3A_322 = arith.constant 0 : i32
    %ne3A_323 = vector.broadcast %ne3A_322 : i32 to vector<16x1024xi32>
    %ne3A_324 = arith.cmpi ne, %and3A_321, %ne3A_323 : vector<16x1024xi32>
    %roll3A_325 = arith.constant 4 : i32
    %roll3A_326 = tpu.dynamic_rotate %select_n3A_307 by %roll3A_325 dim 1 : vector<16x1024xi32>, i32 -> vector<16x1024xi32>
    %roll3A_327 = arith.constant 1020 : i32
    %roll3A_328 = tpu.dynamic_rotate %select_n3A_307 by %roll3A_327 dim 1 : vector<16x1024xi32>, i32 -> vector<16x1024xi32>
    %select_n3A_329 = arith.select %ne3A_324, %roll3A_326, %roll3A_328 : vector<16x1024xi1>, vector<16x1024xi32>
    %and3A_330 = arith.constant 4 : i32
    %and3A_331 = vector.broadcast %and3A_330 : i32 to vector<16x1024xi32>
    %and3A_332 = arith.andi %iota3A, %and3A_331 : vector<16x1024xi32>
    %ne3A_333 = arith.constant 0 : i32
    %ne3A_334 = vector.broadcast %ne3A_333 : i32 to vector<16x1024xi32>
    %ne3A_335 = arith.cmpi ne, %and3A_332, %ne3A_334 : vector<16x1024xi32>
    %and3A_336 = arith.constant 16 : i32
    %and3A_337 = vector.broadcast %and3A_336 : i32 to vector<16x1024xi32>
    %and3A_338 = arith.andi %iota3A, %and3A_337 : vector<16x1024xi32>
    %ne3A_339 = arith.constant 0 : i32
    %ne3A_340 = vector.broadcast %ne3A_339 : i32 to vector<16x1024xi32>
    %ne3A_341 = arith.cmpi ne, %and3A_338, %ne3A_340 : vector<16x1024xi32>
    %gt3A_342 = arith.cmpf ogt, %select_n3A_318, %select_n3A_306 : vector<16x1024xf32>
    %eq3A_343 = arith.cmpf oeq, %select_n3A_318, %select_n3A_306 : vector<16x1024xf32>
    %lt3A_344 = arith.cmpi slt, %select_n3A_329, %select_n3A_307 : vector<16x1024xi32>
    %and3A_345 = arith.andi %eq3A_343, %lt3A_344 : vector<16x1024xi1>
    %or3A_346 = arith.ori %gt3A_342, %and3A_345 : vector<16x1024xi1>
    %xor3A_347 = arith.xori %or3A_346, %ne3A_335 : vector<16x1024xi1>
    %xor3A_348 = arith.xori %xor3A_347, %ne3A_341 : vector<16x1024xi1>
    %select_n3A_349 = arith.select %xor3A_348, %select_n3A_318, %select_n3A_306 : vector<16x1024xi1>, vector<16x1024xf32>
    %select_n3A_350 = arith.select %xor3A_348, %select_n3A_329, %select_n3A_307 : vector<16x1024xi1>, vector<16x1024xi32>
    %and3A_351 = arith.constant 2 : i32
    %and3A_352 = vector.broadcast %and3A_351 : i32 to vector<16x1024xi32>
    %and3A_353 = arith.andi %iota3A, %and3A_352 : vector<16x1024xi32>
    %ne3A_354 = arith.constant 0 : i32
    %ne3A_355 = vector.broadcast %ne3A_354 : i32 to vector<16x1024xi32>
    %ne3A_356 = arith.cmpi ne, %and3A_353, %ne3A_355 : vector<16x1024xi32>
    %roll3A_357 = arith.constant 2 : i32
    %roll3A_358 = tpu.dynamic_rotate %select_n3A_349 by %roll3A_357 dim 1 : vector<16x1024xf32>, i32 -> vector<16x1024xf32>
    %roll3A_359 = arith.constant 1022 : i32
    %roll3A_360 = tpu.dynamic_rotate %select_n3A_349 by %roll3A_359 dim 1 : vector<16x1024xf32>, i32 -> vector<16x1024xf32>
    %select_n3A_361 = arith.select %ne3A_356, %roll3A_358, %roll3A_360 : vector<16x1024xi1>, vector<16x1024xf32>
    %and3A_362 = arith.constant 2 : i32
    %and3A_363 = vector.broadcast %and3A_362 : i32 to vector<16x1024xi32>
    %and3A_364 = arith.andi %iota3A, %and3A_363 : vector<16x1024xi32>
    %ne3A_365 = arith.constant 0 : i32
    %ne3A_366 = vector.broadcast %ne3A_365 : i32 to vector<16x1024xi32>
    %ne3A_367 = arith.cmpi ne, %and3A_364, %ne3A_366 : vector<16x1024xi32>
    %roll3A_368 = arith.constant 2 : i32
    %roll3A_369 = tpu.dynamic_rotate %select_n3A_350 by %roll3A_368 dim 1 : vector<16x1024xi32>, i32 -> vector<16x1024xi32>
    %roll3A_370 = arith.constant 1022 : i32
    %roll3A_371 = tpu.dynamic_rotate %select_n3A_350 by %roll3A_370 dim 1 : vector<16x1024xi32>, i32 -> vector<16x1024xi32>
    %select_n3A_372 = arith.select %ne3A_367, %roll3A_369, %roll3A_371 : vector<16x1024xi1>, vector<16x1024xi32>
    %and3A_373 = arith.constant 2 : i32
    %and3A_374 = vector.broadcast %and3A_373 : i32 to vector<16x1024xi32>
    %and3A_375 = arith.andi %iota3A, %and3A_374 : vector<16x1024xi32>
    %ne3A_376 = arith.constant 0 : i32
    %ne3A_377 = vector.broadcast %ne3A_376 : i32 to vector<16x1024xi32>
    %ne3A_378 = arith.cmpi ne, %and3A_375, %ne3A_377 : vector<16x1024xi32>
    %and3A_379 = arith.constant 16 : i32
    %and3A_380 = vector.broadcast %and3A_379 : i32 to vector<16x1024xi32>
    %and3A_381 = arith.andi %iota3A, %and3A_380 : vector<16x1024xi32>
    %ne3A_382 = arith.constant 0 : i32
    %ne3A_383 = vector.broadcast %ne3A_382 : i32 to vector<16x1024xi32>
    %ne3A_384 = arith.cmpi ne, %and3A_381, %ne3A_383 : vector<16x1024xi32>
    %gt3A_385 = arith.cmpf ogt, %select_n3A_361, %select_n3A_349 : vector<16x1024xf32>
    %eq3A_386 = arith.cmpf oeq, %select_n3A_361, %select_n3A_349 : vector<16x1024xf32>
    %lt3A_387 = arith.cmpi slt, %select_n3A_372, %select_n3A_350 : vector<16x1024xi32>
    %and3A_388 = arith.andi %eq3A_386, %lt3A_387 : vector<16x1024xi1>
    %or3A_389 = arith.ori %gt3A_385, %and3A_388 : vector<16x1024xi1>
    %xor3A_390 = arith.xori %or3A_389, %ne3A_378 : vector<16x1024xi1>
    %xor3A_391 = arith.xori %xor3A_390, %ne3A_384 : vector<16x1024xi1>
    %select_n3A_392 = arith.select %xor3A_391, %select_n3A_361, %select_n3A_349 : vector<16x1024xi1>, vector<16x1024xf32>
    %select_n3A_393 = arith.select %xor3A_391, %select_n3A_372, %select_n3A_350 : vector<16x1024xi1>, vector<16x1024xi32>
    %and3A_394 = arith.constant 1 : i32
    %and3A_395 = vector.broadcast %and3A_394 : i32 to vector<16x1024xi32>
    %and3A_396 = arith.andi %iota3A, %and3A_395 : vector<16x1024xi32>
    %ne3A_397 = arith.constant 0 : i32
    %ne3A_398 = vector.broadcast %ne3A_397 : i32 to vector<16x1024xi32>
    %ne3A_399 = arith.cmpi ne, %and3A_396, %ne3A_398 : vector<16x1024xi32>
    %roll3A_400 = arith.constant 1 : i32
    %roll3A_401 = tpu.dynamic_rotate %select_n3A_392 by %roll3A_400 dim 1 : vector<16x1024xf32>, i32 -> vector<16x1024xf32>
    %roll3A_402 = arith.constant 1023 : i32
    %roll3A_403 = tpu.dynamic_rotate %select_n3A_392 by %roll3A_402 dim 1 : vector<16x1024xf32>, i32 -> vector<16x1024xf32>
    %select_n3A_404 = arith.select %ne3A_399, %roll3A_401, %roll3A_403 : vector<16x1024xi1>, vector<16x1024xf32>
    %and3A_405 = arith.constant 1 : i32
    %and3A_406 = vector.broadcast %and3A_405 : i32 to vector<16x1024xi32>
    %and3A_407 = arith.andi %iota3A, %and3A_406 : vector<16x1024xi32>
    %ne3A_408 = arith.constant 0 : i32
    %ne3A_409 = vector.broadcast %ne3A_408 : i32 to vector<16x1024xi32>
    %ne3A_410 = arith.cmpi ne, %and3A_407, %ne3A_409 : vector<16x1024xi32>
    %roll3A_411 = arith.constant 1 : i32
    %roll3A_412 = tpu.dynamic_rotate %select_n3A_393 by %roll3A_411 dim 1 : vector<16x1024xi32>, i32 -> vector<16x1024xi32>
    %roll3A_413 = arith.constant 1023 : i32
    %roll3A_414 = tpu.dynamic_rotate %select_n3A_393 by %roll3A_413 dim 1 : vector<16x1024xi32>, i32 -> vector<16x1024xi32>
    %select_n3A_415 = arith.select %ne3A_410, %roll3A_412, %roll3A_414 : vector<16x1024xi1>, vector<16x1024xi32>
    %and3A_416 = arith.constant 1 : i32
    %and3A_417 = vector.broadcast %and3A_416 : i32 to vector<16x1024xi32>
    %and3A_418 = arith.andi %iota3A, %and3A_417 : vector<16x1024xi32>
    %ne3A_419 = arith.constant 0 : i32
    %ne3A_420 = vector.broadcast %ne3A_419 : i32 to vector<16x1024xi32>
    %ne3A_421 = arith.cmpi ne, %and3A_418, %ne3A_420 : vector<16x1024xi32>
    %and3A_422 = arith.constant 16 : i32
    %and3A_423 = vector.broadcast %and3A_422 : i32 to vector<16x1024xi32>
    %and3A_424 = arith.andi %iota3A, %and3A_423 : vector<16x1024xi32>
    %ne3A_425 = arith.constant 0 : i32
    %ne3A_426 = vector.broadcast %ne3A_425 : i32 to vector<16x1024xi32>
    %ne3A_427 = arith.cmpi ne, %and3A_424, %ne3A_426 : vector<16x1024xi32>
    %gt3A_428 = arith.cmpf ogt, %select_n3A_404, %select_n3A_392 : vector<16x1024xf32>
    %eq3A_429 = arith.cmpf oeq, %select_n3A_404, %select_n3A_392 : vector<16x1024xf32>
    %lt3A_430 = arith.cmpi slt, %select_n3A_415, %select_n3A_393 : vector<16x1024xi32>
    %and3A_431 = arith.andi %eq3A_429, %lt3A_430 : vector<16x1024xi1>
    %or3A_432 = arith.ori %gt3A_428, %and3A_431 : vector<16x1024xi1>
    %xor3A_433 = arith.xori %or3A_432, %ne3A_421 : vector<16x1024xi1>
    %xor3A_434 = arith.xori %xor3A_433, %ne3A_427 : vector<16x1024xi1>
    %select_n3A_435 = arith.select %xor3A_434, %select_n3A_404, %select_n3A_392 : vector<16x1024xi1>, vector<16x1024xf32>
    %select_n3A_436 = arith.select %xor3A_434, %select_n3A_415, %select_n3A_393 : vector<16x1024xi1>, vector<16x1024xi32>
    %and3A_437 = arith.constant 16 : i32
    %and3A_438 = vector.broadcast %and3A_437 : i32 to vector<16x1024xi32>
    %and3A_439 = arith.andi %iota3A, %and3A_438 : vector<16x1024xi32>
    %ne3A_440 = arith.constant 0 : i32
    %ne3A_441 = vector.broadcast %ne3A_440 : i32 to vector<16x1024xi32>
    %ne3A_442 = arith.cmpi ne, %and3A_439, %ne3A_441 : vector<16x1024xi32>
    %roll3A_443 = arith.constant 16 : i32
    %roll3A_444 = tpu.dynamic_rotate %select_n3A_435 by %roll3A_443 dim 1 : vector<16x1024xf32>, i32 -> vector<16x1024xf32>
    %roll3A_445 = arith.constant 1008 : i32
    %roll3A_446 = tpu.dynamic_rotate %select_n3A_435 by %roll3A_445 dim 1 : vector<16x1024xf32>, i32 -> vector<16x1024xf32>
    %select_n3A_447 = arith.select %ne3A_442, %roll3A_444, %roll3A_446 : vector<16x1024xi1>, vector<16x1024xf32>
    %and3A_448 = arith.constant 16 : i32
    %and3A_449 = vector.broadcast %and3A_448 : i32 to vector<16x1024xi32>
    %and3A_450 = arith.andi %iota3A, %and3A_449 : vector<16x1024xi32>
    %ne3A_451 = arith.constant 0 : i32
    %ne3A_452 = vector.broadcast %ne3A_451 : i32 to vector<16x1024xi32>
    %ne3A_453 = arith.cmpi ne, %and3A_450, %ne3A_452 : vector<16x1024xi32>
    %roll3A_454 = arith.constant 16 : i32
    %roll3A_455 = tpu.dynamic_rotate %select_n3A_436 by %roll3A_454 dim 1 : vector<16x1024xi32>, i32 -> vector<16x1024xi32>
    %roll3A_456 = arith.constant 1008 : i32
    %roll3A_457 = tpu.dynamic_rotate %select_n3A_436 by %roll3A_456 dim 1 : vector<16x1024xi32>, i32 -> vector<16x1024xi32>
    %select_n3A_458 = arith.select %ne3A_453, %roll3A_455, %roll3A_457 : vector<16x1024xi1>, vector<16x1024xi32>
    %and3A_459 = arith.constant 16 : i32
    %and3A_460 = vector.broadcast %and3A_459 : i32 to vector<16x1024xi32>
    %and3A_461 = arith.andi %iota3A, %and3A_460 : vector<16x1024xi32>
    %ne3A_462 = arith.constant 0 : i32
    %ne3A_463 = vector.broadcast %ne3A_462 : i32 to vector<16x1024xi32>
    %ne3A_464 = arith.cmpi ne, %and3A_461, %ne3A_463 : vector<16x1024xi32>
    %and3A_465 = arith.constant 32 : i32
    %and3A_466 = vector.broadcast %and3A_465 : i32 to vector<16x1024xi32>
    %and3A_467 = arith.andi %iota3A, %and3A_466 : vector<16x1024xi32>
    %ne3A_468 = arith.constant 0 : i32
    %ne3A_469 = vector.broadcast %ne3A_468 : i32 to vector<16x1024xi32>
    %ne3A_470 = arith.cmpi ne, %and3A_467, %ne3A_469 : vector<16x1024xi32>
    %gt3A_471 = arith.cmpf ogt, %select_n3A_447, %select_n3A_435 : vector<16x1024xf32>
    %eq3A_472 = arith.cmpf oeq, %select_n3A_447, %select_n3A_435 : vector<16x1024xf32>
    %lt3A_473 = arith.cmpi slt, %select_n3A_458, %select_n3A_436 : vector<16x1024xi32>
    %and3A_474 = arith.andi %eq3A_472, %lt3A_473 : vector<16x1024xi1>
    %or3A_475 = arith.ori %gt3A_471, %and3A_474 : vector<16x1024xi1>
    %xor3A_476 = arith.xori %or3A_475, %ne3A_464 : vector<16x1024xi1>
    %xor3A_477 = arith.xori %xor3A_476, %ne3A_470 : vector<16x1024xi1>
    %select_n3A_478 = arith.select %xor3A_477, %select_n3A_447, %select_n3A_435 : vector<16x1024xi1>, vector<16x1024xf32>
    %select_n3A_479 = arith.select %xor3A_477, %select_n3A_458, %select_n3A_436 : vector<16x1024xi1>, vector<16x1024xi32>
    %and3A_480 = arith.constant 8 : i32
    %and3A_481 = vector.broadcast %and3A_480 : i32 to vector<16x1024xi32>
    %and3A_482 = arith.andi %iota3A, %and3A_481 : vector<16x1024xi32>
    %ne3A_483 = arith.constant 0 : i32
    %ne3A_484 = vector.broadcast %ne3A_483 : i32 to vector<16x1024xi32>
    %ne3A_485 = arith.cmpi ne, %and3A_482, %ne3A_484 : vector<16x1024xi32>
    %roll3A_486 = arith.constant 8 : i32
    %roll3A_487 = tpu.dynamic_rotate %select_n3A_478 by %roll3A_486 dim 1 : vector<16x1024xf32>, i32 -> vector<16x1024xf32>
    %roll3A_488 = arith.constant 1016 : i32
    %roll3A_489 = tpu.dynamic_rotate %select_n3A_478 by %roll3A_488 dim 1 : vector<16x1024xf32>, i32 -> vector<16x1024xf32>
    %select_n3A_490 = arith.select %ne3A_485, %roll3A_487, %roll3A_489 : vector<16x1024xi1>, vector<16x1024xf32>
    %and3A_491 = arith.constant 8 : i32
    %and3A_492 = vector.broadcast %and3A_491 : i32 to vector<16x1024xi32>
    %and3A_493 = arith.andi %iota3A, %and3A_492 : vector<16x1024xi32>
    %ne3A_494 = arith.constant 0 : i32
    %ne3A_495 = vector.broadcast %ne3A_494 : i32 to vector<16x1024xi32>
    %ne3A_496 = arith.cmpi ne, %and3A_493, %ne3A_495 : vector<16x1024xi32>
    %roll3A_497 = arith.constant 8 : i32
    %roll3A_498 = tpu.dynamic_rotate %select_n3A_479 by %roll3A_497 dim 1 : vector<16x1024xi32>, i32 -> vector<16x1024xi32>
    %roll3A_499 = arith.constant 1016 : i32
    %roll3A_500 = tpu.dynamic_rotate %select_n3A_479 by %roll3A_499 dim 1 : vector<16x1024xi32>, i32 -> vector<16x1024xi32>
    %select_n3A_501 = arith.select %ne3A_496, %roll3A_498, %roll3A_500 : vector<16x1024xi1>, vector<16x1024xi32>
    %and3A_502 = arith.constant 8 : i32
    %and3A_503 = vector.broadcast %and3A_502 : i32 to vector<16x1024xi32>
    %and3A_504 = arith.andi %iota3A, %and3A_503 : vector<16x1024xi32>
    %ne3A_505 = arith.constant 0 : i32
    %ne3A_506 = vector.broadcast %ne3A_505 : i32 to vector<16x1024xi32>
    %ne3A_507 = arith.cmpi ne, %and3A_504, %ne3A_506 : vector<16x1024xi32>
    %and3A_508 = arith.constant 32 : i32
    %and3A_509 = vector.broadcast %and3A_508 : i32 to vector<16x1024xi32>
    %and3A_510 = arith.andi %iota3A, %and3A_509 : vector<16x1024xi32>
    %ne3A_511 = arith.constant 0 : i32
    %ne3A_512 = vector.broadcast %ne3A_511 : i32 to vector<16x1024xi32>
    %ne3A_513 = arith.cmpi ne, %and3A_510, %ne3A_512 : vector<16x1024xi32>
    %gt3A_514 = arith.cmpf ogt, %select_n3A_490, %select_n3A_478 : vector<16x1024xf32>
    %eq3A_515 = arith.cmpf oeq, %select_n3A_490, %select_n3A_478 : vector<16x1024xf32>
    %lt3A_516 = arith.cmpi slt, %select_n3A_501, %select_n3A_479 : vector<16x1024xi32>
    %and3A_517 = arith.andi %eq3A_515, %lt3A_516 : vector<16x1024xi1>
    %or3A_518 = arith.ori %gt3A_514, %and3A_517 : vector<16x1024xi1>
    %xor3A_519 = arith.xori %or3A_518, %ne3A_507 : vector<16x1024xi1>
    %xor3A_520 = arith.xori %xor3A_519, %ne3A_513 : vector<16x1024xi1>
    %select_n3A_521 = arith.select %xor3A_520, %select_n3A_490, %select_n3A_478 : vector<16x1024xi1>, vector<16x1024xf32>
    %select_n3A_522 = arith.select %xor3A_520, %select_n3A_501, %select_n3A_479 : vector<16x1024xi1>, vector<16x1024xi32>
    %and3A_523 = arith.constant 4 : i32
    %and3A_524 = vector.broadcast %and3A_523 : i32 to vector<16x1024xi32>
    %and3A_525 = arith.andi %iota3A, %and3A_524 : vector<16x1024xi32>
    %ne3A_526 = arith.constant 0 : i32
    %ne3A_527 = vector.broadcast %ne3A_526 : i32 to vector<16x1024xi32>
    %ne3A_528 = arith.cmpi ne, %and3A_525, %ne3A_527 : vector<16x1024xi32>
    %roll3A_529 = arith.constant 4 : i32
    %roll3A_530 = tpu.dynamic_rotate %select_n3A_521 by %roll3A_529 dim 1 : vector<16x1024xf32>, i32 -> vector<16x1024xf32>
    %roll3A_531 = arith.constant 1020 : i32
    %roll3A_532 = tpu.dynamic_rotate %select_n3A_521 by %roll3A_531 dim 1 : vector<16x1024xf32>, i32 -> vector<16x1024xf32>
    %select_n3A_533 = arith.select %ne3A_528, %roll3A_530, %roll3A_532 : vector<16x1024xi1>, vector<16x1024xf32>
    %and3A_534 = arith.constant 4 : i32
    %and3A_535 = vector.broadcast %and3A_534 : i32 to vector<16x1024xi32>
    %and3A_536 = arith.andi %iota3A, %and3A_535 : vector<16x1024xi32>
    %ne3A_537 = arith.constant 0 : i32
    %ne3A_538 = vector.broadcast %ne3A_537 : i32 to vector<16x1024xi32>
    %ne3A_539 = arith.cmpi ne, %and3A_536, %ne3A_538 : vector<16x1024xi32>
    %roll3A_540 = arith.constant 4 : i32
    %roll3A_541 = tpu.dynamic_rotate %select_n3A_522 by %roll3A_540 dim 1 : vector<16x1024xi32>, i32 -> vector<16x1024xi32>
    %roll3A_542 = arith.constant 1020 : i32
    %roll3A_543 = tpu.dynamic_rotate %select_n3A_522 by %roll3A_542 dim 1 : vector<16x1024xi32>, i32 -> vector<16x1024xi32>
    %select_n3A_544 = arith.select %ne3A_539, %roll3A_541, %roll3A_543 : vector<16x1024xi1>, vector<16x1024xi32>
    %and3A_545 = arith.constant 4 : i32
    %and3A_546 = vector.broadcast %and3A_545 : i32 to vector<16x1024xi32>
    %and3A_547 = arith.andi %iota3A, %and3A_546 : vector<16x1024xi32>
    %ne3A_548 = arith.constant 0 : i32
    %ne3A_549 = vector.broadcast %ne3A_548 : i32 to vector<16x1024xi32>
    %ne3A_550 = arith.cmpi ne, %and3A_547, %ne3A_549 : vector<16x1024xi32>
    %and3A_551 = arith.constant 32 : i32
    %and3A_552 = vector.broadcast %and3A_551 : i32 to vector<16x1024xi32>
    %and3A_553 = arith.andi %iota3A, %and3A_552 : vector<16x1024xi32>
    %ne3A_554 = arith.constant 0 : i32
    %ne3A_555 = vector.broadcast %ne3A_554 : i32 to vector<16x1024xi32>
    %ne3A_556 = arith.cmpi ne, %and3A_553, %ne3A_555 : vector<16x1024xi32>
    %gt3A_557 = arith.cmpf ogt, %select_n3A_533, %select_n3A_521 : vector<16x1024xf32>
    %eq3A_558 = arith.cmpf oeq, %select_n3A_533, %select_n3A_521 : vector<16x1024xf32>
    %lt3A_559 = arith.cmpi slt, %select_n3A_544, %select_n3A_522 : vector<16x1024xi32>
    %and3A_560 = arith.andi %eq3A_558, %lt3A_559 : vector<16x1024xi1>
    %or3A_561 = arith.ori %gt3A_557, %and3A_560 : vector<16x1024xi1>
    %xor3A_562 = arith.xori %or3A_561, %ne3A_550 : vector<16x1024xi1>
    %xor3A_563 = arith.xori %xor3A_562, %ne3A_556 : vector<16x1024xi1>
    %select_n3A_564 = arith.select %xor3A_563, %select_n3A_533, %select_n3A_521 : vector<16x1024xi1>, vector<16x1024xf32>
    %select_n3A_565 = arith.select %xor3A_563, %select_n3A_544, %select_n3A_522 : vector<16x1024xi1>, vector<16x1024xi32>
    %and3A_566 = arith.constant 2 : i32
    %and3A_567 = vector.broadcast %and3A_566 : i32 to vector<16x1024xi32>
    %and3A_568 = arith.andi %iota3A, %and3A_567 : vector<16x1024xi32>
    %ne3A_569 = arith.constant 0 : i32
    %ne3A_570 = vector.broadcast %ne3A_569 : i32 to vector<16x1024xi32>
    %ne3A_571 = arith.cmpi ne, %and3A_568, %ne3A_570 : vector<16x1024xi32>
    %roll3A_572 = arith.constant 2 : i32
    %roll3A_573 = tpu.dynamic_rotate %select_n3A_564 by %roll3A_572 dim 1 : vector<16x1024xf32>, i32 -> vector<16x1024xf32>
    %roll3A_574 = arith.constant 1022 : i32
    %roll3A_575 = tpu.dynamic_rotate %select_n3A_564 by %roll3A_574 dim 1 : vector<16x1024xf32>, i32 -> vector<16x1024xf32>
    %select_n3A_576 = arith.select %ne3A_571, %roll3A_573, %roll3A_575 : vector<16x1024xi1>, vector<16x1024xf32>
    %and3A_577 = arith.constant 2 : i32
    %and3A_578 = vector.broadcast %and3A_577 : i32 to vector<16x1024xi32>
    %and3A_579 = arith.andi %iota3A, %and3A_578 : vector<16x1024xi32>
    %ne3A_580 = arith.constant 0 : i32
    %ne3A_581 = vector.broadcast %ne3A_580 : i32 to vector<16x1024xi32>
    %ne3A_582 = arith.cmpi ne, %and3A_579, %ne3A_581 : vector<16x1024xi32>
    %roll3A_583 = arith.constant 2 : i32
    %roll3A_584 = tpu.dynamic_rotate %select_n3A_565 by %roll3A_583 dim 1 : vector<16x1024xi32>, i32 -> vector<16x1024xi32>
    %roll3A_585 = arith.constant 1022 : i32
    %roll3A_586 = tpu.dynamic_rotate %select_n3A_565 by %roll3A_585 dim 1 : vector<16x1024xi32>, i32 -> vector<16x1024xi32>
    %select_n3A_587 = arith.select %ne3A_582, %roll3A_584, %roll3A_586 : vector<16x1024xi1>, vector<16x1024xi32>
    %and3A_588 = arith.constant 2 : i32
    %and3A_589 = vector.broadcast %and3A_588 : i32 to vector<16x1024xi32>
    %and3A_590 = arith.andi %iota3A, %and3A_589 : vector<16x1024xi32>
    %ne3A_591 = arith.constant 0 : i32
    %ne3A_592 = vector.broadcast %ne3A_591 : i32 to vector<16x1024xi32>
    %ne3A_593 = arith.cmpi ne, %and3A_590, %ne3A_592 : vector<16x1024xi32>
    %and3A_594 = arith.constant 32 : i32
    %and3A_595 = vector.broadcast %and3A_594 : i32 to vector<16x1024xi32>
    %and3A_596 = arith.andi %iota3A, %and3A_595 : vector<16x1024xi32>
    %ne3A_597 = arith.constant 0 : i32
    %ne3A_598 = vector.broadcast %ne3A_597 : i32 to vector<16x1024xi32>
    %ne3A_599 = arith.cmpi ne, %and3A_596, %ne3A_598 : vector<16x1024xi32>
    %gt3A_600 = arith.cmpf ogt, %select_n3A_576, %select_n3A_564 : vector<16x1024xf32>
    %eq3A_601 = arith.cmpf oeq, %select_n3A_576, %select_n3A_564 : vector<16x1024xf32>
    %lt3A_602 = arith.cmpi slt, %select_n3A_587, %select_n3A_565 : vector<16x1024xi32>
    %and3A_603 = arith.andi %eq3A_601, %lt3A_602 : vector<16x1024xi1>
    %or3A_604 = arith.ori %gt3A_600, %and3A_603 : vector<16x1024xi1>
    %xor3A_605 = arith.xori %or3A_604, %ne3A_593 : vector<16x1024xi1>
    %xor3A_606 = arith.xori %xor3A_605, %ne3A_599 : vector<16x1024xi1>
    %select_n3A_607 = arith.select %xor3A_606, %select_n3A_576, %select_n3A_564 : vector<16x1024xi1>, vector<16x1024xf32>
    %select_n3A_608 = arith.select %xor3A_606, %select_n3A_587, %select_n3A_565 : vector<16x1024xi1>, vector<16x1024xi32>
    %and3A_609 = arith.constant 1 : i32
    %and3A_610 = vector.broadcast %and3A_609 : i32 to vector<16x1024xi32>
    %and3A_611 = arith.andi %iota3A, %and3A_610 : vector<16x1024xi32>
    %ne3A_612 = arith.constant 0 : i32
    %ne3A_613 = vector.broadcast %ne3A_612 : i32 to vector<16x1024xi32>
    %ne3A_614 = arith.cmpi ne, %and3A_611, %ne3A_613 : vector<16x1024xi32>
    %roll3A_615 = arith.constant 1 : i32
    %roll3A_616 = tpu.dynamic_rotate %select_n3A_607 by %roll3A_615 dim 1 : vector<16x1024xf32>, i32 -> vector<16x1024xf32>
    %roll3A_617 = arith.constant 1023 : i32
    %roll3A_618 = tpu.dynamic_rotate %select_n3A_607 by %roll3A_617 dim 1 : vector<16x1024xf32>, i32 -> vector<16x1024xf32>
    %select_n3A_619 = arith.select %ne3A_614, %roll3A_616, %roll3A_618 : vector<16x1024xi1>, vector<16x1024xf32>
    %and3A_620 = arith.constant 1 : i32
    %and3A_621 = vector.broadcast %and3A_620 : i32 to vector<16x1024xi32>
    %and3A_622 = arith.andi %iota3A, %and3A_621 : vector<16x1024xi32>
    %ne3A_623 = arith.constant 0 : i32
    %ne3A_624 = vector.broadcast %ne3A_623 : i32 to vector<16x1024xi32>
    %ne3A_625 = arith.cmpi ne, %and3A_622, %ne3A_624 : vector<16x1024xi32>
    %roll3A_626 = arith.constant 1 : i32
    %roll3A_627 = tpu.dynamic_rotate %select_n3A_608 by %roll3A_626 dim 1 : vector<16x1024xi32>, i32 -> vector<16x1024xi32>
    %roll3A_628 = arith.constant 1023 : i32
    %roll3A_629 = tpu.dynamic_rotate %select_n3A_608 by %roll3A_628 dim 1 : vector<16x1024xi32>, i32 -> vector<16x1024xi32>
    %select_n3A_630 = arith.select %ne3A_625, %roll3A_627, %roll3A_629 : vector<16x1024xi1>, vector<16x1024xi32>
    %and3A_631 = arith.constant 1 : i32
    %and3A_632 = vector.broadcast %and3A_631 : i32 to vector<16x1024xi32>
    %and3A_633 = arith.andi %iota3A, %and3A_632 : vector<16x1024xi32>
    %ne3A_634 = arith.constant 0 : i32
    %ne3A_635 = vector.broadcast %ne3A_634 : i32 to vector<16x1024xi32>
    %ne3A_636 = arith.cmpi ne, %and3A_633, %ne3A_635 : vector<16x1024xi32>
    %and3A_637 = arith.constant 32 : i32
    %and3A_638 = vector.broadcast %and3A_637 : i32 to vector<16x1024xi32>
    %and3A_639 = arith.andi %iota3A, %and3A_638 : vector<16x1024xi32>
    %ne3A_640 = arith.constant 0 : i32
    %ne3A_641 = vector.broadcast %ne3A_640 : i32 to vector<16x1024xi32>
    %ne3A_642 = arith.cmpi ne, %and3A_639, %ne3A_641 : vector<16x1024xi32>
    %gt3A_643 = arith.cmpf ogt, %select_n3A_619, %select_n3A_607 : vector<16x1024xf32>
    %eq3A_644 = arith.cmpf oeq, %select_n3A_619, %select_n3A_607 : vector<16x1024xf32>
    %lt3A_645 = arith.cmpi slt, %select_n3A_630, %select_n3A_608 : vector<16x1024xi32>
    %and3A_646 = arith.andi %eq3A_644, %lt3A_645 : vector<16x1024xi1>
    %or3A_647 = arith.ori %gt3A_643, %and3A_646 : vector<16x1024xi1>
    %xor3A_648 = arith.xori %or3A_647, %ne3A_636 : vector<16x1024xi1>
    %xor3A_649 = arith.xori %xor3A_648, %ne3A_642 : vector<16x1024xi1>
    %select_n3A_650 = arith.select %xor3A_649, %select_n3A_619, %select_n3A_607 : vector<16x1024xi1>, vector<16x1024xf32>
    %select_n3A_651 = arith.select %xor3A_649, %select_n3A_630, %select_n3A_608 : vector<16x1024xi1>, vector<16x1024xi32>
    %and3A_652 = arith.constant 32 : i32
    %and3A_653 = vector.broadcast %and3A_652 : i32 to vector<16x1024xi32>
    %and3A_654 = arith.andi %iota3A, %and3A_653 : vector<16x1024xi32>
    %ne3A_655 = arith.constant 0 : i32
    %ne3A_656 = vector.broadcast %ne3A_655 : i32 to vector<16x1024xi32>
    %ne3A_657 = arith.cmpi ne, %and3A_654, %ne3A_656 : vector<16x1024xi32>
    %roll3A_658 = arith.constant 32 : i32
    %roll3A_659 = tpu.dynamic_rotate %select_n3A_650 by %roll3A_658 dim 1 : vector<16x1024xf32>, i32 -> vector<16x1024xf32>
    %roll3A_660 = arith.constant 992 : i32
    %roll3A_661 = tpu.dynamic_rotate %select_n3A_650 by %roll3A_660 dim 1 : vector<16x1024xf32>, i32 -> vector<16x1024xf32>
    %select_n3A_662 = arith.select %ne3A_657, %roll3A_659, %roll3A_661 : vector<16x1024xi1>, vector<16x1024xf32>
    %and3A_663 = arith.constant 32 : i32
    %and3A_664 = vector.broadcast %and3A_663 : i32 to vector<16x1024xi32>
    %and3A_665 = arith.andi %iota3A, %and3A_664 : vector<16x1024xi32>
    %ne3A_666 = arith.constant 0 : i32
    %ne3A_667 = vector.broadcast %ne3A_666 : i32 to vector<16x1024xi32>
    %ne3A_668 = arith.cmpi ne, %and3A_665, %ne3A_667 : vector<16x1024xi32>
    %roll3A_669 = arith.constant 32 : i32
    %roll3A_670 = tpu.dynamic_rotate %select_n3A_651 by %roll3A_669 dim 1 : vector<16x1024xi32>, i32 -> vector<16x1024xi32>
    %roll3A_671 = arith.constant 992 : i32
    %roll3A_672 = tpu.dynamic_rotate %select_n3A_651 by %roll3A_671 dim 1 : vector<16x1024xi32>, i32 -> vector<16x1024xi32>
    %select_n3A_673 = arith.select %ne3A_668, %roll3A_670, %roll3A_672 : vector<16x1024xi1>, vector<16x1024xi32>
    %and3A_674 = arith.constant 32 : i32
    %and3A_675 = vector.broadcast %and3A_674 : i32 to vector<16x1024xi32>
    %and3A_676 = arith.andi %iota3A, %and3A_675 : vector<16x1024xi32>
    %ne3A_677 = arith.constant 0 : i32
    %ne3A_678 = vector.broadcast %ne3A_677 : i32 to vector<16x1024xi32>
    %ne3A_679 = arith.cmpi ne, %and3A_676, %ne3A_678 : vector<16x1024xi32>
    %and3A_680 = arith.constant 64 : i32
    %and3A_681 = vector.broadcast %and3A_680 : i32 to vector<16x1024xi32>
    %and3A_682 = arith.andi %iota3A, %and3A_681 : vector<16x1024xi32>
    %ne3A_683 = arith.constant 0 : i32
    %ne3A_684 = vector.broadcast %ne3A_683 : i32 to vector<16x1024xi32>
    %ne3A_685 = arith.cmpi ne, %and3A_682, %ne3A_684 : vector<16x1024xi32>
    %gt3A_686 = arith.cmpf ogt, %select_n3A_662, %select_n3A_650 : vector<16x1024xf32>
    %eq3A_687 = arith.cmpf oeq, %select_n3A_662, %select_n3A_650 : vector<16x1024xf32>
    %lt3A_688 = arith.cmpi slt, %select_n3A_673, %select_n3A_651 : vector<16x1024xi32>
    %and3A_689 = arith.andi %eq3A_687, %lt3A_688 : vector<16x1024xi1>
    %or3A_690 = arith.ori %gt3A_686, %and3A_689 : vector<16x1024xi1>
    %xor3A_691 = arith.xori %or3A_690, %ne3A_679 : vector<16x1024xi1>
    %xor3A_692 = arith.xori %xor3A_691, %ne3A_685 : vector<16x1024xi1>
    %select_n3A_693 = arith.select %xor3A_692, %select_n3A_662, %select_n3A_650 : vector<16x1024xi1>, vector<16x1024xf32>
    %select_n3A_694 = arith.select %xor3A_692, %select_n3A_673, %select_n3A_651 : vector<16x1024xi1>, vector<16x1024xi32>
    %and3A_695 = arith.constant 16 : i32
    %and3A_696 = vector.broadcast %and3A_695 : i32 to vector<16x1024xi32>
    %and3A_697 = arith.andi %iota3A, %and3A_696 : vector<16x1024xi32>
    %ne3A_698 = arith.constant 0 : i32
    %ne3A_699 = vector.broadcast %ne3A_698 : i32 to vector<16x1024xi32>
    %ne3A_700 = arith.cmpi ne, %and3A_697, %ne3A_699 : vector<16x1024xi32>
    %roll3A_701 = arith.constant 16 : i32
    %roll3A_702 = tpu.dynamic_rotate %select_n3A_693 by %roll3A_701 dim 1 : vector<16x1024xf32>, i32 -> vector<16x1024xf32>
    %roll3A_703 = arith.constant 1008 : i32
    %roll3A_704 = tpu.dynamic_rotate %select_n3A_693 by %roll3A_703 dim 1 : vector<16x1024xf32>, i32 -> vector<16x1024xf32>
    %select_n3A_705 = arith.select %ne3A_700, %roll3A_702, %roll3A_704 : vector<16x1024xi1>, vector<16x1024xf32>
    %and3A_706 = arith.constant 16 : i32
    %and3A_707 = vector.broadcast %and3A_706 : i32 to vector<16x1024xi32>
    %and3A_708 = arith.andi %iota3A, %and3A_707 : vector<16x1024xi32>
    %ne3A_709 = arith.constant 0 : i32
    %ne3A_710 = vector.broadcast %ne3A_709 : i32 to vector<16x1024xi32>
    %ne3A_711 = arith.cmpi ne, %and3A_708, %ne3A_710 : vector<16x1024xi32>
    %roll3A_712 = arith.constant 16 : i32
    %roll3A_713 = tpu.dynamic_rotate %select_n3A_694 by %roll3A_712 dim 1 : vector<16x1024xi32>, i32 -> vector<16x1024xi32>
    %roll3A_714 = arith.constant 1008 : i32
    %roll3A_715 = tpu.dynamic_rotate %select_n3A_694 by %roll3A_714 dim 1 : vector<16x1024xi32>, i32 -> vector<16x1024xi32>
    %select_n3A_716 = arith.select %ne3A_711, %roll3A_713, %roll3A_715 : vector<16x1024xi1>, vector<16x1024xi32>
    %and3A_717 = arith.constant 16 : i32
    %and3A_718 = vector.broadcast %and3A_717 : i32 to vector<16x1024xi32>
    %and3A_719 = arith.andi %iota3A, %and3A_718 : vector<16x1024xi32>
    %ne3A_720 = arith.constant 0 : i32
    %ne3A_721 = vector.broadcast %ne3A_720 : i32 to vector<16x1024xi32>
    %ne3A_722 = arith.cmpi ne, %and3A_719, %ne3A_721 : vector<16x1024xi32>
    %and3A_723 = arith.constant 64 : i32
    %and3A_724 = vector.broadcast %and3A_723 : i32 to vector<16x1024xi32>
    %and3A_725 = arith.andi %iota3A, %and3A_724 : vector<16x1024xi32>
    %ne3A_726 = arith.constant 0 : i32
    %ne3A_727 = vector.broadcast %ne3A_726 : i32 to vector<16x1024xi32>
    %ne3A_728 = arith.cmpi ne, %and3A_725, %ne3A_727 : vector<16x1024xi32>
    %gt3A_729 = arith.cmpf ogt, %select_n3A_705, %select_n3A_693 : vector<16x1024xf32>
    %eq3A_730 = arith.cmpf oeq, %select_n3A_705, %select_n3A_693 : vector<16x1024xf32>
    %lt3A_731 = arith.cmpi slt, %select_n3A_716, %select_n3A_694 : vector<16x1024xi32>
    %and3A_732 = arith.andi %eq3A_730, %lt3A_731 : vector<16x1024xi1>
    %or3A_733 = arith.ori %gt3A_729, %and3A_732 : vector<16x1024xi1>
    %xor3A_734 = arith.xori %or3A_733, %ne3A_722 : vector<16x1024xi1>
    %xor3A_735 = arith.xori %xor3A_734, %ne3A_728 : vector<16x1024xi1>
    %select_n3A_736 = arith.select %xor3A_735, %select_n3A_705, %select_n3A_693 : vector<16x1024xi1>, vector<16x1024xf32>
    %select_n3A_737 = arith.select %xor3A_735, %select_n3A_716, %select_n3A_694 : vector<16x1024xi1>, vector<16x1024xi32>
    %and3A_738 = arith.constant 8 : i32
    %and3A_739 = vector.broadcast %and3A_738 : i32 to vector<16x1024xi32>
    %and3A_740 = arith.andi %iota3A, %and3A_739 : vector<16x1024xi32>
    %ne3A_741 = arith.constant 0 : i32
    %ne3A_742 = vector.broadcast %ne3A_741 : i32 to vector<16x1024xi32>
    %ne3A_743 = arith.cmpi ne, %and3A_740, %ne3A_742 : vector<16x1024xi32>
    %roll3A_744 = arith.constant 8 : i32
    %roll3A_745 = tpu.dynamic_rotate %select_n3A_736 by %roll3A_744 dim 1 : vector<16x1024xf32>, i32 -> vector<16x1024xf32>
    %roll3A_746 = arith.constant 1016 : i32
    %roll3A_747 = tpu.dynamic_rotate %select_n3A_736 by %roll3A_746 dim 1 : vector<16x1024xf32>, i32 -> vector<16x1024xf32>
    %select_n3A_748 = arith.select %ne3A_743, %roll3A_745, %roll3A_747 : vector<16x1024xi1>, vector<16x1024xf32>
    %and3A_749 = arith.constant 8 : i32
    %and3A_750 = vector.broadcast %and3A_749 : i32 to vector<16x1024xi32>
    %and3A_751 = arith.andi %iota3A, %and3A_750 : vector<16x1024xi32>
    %ne3A_752 = arith.constant 0 : i32
    %ne3A_753 = vector.broadcast %ne3A_752 : i32 to vector<16x1024xi32>
    %ne3A_754 = arith.cmpi ne, %and3A_751, %ne3A_753 : vector<16x1024xi32>
    %roll3A_755 = arith.constant 8 : i32
    %roll3A_756 = tpu.dynamic_rotate %select_n3A_737 by %roll3A_755 dim 1 : vector<16x1024xi32>, i32 -> vector<16x1024xi32>
    %roll3A_757 = arith.constant 1016 : i32
    %roll3A_758 = tpu.dynamic_rotate %select_n3A_737 by %roll3A_757 dim 1 : vector<16x1024xi32>, i32 -> vector<16x1024xi32>
    %select_n3A_759 = arith.select %ne3A_754, %roll3A_756, %roll3A_758 : vector<16x1024xi1>, vector<16x1024xi32>
    %and3A_760 = arith.constant 8 : i32
    %and3A_761 = vector.broadcast %and3A_760 : i32 to vector<16x1024xi32>
    %and3A_762 = arith.andi %iota3A, %and3A_761 : vector<16x1024xi32>
    %ne3A_763 = arith.constant 0 : i32
    %ne3A_764 = vector.broadcast %ne3A_763 : i32 to vector<16x1024xi32>
    %ne3A_765 = arith.cmpi ne, %and3A_762, %ne3A_764 : vector<16x1024xi32>
    %and3A_766 = arith.constant 64 : i32
    %and3A_767 = vector.broadcast %and3A_766 : i32 to vector<16x1024xi32>
    %and3A_768 = arith.andi %iota3A, %and3A_767 : vector<16x1024xi32>
    %ne3A_769 = arith.constant 0 : i32
    %ne3A_770 = vector.broadcast %ne3A_769 : i32 to vector<16x1024xi32>
    %ne3A_771 = arith.cmpi ne, %and3A_768, %ne3A_770 : vector<16x1024xi32>
    %gt3A_772 = arith.cmpf ogt, %select_n3A_748, %select_n3A_736 : vector<16x1024xf32>
    %eq3A_773 = arith.cmpf oeq, %select_n3A_748, %select_n3A_736 : vector<16x1024xf32>
    %lt3A_774 = arith.cmpi slt, %select_n3A_759, %select_n3A_737 : vector<16x1024xi32>
    %and3A_775 = arith.andi %eq3A_773, %lt3A_774 : vector<16x1024xi1>
    %or3A_776 = arith.ori %gt3A_772, %and3A_775 : vector<16x1024xi1>
    %xor3A_777 = arith.xori %or3A_776, %ne3A_765 : vector<16x1024xi1>
    %xor3A_778 = arith.xori %xor3A_777, %ne3A_771 : vector<16x1024xi1>
    %select_n3A_779 = arith.select %xor3A_778, %select_n3A_748, %select_n3A_736 : vector<16x1024xi1>, vector<16x1024xf32>
    %select_n3A_780 = arith.select %xor3A_778, %select_n3A_759, %select_n3A_737 : vector<16x1024xi1>, vector<16x1024xi32>
    %and3A_781 = arith.constant 4 : i32
    %and3A_782 = vector.broadcast %and3A_781 : i32 to vector<16x1024xi32>
    %and3A_783 = arith.andi %iota3A, %and3A_782 : vector<16x1024xi32>
    %ne3A_784 = arith.constant 0 : i32
    %ne3A_785 = vector.broadcast %ne3A_784 : i32 to vector<16x1024xi32>
    %ne3A_786 = arith.cmpi ne, %and3A_783, %ne3A_785 : vector<16x1024xi32>
    %roll3A_787 = arith.constant 4 : i32
    %roll3A_788 = tpu.dynamic_rotate %select_n3A_779 by %roll3A_787 dim 1 : vector<16x1024xf32>, i32 -> vector<16x1024xf32>
    %roll3A_789 = arith.constant 1020 : i32
    %roll3A_790 = tpu.dynamic_rotate %select_n3A_779 by %roll3A_789 dim 1 : vector<16x1024xf32>, i32 -> vector<16x1024xf32>
    %select_n3A_791 = arith.select %ne3A_786, %roll3A_788, %roll3A_790 : vector<16x1024xi1>, vector<16x1024xf32>
    %and3A_792 = arith.constant 4 : i32
    %and3A_793 = vector.broadcast %and3A_792 : i32 to vector<16x1024xi32>
    %and3A_794 = arith.andi %iota3A, %and3A_793 : vector<16x1024xi32>
    %ne3A_795 = arith.constant 0 : i32
    %ne3A_796 = vector.broadcast %ne3A_795 : i32 to vector<16x1024xi32>
    %ne3A_797 = arith.cmpi ne, %and3A_794, %ne3A_796 : vector<16x1024xi32>
    %roll3A_798 = arith.constant 4 : i32
    %roll3A_799 = tpu.dynamic_rotate %select_n3A_780 by %roll3A_798 dim 1 : vector<16x1024xi32>, i32 -> vector<16x1024xi32>
    %roll3A_800 = arith.constant 1020 : i32
    %roll3A_801 = tpu.dynamic_rotate %select_n3A_780 by %roll3A_800 dim 1 : vector<16x1024xi32>, i32 -> vector<16x1024xi32>
    %select_n3A_802 = arith.select %ne3A_797, %roll3A_799, %roll3A_801 : vector<16x1024xi1>, vector<16x1024xi32>
    %and3A_803 = arith.constant 4 : i32
    %and3A_804 = vector.broadcast %and3A_803 : i32 to vector<16x1024xi32>
    %and3A_805 = arith.andi %iota3A, %and3A_804 : vector<16x1024xi32>
    %ne3A_806 = arith.constant 0 : i32
    %ne3A_807 = vector.broadcast %ne3A_806 : i32 to vector<16x1024xi32>
    %ne3A_808 = arith.cmpi ne, %and3A_805, %ne3A_807 : vector<16x1024xi32>
    %and3A_809 = arith.constant 64 : i32
    %and3A_810 = vector.broadcast %and3A_809 : i32 to vector<16x1024xi32>
    %and3A_811 = arith.andi %iota3A, %and3A_810 : vector<16x1024xi32>
    %ne3A_812 = arith.constant 0 : i32
    %ne3A_813 = vector.broadcast %ne3A_812 : i32 to vector<16x1024xi32>
    %ne3A_814 = arith.cmpi ne, %and3A_811, %ne3A_813 : vector<16x1024xi32>
    %gt3A_815 = arith.cmpf ogt, %select_n3A_791, %select_n3A_779 : vector<16x1024xf32>
    %eq3A_816 = arith.cmpf oeq, %select_n3A_791, %select_n3A_779 : vector<16x1024xf32>
    %lt3A_817 = arith.cmpi slt, %select_n3A_802, %select_n3A_780 : vector<16x1024xi32>
    %and3A_818 = arith.andi %eq3A_816, %lt3A_817 : vector<16x1024xi1>
    %or3A_819 = arith.ori %gt3A_815, %and3A_818 : vector<16x1024xi1>
    %xor3A_820 = arith.xori %or3A_819, %ne3A_808 : vector<16x1024xi1>
    %xor3A_821 = arith.xori %xor3A_820, %ne3A_814 : vector<16x1024xi1>
    %select_n3A_822 = arith.select %xor3A_821, %select_n3A_791, %select_n3A_779 : vector<16x1024xi1>, vector<16x1024xf32>
    %select_n3A_823 = arith.select %xor3A_821, %select_n3A_802, %select_n3A_780 : vector<16x1024xi1>, vector<16x1024xi32>
    %and3A_824 = arith.constant 2 : i32
    %and3A_825 = vector.broadcast %and3A_824 : i32 to vector<16x1024xi32>
    %and3A_826 = arith.andi %iota3A, %and3A_825 : vector<16x1024xi32>
    %ne3A_827 = arith.constant 0 : i32
    %ne3A_828 = vector.broadcast %ne3A_827 : i32 to vector<16x1024xi32>
    %ne3A_829 = arith.cmpi ne, %and3A_826, %ne3A_828 : vector<16x1024xi32>
    %roll3A_830 = arith.constant 2 : i32
    %roll3A_831 = tpu.dynamic_rotate %select_n3A_822 by %roll3A_830 dim 1 : vector<16x1024xf32>, i32 -> vector<16x1024xf32>
    %roll3A_832 = arith.constant 1022 : i32
    %roll3A_833 = tpu.dynamic_rotate %select_n3A_822 by %roll3A_832 dim 1 : vector<16x1024xf32>, i32 -> vector<16x1024xf32>
    %select_n3A_834 = arith.select %ne3A_829, %roll3A_831, %roll3A_833 : vector<16x1024xi1>, vector<16x1024xf32>
    %and3A_835 = arith.constant 2 : i32
    %and3A_836 = vector.broadcast %and3A_835 : i32 to vector<16x1024xi32>
    %and3A_837 = arith.andi %iota3A, %and3A_836 : vector<16x1024xi32>
    %ne3A_838 = arith.constant 0 : i32
    %ne3A_839 = vector.broadcast %ne3A_838 : i32 to vector<16x1024xi32>
    %ne3A_840 = arith.cmpi ne, %and3A_837, %ne3A_839 : vector<16x1024xi32>
    %roll3A_841 = arith.constant 2 : i32
    %roll3A_842 = tpu.dynamic_rotate %select_n3A_823 by %roll3A_841 dim 1 : vector<16x1024xi32>, i32 -> vector<16x1024xi32>
    %roll3A_843 = arith.constant 1022 : i32
    %roll3A_844 = tpu.dynamic_rotate %select_n3A_823 by %roll3A_843 dim 1 : vector<16x1024xi32>, i32 -> vector<16x1024xi32>
    %select_n3A_845 = arith.select %ne3A_840, %roll3A_842, %roll3A_844 : vector<16x1024xi1>, vector<16x1024xi32>
    %and3A_846 = arith.constant 2 : i32
    %and3A_847 = vector.broadcast %and3A_846 : i32 to vector<16x1024xi32>
    %and3A_848 = arith.andi %iota3A, %and3A_847 : vector<16x1024xi32>
    %ne3A_849 = arith.constant 0 : i32
    %ne3A_850 = vector.broadcast %ne3A_849 : i32 to vector<16x1024xi32>
    %ne3A_851 = arith.cmpi ne, %and3A_848, %ne3A_850 : vector<16x1024xi32>
    %and3A_852 = arith.constant 64 : i32
    %and3A_853 = vector.broadcast %and3A_852 : i32 to vector<16x1024xi32>
    %and3A_854 = arith.andi %iota3A, %and3A_853 : vector<16x1024xi32>
    %ne3A_855 = arith.constant 0 : i32
    %ne3A_856 = vector.broadcast %ne3A_855 : i32 to vector<16x1024xi32>
    %ne3A_857 = arith.cmpi ne, %and3A_854, %ne3A_856 : vector<16x1024xi32>
    %gt3A_858 = arith.cmpf ogt, %select_n3A_834, %select_n3A_822 : vector<16x1024xf32>
    %eq3A_859 = arith.cmpf oeq, %select_n3A_834, %select_n3A_822 : vector<16x1024xf32>
    %lt3A_860 = arith.cmpi slt, %select_n3A_845, %select_n3A_823 : vector<16x1024xi32>
    %and3A_861 = arith.andi %eq3A_859, %lt3A_860 : vector<16x1024xi1>
    %or3A_862 = arith.ori %gt3A_858, %and3A_861 : vector<16x1024xi1>
    %xor3A_863 = arith.xori %or3A_862, %ne3A_851 : vector<16x1024xi1>
    %xor3A_864 = arith.xori %xor3A_863, %ne3A_857 : vector<16x1024xi1>
    %select_n3A_865 = arith.select %xor3A_864, %select_n3A_834, %select_n3A_822 : vector<16x1024xi1>, vector<16x1024xf32>
    %select_n3A_866 = arith.select %xor3A_864, %select_n3A_845, %select_n3A_823 : vector<16x1024xi1>, vector<16x1024xi32>
    %and3A_867 = arith.constant 1 : i32
    %and3A_868 = vector.broadcast %and3A_867 : i32 to vector<16x1024xi32>
    %and3A_869 = arith.andi %iota3A, %and3A_868 : vector<16x1024xi32>
    %ne3A_870 = arith.constant 0 : i32
    %ne3A_871 = vector.broadcast %ne3A_870 : i32 to vector<16x1024xi32>
    %ne3A_872 = arith.cmpi ne, %and3A_869, %ne3A_871 : vector<16x1024xi32>
    %roll3A_873 = arith.constant 1 : i32
    %roll3A_874 = tpu.dynamic_rotate %select_n3A_865 by %roll3A_873 dim 1 : vector<16x1024xf32>, i32 -> vector<16x1024xf32>
    %roll3A_875 = arith.constant 1023 : i32
    %roll3A_876 = tpu.dynamic_rotate %select_n3A_865 by %roll3A_875 dim 1 : vector<16x1024xf32>, i32 -> vector<16x1024xf32>
    %select_n3A_877 = arith.select %ne3A_872, %roll3A_874, %roll3A_876 : vector<16x1024xi1>, vector<16x1024xf32>
    %and3A_878 = arith.constant 1 : i32
    %and3A_879 = vector.broadcast %and3A_878 : i32 to vector<16x1024xi32>
    %and3A_880 = arith.andi %iota3A, %and3A_879 : vector<16x1024xi32>
    %ne3A_881 = arith.constant 0 : i32
    %ne3A_882 = vector.broadcast %ne3A_881 : i32 to vector<16x1024xi32>
    %ne3A_883 = arith.cmpi ne, %and3A_880, %ne3A_882 : vector<16x1024xi32>
    %roll3A_884 = arith.constant 1 : i32
    %roll3A_885 = tpu.dynamic_rotate %select_n3A_866 by %roll3A_884 dim 1 : vector<16x1024xi32>, i32 -> vector<16x1024xi32>
    %roll3A_886 = arith.constant 1023 : i32
    %roll3A_887 = tpu.dynamic_rotate %select_n3A_866 by %roll3A_886 dim 1 : vector<16x1024xi32>, i32 -> vector<16x1024xi32>
    %select_n3A_888 = arith.select %ne3A_883, %roll3A_885, %roll3A_887 : vector<16x1024xi1>, vector<16x1024xi32>
    %and3A_889 = arith.constant 1 : i32
    %and3A_890 = vector.broadcast %and3A_889 : i32 to vector<16x1024xi32>
    %and3A_891 = arith.andi %iota3A, %and3A_890 : vector<16x1024xi32>
    %ne3A_892 = arith.constant 0 : i32
    %ne3A_893 = vector.broadcast %ne3A_892 : i32 to vector<16x1024xi32>
    %ne3A_894 = arith.cmpi ne, %and3A_891, %ne3A_893 : vector<16x1024xi32>
    %and3A_895 = arith.constant 64 : i32
    %and3A_896 = vector.broadcast %and3A_895 : i32 to vector<16x1024xi32>
    %and3A_897 = arith.andi %iota3A, %and3A_896 : vector<16x1024xi32>
    %ne3A_898 = arith.constant 0 : i32
    %ne3A_899 = vector.broadcast %ne3A_898 : i32 to vector<16x1024xi32>
    %ne3A_900 = arith.cmpi ne, %and3A_897, %ne3A_899 : vector<16x1024xi32>
    %gt3A_901 = arith.cmpf ogt, %select_n3A_877, %select_n3A_865 : vector<16x1024xf32>
    %eq3A_902 = arith.cmpf oeq, %select_n3A_877, %select_n3A_865 : vector<16x1024xf32>
    %lt3A_903 = arith.cmpi slt, %select_n3A_888, %select_n3A_866 : vector<16x1024xi32>
    %and3A_904 = arith.andi %eq3A_902, %lt3A_903 : vector<16x1024xi1>
    %or3A_905 = arith.ori %gt3A_901, %and3A_904 : vector<16x1024xi1>
    %xor3A_906 = arith.xori %or3A_905, %ne3A_894 : vector<16x1024xi1>
    %xor3A_907 = arith.xori %xor3A_906, %ne3A_900 : vector<16x1024xi1>
    %select_n3A_908 = arith.select %xor3A_907, %select_n3A_877, %select_n3A_865 : vector<16x1024xi1>, vector<16x1024xf32>
    %select_n3A_909 = arith.select %xor3A_907, %select_n3A_888, %select_n3A_866 : vector<16x1024xi1>, vector<16x1024xi32>
    %and3A_910 = arith.constant 64 : i32
    %and3A_911 = vector.broadcast %and3A_910 : i32 to vector<16x1024xi32>
    %and3A_912 = arith.andi %iota3A, %and3A_911 : vector<16x1024xi32>
    %ne3A_913 = arith.constant 0 : i32
    %ne3A_914 = vector.broadcast %ne3A_913 : i32 to vector<16x1024xi32>
    %ne3A_915 = arith.cmpi ne, %and3A_912, %ne3A_914 : vector<16x1024xi32>
    %roll3A_916 = arith.constant 64 : i32
    %roll3A_917 = tpu.dynamic_rotate %select_n3A_908 by %roll3A_916 dim 1 : vector<16x1024xf32>, i32 -> vector<16x1024xf32>
    %roll3A_918 = arith.constant 960 : i32
    %roll3A_919 = tpu.dynamic_rotate %select_n3A_908 by %roll3A_918 dim 1 : vector<16x1024xf32>, i32 -> vector<16x1024xf32>
    %select_n3A_920 = arith.select %ne3A_915, %roll3A_917, %roll3A_919 : vector<16x1024xi1>, vector<16x1024xf32>
    %and3A_921 = arith.constant 64 : i32
    %and3A_922 = vector.broadcast %and3A_921 : i32 to vector<16x1024xi32>
    %and3A_923 = arith.andi %iota3A, %and3A_922 : vector<16x1024xi32>
    %ne3A_924 = arith.constant 0 : i32
    %ne3A_925 = vector.broadcast %ne3A_924 : i32 to vector<16x1024xi32>
    %ne3A_926 = arith.cmpi ne, %and3A_923, %ne3A_925 : vector<16x1024xi32>
    %roll3A_927 = arith.constant 64 : i32
    %roll3A_928 = tpu.dynamic_rotate %select_n3A_909 by %roll3A_927 dim 1 : vector<16x1024xi32>, i32 -> vector<16x1024xi32>
    %roll3A_929 = arith.constant 960 : i32
    %roll3A_930 = tpu.dynamic_rotate %select_n3A_909 by %roll3A_929 dim 1 : vector<16x1024xi32>, i32 -> vector<16x1024xi32>
    %select_n3A_931 = arith.select %ne3A_926, %roll3A_928, %roll3A_930 : vector<16x1024xi1>, vector<16x1024xi32>
    %and3A_932 = arith.constant 64 : i32
    %and3A_933 = vector.broadcast %and3A_932 : i32 to vector<16x1024xi32>
    %and3A_934 = arith.andi %iota3A, %and3A_933 : vector<16x1024xi32>
    %ne3A_935 = arith.constant 0 : i32
    %ne3A_936 = vector.broadcast %ne3A_935 : i32 to vector<16x1024xi32>
    %ne3A_937 = arith.cmpi ne, %and3A_934, %ne3A_936 : vector<16x1024xi32>
    %and3A_938 = arith.constant 128 : i32
    %and3A_939 = vector.broadcast %and3A_938 : i32 to vector<16x1024xi32>
    %and3A_940 = arith.andi %iota3A, %and3A_939 : vector<16x1024xi32>
    %ne3A_941 = arith.constant 0 : i32
    %ne3A_942 = vector.broadcast %ne3A_941 : i32 to vector<16x1024xi32>
    %ne3A_943 = arith.cmpi ne, %and3A_940, %ne3A_942 : vector<16x1024xi32>
    %gt3A_944 = arith.cmpf ogt, %select_n3A_920, %select_n3A_908 : vector<16x1024xf32>
    %eq3A_945 = arith.cmpf oeq, %select_n3A_920, %select_n3A_908 : vector<16x1024xf32>
    %lt3A_946 = arith.cmpi slt, %select_n3A_931, %select_n3A_909 : vector<16x1024xi32>
    %and3A_947 = arith.andi %eq3A_945, %lt3A_946 : vector<16x1024xi1>
    %or3A_948 = arith.ori %gt3A_944, %and3A_947 : vector<16x1024xi1>
    %xor3A_949 = arith.xori %or3A_948, %ne3A_937 : vector<16x1024xi1>
    %xor3A_950 = arith.xori %xor3A_949, %ne3A_943 : vector<16x1024xi1>
    %select_n3A_951 = arith.select %xor3A_950, %select_n3A_920, %select_n3A_908 : vector<16x1024xi1>, vector<16x1024xf32>
    %select_n3A_952 = arith.select %xor3A_950, %select_n3A_931, %select_n3A_909 : vector<16x1024xi1>, vector<16x1024xi32>
    %and3A_953 = arith.constant 32 : i32
    %and3A_954 = vector.broadcast %and3A_953 : i32 to vector<16x1024xi32>
    %and3A_955 = arith.andi %iota3A, %and3A_954 : vector<16x1024xi32>
    %ne3A_956 = arith.constant 0 : i32
    %ne3A_957 = vector.broadcast %ne3A_956 : i32 to vector<16x1024xi32>
    %ne3A_958 = arith.cmpi ne, %and3A_955, %ne3A_957 : vector<16x1024xi32>
    %roll3A_959 = arith.constant 32 : i32
    %roll3A_960 = tpu.dynamic_rotate %select_n3A_951 by %roll3A_959 dim 1 : vector<16x1024xf32>, i32 -> vector<16x1024xf32>
    %roll3A_961 = arith.constant 992 : i32
    %roll3A_962 = tpu.dynamic_rotate %select_n3A_951 by %roll3A_961 dim 1 : vector<16x1024xf32>, i32 -> vector<16x1024xf32>
    %select_n3A_963 = arith.select %ne3A_958, %roll3A_960, %roll3A_962 : vector<16x1024xi1>, vector<16x1024xf32>
    %and3A_964 = arith.constant 32 : i32
    %and3A_965 = vector.broadcast %and3A_964 : i32 to vector<16x1024xi32>
    %and3A_966 = arith.andi %iota3A, %and3A_965 : vector<16x1024xi32>
    %ne3A_967 = arith.constant 0 : i32
    %ne3A_968 = vector.broadcast %ne3A_967 : i32 to vector<16x1024xi32>
    %ne3A_969 = arith.cmpi ne, %and3A_966, %ne3A_968 : vector<16x1024xi32>
    %roll3A_970 = arith.constant 32 : i32
    %roll3A_971 = tpu.dynamic_rotate %select_n3A_952 by %roll3A_970 dim 1 : vector<16x1024xi32>, i32 -> vector<16x1024xi32>
    %roll3A_972 = arith.constant 992 : i32
    %roll3A_973 = tpu.dynamic_rotate %select_n3A_952 by %roll3A_972 dim 1 : vector<16x1024xi32>, i32 -> vector<16x1024xi32>
    %select_n3A_974 = arith.select %ne3A_969, %roll3A_971, %roll3A_973 : vector<16x1024xi1>, vector<16x1024xi32>
    %and3A_975 = arith.constant 32 : i32
    %and3A_976 = vector.broadcast %and3A_975 : i32 to vector<16x1024xi32>
    %and3A_977 = arith.andi %iota3A, %and3A_976 : vector<16x1024xi32>
    %ne3A_978 = arith.constant 0 : i32
    %ne3A_979 = vector.broadcast %ne3A_978 : i32 to vector<16x1024xi32>
    %ne3A_980 = arith.cmpi ne, %and3A_977, %ne3A_979 : vector<16x1024xi32>
    %and3A_981 = arith.constant 128 : i32
    %and3A_982 = vector.broadcast %and3A_981 : i32 to vector<16x1024xi32>
    %and3A_983 = arith.andi %iota3A, %and3A_982 : vector<16x1024xi32>
    %ne3A_984 = arith.constant 0 : i32
    %ne3A_985 = vector.broadcast %ne3A_984 : i32 to vector<16x1024xi32>
    %ne3A_986 = arith.cmpi ne, %and3A_983, %ne3A_985 : vector<16x1024xi32>
    %gt3A_987 = arith.cmpf ogt, %select_n3A_963, %select_n3A_951 : vector<16x1024xf32>
    %eq3A_988 = arith.cmpf oeq, %select_n3A_963, %select_n3A_951 : vector<16x1024xf32>
    %lt3A_989 = arith.cmpi slt, %select_n3A_974, %select_n3A_952 : vector<16x1024xi32>
    %and3A_990 = arith.andi %eq3A_988, %lt3A_989 : vector<16x1024xi1>
    %or3A_991 = arith.ori %gt3A_987, %and3A_990 : vector<16x1024xi1>
    %xor3A_992 = arith.xori %or3A_991, %ne3A_980 : vector<16x1024xi1>
    %xor3A_993 = arith.xori %xor3A_992, %ne3A_986 : vector<16x1024xi1>
    %select_n3A_994 = arith.select %xor3A_993, %select_n3A_963, %select_n3A_951 : vector<16x1024xi1>, vector<16x1024xf32>
    %select_n3A_995 = arith.select %xor3A_993, %select_n3A_974, %select_n3A_952 : vector<16x1024xi1>, vector<16x1024xi32>
    %and3A_996 = arith.constant 16 : i32
    %and3A_997 = vector.broadcast %and3A_996 : i32 to vector<16x1024xi32>
    %and3A_998 = arith.andi %iota3A, %and3A_997 : vector<16x1024xi32>
    %ne3A_999 = arith.constant 0 : i32
    %ne3A_1000 = vector.broadcast %ne3A_999 : i32 to vector<16x1024xi32>
    %ne3A_1001 = arith.cmpi ne, %and3A_998, %ne3A_1000 : vector<16x1024xi32>
    %roll3A_1002 = arith.constant 16 : i32
    %roll3A_1003 = tpu.dynamic_rotate %select_n3A_994 by %roll3A_1002 dim 1 : vector<16x1024xf32>, i32 -> vector<16x1024xf32>
    %roll3A_1004 = arith.constant 1008 : i32
    %roll3A_1005 = tpu.dynamic_rotate %select_n3A_994 by %roll3A_1004 dim 1 : vector<16x1024xf32>, i32 -> vector<16x1024xf32>
    %select_n3A_1006 = arith.select %ne3A_1001, %roll3A_1003, %roll3A_1005 : vector<16x1024xi1>, vector<16x1024xf32>
    %and3A_1007 = arith.constant 16 : i32
    %and3A_1008 = vector.broadcast %and3A_1007 : i32 to vector<16x1024xi32>
    %and3A_1009 = arith.andi %iota3A, %and3A_1008 : vector<16x1024xi32>
    %ne3A_1010 = arith.constant 0 : i32
    %ne3A_1011 = vector.broadcast %ne3A_1010 : i32 to vector<16x1024xi32>
    %ne3A_1012 = arith.cmpi ne, %and3A_1009, %ne3A_1011 : vector<16x1024xi32>
    %roll3A_1013 = arith.constant 16 : i32
    %roll3A_1014 = tpu.dynamic_rotate %select_n3A_995 by %roll3A_1013 dim 1 : vector<16x1024xi32>, i32 -> vector<16x1024xi32>
    %roll3A_1015 = arith.constant 1008 : i32
    %roll3A_1016 = tpu.dynamic_rotate %select_n3A_995 by %roll3A_1015 dim 1 : vector<16x1024xi32>, i32 -> vector<16x1024xi32>
    %select_n3A_1017 = arith.select %ne3A_1012, %roll3A_1014, %roll3A_1016 : vector<16x1024xi1>, vector<16x1024xi32>
    %and3A_1018 = arith.constant 16 : i32
    %and3A_1019 = vector.broadcast %and3A_1018 : i32 to vector<16x1024xi32>
    %and3A_1020 = arith.andi %iota3A, %and3A_1019 : vector<16x1024xi32>
    %ne3A_1021 = arith.constant 0 : i32
    %ne3A_1022 = vector.broadcast %ne3A_1021 : i32 to vector<16x1024xi32>
    %ne3A_1023 = arith.cmpi ne, %and3A_1020, %ne3A_1022 : vector<16x1024xi32>
    %and3A_1024 = arith.constant 128 : i32
    %and3A_1025 = vector.broadcast %and3A_1024 : i32 to vector<16x1024xi32>
    %and3A_1026 = arith.andi %iota3A, %and3A_1025 : vector<16x1024xi32>
    %ne3A_1027 = arith.constant 0 : i32
    %ne3A_1028 = vector.broadcast %ne3A_1027 : i32 to vector<16x1024xi32>
    %ne3A_1029 = arith.cmpi ne, %and3A_1026, %ne3A_1028 : vector<16x1024xi32>
    %gt3A_1030 = arith.cmpf ogt, %select_n3A_1006, %select_n3A_994 : vector<16x1024xf32>
    %eq3A_1031 = arith.cmpf oeq, %select_n3A_1006, %select_n3A_994 : vector<16x1024xf32>
    %lt3A_1032 = arith.cmpi slt, %select_n3A_1017, %select_n3A_995 : vector<16x1024xi32>
    %and3A_1033 = arith.andi %eq3A_1031, %lt3A_1032 : vector<16x1024xi1>
    %or3A_1034 = arith.ori %gt3A_1030, %and3A_1033 : vector<16x1024xi1>
    %xor3A_1035 = arith.xori %or3A_1034, %ne3A_1023 : vector<16x1024xi1>
    %xor3A_1036 = arith.xori %xor3A_1035, %ne3A_1029 : vector<16x1024xi1>
    %select_n3A_1037 = arith.select %xor3A_1036, %select_n3A_1006, %select_n3A_994 : vector<16x1024xi1>, vector<16x1024xf32>
    %select_n3A_1038 = arith.select %xor3A_1036, %select_n3A_1017, %select_n3A_995 : vector<16x1024xi1>, vector<16x1024xi32>
    %and3A_1039 = arith.constant 8 : i32
    %and3A_1040 = vector.broadcast %and3A_1039 : i32 to vector<16x1024xi32>
    %and3A_1041 = arith.andi %iota3A, %and3A_1040 : vector<16x1024xi32>
    %ne3A_1042 = arith.constant 0 : i32
    %ne3A_1043 = vector.broadcast %ne3A_1042 : i32 to vector<16x1024xi32>
    %ne3A_1044 = arith.cmpi ne, %and3A_1041, %ne3A_1043 : vector<16x1024xi32>
    %roll3A_1045 = arith.constant 8 : i32
    %roll3A_1046 = tpu.dynamic_rotate %select_n3A_1037 by %roll3A_1045 dim 1 : vector<16x1024xf32>, i32 -> vector<16x1024xf32>
    %roll3A_1047 = arith.constant 1016 : i32
    %roll3A_1048 = tpu.dynamic_rotate %select_n3A_1037 by %roll3A_1047 dim 1 : vector<16x1024xf32>, i32 -> vector<16x1024xf32>
    %select_n3A_1049 = arith.select %ne3A_1044, %roll3A_1046, %roll3A_1048 : vector<16x1024xi1>, vector<16x1024xf32>
    %and3A_1050 = arith.constant 8 : i32
    %and3A_1051 = vector.broadcast %and3A_1050 : i32 to vector<16x1024xi32>
    %and3A_1052 = arith.andi %iota3A, %and3A_1051 : vector<16x1024xi32>
    %ne3A_1053 = arith.constant 0 : i32
    %ne3A_1054 = vector.broadcast %ne3A_1053 : i32 to vector<16x1024xi32>
    %ne3A_1055 = arith.cmpi ne, %and3A_1052, %ne3A_1054 : vector<16x1024xi32>
    %roll3A_1056 = arith.constant 8 : i32
    %roll3A_1057 = tpu.dynamic_rotate %select_n3A_1038 by %roll3A_1056 dim 1 : vector<16x1024xi32>, i32 -> vector<16x1024xi32>
    %roll3A_1058 = arith.constant 1016 : i32
    %roll3A_1059 = tpu.dynamic_rotate %select_n3A_1038 by %roll3A_1058 dim 1 : vector<16x1024xi32>, i32 -> vector<16x1024xi32>
    %select_n3A_1060 = arith.select %ne3A_1055, %roll3A_1057, %roll3A_1059 : vector<16x1024xi1>, vector<16x1024xi32>
    %and3A_1061 = arith.constant 8 : i32
    %and3A_1062 = vector.broadcast %and3A_1061 : i32 to vector<16x1024xi32>
    %and3A_1063 = arith.andi %iota3A, %and3A_1062 : vector<16x1024xi32>
    %ne3A_1064 = arith.constant 0 : i32
    %ne3A_1065 = vector.broadcast %ne3A_1064 : i32 to vector<16x1024xi32>
    %ne3A_1066 = arith.cmpi ne, %and3A_1063, %ne3A_1065 : vector<16x1024xi32>
    %and3A_1067 = arith.constant 128 : i32
    %and3A_1068 = vector.broadcast %and3A_1067 : i32 to vector<16x1024xi32>
    %and3A_1069 = arith.andi %iota3A, %and3A_1068 : vector<16x1024xi32>
    %ne3A_1070 = arith.constant 0 : i32
    %ne3A_1071 = vector.broadcast %ne3A_1070 : i32 to vector<16x1024xi32>
    %ne3A_1072 = arith.cmpi ne, %and3A_1069, %ne3A_1071 : vector<16x1024xi32>
    %gt3A_1073 = arith.cmpf ogt, %select_n3A_1049, %select_n3A_1037 : vector<16x1024xf32>
    %eq3A_1074 = arith.cmpf oeq, %select_n3A_1049, %select_n3A_1037 : vector<16x1024xf32>
    %lt3A_1075 = arith.cmpi slt, %select_n3A_1060, %select_n3A_1038 : vector<16x1024xi32>
    %and3A_1076 = arith.andi %eq3A_1074, %lt3A_1075 : vector<16x1024xi1>
    %or3A_1077 = arith.ori %gt3A_1073, %and3A_1076 : vector<16x1024xi1>
    %xor3A_1078 = arith.xori %or3A_1077, %ne3A_1066 : vector<16x1024xi1>
    %xor3A_1079 = arith.xori %xor3A_1078, %ne3A_1072 : vector<16x1024xi1>
    %select_n3A_1080 = arith.select %xor3A_1079, %select_n3A_1049, %select_n3A_1037 : vector<16x1024xi1>, vector<16x1024xf32>
    %select_n3A_1081 = arith.select %xor3A_1079, %select_n3A_1060, %select_n3A_1038 : vector<16x1024xi1>, vector<16x1024xi32>
    %and3A_1082 = arith.constant 4 : i32
    %and3A_1083 = vector.broadcast %and3A_1082 : i32 to vector<16x1024xi32>
    %and3A_1084 = arith.andi %iota3A, %and3A_1083 : vector<16x1024xi32>
    %ne3A_1085 = arith.constant 0 : i32
    %ne3A_1086 = vector.broadcast %ne3A_1085 : i32 to vector<16x1024xi32>
    %ne3A_1087 = arith.cmpi ne, %and3A_1084, %ne3A_1086 : vector<16x1024xi32>
    %roll3A_1088 = arith.constant 4 : i32
    %roll3A_1089 = tpu.dynamic_rotate %select_n3A_1080 by %roll3A_1088 dim 1 : vector<16x1024xf32>, i32 -> vector<16x1024xf32>
    %roll3A_1090 = arith.constant 1020 : i32
    %roll3A_1091 = tpu.dynamic_rotate %select_n3A_1080 by %roll3A_1090 dim 1 : vector<16x1024xf32>, i32 -> vector<16x1024xf32>
    %select_n3A_1092 = arith.select %ne3A_1087, %roll3A_1089, %roll3A_1091 : vector<16x1024xi1>, vector<16x1024xf32>
    %and3A_1093 = arith.constant 4 : i32
    %and3A_1094 = vector.broadcast %and3A_1093 : i32 to vector<16x1024xi32>
    %and3A_1095 = arith.andi %iota3A, %and3A_1094 : vector<16x1024xi32>
    %ne3A_1096 = arith.constant 0 : i32
    %ne3A_1097 = vector.broadcast %ne3A_1096 : i32 to vector<16x1024xi32>
    %ne3A_1098 = arith.cmpi ne, %and3A_1095, %ne3A_1097 : vector<16x1024xi32>
    %roll3A_1099 = arith.constant 4 : i32
    %roll3A_1100 = tpu.dynamic_rotate %select_n3A_1081 by %roll3A_1099 dim 1 : vector<16x1024xi32>, i32 -> vector<16x1024xi32>
    %roll3A_1101 = arith.constant 1020 : i32
    %roll3A_1102 = tpu.dynamic_rotate %select_n3A_1081 by %roll3A_1101 dim 1 : vector<16x1024xi32>, i32 -> vector<16x1024xi32>
    %select_n3A_1103 = arith.select %ne3A_1098, %roll3A_1100, %roll3A_1102 : vector<16x1024xi1>, vector<16x1024xi32>
    %and3A_1104 = arith.constant 4 : i32
    %and3A_1105 = vector.broadcast %and3A_1104 : i32 to vector<16x1024xi32>
    %and3A_1106 = arith.andi %iota3A, %and3A_1105 : vector<16x1024xi32>
    %ne3A_1107 = arith.constant 0 : i32
    %ne3A_1108 = vector.broadcast %ne3A_1107 : i32 to vector<16x1024xi32>
    %ne3A_1109 = arith.cmpi ne, %and3A_1106, %ne3A_1108 : vector<16x1024xi32>
    %and3A_1110 = arith.constant 128 : i32
    %and3A_1111 = vector.broadcast %and3A_1110 : i32 to vector<16x1024xi32>
    %and3A_1112 = arith.andi %iota3A, %and3A_1111 : vector<16x1024xi32>
    %ne3A_1113 = arith.constant 0 : i32
    %ne3A_1114 = vector.broadcast %ne3A_1113 : i32 to vector<16x1024xi32>
    %ne3A_1115 = arith.cmpi ne, %and3A_1112, %ne3A_1114 : vector<16x1024xi32>
    %gt3A_1116 = arith.cmpf ogt, %select_n3A_1092, %select_n3A_1080 : vector<16x1024xf32>
    %eq3A_1117 = arith.cmpf oeq, %select_n3A_1092, %select_n3A_1080 : vector<16x1024xf32>
    %lt3A_1118 = arith.cmpi slt, %select_n3A_1103, %select_n3A_1081 : vector<16x1024xi32>
    %and3A_1119 = arith.andi %eq3A_1117, %lt3A_1118 : vector<16x1024xi1>
    %or3A_1120 = arith.ori %gt3A_1116, %and3A_1119 : vector<16x1024xi1>
    %xor3A_1121 = arith.xori %or3A_1120, %ne3A_1109 : vector<16x1024xi1>
    %xor3A_1122 = arith.xori %xor3A_1121, %ne3A_1115 : vector<16x1024xi1>
    %select_n3A_1123 = arith.select %xor3A_1122, %select_n3A_1092, %select_n3A_1080 : vector<16x1024xi1>, vector<16x1024xf32>
    %select_n3A_1124 = arith.select %xor3A_1122, %select_n3A_1103, %select_n3A_1081 : vector<16x1024xi1>, vector<16x1024xi32>
    %and3A_1125 = arith.constant 2 : i32
    %and3A_1126 = vector.broadcast %and3A_1125 : i32 to vector<16x1024xi32>
    %and3A_1127 = arith.andi %iota3A, %and3A_1126 : vector<16x1024xi32>
    %ne3A_1128 = arith.constant 0 : i32
    %ne3A_1129 = vector.broadcast %ne3A_1128 : i32 to vector<16x1024xi32>
    %ne3A_1130 = arith.cmpi ne, %and3A_1127, %ne3A_1129 : vector<16x1024xi32>
    %roll3A_1131 = arith.constant 2 : i32
    %roll3A_1132 = tpu.dynamic_rotate %select_n3A_1123 by %roll3A_1131 dim 1 : vector<16x1024xf32>, i32 -> vector<16x1024xf32>
    %roll3A_1133 = arith.constant 1022 : i32
    %roll3A_1134 = tpu.dynamic_rotate %select_n3A_1123 by %roll3A_1133 dim 1 : vector<16x1024xf32>, i32 -> vector<16x1024xf32>
    %select_n3A_1135 = arith.select %ne3A_1130, %roll3A_1132, %roll3A_1134 : vector<16x1024xi1>, vector<16x1024xf32>
    %and3A_1136 = arith.constant 2 : i32
    %and3A_1137 = vector.broadcast %and3A_1136 : i32 to vector<16x1024xi32>
    %and3A_1138 = arith.andi %iota3A, %and3A_1137 : vector<16x1024xi32>
    %ne3A_1139 = arith.constant 0 : i32
    %ne3A_1140 = vector.broadcast %ne3A_1139 : i32 to vector<16x1024xi32>
    %ne3A_1141 = arith.cmpi ne, %and3A_1138, %ne3A_1140 : vector<16x1024xi32>
    %roll3A_1142 = arith.constant 2 : i32
    %roll3A_1143 = tpu.dynamic_rotate %select_n3A_1124 by %roll3A_1142 dim 1 : vector<16x1024xi32>, i32 -> vector<16x1024xi32>
    %roll3A_1144 = arith.constant 1022 : i32
    %roll3A_1145 = tpu.dynamic_rotate %select_n3A_1124 by %roll3A_1144 dim 1 : vector<16x1024xi32>, i32 -> vector<16x1024xi32>
    %select_n3A_1146 = arith.select %ne3A_1141, %roll3A_1143, %roll3A_1145 : vector<16x1024xi1>, vector<16x1024xi32>
    %and3A_1147 = arith.constant 2 : i32
    %and3A_1148 = vector.broadcast %and3A_1147 : i32 to vector<16x1024xi32>
    %and3A_1149 = arith.andi %iota3A, %and3A_1148 : vector<16x1024xi32>
    %ne3A_1150 = arith.constant 0 : i32
    %ne3A_1151 = vector.broadcast %ne3A_1150 : i32 to vector<16x1024xi32>
    %ne3A_1152 = arith.cmpi ne, %and3A_1149, %ne3A_1151 : vector<16x1024xi32>
    %and3A_1153 = arith.constant 128 : i32
    %and3A_1154 = vector.broadcast %and3A_1153 : i32 to vector<16x1024xi32>
    %and3A_1155 = arith.andi %iota3A, %and3A_1154 : vector<16x1024xi32>
    %ne3A_1156 = arith.constant 0 : i32
    %ne3A_1157 = vector.broadcast %ne3A_1156 : i32 to vector<16x1024xi32>
    %ne3A_1158 = arith.cmpi ne, %and3A_1155, %ne3A_1157 : vector<16x1024xi32>
    %gt3A_1159 = arith.cmpf ogt, %select_n3A_1135, %select_n3A_1123 : vector<16x1024xf32>
    %eq3A_1160 = arith.cmpf oeq, %select_n3A_1135, %select_n3A_1123 : vector<16x1024xf32>
    %lt3A_1161 = arith.cmpi slt, %select_n3A_1146, %select_n3A_1124 : vector<16x1024xi32>
    %and3A_1162 = arith.andi %eq3A_1160, %lt3A_1161 : vector<16x1024xi1>
    %or3A_1163 = arith.ori %gt3A_1159, %and3A_1162 : vector<16x1024xi1>
    %xor3A_1164 = arith.xori %or3A_1163, %ne3A_1152 : vector<16x1024xi1>
    %xor3A_1165 = arith.xori %xor3A_1164, %ne3A_1158 : vector<16x1024xi1>
    %select_n3A_1166 = arith.select %xor3A_1165, %select_n3A_1135, %select_n3A_1123 : vector<16x1024xi1>, vector<16x1024xf32>
    %select_n3A_1167 = arith.select %xor3A_1165, %select_n3A_1146, %select_n3A_1124 : vector<16x1024xi1>, vector<16x1024xi32>
    %and3A_1168 = arith.constant 1 : i32
    %and3A_1169 = vector.broadcast %and3A_1168 : i32 to vector<16x1024xi32>
    %and3A_1170 = arith.andi %iota3A, %and3A_1169 : vector<16x1024xi32>
    %ne3A_1171 = arith.constant 0 : i32
    %ne3A_1172 = vector.broadcast %ne3A_1171 : i32 to vector<16x1024xi32>
    %ne3A_1173 = arith.cmpi ne, %and3A_1170, %ne3A_1172 : vector<16x1024xi32>
    %roll3A_1174 = arith.constant 1 : i32
    %roll3A_1175 = tpu.dynamic_rotate %select_n3A_1166 by %roll3A_1174 dim 1 : vector<16x1024xf32>, i32 -> vector<16x1024xf32>
    %roll3A_1176 = arith.constant 1023 : i32
    %roll3A_1177 = tpu.dynamic_rotate %select_n3A_1166 by %roll3A_1176 dim 1 : vector<16x1024xf32>, i32 -> vector<16x1024xf32>
    %select_n3A_1178 = arith.select %ne3A_1173, %roll3A_1175, %roll3A_1177 : vector<16x1024xi1>, vector<16x1024xf32>
    %and3A_1179 = arith.constant 1 : i32
    %and3A_1180 = vector.broadcast %and3A_1179 : i32 to vector<16x1024xi32>
    %and3A_1181 = arith.andi %iota3A, %and3A_1180 : vector<16x1024xi32>
    %ne3A_1182 = arith.constant 0 : i32
    %ne3A_1183 = vector.broadcast %ne3A_1182 : i32 to vector<16x1024xi32>
    %ne3A_1184 = arith.cmpi ne, %and3A_1181, %ne3A_1183 : vector<16x1024xi32>
    %roll3A_1185 = arith.constant 1 : i32
    %roll3A_1186 = tpu.dynamic_rotate %select_n3A_1167 by %roll3A_1185 dim 1 : vector<16x1024xi32>, i32 -> vector<16x1024xi32>
    %roll3A_1187 = arith.constant 1023 : i32
    %roll3A_1188 = tpu.dynamic_rotate %select_n3A_1167 by %roll3A_1187 dim 1 : vector<16x1024xi32>, i32 -> vector<16x1024xi32>
    %select_n3A_1189 = arith.select %ne3A_1184, %roll3A_1186, %roll3A_1188 : vector<16x1024xi1>, vector<16x1024xi32>
    %and3A_1190 = arith.constant 1 : i32
    %and3A_1191 = vector.broadcast %and3A_1190 : i32 to vector<16x1024xi32>
    %and3A_1192 = arith.andi %iota3A, %and3A_1191 : vector<16x1024xi32>
    %ne3A_1193 = arith.constant 0 : i32
    %ne3A_1194 = vector.broadcast %ne3A_1193 : i32 to vector<16x1024xi32>
    %ne3A_1195 = arith.cmpi ne, %and3A_1192, %ne3A_1194 : vector<16x1024xi32>
    %and3A_1196 = arith.constant 128 : i32
    %and3A_1197 = vector.broadcast %and3A_1196 : i32 to vector<16x1024xi32>
    %and3A_1198 = arith.andi %iota3A, %and3A_1197 : vector<16x1024xi32>
    %ne3A_1199 = arith.constant 0 : i32
    %ne3A_1200 = vector.broadcast %ne3A_1199 : i32 to vector<16x1024xi32>
    %ne3A_1201 = arith.cmpi ne, %and3A_1198, %ne3A_1200 : vector<16x1024xi32>
    %gt3A_1202 = arith.cmpf ogt, %select_n3A_1178, %select_n3A_1166 : vector<16x1024xf32>
    %eq3A_1203 = arith.cmpf oeq, %select_n3A_1178, %select_n3A_1166 : vector<16x1024xf32>
    %lt3A_1204 = arith.cmpi slt, %select_n3A_1189, %select_n3A_1167 : vector<16x1024xi32>
    %and3A_1205 = arith.andi %eq3A_1203, %lt3A_1204 : vector<16x1024xi1>
    %or3A_1206 = arith.ori %gt3A_1202, %and3A_1205 : vector<16x1024xi1>
    %xor3A_1207 = arith.xori %or3A_1206, %ne3A_1195 : vector<16x1024xi1>
    %xor3A_1208 = arith.xori %xor3A_1207, %ne3A_1201 : vector<16x1024xi1>
    %select_n3A_1209 = arith.select %xor3A_1208, %select_n3A_1178, %select_n3A_1166 : vector<16x1024xi1>, vector<16x1024xf32>
    %select_n3A_1210 = arith.select %xor3A_1208, %select_n3A_1189, %select_n3A_1167 : vector<16x1024xi1>, vector<16x1024xi32>
    %and3A_1211 = arith.constant 128 : i32
    %and3A_1212 = vector.broadcast %and3A_1211 : i32 to vector<16x1024xi32>
    %and3A_1213 = arith.andi %iota3A, %and3A_1212 : vector<16x1024xi32>
    %ne3A_1214 = arith.constant 0 : i32
    %ne3A_1215 = vector.broadcast %ne3A_1214 : i32 to vector<16x1024xi32>
    %ne3A_1216 = arith.cmpi ne, %and3A_1213, %ne3A_1215 : vector<16x1024xi32>
    %roll3A_1217 = arith.constant 128 : i32
    %roll3A_1218 = tpu.dynamic_rotate %select_n3A_1209 by %roll3A_1217 dim 1 : vector<16x1024xf32>, i32 -> vector<16x1024xf32>
    %roll3A_1219 = arith.constant 896 : i32
    %roll3A_1220 = tpu.dynamic_rotate %select_n3A_1209 by %roll3A_1219 dim 1 : vector<16x1024xf32>, i32 -> vector<16x1024xf32>
    %select_n3A_1221 = arith.select %ne3A_1216, %roll3A_1218, %roll3A_1220 : vector<16x1024xi1>, vector<16x1024xf32>
    %and3A_1222 = arith.constant 128 : i32
    %and3A_1223 = vector.broadcast %and3A_1222 : i32 to vector<16x1024xi32>
    %and3A_1224 = arith.andi %iota3A, %and3A_1223 : vector<16x1024xi32>
    %ne3A_1225 = arith.constant 0 : i32
    %ne3A_1226 = vector.broadcast %ne3A_1225 : i32 to vector<16x1024xi32>
    %ne3A_1227 = arith.cmpi ne, %and3A_1224, %ne3A_1226 : vector<16x1024xi32>
    %roll3A_1228 = arith.constant 128 : i32
    %roll3A_1229 = tpu.dynamic_rotate %select_n3A_1210 by %roll3A_1228 dim 1 : vector<16x1024xi32>, i32 -> vector<16x1024xi32>
    %roll3A_1230 = arith.constant 896 : i32
    %roll3A_1231 = tpu.dynamic_rotate %select_n3A_1210 by %roll3A_1230 dim 1 : vector<16x1024xi32>, i32 -> vector<16x1024xi32>
    %select_n3A_1232 = arith.select %ne3A_1227, %roll3A_1229, %roll3A_1231 : vector<16x1024xi1>, vector<16x1024xi32>
    %and3A_1233 = arith.constant 128 : i32
    %and3A_1234 = vector.broadcast %and3A_1233 : i32 to vector<16x1024xi32>
    %and3A_1235 = arith.andi %iota3A, %and3A_1234 : vector<16x1024xi32>
    %ne3A_1236 = arith.constant 0 : i32
    %ne3A_1237 = vector.broadcast %ne3A_1236 : i32 to vector<16x1024xi32>
    %ne3A_1238 = arith.cmpi ne, %and3A_1235, %ne3A_1237 : vector<16x1024xi32>
    %and3A_1239 = arith.constant 256 : i32
    %and3A_1240 = vector.broadcast %and3A_1239 : i32 to vector<16x1024xi32>
    %and3A_1241 = arith.andi %iota3A, %and3A_1240 : vector<16x1024xi32>
    %ne3A_1242 = arith.constant 0 : i32
    %ne3A_1243 = vector.broadcast %ne3A_1242 : i32 to vector<16x1024xi32>
    %ne3A_1244 = arith.cmpi ne, %and3A_1241, %ne3A_1243 : vector<16x1024xi32>
    %gt3A_1245 = arith.cmpf ogt, %select_n3A_1221, %select_n3A_1209 : vector<16x1024xf32>
    %eq3A_1246 = arith.cmpf oeq, %select_n3A_1221, %select_n3A_1209 : vector<16x1024xf32>
    %lt3A_1247 = arith.cmpi slt, %select_n3A_1232, %select_n3A_1210 : vector<16x1024xi32>
    %and3A_1248 = arith.andi %eq3A_1246, %lt3A_1247 : vector<16x1024xi1>
    %or3A_1249 = arith.ori %gt3A_1245, %and3A_1248 : vector<16x1024xi1>
    %xor3A_1250 = arith.xori %or3A_1249, %ne3A_1238 : vector<16x1024xi1>
    %xor3A_1251 = arith.xori %xor3A_1250, %ne3A_1244 : vector<16x1024xi1>
    %select_n3A_1252 = arith.select %xor3A_1251, %select_n3A_1221, %select_n3A_1209 : vector<16x1024xi1>, vector<16x1024xf32>
    %select_n3A_1253 = arith.select %xor3A_1251, %select_n3A_1232, %select_n3A_1210 : vector<16x1024xi1>, vector<16x1024xi32>
    %and3A_1254 = arith.constant 64 : i32
    %and3A_1255 = vector.broadcast %and3A_1254 : i32 to vector<16x1024xi32>
    %and3A_1256 = arith.andi %iota3A, %and3A_1255 : vector<16x1024xi32>
    %ne3A_1257 = arith.constant 0 : i32
    %ne3A_1258 = vector.broadcast %ne3A_1257 : i32 to vector<16x1024xi32>
    %ne3A_1259 = arith.cmpi ne, %and3A_1256, %ne3A_1258 : vector<16x1024xi32>
    %roll3A_1260 = arith.constant 64 : i32
    %roll3A_1261 = tpu.dynamic_rotate %select_n3A_1252 by %roll3A_1260 dim 1 : vector<16x1024xf32>, i32 -> vector<16x1024xf32>
    %roll3A_1262 = arith.constant 960 : i32
    %roll3A_1263 = tpu.dynamic_rotate %select_n3A_1252 by %roll3A_1262 dim 1 : vector<16x1024xf32>, i32 -> vector<16x1024xf32>
    %select_n3A_1264 = arith.select %ne3A_1259, %roll3A_1261, %roll3A_1263 : vector<16x1024xi1>, vector<16x1024xf32>
    %and3A_1265 = arith.constant 64 : i32
    %and3A_1266 = vector.broadcast %and3A_1265 : i32 to vector<16x1024xi32>
    %and3A_1267 = arith.andi %iota3A, %and3A_1266 : vector<16x1024xi32>
    %ne3A_1268 = arith.constant 0 : i32
    %ne3A_1269 = vector.broadcast %ne3A_1268 : i32 to vector<16x1024xi32>
    %ne3A_1270 = arith.cmpi ne, %and3A_1267, %ne3A_1269 : vector<16x1024xi32>
    %roll3A_1271 = arith.constant 64 : i32
    %roll3A_1272 = tpu.dynamic_rotate %select_n3A_1253 by %roll3A_1271 dim 1 : vector<16x1024xi32>, i32 -> vector<16x1024xi32>
    %roll3A_1273 = arith.constant 960 : i32
    %roll3A_1274 = tpu.dynamic_rotate %select_n3A_1253 by %roll3A_1273 dim 1 : vector<16x1024xi32>, i32 -> vector<16x1024xi32>
    %select_n3A_1275 = arith.select %ne3A_1270, %roll3A_1272, %roll3A_1274 : vector<16x1024xi1>, vector<16x1024xi32>
    %and3A_1276 = arith.constant 64 : i32
    %and3A_1277 = vector.broadcast %and3A_1276 : i32 to vector<16x1024xi32>
    %and3A_1278 = arith.andi %iota3A, %and3A_1277 : vector<16x1024xi32>
    %ne3A_1279 = arith.constant 0 : i32
    %ne3A_1280 = vector.broadcast %ne3A_1279 : i32 to vector<16x1024xi32>
    %ne3A_1281 = arith.cmpi ne, %and3A_1278, %ne3A_1280 : vector<16x1024xi32>
    %and3A_1282 = arith.constant 256 : i32
    %and3A_1283 = vector.broadcast %and3A_1282 : i32 to vector<16x1024xi32>
    %and3A_1284 = arith.andi %iota3A, %and3A_1283 : vector<16x1024xi32>
    %ne3A_1285 = arith.constant 0 : i32
    %ne3A_1286 = vector.broadcast %ne3A_1285 : i32 to vector<16x1024xi32>
    %ne3A_1287 = arith.cmpi ne, %and3A_1284, %ne3A_1286 : vector<16x1024xi32>
    %gt3A_1288 = arith.cmpf ogt, %select_n3A_1264, %select_n3A_1252 : vector<16x1024xf32>
    %eq3A_1289 = arith.cmpf oeq, %select_n3A_1264, %select_n3A_1252 : vector<16x1024xf32>
    %lt3A_1290 = arith.cmpi slt, %select_n3A_1275, %select_n3A_1253 : vector<16x1024xi32>
    %and3A_1291 = arith.andi %eq3A_1289, %lt3A_1290 : vector<16x1024xi1>
    %or3A_1292 = arith.ori %gt3A_1288, %and3A_1291 : vector<16x1024xi1>
    %xor3A_1293 = arith.xori %or3A_1292, %ne3A_1281 : vector<16x1024xi1>
    %xor3A_1294 = arith.xori %xor3A_1293, %ne3A_1287 : vector<16x1024xi1>
    %select_n3A_1295 = arith.select %xor3A_1294, %select_n3A_1264, %select_n3A_1252 : vector<16x1024xi1>, vector<16x1024xf32>
    %select_n3A_1296 = arith.select %xor3A_1294, %select_n3A_1275, %select_n3A_1253 : vector<16x1024xi1>, vector<16x1024xi32>
    %and3A_1297 = arith.constant 32 : i32
    %and3A_1298 = vector.broadcast %and3A_1297 : i32 to vector<16x1024xi32>
    %and3A_1299 = arith.andi %iota3A, %and3A_1298 : vector<16x1024xi32>
    %ne3A_1300 = arith.constant 0 : i32
    %ne3A_1301 = vector.broadcast %ne3A_1300 : i32 to vector<16x1024xi32>
    %ne3A_1302 = arith.cmpi ne, %and3A_1299, %ne3A_1301 : vector<16x1024xi32>
    %roll3A_1303 = arith.constant 32 : i32
    %roll3A_1304 = tpu.dynamic_rotate %select_n3A_1295 by %roll3A_1303 dim 1 : vector<16x1024xf32>, i32 -> vector<16x1024xf32>
    %roll3A_1305 = arith.constant 992 : i32
    %roll3A_1306 = tpu.dynamic_rotate %select_n3A_1295 by %roll3A_1305 dim 1 : vector<16x1024xf32>, i32 -> vector<16x1024xf32>
    %select_n3A_1307 = arith.select %ne3A_1302, %roll3A_1304, %roll3A_1306 : vector<16x1024xi1>, vector<16x1024xf32>
    %and3A_1308 = arith.constant 32 : i32
    %and3A_1309 = vector.broadcast %and3A_1308 : i32 to vector<16x1024xi32>
    %and3A_1310 = arith.andi %iota3A, %and3A_1309 : vector<16x1024xi32>
    %ne3A_1311 = arith.constant 0 : i32
    %ne3A_1312 = vector.broadcast %ne3A_1311 : i32 to vector<16x1024xi32>
    %ne3A_1313 = arith.cmpi ne, %and3A_1310, %ne3A_1312 : vector<16x1024xi32>
    %roll3A_1314 = arith.constant 32 : i32
    %roll3A_1315 = tpu.dynamic_rotate %select_n3A_1296 by %roll3A_1314 dim 1 : vector<16x1024xi32>, i32 -> vector<16x1024xi32>
    %roll3A_1316 = arith.constant 992 : i32
    %roll3A_1317 = tpu.dynamic_rotate %select_n3A_1296 by %roll3A_1316 dim 1 : vector<16x1024xi32>, i32 -> vector<16x1024xi32>
    %select_n3A_1318 = arith.select %ne3A_1313, %roll3A_1315, %roll3A_1317 : vector<16x1024xi1>, vector<16x1024xi32>
    %and3A_1319 = arith.constant 32 : i32
    %and3A_1320 = vector.broadcast %and3A_1319 : i32 to vector<16x1024xi32>
    %and3A_1321 = arith.andi %iota3A, %and3A_1320 : vector<16x1024xi32>
    %ne3A_1322 = arith.constant 0 : i32
    %ne3A_1323 = vector.broadcast %ne3A_1322 : i32 to vector<16x1024xi32>
    %ne3A_1324 = arith.cmpi ne, %and3A_1321, %ne3A_1323 : vector<16x1024xi32>
    %and3A_1325 = arith.constant 256 : i32
    %and3A_1326 = vector.broadcast %and3A_1325 : i32 to vector<16x1024xi32>
    %and3A_1327 = arith.andi %iota3A, %and3A_1326 : vector<16x1024xi32>
    %ne3A_1328 = arith.constant 0 : i32
    %ne3A_1329 = vector.broadcast %ne3A_1328 : i32 to vector<16x1024xi32>
    %ne3A_1330 = arith.cmpi ne, %and3A_1327, %ne3A_1329 : vector<16x1024xi32>
    %gt3A_1331 = arith.cmpf ogt, %select_n3A_1307, %select_n3A_1295 : vector<16x1024xf32>
    %eq3A_1332 = arith.cmpf oeq, %select_n3A_1307, %select_n3A_1295 : vector<16x1024xf32>
    %lt3A_1333 = arith.cmpi slt, %select_n3A_1318, %select_n3A_1296 : vector<16x1024xi32>
    %and3A_1334 = arith.andi %eq3A_1332, %lt3A_1333 : vector<16x1024xi1>
    %or3A_1335 = arith.ori %gt3A_1331, %and3A_1334 : vector<16x1024xi1>
    %xor3A_1336 = arith.xori %or3A_1335, %ne3A_1324 : vector<16x1024xi1>
    %xor3A_1337 = arith.xori %xor3A_1336, %ne3A_1330 : vector<16x1024xi1>
    %select_n3A_1338 = arith.select %xor3A_1337, %select_n3A_1307, %select_n3A_1295 : vector<16x1024xi1>, vector<16x1024xf32>
    %select_n3A_1339 = arith.select %xor3A_1337, %select_n3A_1318, %select_n3A_1296 : vector<16x1024xi1>, vector<16x1024xi32>
    %and3A_1340 = arith.constant 16 : i32
    %and3A_1341 = vector.broadcast %and3A_1340 : i32 to vector<16x1024xi32>
    %and3A_1342 = arith.andi %iota3A, %and3A_1341 : vector<16x1024xi32>
    %ne3A_1343 = arith.constant 0 : i32
    %ne3A_1344 = vector.broadcast %ne3A_1343 : i32 to vector<16x1024xi32>
    %ne3A_1345 = arith.cmpi ne, %and3A_1342, %ne3A_1344 : vector<16x1024xi32>
    %roll3A_1346 = arith.constant 16 : i32
    %roll3A_1347 = tpu.dynamic_rotate %select_n3A_1338 by %roll3A_1346 dim 1 : vector<16x1024xf32>, i32 -> vector<16x1024xf32>
    %roll3A_1348 = arith.constant 1008 : i32
    %roll3A_1349 = tpu.dynamic_rotate %select_n3A_1338 by %roll3A_1348 dim 1 : vector<16x1024xf32>, i32 -> vector<16x1024xf32>
    %select_n3A_1350 = arith.select %ne3A_1345, %roll3A_1347, %roll3A_1349 : vector<16x1024xi1>, vector<16x1024xf32>
    %and3A_1351 = arith.constant 16 : i32
    %and3A_1352 = vector.broadcast %and3A_1351 : i32 to vector<16x1024xi32>
    %and3A_1353 = arith.andi %iota3A, %and3A_1352 : vector<16x1024xi32>
    %ne3A_1354 = arith.constant 0 : i32
    %ne3A_1355 = vector.broadcast %ne3A_1354 : i32 to vector<16x1024xi32>
    %ne3A_1356 = arith.cmpi ne, %and3A_1353, %ne3A_1355 : vector<16x1024xi32>
    %roll3A_1357 = arith.constant 16 : i32
    %roll3A_1358 = tpu.dynamic_rotate %select_n3A_1339 by %roll3A_1357 dim 1 : vector<16x1024xi32>, i32 -> vector<16x1024xi32>
    %roll3A_1359 = arith.constant 1008 : i32
    %roll3A_1360 = tpu.dynamic_rotate %select_n3A_1339 by %roll3A_1359 dim 1 : vector<16x1024xi32>, i32 -> vector<16x1024xi32>
    %select_n3A_1361 = arith.select %ne3A_1356, %roll3A_1358, %roll3A_1360 : vector<16x1024xi1>, vector<16x1024xi32>
    %and3A_1362 = arith.constant 16 : i32
    %and3A_1363 = vector.broadcast %and3A_1362 : i32 to vector<16x1024xi32>
    %and3A_1364 = arith.andi %iota3A, %and3A_1363 : vector<16x1024xi32>
    %ne3A_1365 = arith.constant 0 : i32
    %ne3A_1366 = vector.broadcast %ne3A_1365 : i32 to vector<16x1024xi32>
    %ne3A_1367 = arith.cmpi ne, %and3A_1364, %ne3A_1366 : vector<16x1024xi32>
    %and3A_1368 = arith.constant 256 : i32
    %and3A_1369 = vector.broadcast %and3A_1368 : i32 to vector<16x1024xi32>
    %and3A_1370 = arith.andi %iota3A, %and3A_1369 : vector<16x1024xi32>
    %ne3A_1371 = arith.constant 0 : i32
    %ne3A_1372 = vector.broadcast %ne3A_1371 : i32 to vector<16x1024xi32>
    %ne3A_1373 = arith.cmpi ne, %and3A_1370, %ne3A_1372 : vector<16x1024xi32>
    %gt3A_1374 = arith.cmpf ogt, %select_n3A_1350, %select_n3A_1338 : vector<16x1024xf32>
    %eq3A_1375 = arith.cmpf oeq, %select_n3A_1350, %select_n3A_1338 : vector<16x1024xf32>
    %lt3A_1376 = arith.cmpi slt, %select_n3A_1361, %select_n3A_1339 : vector<16x1024xi32>
    %and3A_1377 = arith.andi %eq3A_1375, %lt3A_1376 : vector<16x1024xi1>
    %or3A_1378 = arith.ori %gt3A_1374, %and3A_1377 : vector<16x1024xi1>
    %xor3A_1379 = arith.xori %or3A_1378, %ne3A_1367 : vector<16x1024xi1>
    %xor3A_1380 = arith.xori %xor3A_1379, %ne3A_1373 : vector<16x1024xi1>
    %select_n3A_1381 = arith.select %xor3A_1380, %select_n3A_1350, %select_n3A_1338 : vector<16x1024xi1>, vector<16x1024xf32>
    %select_n3A_1382 = arith.select %xor3A_1380, %select_n3A_1361, %select_n3A_1339 : vector<16x1024xi1>, vector<16x1024xi32>
    %and3A_1383 = arith.constant 8 : i32
    %and3A_1384 = vector.broadcast %and3A_1383 : i32 to vector<16x1024xi32>
    %and3A_1385 = arith.andi %iota3A, %and3A_1384 : vector<16x1024xi32>
    %ne3A_1386 = arith.constant 0 : i32
    %ne3A_1387 = vector.broadcast %ne3A_1386 : i32 to vector<16x1024xi32>
    %ne3A_1388 = arith.cmpi ne, %and3A_1385, %ne3A_1387 : vector<16x1024xi32>
    %roll3A_1389 = arith.constant 8 : i32
    %roll3A_1390 = tpu.dynamic_rotate %select_n3A_1381 by %roll3A_1389 dim 1 : vector<16x1024xf32>, i32 -> vector<16x1024xf32>
    %roll3A_1391 = arith.constant 1016 : i32
    %roll3A_1392 = tpu.dynamic_rotate %select_n3A_1381 by %roll3A_1391 dim 1 : vector<16x1024xf32>, i32 -> vector<16x1024xf32>
    %select_n3A_1393 = arith.select %ne3A_1388, %roll3A_1390, %roll3A_1392 : vector<16x1024xi1>, vector<16x1024xf32>
    %and3A_1394 = arith.constant 8 : i32
    %and3A_1395 = vector.broadcast %and3A_1394 : i32 to vector<16x1024xi32>
    %and3A_1396 = arith.andi %iota3A, %and3A_1395 : vector<16x1024xi32>
    %ne3A_1397 = arith.constant 0 : i32
    %ne3A_1398 = vector.broadcast %ne3A_1397 : i32 to vector<16x1024xi32>
    %ne3A_1399 = arith.cmpi ne, %and3A_1396, %ne3A_1398 : vector<16x1024xi32>
    %roll3A_1400 = arith.constant 8 : i32
    %roll3A_1401 = tpu.dynamic_rotate %select_n3A_1382 by %roll3A_1400 dim 1 : vector<16x1024xi32>, i32 -> vector<16x1024xi32>
    %roll3A_1402 = arith.constant 1016 : i32
    %roll3A_1403 = tpu.dynamic_rotate %select_n3A_1382 by %roll3A_1402 dim 1 : vector<16x1024xi32>, i32 -> vector<16x1024xi32>
    %select_n3A_1404 = arith.select %ne3A_1399, %roll3A_1401, %roll3A_1403 : vector<16x1024xi1>, vector<16x1024xi32>
    %and3A_1405 = arith.constant 8 : i32
    %and3A_1406 = vector.broadcast %and3A_1405 : i32 to vector<16x1024xi32>
    %and3A_1407 = arith.andi %iota3A, %and3A_1406 : vector<16x1024xi32>
    %ne3A_1408 = arith.constant 0 : i32
    %ne3A_1409 = vector.broadcast %ne3A_1408 : i32 to vector<16x1024xi32>
    %ne3A_1410 = arith.cmpi ne, %and3A_1407, %ne3A_1409 : vector<16x1024xi32>
    %and3A_1411 = arith.constant 256 : i32
    %and3A_1412 = vector.broadcast %and3A_1411 : i32 to vector<16x1024xi32>
    %and3A_1413 = arith.andi %iota3A, %and3A_1412 : vector<16x1024xi32>
    %ne3A_1414 = arith.constant 0 : i32
    %ne3A_1415 = vector.broadcast %ne3A_1414 : i32 to vector<16x1024xi32>
    %ne3A_1416 = arith.cmpi ne, %and3A_1413, %ne3A_1415 : vector<16x1024xi32>
    %gt3A_1417 = arith.cmpf ogt, %select_n3A_1393, %select_n3A_1381 : vector<16x1024xf32>
    %eq3A_1418 = arith.cmpf oeq, %select_n3A_1393, %select_n3A_1381 : vector<16x1024xf32>
    %lt3A_1419 = arith.cmpi slt, %select_n3A_1404, %select_n3A_1382 : vector<16x1024xi32>
    %and3A_1420 = arith.andi %eq3A_1418, %lt3A_1419 : vector<16x1024xi1>
    %or3A_1421 = arith.ori %gt3A_1417, %and3A_1420 : vector<16x1024xi1>
    %xor3A_1422 = arith.xori %or3A_1421, %ne3A_1410 : vector<16x1024xi1>
    %xor3A_1423 = arith.xori %xor3A_1422, %ne3A_1416 : vector<16x1024xi1>
    %select_n3A_1424 = arith.select %xor3A_1423, %select_n3A_1393, %select_n3A_1381 : vector<16x1024xi1>, vector<16x1024xf32>
    %select_n3A_1425 = arith.select %xor3A_1423, %select_n3A_1404, %select_n3A_1382 : vector<16x1024xi1>, vector<16x1024xi32>
    %and3A_1426 = arith.constant 4 : i32
    %and3A_1427 = vector.broadcast %and3A_1426 : i32 to vector<16x1024xi32>
    %and3A_1428 = arith.andi %iota3A, %and3A_1427 : vector<16x1024xi32>
    %ne3A_1429 = arith.constant 0 : i32
    %ne3A_1430 = vector.broadcast %ne3A_1429 : i32 to vector<16x1024xi32>
    %ne3A_1431 = arith.cmpi ne, %and3A_1428, %ne3A_1430 : vector<16x1024xi32>
    %roll3A_1432 = arith.constant 4 : i32
    %roll3A_1433 = tpu.dynamic_rotate %select_n3A_1424 by %roll3A_1432 dim 1 : vector<16x1024xf32>, i32 -> vector<16x1024xf32>
    %roll3A_1434 = arith.constant 1020 : i32
    %roll3A_1435 = tpu.dynamic_rotate %select_n3A_1424 by %roll3A_1434 dim 1 : vector<16x1024xf32>, i32 -> vector<16x1024xf32>
    %select_n3A_1436 = arith.select %ne3A_1431, %roll3A_1433, %roll3A_1435 : vector<16x1024xi1>, vector<16x1024xf32>
    %and3A_1437 = arith.constant 4 : i32
    %and3A_1438 = vector.broadcast %and3A_1437 : i32 to vector<16x1024xi32>
    %and3A_1439 = arith.andi %iota3A, %and3A_1438 : vector<16x1024xi32>
    %ne3A_1440 = arith.constant 0 : i32
    %ne3A_1441 = vector.broadcast %ne3A_1440 : i32 to vector<16x1024xi32>
    %ne3A_1442 = arith.cmpi ne, %and3A_1439, %ne3A_1441 : vector<16x1024xi32>
    %roll3A_1443 = arith.constant 4 : i32
    %roll3A_1444 = tpu.dynamic_rotate %select_n3A_1425 by %roll3A_1443 dim 1 : vector<16x1024xi32>, i32 -> vector<16x1024xi32>
    %roll3A_1445 = arith.constant 1020 : i32
    %roll3A_1446 = tpu.dynamic_rotate %select_n3A_1425 by %roll3A_1445 dim 1 : vector<16x1024xi32>, i32 -> vector<16x1024xi32>
    %select_n3A_1447 = arith.select %ne3A_1442, %roll3A_1444, %roll3A_1446 : vector<16x1024xi1>, vector<16x1024xi32>
    %and3A_1448 = arith.constant 4 : i32
    %and3A_1449 = vector.broadcast %and3A_1448 : i32 to vector<16x1024xi32>
    %and3A_1450 = arith.andi %iota3A, %and3A_1449 : vector<16x1024xi32>
    %ne3A_1451 = arith.constant 0 : i32
    %ne3A_1452 = vector.broadcast %ne3A_1451 : i32 to vector<16x1024xi32>
    %ne3A_1453 = arith.cmpi ne, %and3A_1450, %ne3A_1452 : vector<16x1024xi32>
    %and3A_1454 = arith.constant 256 : i32
    %and3A_1455 = vector.broadcast %and3A_1454 : i32 to vector<16x1024xi32>
    %and3A_1456 = arith.andi %iota3A, %and3A_1455 : vector<16x1024xi32>
    %ne3A_1457 = arith.constant 0 : i32
    %ne3A_1458 = vector.broadcast %ne3A_1457 : i32 to vector<16x1024xi32>
    %ne3A_1459 = arith.cmpi ne, %and3A_1456, %ne3A_1458 : vector<16x1024xi32>
    %gt3A_1460 = arith.cmpf ogt, %select_n3A_1436, %select_n3A_1424 : vector<16x1024xf32>
    %eq3A_1461 = arith.cmpf oeq, %select_n3A_1436, %select_n3A_1424 : vector<16x1024xf32>
    %lt3A_1462 = arith.cmpi slt, %select_n3A_1447, %select_n3A_1425 : vector<16x1024xi32>
    %and3A_1463 = arith.andi %eq3A_1461, %lt3A_1462 : vector<16x1024xi1>
    %or3A_1464 = arith.ori %gt3A_1460, %and3A_1463 : vector<16x1024xi1>
    %xor3A_1465 = arith.xori %or3A_1464, %ne3A_1453 : vector<16x1024xi1>
    %xor3A_1466 = arith.xori %xor3A_1465, %ne3A_1459 : vector<16x1024xi1>
    %select_n3A_1467 = arith.select %xor3A_1466, %select_n3A_1436, %select_n3A_1424 : vector<16x1024xi1>, vector<16x1024xf32>
    %select_n3A_1468 = arith.select %xor3A_1466, %select_n3A_1447, %select_n3A_1425 : vector<16x1024xi1>, vector<16x1024xi32>
    %and3A_1469 = arith.constant 2 : i32
    %and3A_1470 = vector.broadcast %and3A_1469 : i32 to vector<16x1024xi32>
    %and3A_1471 = arith.andi %iota3A, %and3A_1470 : vector<16x1024xi32>
    %ne3A_1472 = arith.constant 0 : i32
    %ne3A_1473 = vector.broadcast %ne3A_1472 : i32 to vector<16x1024xi32>
    %ne3A_1474 = arith.cmpi ne, %and3A_1471, %ne3A_1473 : vector<16x1024xi32>
    %roll3A_1475 = arith.constant 2 : i32
    %roll3A_1476 = tpu.dynamic_rotate %select_n3A_1467 by %roll3A_1475 dim 1 : vector<16x1024xf32>, i32 -> vector<16x1024xf32>
    %roll3A_1477 = arith.constant 1022 : i32
    %roll3A_1478 = tpu.dynamic_rotate %select_n3A_1467 by %roll3A_1477 dim 1 : vector<16x1024xf32>, i32 -> vector<16x1024xf32>
    %select_n3A_1479 = arith.select %ne3A_1474, %roll3A_1476, %roll3A_1478 : vector<16x1024xi1>, vector<16x1024xf32>
    %and3A_1480 = arith.constant 2 : i32
    %and3A_1481 = vector.broadcast %and3A_1480 : i32 to vector<16x1024xi32>
    %and3A_1482 = arith.andi %iota3A, %and3A_1481 : vector<16x1024xi32>
    %ne3A_1483 = arith.constant 0 : i32
    %ne3A_1484 = vector.broadcast %ne3A_1483 : i32 to vector<16x1024xi32>
    %ne3A_1485 = arith.cmpi ne, %and3A_1482, %ne3A_1484 : vector<16x1024xi32>
    %roll3A_1486 = arith.constant 2 : i32
    %roll3A_1487 = tpu.dynamic_rotate %select_n3A_1468 by %roll3A_1486 dim 1 : vector<16x1024xi32>, i32 -> vector<16x1024xi32>
    %roll3A_1488 = arith.constant 1022 : i32
    %roll3A_1489 = tpu.dynamic_rotate %select_n3A_1468 by %roll3A_1488 dim 1 : vector<16x1024xi32>, i32 -> vector<16x1024xi32>
    %select_n3A_1490 = arith.select %ne3A_1485, %roll3A_1487, %roll3A_1489 : vector<16x1024xi1>, vector<16x1024xi32>
    %and3A_1491 = arith.constant 2 : i32
    %and3A_1492 = vector.broadcast %and3A_1491 : i32 to vector<16x1024xi32>
    %and3A_1493 = arith.andi %iota3A, %and3A_1492 : vector<16x1024xi32>
    %ne3A_1494 = arith.constant 0 : i32
    %ne3A_1495 = vector.broadcast %ne3A_1494 : i32 to vector<16x1024xi32>
    %ne3A_1496 = arith.cmpi ne, %and3A_1493, %ne3A_1495 : vector<16x1024xi32>
    %and3A_1497 = arith.constant 256 : i32
    %and3A_1498 = vector.broadcast %and3A_1497 : i32 to vector<16x1024xi32>
    %and3A_1499 = arith.andi %iota3A, %and3A_1498 : vector<16x1024xi32>
    %ne3A_1500 = arith.constant 0 : i32
    %ne3A_1501 = vector.broadcast %ne3A_1500 : i32 to vector<16x1024xi32>
    %ne3A_1502 = arith.cmpi ne, %and3A_1499, %ne3A_1501 : vector<16x1024xi32>
    %gt3A_1503 = arith.cmpf ogt, %select_n3A_1479, %select_n3A_1467 : vector<16x1024xf32>
    %eq3A_1504 = arith.cmpf oeq, %select_n3A_1479, %select_n3A_1467 : vector<16x1024xf32>
    %lt3A_1505 = arith.cmpi slt, %select_n3A_1490, %select_n3A_1468 : vector<16x1024xi32>
    %and3A_1506 = arith.andi %eq3A_1504, %lt3A_1505 : vector<16x1024xi1>
    %or3A_1507 = arith.ori %gt3A_1503, %and3A_1506 : vector<16x1024xi1>
    %xor3A_1508 = arith.xori %or3A_1507, %ne3A_1496 : vector<16x1024xi1>
    %xor3A_1509 = arith.xori %xor3A_1508, %ne3A_1502 : vector<16x1024xi1>
    %select_n3A_1510 = arith.select %xor3A_1509, %select_n3A_1479, %select_n3A_1467 : vector<16x1024xi1>, vector<16x1024xf32>
    %select_n3A_1511 = arith.select %xor3A_1509, %select_n3A_1490, %select_n3A_1468 : vector<16x1024xi1>, vector<16x1024xi32>
    %and3A_1512 = arith.constant 1 : i32
    %and3A_1513 = vector.broadcast %and3A_1512 : i32 to vector<16x1024xi32>
    %and3A_1514 = arith.andi %iota3A, %and3A_1513 : vector<16x1024xi32>
    %ne3A_1515 = arith.constant 0 : i32
    %ne3A_1516 = vector.broadcast %ne3A_1515 : i32 to vector<16x1024xi32>
    %ne3A_1517 = arith.cmpi ne, %and3A_1514, %ne3A_1516 : vector<16x1024xi32>
    %roll3A_1518 = arith.constant 1 : i32
    %roll3A_1519 = tpu.dynamic_rotate %select_n3A_1510 by %roll3A_1518 dim 1 : vector<16x1024xf32>, i32 -> vector<16x1024xf32>
    %roll3A_1520 = arith.constant 1023 : i32
    %roll3A_1521 = tpu.dynamic_rotate %select_n3A_1510 by %roll3A_1520 dim 1 : vector<16x1024xf32>, i32 -> vector<16x1024xf32>
    %select_n3A_1522 = arith.select %ne3A_1517, %roll3A_1519, %roll3A_1521 : vector<16x1024xi1>, vector<16x1024xf32>
    %and3A_1523 = arith.constant 1 : i32
    %and3A_1524 = vector.broadcast %and3A_1523 : i32 to vector<16x1024xi32>
    %and3A_1525 = arith.andi %iota3A, %and3A_1524 : vector<16x1024xi32>
    %ne3A_1526 = arith.constant 0 : i32
    %ne3A_1527 = vector.broadcast %ne3A_1526 : i32 to vector<16x1024xi32>
    %ne3A_1528 = arith.cmpi ne, %and3A_1525, %ne3A_1527 : vector<16x1024xi32>
    %roll3A_1529 = arith.constant 1 : i32
    %roll3A_1530 = tpu.dynamic_rotate %select_n3A_1511 by %roll3A_1529 dim 1 : vector<16x1024xi32>, i32 -> vector<16x1024xi32>
    %roll3A_1531 = arith.constant 1023 : i32
    %roll3A_1532 = tpu.dynamic_rotate %select_n3A_1511 by %roll3A_1531 dim 1 : vector<16x1024xi32>, i32 -> vector<16x1024xi32>
    %select_n3A_1533 = arith.select %ne3A_1528, %roll3A_1530, %roll3A_1532 : vector<16x1024xi1>, vector<16x1024xi32>
    %and3A_1534 = arith.constant 1 : i32
    %and3A_1535 = vector.broadcast %and3A_1534 : i32 to vector<16x1024xi32>
    %and3A_1536 = arith.andi %iota3A, %and3A_1535 : vector<16x1024xi32>
    %ne3A_1537 = arith.constant 0 : i32
    %ne3A_1538 = vector.broadcast %ne3A_1537 : i32 to vector<16x1024xi32>
    %ne3A_1539 = arith.cmpi ne, %and3A_1536, %ne3A_1538 : vector<16x1024xi32>
    %and3A_1540 = arith.constant 256 : i32
    %and3A_1541 = vector.broadcast %and3A_1540 : i32 to vector<16x1024xi32>
    %and3A_1542 = arith.andi %iota3A, %and3A_1541 : vector<16x1024xi32>
    %ne3A_1543 = arith.constant 0 : i32
    %ne3A_1544 = vector.broadcast %ne3A_1543 : i32 to vector<16x1024xi32>
    %ne3A_1545 = arith.cmpi ne, %and3A_1542, %ne3A_1544 : vector<16x1024xi32>
    %gt3A_1546 = arith.cmpf ogt, %select_n3A_1522, %select_n3A_1510 : vector<16x1024xf32>
    %eq3A_1547 = arith.cmpf oeq, %select_n3A_1522, %select_n3A_1510 : vector<16x1024xf32>
    %lt3A_1548 = arith.cmpi slt, %select_n3A_1533, %select_n3A_1511 : vector<16x1024xi32>
    %and3A_1549 = arith.andi %eq3A_1547, %lt3A_1548 : vector<16x1024xi1>
    %or3A_1550 = arith.ori %gt3A_1546, %and3A_1549 : vector<16x1024xi1>
    %xor3A_1551 = arith.xori %or3A_1550, %ne3A_1539 : vector<16x1024xi1>
    %xor3A_1552 = arith.xori %xor3A_1551, %ne3A_1545 : vector<16x1024xi1>
    %select_n3A_1553 = arith.select %xor3A_1552, %select_n3A_1522, %select_n3A_1510 : vector<16x1024xi1>, vector<16x1024xf32>
    %select_n3A_1554 = arith.select %xor3A_1552, %select_n3A_1533, %select_n3A_1511 : vector<16x1024xi1>, vector<16x1024xi32>
    %and3A_1555 = arith.constant 256 : i32
    %and3A_1556 = vector.broadcast %and3A_1555 : i32 to vector<16x1024xi32>
    %and3A_1557 = arith.andi %iota3A, %and3A_1556 : vector<16x1024xi32>
    %ne3A_1558 = arith.constant 0 : i32
    %ne3A_1559 = vector.broadcast %ne3A_1558 : i32 to vector<16x1024xi32>
    %ne3A_1560 = arith.cmpi ne, %and3A_1557, %ne3A_1559 : vector<16x1024xi32>
    %roll3A_1561 = arith.constant 256 : i32
    %roll3A_1562 = tpu.dynamic_rotate %select_n3A_1553 by %roll3A_1561 dim 1 : vector<16x1024xf32>, i32 -> vector<16x1024xf32>
    %roll3A_1563 = arith.constant 768 : i32
    %roll3A_1564 = tpu.dynamic_rotate %select_n3A_1553 by %roll3A_1563 dim 1 : vector<16x1024xf32>, i32 -> vector<16x1024xf32>
    %select_n3A_1565 = arith.select %ne3A_1560, %roll3A_1562, %roll3A_1564 : vector<16x1024xi1>, vector<16x1024xf32>
    %and3A_1566 = arith.constant 256 : i32
    %and3A_1567 = vector.broadcast %and3A_1566 : i32 to vector<16x1024xi32>
    %and3A_1568 = arith.andi %iota3A, %and3A_1567 : vector<16x1024xi32>
    %ne3A_1569 = arith.constant 0 : i32
    %ne3A_1570 = vector.broadcast %ne3A_1569 : i32 to vector<16x1024xi32>
    %ne3A_1571 = arith.cmpi ne, %and3A_1568, %ne3A_1570 : vector<16x1024xi32>
    %roll3A_1572 = arith.constant 256 : i32
    %roll3A_1573 = tpu.dynamic_rotate %select_n3A_1554 by %roll3A_1572 dim 1 : vector<16x1024xi32>, i32 -> vector<16x1024xi32>
    %roll3A_1574 = arith.constant 768 : i32
    %roll3A_1575 = tpu.dynamic_rotate %select_n3A_1554 by %roll3A_1574 dim 1 : vector<16x1024xi32>, i32 -> vector<16x1024xi32>
    %select_n3A_1576 = arith.select %ne3A_1571, %roll3A_1573, %roll3A_1575 : vector<16x1024xi1>, vector<16x1024xi32>
    %and3A_1577 = arith.constant 256 : i32
    %and3A_1578 = vector.broadcast %and3A_1577 : i32 to vector<16x1024xi32>
    %and3A_1579 = arith.andi %iota3A, %and3A_1578 : vector<16x1024xi32>
    %ne3A_1580 = arith.constant 0 : i32
    %ne3A_1581 = vector.broadcast %ne3A_1580 : i32 to vector<16x1024xi32>
    %ne3A_1582 = arith.cmpi ne, %and3A_1579, %ne3A_1581 : vector<16x1024xi32>
    %and3A_1583 = arith.constant 512 : i32
    %and3A_1584 = vector.broadcast %and3A_1583 : i32 to vector<16x1024xi32>
    %and3A_1585 = arith.andi %iota3A, %and3A_1584 : vector<16x1024xi32>
    %ne3A_1586 = arith.constant 0 : i32
    %ne3A_1587 = vector.broadcast %ne3A_1586 : i32 to vector<16x1024xi32>
    %ne3A_1588 = arith.cmpi ne, %and3A_1585, %ne3A_1587 : vector<16x1024xi32>
    %gt3A_1589 = arith.cmpf ogt, %select_n3A_1565, %select_n3A_1553 : vector<16x1024xf32>
    %eq3A_1590 = arith.cmpf oeq, %select_n3A_1565, %select_n3A_1553 : vector<16x1024xf32>
    %lt3A_1591 = arith.cmpi slt, %select_n3A_1576, %select_n3A_1554 : vector<16x1024xi32>
    %and3A_1592 = arith.andi %eq3A_1590, %lt3A_1591 : vector<16x1024xi1>
    %or3A_1593 = arith.ori %gt3A_1589, %and3A_1592 : vector<16x1024xi1>
    %xor3A_1594 = arith.xori %or3A_1593, %ne3A_1582 : vector<16x1024xi1>
    %xor3A_1595 = arith.xori %xor3A_1594, %ne3A_1588 : vector<16x1024xi1>
    %select_n3A_1596 = arith.select %xor3A_1595, %select_n3A_1565, %select_n3A_1553 : vector<16x1024xi1>, vector<16x1024xf32>
    %select_n3A_1597 = arith.select %xor3A_1595, %select_n3A_1576, %select_n3A_1554 : vector<16x1024xi1>, vector<16x1024xi32>
    %and3A_1598 = arith.constant 128 : i32
    %and3A_1599 = vector.broadcast %and3A_1598 : i32 to vector<16x1024xi32>
    %and3A_1600 = arith.andi %iota3A, %and3A_1599 : vector<16x1024xi32>
    %ne3A_1601 = arith.constant 0 : i32
    %ne3A_1602 = vector.broadcast %ne3A_1601 : i32 to vector<16x1024xi32>
    %ne3A_1603 = arith.cmpi ne, %and3A_1600, %ne3A_1602 : vector<16x1024xi32>
    %roll3A_1604 = arith.constant 128 : i32
    %roll3A_1605 = tpu.dynamic_rotate %select_n3A_1596 by %roll3A_1604 dim 1 : vector<16x1024xf32>, i32 -> vector<16x1024xf32>
    %roll3A_1606 = arith.constant 896 : i32
    %roll3A_1607 = tpu.dynamic_rotate %select_n3A_1596 by %roll3A_1606 dim 1 : vector<16x1024xf32>, i32 -> vector<16x1024xf32>
    %select_n3A_1608 = arith.select %ne3A_1603, %roll3A_1605, %roll3A_1607 : vector<16x1024xi1>, vector<16x1024xf32>
    %and3A_1609 = arith.constant 128 : i32
    %and3A_1610 = vector.broadcast %and3A_1609 : i32 to vector<16x1024xi32>
    %and3A_1611 = arith.andi %iota3A, %and3A_1610 : vector<16x1024xi32>
    %ne3A_1612 = arith.constant 0 : i32
    %ne3A_1613 = vector.broadcast %ne3A_1612 : i32 to vector<16x1024xi32>
    %ne3A_1614 = arith.cmpi ne, %and3A_1611, %ne3A_1613 : vector<16x1024xi32>
    %roll3A_1615 = arith.constant 128 : i32
    %roll3A_1616 = tpu.dynamic_rotate %select_n3A_1597 by %roll3A_1615 dim 1 : vector<16x1024xi32>, i32 -> vector<16x1024xi32>
    %roll3A_1617 = arith.constant 896 : i32
    %roll3A_1618 = tpu.dynamic_rotate %select_n3A_1597 by %roll3A_1617 dim 1 : vector<16x1024xi32>, i32 -> vector<16x1024xi32>
    %select_n3A_1619 = arith.select %ne3A_1614, %roll3A_1616, %roll3A_1618 : vector<16x1024xi1>, vector<16x1024xi32>
    %and3A_1620 = arith.constant 128 : i32
    %and3A_1621 = vector.broadcast %and3A_1620 : i32 to vector<16x1024xi32>
    %and3A_1622 = arith.andi %iota3A, %and3A_1621 : vector<16x1024xi32>
    %ne3A_1623 = arith.constant 0 : i32
    %ne3A_1624 = vector.broadcast %ne3A_1623 : i32 to vector<16x1024xi32>
    %ne3A_1625 = arith.cmpi ne, %and3A_1622, %ne3A_1624 : vector<16x1024xi32>
    %and3A_1626 = arith.constant 512 : i32
    %and3A_1627 = vector.broadcast %and3A_1626 : i32 to vector<16x1024xi32>
    %and3A_1628 = arith.andi %iota3A, %and3A_1627 : vector<16x1024xi32>
    %ne3A_1629 = arith.constant 0 : i32
    %ne3A_1630 = vector.broadcast %ne3A_1629 : i32 to vector<16x1024xi32>
    %ne3A_1631 = arith.cmpi ne, %and3A_1628, %ne3A_1630 : vector<16x1024xi32>
    %gt3A_1632 = arith.cmpf ogt, %select_n3A_1608, %select_n3A_1596 : vector<16x1024xf32>
    %eq3A_1633 = arith.cmpf oeq, %select_n3A_1608, %select_n3A_1596 : vector<16x1024xf32>
    %lt3A_1634 = arith.cmpi slt, %select_n3A_1619, %select_n3A_1597 : vector<16x1024xi32>
    %and3A_1635 = arith.andi %eq3A_1633, %lt3A_1634 : vector<16x1024xi1>
    %or3A_1636 = arith.ori %gt3A_1632, %and3A_1635 : vector<16x1024xi1>
    %xor3A_1637 = arith.xori %or3A_1636, %ne3A_1625 : vector<16x1024xi1>
    %xor3A_1638 = arith.xori %xor3A_1637, %ne3A_1631 : vector<16x1024xi1>
    %select_n3A_1639 = arith.select %xor3A_1638, %select_n3A_1608, %select_n3A_1596 : vector<16x1024xi1>, vector<16x1024xf32>
    %select_n3A_1640 = arith.select %xor3A_1638, %select_n3A_1619, %select_n3A_1597 : vector<16x1024xi1>, vector<16x1024xi32>
    %and3A_1641 = arith.constant 64 : i32
    %and3A_1642 = vector.broadcast %and3A_1641 : i32 to vector<16x1024xi32>
    %and3A_1643 = arith.andi %iota3A, %and3A_1642 : vector<16x1024xi32>
    %ne3A_1644 = arith.constant 0 : i32
    %ne3A_1645 = vector.broadcast %ne3A_1644 : i32 to vector<16x1024xi32>
    %ne3A_1646 = arith.cmpi ne, %and3A_1643, %ne3A_1645 : vector<16x1024xi32>
    %roll3A_1647 = arith.constant 64 : i32
    %roll3A_1648 = tpu.dynamic_rotate %select_n3A_1639 by %roll3A_1647 dim 1 : vector<16x1024xf32>, i32 -> vector<16x1024xf32>
    %roll3A_1649 = arith.constant 960 : i32
    %roll3A_1650 = tpu.dynamic_rotate %select_n3A_1639 by %roll3A_1649 dim 1 : vector<16x1024xf32>, i32 -> vector<16x1024xf32>
    %select_n3A_1651 = arith.select %ne3A_1646, %roll3A_1648, %roll3A_1650 : vector<16x1024xi1>, vector<16x1024xf32>
    %and3A_1652 = arith.constant 64 : i32
    %and3A_1653 = vector.broadcast %and3A_1652 : i32 to vector<16x1024xi32>
    %and3A_1654 = arith.andi %iota3A, %and3A_1653 : vector<16x1024xi32>
    %ne3A_1655 = arith.constant 0 : i32
    %ne3A_1656 = vector.broadcast %ne3A_1655 : i32 to vector<16x1024xi32>
    %ne3A_1657 = arith.cmpi ne, %and3A_1654, %ne3A_1656 : vector<16x1024xi32>
    %roll3A_1658 = arith.constant 64 : i32
    %roll3A_1659 = tpu.dynamic_rotate %select_n3A_1640 by %roll3A_1658 dim 1 : vector<16x1024xi32>, i32 -> vector<16x1024xi32>
    %roll3A_1660 = arith.constant 960 : i32
    %roll3A_1661 = tpu.dynamic_rotate %select_n3A_1640 by %roll3A_1660 dim 1 : vector<16x1024xi32>, i32 -> vector<16x1024xi32>
    %select_n3A_1662 = arith.select %ne3A_1657, %roll3A_1659, %roll3A_1661 : vector<16x1024xi1>, vector<16x1024xi32>
    %and3A_1663 = arith.constant 64 : i32
    %and3A_1664 = vector.broadcast %and3A_1663 : i32 to vector<16x1024xi32>
    %and3A_1665 = arith.andi %iota3A, %and3A_1664 : vector<16x1024xi32>
    %ne3A_1666 = arith.constant 0 : i32
    %ne3A_1667 = vector.broadcast %ne3A_1666 : i32 to vector<16x1024xi32>
    %ne3A_1668 = arith.cmpi ne, %and3A_1665, %ne3A_1667 : vector<16x1024xi32>
    %and3A_1669 = arith.constant 512 : i32
    %and3A_1670 = vector.broadcast %and3A_1669 : i32 to vector<16x1024xi32>
    %and3A_1671 = arith.andi %iota3A, %and3A_1670 : vector<16x1024xi32>
    %ne3A_1672 = arith.constant 0 : i32
    %ne3A_1673 = vector.broadcast %ne3A_1672 : i32 to vector<16x1024xi32>
    %ne3A_1674 = arith.cmpi ne, %and3A_1671, %ne3A_1673 : vector<16x1024xi32>
    %gt3A_1675 = arith.cmpf ogt, %select_n3A_1651, %select_n3A_1639 : vector<16x1024xf32>
    %eq3A_1676 = arith.cmpf oeq, %select_n3A_1651, %select_n3A_1639 : vector<16x1024xf32>
    %lt3A_1677 = arith.cmpi slt, %select_n3A_1662, %select_n3A_1640 : vector<16x1024xi32>
    %and3A_1678 = arith.andi %eq3A_1676, %lt3A_1677 : vector<16x1024xi1>
    %or3A_1679 = arith.ori %gt3A_1675, %and3A_1678 : vector<16x1024xi1>
    %xor3A_1680 = arith.xori %or3A_1679, %ne3A_1668 : vector<16x1024xi1>
    %xor3A_1681 = arith.xori %xor3A_1680, %ne3A_1674 : vector<16x1024xi1>
    %select_n3A_1682 = arith.select %xor3A_1681, %select_n3A_1651, %select_n3A_1639 : vector<16x1024xi1>, vector<16x1024xf32>
    %select_n3A_1683 = arith.select %xor3A_1681, %select_n3A_1662, %select_n3A_1640 : vector<16x1024xi1>, vector<16x1024xi32>
    %and3A_1684 = arith.constant 32 : i32
    %and3A_1685 = vector.broadcast %and3A_1684 : i32 to vector<16x1024xi32>
    %and3A_1686 = arith.andi %iota3A, %and3A_1685 : vector<16x1024xi32>
    %ne3A_1687 = arith.constant 0 : i32
    %ne3A_1688 = vector.broadcast %ne3A_1687 : i32 to vector<16x1024xi32>
    %ne3A_1689 = arith.cmpi ne, %and3A_1686, %ne3A_1688 : vector<16x1024xi32>
    %roll3A_1690 = arith.constant 32 : i32
    %roll3A_1691 = tpu.dynamic_rotate %select_n3A_1682 by %roll3A_1690 dim 1 : vector<16x1024xf32>, i32 -> vector<16x1024xf32>
    %roll3A_1692 = arith.constant 992 : i32
    %roll3A_1693 = tpu.dynamic_rotate %select_n3A_1682 by %roll3A_1692 dim 1 : vector<16x1024xf32>, i32 -> vector<16x1024xf32>
    %select_n3A_1694 = arith.select %ne3A_1689, %roll3A_1691, %roll3A_1693 : vector<16x1024xi1>, vector<16x1024xf32>
    %and3A_1695 = arith.constant 32 : i32
    %and3A_1696 = vector.broadcast %and3A_1695 : i32 to vector<16x1024xi32>
    %and3A_1697 = arith.andi %iota3A, %and3A_1696 : vector<16x1024xi32>
    %ne3A_1698 = arith.constant 0 : i32
    %ne3A_1699 = vector.broadcast %ne3A_1698 : i32 to vector<16x1024xi32>
    %ne3A_1700 = arith.cmpi ne, %and3A_1697, %ne3A_1699 : vector<16x1024xi32>
    %roll3A_1701 = arith.constant 32 : i32
    %roll3A_1702 = tpu.dynamic_rotate %select_n3A_1683 by %roll3A_1701 dim 1 : vector<16x1024xi32>, i32 -> vector<16x1024xi32>
    %roll3A_1703 = arith.constant 992 : i32
    %roll3A_1704 = tpu.dynamic_rotate %select_n3A_1683 by %roll3A_1703 dim 1 : vector<16x1024xi32>, i32 -> vector<16x1024xi32>
    %select_n3A_1705 = arith.select %ne3A_1700, %roll3A_1702, %roll3A_1704 : vector<16x1024xi1>, vector<16x1024xi32>
    %and3A_1706 = arith.constant 32 : i32
    %and3A_1707 = vector.broadcast %and3A_1706 : i32 to vector<16x1024xi32>
    %and3A_1708 = arith.andi %iota3A, %and3A_1707 : vector<16x1024xi32>
    %ne3A_1709 = arith.constant 0 : i32
    %ne3A_1710 = vector.broadcast %ne3A_1709 : i32 to vector<16x1024xi32>
    %ne3A_1711 = arith.cmpi ne, %and3A_1708, %ne3A_1710 : vector<16x1024xi32>
    %and3A_1712 = arith.constant 512 : i32
    %and3A_1713 = vector.broadcast %and3A_1712 : i32 to vector<16x1024xi32>
    %and3A_1714 = arith.andi %iota3A, %and3A_1713 : vector<16x1024xi32>
    %ne3A_1715 = arith.constant 0 : i32
    %ne3A_1716 = vector.broadcast %ne3A_1715 : i32 to vector<16x1024xi32>
    %ne3A_1717 = arith.cmpi ne, %and3A_1714, %ne3A_1716 : vector<16x1024xi32>
    %gt3A_1718 = arith.cmpf ogt, %select_n3A_1694, %select_n3A_1682 : vector<16x1024xf32>
    %eq3A_1719 = arith.cmpf oeq, %select_n3A_1694, %select_n3A_1682 : vector<16x1024xf32>
    %lt3A_1720 = arith.cmpi slt, %select_n3A_1705, %select_n3A_1683 : vector<16x1024xi32>
    %and3A_1721 = arith.andi %eq3A_1719, %lt3A_1720 : vector<16x1024xi1>
    %or3A_1722 = arith.ori %gt3A_1718, %and3A_1721 : vector<16x1024xi1>
    %xor3A_1723 = arith.xori %or3A_1722, %ne3A_1711 : vector<16x1024xi1>
    %xor3A_1724 = arith.xori %xor3A_1723, %ne3A_1717 : vector<16x1024xi1>
    %select_n3A_1725 = arith.select %xor3A_1724, %select_n3A_1694, %select_n3A_1682 : vector<16x1024xi1>, vector<16x1024xf32>
    %select_n3A_1726 = arith.select %xor3A_1724, %select_n3A_1705, %select_n3A_1683 : vector<16x1024xi1>, vector<16x1024xi32>
    %and3A_1727 = arith.constant 16 : i32
    %and3A_1728 = vector.broadcast %and3A_1727 : i32 to vector<16x1024xi32>
    %and3A_1729 = arith.andi %iota3A, %and3A_1728 : vector<16x1024xi32>
    %ne3A_1730 = arith.constant 0 : i32
    %ne3A_1731 = vector.broadcast %ne3A_1730 : i32 to vector<16x1024xi32>
    %ne3A_1732 = arith.cmpi ne, %and3A_1729, %ne3A_1731 : vector<16x1024xi32>
    %roll3A_1733 = arith.constant 16 : i32
    %roll3A_1734 = tpu.dynamic_rotate %select_n3A_1725 by %roll3A_1733 dim 1 : vector<16x1024xf32>, i32 -> vector<16x1024xf32>
    %roll3A_1735 = arith.constant 1008 : i32
    %roll3A_1736 = tpu.dynamic_rotate %select_n3A_1725 by %roll3A_1735 dim 1 : vector<16x1024xf32>, i32 -> vector<16x1024xf32>
    %select_n3A_1737 = arith.select %ne3A_1732, %roll3A_1734, %roll3A_1736 : vector<16x1024xi1>, vector<16x1024xf32>
    %and3A_1738 = arith.constant 16 : i32
    %and3A_1739 = vector.broadcast %and3A_1738 : i32 to vector<16x1024xi32>
    %and3A_1740 = arith.andi %iota3A, %and3A_1739 : vector<16x1024xi32>
    %ne3A_1741 = arith.constant 0 : i32
    %ne3A_1742 = vector.broadcast %ne3A_1741 : i32 to vector<16x1024xi32>
    %ne3A_1743 = arith.cmpi ne, %and3A_1740, %ne3A_1742 : vector<16x1024xi32>
    %roll3A_1744 = arith.constant 16 : i32
    %roll3A_1745 = tpu.dynamic_rotate %select_n3A_1726 by %roll3A_1744 dim 1 : vector<16x1024xi32>, i32 -> vector<16x1024xi32>
    %roll3A_1746 = arith.constant 1008 : i32
    %roll3A_1747 = tpu.dynamic_rotate %select_n3A_1726 by %roll3A_1746 dim 1 : vector<16x1024xi32>, i32 -> vector<16x1024xi32>
    %select_n3A_1748 = arith.select %ne3A_1743, %roll3A_1745, %roll3A_1747 : vector<16x1024xi1>, vector<16x1024xi32>
    %and3A_1749 = arith.constant 16 : i32
    %and3A_1750 = vector.broadcast %and3A_1749 : i32 to vector<16x1024xi32>
    %and3A_1751 = arith.andi %iota3A, %and3A_1750 : vector<16x1024xi32>
    %ne3A_1752 = arith.constant 0 : i32
    %ne3A_1753 = vector.broadcast %ne3A_1752 : i32 to vector<16x1024xi32>
    %ne3A_1754 = arith.cmpi ne, %and3A_1751, %ne3A_1753 : vector<16x1024xi32>
    %and3A_1755 = arith.constant 512 : i32
    %and3A_1756 = vector.broadcast %and3A_1755 : i32 to vector<16x1024xi32>
    %and3A_1757 = arith.andi %iota3A, %and3A_1756 : vector<16x1024xi32>
    %ne3A_1758 = arith.constant 0 : i32
    %ne3A_1759 = vector.broadcast %ne3A_1758 : i32 to vector<16x1024xi32>
    %ne3A_1760 = arith.cmpi ne, %and3A_1757, %ne3A_1759 : vector<16x1024xi32>
    %gt3A_1761 = arith.cmpf ogt, %select_n3A_1737, %select_n3A_1725 : vector<16x1024xf32>
    %eq3A_1762 = arith.cmpf oeq, %select_n3A_1737, %select_n3A_1725 : vector<16x1024xf32>
    %lt3A_1763 = arith.cmpi slt, %select_n3A_1748, %select_n3A_1726 : vector<16x1024xi32>
    %and3A_1764 = arith.andi %eq3A_1762, %lt3A_1763 : vector<16x1024xi1>
    %or3A_1765 = arith.ori %gt3A_1761, %and3A_1764 : vector<16x1024xi1>
    %xor3A_1766 = arith.xori %or3A_1765, %ne3A_1754 : vector<16x1024xi1>
    %xor3A_1767 = arith.xori %xor3A_1766, %ne3A_1760 : vector<16x1024xi1>
    %select_n3A_1768 = arith.select %xor3A_1767, %select_n3A_1737, %select_n3A_1725 : vector<16x1024xi1>, vector<16x1024xf32>
    %select_n3A_1769 = arith.select %xor3A_1767, %select_n3A_1748, %select_n3A_1726 : vector<16x1024xi1>, vector<16x1024xi32>
    %and3A_1770 = arith.constant 8 : i32
    %and3A_1771 = vector.broadcast %and3A_1770 : i32 to vector<16x1024xi32>
    %and3A_1772 = arith.andi %iota3A, %and3A_1771 : vector<16x1024xi32>
    %ne3A_1773 = arith.constant 0 : i32
    %ne3A_1774 = vector.broadcast %ne3A_1773 : i32 to vector<16x1024xi32>
    %ne3A_1775 = arith.cmpi ne, %and3A_1772, %ne3A_1774 : vector<16x1024xi32>
    %roll3A_1776 = arith.constant 8 : i32
    %roll3A_1777 = tpu.dynamic_rotate %select_n3A_1768 by %roll3A_1776 dim 1 : vector<16x1024xf32>, i32 -> vector<16x1024xf32>
    %roll3A_1778 = arith.constant 1016 : i32
    %roll3A_1779 = tpu.dynamic_rotate %select_n3A_1768 by %roll3A_1778 dim 1 : vector<16x1024xf32>, i32 -> vector<16x1024xf32>
    %select_n3A_1780 = arith.select %ne3A_1775, %roll3A_1777, %roll3A_1779 : vector<16x1024xi1>, vector<16x1024xf32>
    %and3A_1781 = arith.constant 8 : i32
    %and3A_1782 = vector.broadcast %and3A_1781 : i32 to vector<16x1024xi32>
    %and3A_1783 = arith.andi %iota3A, %and3A_1782 : vector<16x1024xi32>
    %ne3A_1784 = arith.constant 0 : i32
    %ne3A_1785 = vector.broadcast %ne3A_1784 : i32 to vector<16x1024xi32>
    %ne3A_1786 = arith.cmpi ne, %and3A_1783, %ne3A_1785 : vector<16x1024xi32>
    %roll3A_1787 = arith.constant 8 : i32
    %roll3A_1788 = tpu.dynamic_rotate %select_n3A_1769 by %roll3A_1787 dim 1 : vector<16x1024xi32>, i32 -> vector<16x1024xi32>
    %roll3A_1789 = arith.constant 1016 : i32
    %roll3A_1790 = tpu.dynamic_rotate %select_n3A_1769 by %roll3A_1789 dim 1 : vector<16x1024xi32>, i32 -> vector<16x1024xi32>
    %select_n3A_1791 = arith.select %ne3A_1786, %roll3A_1788, %roll3A_1790 : vector<16x1024xi1>, vector<16x1024xi32>
    %and3A_1792 = arith.constant 8 : i32
    %and3A_1793 = vector.broadcast %and3A_1792 : i32 to vector<16x1024xi32>
    %and3A_1794 = arith.andi %iota3A, %and3A_1793 : vector<16x1024xi32>
    %ne3A_1795 = arith.constant 0 : i32
    %ne3A_1796 = vector.broadcast %ne3A_1795 : i32 to vector<16x1024xi32>
    %ne3A_1797 = arith.cmpi ne, %and3A_1794, %ne3A_1796 : vector<16x1024xi32>
    %and3A_1798 = arith.constant 512 : i32
    %and3A_1799 = vector.broadcast %and3A_1798 : i32 to vector<16x1024xi32>
    %and3A_1800 = arith.andi %iota3A, %and3A_1799 : vector<16x1024xi32>
    %ne3A_1801 = arith.constant 0 : i32
    %ne3A_1802 = vector.broadcast %ne3A_1801 : i32 to vector<16x1024xi32>
    %ne3A_1803 = arith.cmpi ne, %and3A_1800, %ne3A_1802 : vector<16x1024xi32>
    %gt3A_1804 = arith.cmpf ogt, %select_n3A_1780, %select_n3A_1768 : vector<16x1024xf32>
    %eq3A_1805 = arith.cmpf oeq, %select_n3A_1780, %select_n3A_1768 : vector<16x1024xf32>
    %lt3A_1806 = arith.cmpi slt, %select_n3A_1791, %select_n3A_1769 : vector<16x1024xi32>
    %and3A_1807 = arith.andi %eq3A_1805, %lt3A_1806 : vector<16x1024xi1>
    %or3A_1808 = arith.ori %gt3A_1804, %and3A_1807 : vector<16x1024xi1>
    %xor3A_1809 = arith.xori %or3A_1808, %ne3A_1797 : vector<16x1024xi1>
    %xor3A_1810 = arith.xori %xor3A_1809, %ne3A_1803 : vector<16x1024xi1>
    %select_n3A_1811 = arith.select %xor3A_1810, %select_n3A_1780, %select_n3A_1768 : vector<16x1024xi1>, vector<16x1024xf32>
    %select_n3A_1812 = arith.select %xor3A_1810, %select_n3A_1791, %select_n3A_1769 : vector<16x1024xi1>, vector<16x1024xi32>
    %and3A_1813 = arith.constant 4 : i32
    %and3A_1814 = vector.broadcast %and3A_1813 : i32 to vector<16x1024xi32>
    %and3A_1815 = arith.andi %iota3A, %and3A_1814 : vector<16x1024xi32>
    %ne3A_1816 = arith.constant 0 : i32
    %ne3A_1817 = vector.broadcast %ne3A_1816 : i32 to vector<16x1024xi32>
    %ne3A_1818 = arith.cmpi ne, %and3A_1815, %ne3A_1817 : vector<16x1024xi32>
    %roll3A_1819 = arith.constant 4 : i32
    %roll3A_1820 = tpu.dynamic_rotate %select_n3A_1811 by %roll3A_1819 dim 1 : vector<16x1024xf32>, i32 -> vector<16x1024xf32>
    %roll3A_1821 = arith.constant 1020 : i32
    %roll3A_1822 = tpu.dynamic_rotate %select_n3A_1811 by %roll3A_1821 dim 1 : vector<16x1024xf32>, i32 -> vector<16x1024xf32>
    %select_n3A_1823 = arith.select %ne3A_1818, %roll3A_1820, %roll3A_1822 : vector<16x1024xi1>, vector<16x1024xf32>
    %and3A_1824 = arith.constant 4 : i32
    %and3A_1825 = vector.broadcast %and3A_1824 : i32 to vector<16x1024xi32>
    %and3A_1826 = arith.andi %iota3A, %and3A_1825 : vector<16x1024xi32>
    %ne3A_1827 = arith.constant 0 : i32
    %ne3A_1828 = vector.broadcast %ne3A_1827 : i32 to vector<16x1024xi32>
    %ne3A_1829 = arith.cmpi ne, %and3A_1826, %ne3A_1828 : vector<16x1024xi32>
    %roll3A_1830 = arith.constant 4 : i32
    %roll3A_1831 = tpu.dynamic_rotate %select_n3A_1812 by %roll3A_1830 dim 1 : vector<16x1024xi32>, i32 -> vector<16x1024xi32>
    %roll3A_1832 = arith.constant 1020 : i32
    %roll3A_1833 = tpu.dynamic_rotate %select_n3A_1812 by %roll3A_1832 dim 1 : vector<16x1024xi32>, i32 -> vector<16x1024xi32>
    %select_n3A_1834 = arith.select %ne3A_1829, %roll3A_1831, %roll3A_1833 : vector<16x1024xi1>, vector<16x1024xi32>
    %and3A_1835 = arith.constant 4 : i32
    %and3A_1836 = vector.broadcast %and3A_1835 : i32 to vector<16x1024xi32>
    %and3A_1837 = arith.andi %iota3A, %and3A_1836 : vector<16x1024xi32>
    %ne3A_1838 = arith.constant 0 : i32
    %ne3A_1839 = vector.broadcast %ne3A_1838 : i32 to vector<16x1024xi32>
    %ne3A_1840 = arith.cmpi ne, %and3A_1837, %ne3A_1839 : vector<16x1024xi32>
    %and3A_1841 = arith.constant 512 : i32
    %and3A_1842 = vector.broadcast %and3A_1841 : i32 to vector<16x1024xi32>
    %and3A_1843 = arith.andi %iota3A, %and3A_1842 : vector<16x1024xi32>
    %ne3A_1844 = arith.constant 0 : i32
    %ne3A_1845 = vector.broadcast %ne3A_1844 : i32 to vector<16x1024xi32>
    %ne3A_1846 = arith.cmpi ne, %and3A_1843, %ne3A_1845 : vector<16x1024xi32>
    %gt3A_1847 = arith.cmpf ogt, %select_n3A_1823, %select_n3A_1811 : vector<16x1024xf32>
    %eq3A_1848 = arith.cmpf oeq, %select_n3A_1823, %select_n3A_1811 : vector<16x1024xf32>
    %lt3A_1849 = arith.cmpi slt, %select_n3A_1834, %select_n3A_1812 : vector<16x1024xi32>
    %and3A_1850 = arith.andi %eq3A_1848, %lt3A_1849 : vector<16x1024xi1>
    %or3A_1851 = arith.ori %gt3A_1847, %and3A_1850 : vector<16x1024xi1>
    %xor3A_1852 = arith.xori %or3A_1851, %ne3A_1840 : vector<16x1024xi1>
    %xor3A_1853 = arith.xori %xor3A_1852, %ne3A_1846 : vector<16x1024xi1>
    %select_n3A_1854 = arith.select %xor3A_1853, %select_n3A_1823, %select_n3A_1811 : vector<16x1024xi1>, vector<16x1024xf32>
    %select_n3A_1855 = arith.select %xor3A_1853, %select_n3A_1834, %select_n3A_1812 : vector<16x1024xi1>, vector<16x1024xi32>
    %and3A_1856 = arith.constant 2 : i32
    %and3A_1857 = vector.broadcast %and3A_1856 : i32 to vector<16x1024xi32>
    %and3A_1858 = arith.andi %iota3A, %and3A_1857 : vector<16x1024xi32>
    %ne3A_1859 = arith.constant 0 : i32
    %ne3A_1860 = vector.broadcast %ne3A_1859 : i32 to vector<16x1024xi32>
    %ne3A_1861 = arith.cmpi ne, %and3A_1858, %ne3A_1860 : vector<16x1024xi32>
    %roll3A_1862 = arith.constant 2 : i32
    %roll3A_1863 = tpu.dynamic_rotate %select_n3A_1854 by %roll3A_1862 dim 1 : vector<16x1024xf32>, i32 -> vector<16x1024xf32>
    %roll3A_1864 = arith.constant 1022 : i32
    %roll3A_1865 = tpu.dynamic_rotate %select_n3A_1854 by %roll3A_1864 dim 1 : vector<16x1024xf32>, i32 -> vector<16x1024xf32>
    %select_n3A_1866 = arith.select %ne3A_1861, %roll3A_1863, %roll3A_1865 : vector<16x1024xi1>, vector<16x1024xf32>
    %and3A_1867 = arith.constant 2 : i32
    %and3A_1868 = vector.broadcast %and3A_1867 : i32 to vector<16x1024xi32>
    %and3A_1869 = arith.andi %iota3A, %and3A_1868 : vector<16x1024xi32>
    %ne3A_1870 = arith.constant 0 : i32
    %ne3A_1871 = vector.broadcast %ne3A_1870 : i32 to vector<16x1024xi32>
    %ne3A_1872 = arith.cmpi ne, %and3A_1869, %ne3A_1871 : vector<16x1024xi32>
    %roll3A_1873 = arith.constant 2 : i32
    %roll3A_1874 = tpu.dynamic_rotate %select_n3A_1855 by %roll3A_1873 dim 1 : vector<16x1024xi32>, i32 -> vector<16x1024xi32>
    %roll3A_1875 = arith.constant 1022 : i32
    %roll3A_1876 = tpu.dynamic_rotate %select_n3A_1855 by %roll3A_1875 dim 1 : vector<16x1024xi32>, i32 -> vector<16x1024xi32>
    %select_n3A_1877 = arith.select %ne3A_1872, %roll3A_1874, %roll3A_1876 : vector<16x1024xi1>, vector<16x1024xi32>
    %and3A_1878 = arith.constant 2 : i32
    %and3A_1879 = vector.broadcast %and3A_1878 : i32 to vector<16x1024xi32>
    %and3A_1880 = arith.andi %iota3A, %and3A_1879 : vector<16x1024xi32>
    %ne3A_1881 = arith.constant 0 : i32
    %ne3A_1882 = vector.broadcast %ne3A_1881 : i32 to vector<16x1024xi32>
    %ne3A_1883 = arith.cmpi ne, %and3A_1880, %ne3A_1882 : vector<16x1024xi32>
    %and3A_1884 = arith.constant 512 : i32
    %and3A_1885 = vector.broadcast %and3A_1884 : i32 to vector<16x1024xi32>
    %and3A_1886 = arith.andi %iota3A, %and3A_1885 : vector<16x1024xi32>
    %ne3A_1887 = arith.constant 0 : i32
    %ne3A_1888 = vector.broadcast %ne3A_1887 : i32 to vector<16x1024xi32>
    %ne3A_1889 = arith.cmpi ne, %and3A_1886, %ne3A_1888 : vector<16x1024xi32>
    %gt3A_1890 = arith.cmpf ogt, %select_n3A_1866, %select_n3A_1854 : vector<16x1024xf32>
    %eq3A_1891 = arith.cmpf oeq, %select_n3A_1866, %select_n3A_1854 : vector<16x1024xf32>
    %lt3A_1892 = arith.cmpi slt, %select_n3A_1877, %select_n3A_1855 : vector<16x1024xi32>
    %and3A_1893 = arith.andi %eq3A_1891, %lt3A_1892 : vector<16x1024xi1>
    %or3A_1894 = arith.ori %gt3A_1890, %and3A_1893 : vector<16x1024xi1>
    %xor3A_1895 = arith.xori %or3A_1894, %ne3A_1883 : vector<16x1024xi1>
    %xor3A_1896 = arith.xori %xor3A_1895, %ne3A_1889 : vector<16x1024xi1>
    %select_n3A_1897 = arith.select %xor3A_1896, %select_n3A_1866, %select_n3A_1854 : vector<16x1024xi1>, vector<16x1024xf32>
    %select_n3A_1898 = arith.select %xor3A_1896, %select_n3A_1877, %select_n3A_1855 : vector<16x1024xi1>, vector<16x1024xi32>
    %and3A_1899 = arith.constant 1 : i32
    %and3A_1900 = vector.broadcast %and3A_1899 : i32 to vector<16x1024xi32>
    %and3A_1901 = arith.andi %iota3A, %and3A_1900 : vector<16x1024xi32>
    %ne3A_1902 = arith.constant 0 : i32
    %ne3A_1903 = vector.broadcast %ne3A_1902 : i32 to vector<16x1024xi32>
    %ne3A_1904 = arith.cmpi ne, %and3A_1901, %ne3A_1903 : vector<16x1024xi32>
    %roll3A_1905 = arith.constant 1 : i32
    %roll3A_1906 = tpu.dynamic_rotate %select_n3A_1897 by %roll3A_1905 dim 1 : vector<16x1024xf32>, i32 -> vector<16x1024xf32>
    %roll3A_1907 = arith.constant 1023 : i32
    %roll3A_1908 = tpu.dynamic_rotate %select_n3A_1897 by %roll3A_1907 dim 1 : vector<16x1024xf32>, i32 -> vector<16x1024xf32>
    %select_n3A_1909 = arith.select %ne3A_1904, %roll3A_1906, %roll3A_1908 : vector<16x1024xi1>, vector<16x1024xf32>
    %and3A_1910 = arith.constant 1 : i32
    %and3A_1911 = vector.broadcast %and3A_1910 : i32 to vector<16x1024xi32>
    %and3A_1912 = arith.andi %iota3A, %and3A_1911 : vector<16x1024xi32>
    %ne3A_1913 = arith.constant 0 : i32
    %ne3A_1914 = vector.broadcast %ne3A_1913 : i32 to vector<16x1024xi32>
    %ne3A_1915 = arith.cmpi ne, %and3A_1912, %ne3A_1914 : vector<16x1024xi32>
    %roll3A_1916 = arith.constant 1 : i32
    %roll3A_1917 = tpu.dynamic_rotate %select_n3A_1898 by %roll3A_1916 dim 1 : vector<16x1024xi32>, i32 -> vector<16x1024xi32>
    %roll3A_1918 = arith.constant 1023 : i32
    %roll3A_1919 = tpu.dynamic_rotate %select_n3A_1898 by %roll3A_1918 dim 1 : vector<16x1024xi32>, i32 -> vector<16x1024xi32>
    %select_n3A_1920 = arith.select %ne3A_1915, %roll3A_1917, %roll3A_1919 : vector<16x1024xi1>, vector<16x1024xi32>
    %and3A_1921 = arith.constant 1 : i32
    %and3A_1922 = vector.broadcast %and3A_1921 : i32 to vector<16x1024xi32>
    %and3A_1923 = arith.andi %iota3A, %and3A_1922 : vector<16x1024xi32>
    %ne3A_1924 = arith.constant 0 : i32
    %ne3A_1925 = vector.broadcast %ne3A_1924 : i32 to vector<16x1024xi32>
    %ne3A_1926 = arith.cmpi ne, %and3A_1923, %ne3A_1925 : vector<16x1024xi32>
    %and3A_1927 = arith.constant 512 : i32
    %and3A_1928 = vector.broadcast %and3A_1927 : i32 to vector<16x1024xi32>
    %and3A_1929 = arith.andi %iota3A, %and3A_1928 : vector<16x1024xi32>
    %ne3A_1930 = arith.constant 0 : i32
    %ne3A_1931 = vector.broadcast %ne3A_1930 : i32 to vector<16x1024xi32>
    %ne3A_1932 = arith.cmpi ne, %and3A_1929, %ne3A_1931 : vector<16x1024xi32>
    %gt3A_1933 = arith.cmpf ogt, %select_n3A_1909, %select_n3A_1897 : vector<16x1024xf32>
    %eq3A_1934 = arith.cmpf oeq, %select_n3A_1909, %select_n3A_1897 : vector<16x1024xf32>
    %lt3A_1935 = arith.cmpi slt, %select_n3A_1920, %select_n3A_1898 : vector<16x1024xi32>
    %and3A_1936 = arith.andi %eq3A_1934, %lt3A_1935 : vector<16x1024xi1>
    %or3A_1937 = arith.ori %gt3A_1933, %and3A_1936 : vector<16x1024xi1>
    %xor3A_1938 = arith.xori %or3A_1937, %ne3A_1926 : vector<16x1024xi1>
    %xor3A_1939 = arith.xori %xor3A_1938, %ne3A_1932 : vector<16x1024xi1>
    %select_n3A_1940 = arith.select %xor3A_1939, %select_n3A_1909, %select_n3A_1897 : vector<16x1024xi1>, vector<16x1024xf32>
    %select_n3A_1941 = arith.select %xor3A_1939, %select_n3A_1920, %select_n3A_1898 : vector<16x1024xi1>, vector<16x1024xi32>
    %and3A_1942 = arith.constant 512 : i32
    %and3A_1943 = vector.broadcast %and3A_1942 : i32 to vector<16x1024xi32>
    %and3A_1944 = arith.andi %iota3A, %and3A_1943 : vector<16x1024xi32>
    %ne3A_1945 = arith.constant 0 : i32
    %ne3A_1946 = vector.broadcast %ne3A_1945 : i32 to vector<16x1024xi32>
    %ne3A_1947 = arith.cmpi ne, %and3A_1944, %ne3A_1946 : vector<16x1024xi32>
    %roll3A_1948 = arith.constant 512 : i32
    %roll3A_1949 = tpu.dynamic_rotate %select_n3A_1940 by %roll3A_1948 dim 1 : vector<16x1024xf32>, i32 -> vector<16x1024xf32>
    %roll3A_1950 = arith.constant 512 : i32
    %roll3A_1951 = tpu.dynamic_rotate %select_n3A_1940 by %roll3A_1950 dim 1 : vector<16x1024xf32>, i32 -> vector<16x1024xf32>
    %select_n3A_1952 = arith.select %ne3A_1947, %roll3A_1949, %roll3A_1951 : vector<16x1024xi1>, vector<16x1024xf32>
    %and3A_1953 = arith.constant 512 : i32
    %and3A_1954 = vector.broadcast %and3A_1953 : i32 to vector<16x1024xi32>
    %and3A_1955 = arith.andi %iota3A, %and3A_1954 : vector<16x1024xi32>
    %ne3A_1956 = arith.constant 0 : i32
    %ne3A_1957 = vector.broadcast %ne3A_1956 : i32 to vector<16x1024xi32>
    %ne3A_1958 = arith.cmpi ne, %and3A_1955, %ne3A_1957 : vector<16x1024xi32>
    %roll3A_1959 = arith.constant 512 : i32
    %roll3A_1960 = tpu.dynamic_rotate %select_n3A_1941 by %roll3A_1959 dim 1 : vector<16x1024xi32>, i32 -> vector<16x1024xi32>
    %roll3A_1961 = arith.constant 512 : i32
    %roll3A_1962 = tpu.dynamic_rotate %select_n3A_1941 by %roll3A_1961 dim 1 : vector<16x1024xi32>, i32 -> vector<16x1024xi32>
    %select_n3A_1963 = arith.select %ne3A_1958, %roll3A_1960, %roll3A_1962 : vector<16x1024xi1>, vector<16x1024xi32>
    %and3A_1964 = arith.constant 512 : i32
    %and3A_1965 = vector.broadcast %and3A_1964 : i32 to vector<16x1024xi32>
    %and3A_1966 = arith.andi %iota3A, %and3A_1965 : vector<16x1024xi32>
    %ne3A_1967 = arith.constant 0 : i32
    %ne3A_1968 = vector.broadcast %ne3A_1967 : i32 to vector<16x1024xi32>
    %ne3A_1969 = arith.cmpi ne, %and3A_1966, %ne3A_1968 : vector<16x1024xi32>
    %and3A_1970 = arith.constant 1024 : i32
    %and3A_1971 = vector.broadcast %and3A_1970 : i32 to vector<16x1024xi32>
    %and3A_1972 = arith.andi %iota3A, %and3A_1971 : vector<16x1024xi32>
    %ne3A_1973 = arith.constant 0 : i32
    %ne3A_1974 = vector.broadcast %ne3A_1973 : i32 to vector<16x1024xi32>
    %ne3A_1975 = arith.cmpi ne, %and3A_1972, %ne3A_1974 : vector<16x1024xi32>
    %gt3A_1976 = arith.cmpf ogt, %select_n3A_1952, %select_n3A_1940 : vector<16x1024xf32>
    %eq3A_1977 = arith.cmpf oeq, %select_n3A_1952, %select_n3A_1940 : vector<16x1024xf32>
    %lt3A_1978 = arith.cmpi slt, %select_n3A_1963, %select_n3A_1941 : vector<16x1024xi32>
    %and3A_1979 = arith.andi %eq3A_1977, %lt3A_1978 : vector<16x1024xi1>
    %or3A_1980 = arith.ori %gt3A_1976, %and3A_1979 : vector<16x1024xi1>
    %xor3A_1981 = arith.xori %or3A_1980, %ne3A_1969 : vector<16x1024xi1>
    %xor3A_1982 = arith.xori %xor3A_1981, %ne3A_1975 : vector<16x1024xi1>
    %select_n3A_1983 = arith.select %xor3A_1982, %select_n3A_1952, %select_n3A_1940 : vector<16x1024xi1>, vector<16x1024xf32>
    %select_n3A_1984 = arith.select %xor3A_1982, %select_n3A_1963, %select_n3A_1941 : vector<16x1024xi1>, vector<16x1024xi32>
    %and3A_1985 = arith.constant 256 : i32
    %and3A_1986 = vector.broadcast %and3A_1985 : i32 to vector<16x1024xi32>
    %and3A_1987 = arith.andi %iota3A, %and3A_1986 : vector<16x1024xi32>
    %ne3A_1988 = arith.constant 0 : i32
    %ne3A_1989 = vector.broadcast %ne3A_1988 : i32 to vector<16x1024xi32>
    %ne3A_1990 = arith.cmpi ne, %and3A_1987, %ne3A_1989 : vector<16x1024xi32>
    %roll3A_1991 = arith.constant 256 : i32
    %roll3A_1992 = tpu.dynamic_rotate %select_n3A_1983 by %roll3A_1991 dim 1 : vector<16x1024xf32>, i32 -> vector<16x1024xf32>
    %roll3A_1993 = arith.constant 768 : i32
    %roll3A_1994 = tpu.dynamic_rotate %select_n3A_1983 by %roll3A_1993 dim 1 : vector<16x1024xf32>, i32 -> vector<16x1024xf32>
    %select_n3A_1995 = arith.select %ne3A_1990, %roll3A_1992, %roll3A_1994 : vector<16x1024xi1>, vector<16x1024xf32>
    %and3A_1996 = arith.constant 256 : i32
    %and3A_1997 = vector.broadcast %and3A_1996 : i32 to vector<16x1024xi32>
    %and3A_1998 = arith.andi %iota3A, %and3A_1997 : vector<16x1024xi32>
    %ne3A_1999 = arith.constant 0 : i32
    %ne3A_2000 = vector.broadcast %ne3A_1999 : i32 to vector<16x1024xi32>
    %ne3A_2001 = arith.cmpi ne, %and3A_1998, %ne3A_2000 : vector<16x1024xi32>
    %roll3A_2002 = arith.constant 256 : i32
    %roll3A_2003 = tpu.dynamic_rotate %select_n3A_1984 by %roll3A_2002 dim 1 : vector<16x1024xi32>, i32 -> vector<16x1024xi32>
    %roll3A_2004 = arith.constant 768 : i32
    %roll3A_2005 = tpu.dynamic_rotate %select_n3A_1984 by %roll3A_2004 dim 1 : vector<16x1024xi32>, i32 -> vector<16x1024xi32>
    %select_n3A_2006 = arith.select %ne3A_2001, %roll3A_2003, %roll3A_2005 : vector<16x1024xi1>, vector<16x1024xi32>
    %and3A_2007 = arith.constant 256 : i32
    %and3A_2008 = vector.broadcast %and3A_2007 : i32 to vector<16x1024xi32>
    %and3A_2009 = arith.andi %iota3A, %and3A_2008 : vector<16x1024xi32>
    %ne3A_2010 = arith.constant 0 : i32
    %ne3A_2011 = vector.broadcast %ne3A_2010 : i32 to vector<16x1024xi32>
    %ne3A_2012 = arith.cmpi ne, %and3A_2009, %ne3A_2011 : vector<16x1024xi32>
    %and3A_2013 = arith.constant 1024 : i32
    %and3A_2014 = vector.broadcast %and3A_2013 : i32 to vector<16x1024xi32>
    %and3A_2015 = arith.andi %iota3A, %and3A_2014 : vector<16x1024xi32>
    %ne3A_2016 = arith.constant 0 : i32
    %ne3A_2017 = vector.broadcast %ne3A_2016 : i32 to vector<16x1024xi32>
    %ne3A_2018 = arith.cmpi ne, %and3A_2015, %ne3A_2017 : vector<16x1024xi32>
    %gt3A_2019 = arith.cmpf ogt, %select_n3A_1995, %select_n3A_1983 : vector<16x1024xf32>
    %eq3A_2020 = arith.cmpf oeq, %select_n3A_1995, %select_n3A_1983 : vector<16x1024xf32>
    %lt3A_2021 = arith.cmpi slt, %select_n3A_2006, %select_n3A_1984 : vector<16x1024xi32>
    %and3A_2022 = arith.andi %eq3A_2020, %lt3A_2021 : vector<16x1024xi1>
    %or3A_2023 = arith.ori %gt3A_2019, %and3A_2022 : vector<16x1024xi1>
    %xor3A_2024 = arith.xori %or3A_2023, %ne3A_2012 : vector<16x1024xi1>
    %xor3A_2025 = arith.xori %xor3A_2024, %ne3A_2018 : vector<16x1024xi1>
    %select_n3A_2026 = arith.select %xor3A_2025, %select_n3A_1995, %select_n3A_1983 : vector<16x1024xi1>, vector<16x1024xf32>
    %select_n3A_2027 = arith.select %xor3A_2025, %select_n3A_2006, %select_n3A_1984 : vector<16x1024xi1>, vector<16x1024xi32>
    %and3A_2028 = arith.constant 128 : i32
    %and3A_2029 = vector.broadcast %and3A_2028 : i32 to vector<16x1024xi32>
    %and3A_2030 = arith.andi %iota3A, %and3A_2029 : vector<16x1024xi32>
    %ne3A_2031 = arith.constant 0 : i32
    %ne3A_2032 = vector.broadcast %ne3A_2031 : i32 to vector<16x1024xi32>
    %ne3A_2033 = arith.cmpi ne, %and3A_2030, %ne3A_2032 : vector<16x1024xi32>
    %roll3A_2034 = arith.constant 128 : i32
    %roll3A_2035 = tpu.dynamic_rotate %select_n3A_2026 by %roll3A_2034 dim 1 : vector<16x1024xf32>, i32 -> vector<16x1024xf32>
    %roll3A_2036 = arith.constant 896 : i32
    %roll3A_2037 = tpu.dynamic_rotate %select_n3A_2026 by %roll3A_2036 dim 1 : vector<16x1024xf32>, i32 -> vector<16x1024xf32>
    %select_n3A_2038 = arith.select %ne3A_2033, %roll3A_2035, %roll3A_2037 : vector<16x1024xi1>, vector<16x1024xf32>
    %and3A_2039 = arith.constant 128 : i32
    %and3A_2040 = vector.broadcast %and3A_2039 : i32 to vector<16x1024xi32>
    %and3A_2041 = arith.andi %iota3A, %and3A_2040 : vector<16x1024xi32>
    %ne3A_2042 = arith.constant 0 : i32
    %ne3A_2043 = vector.broadcast %ne3A_2042 : i32 to vector<16x1024xi32>
    %ne3A_2044 = arith.cmpi ne, %and3A_2041, %ne3A_2043 : vector<16x1024xi32>
    %roll3A_2045 = arith.constant 128 : i32
    %roll3A_2046 = tpu.dynamic_rotate %select_n3A_2027 by %roll3A_2045 dim 1 : vector<16x1024xi32>, i32 -> vector<16x1024xi32>
    %roll3A_2047 = arith.constant 896 : i32
    %roll3A_2048 = tpu.dynamic_rotate %select_n3A_2027 by %roll3A_2047 dim 1 : vector<16x1024xi32>, i32 -> vector<16x1024xi32>
    %select_n3A_2049 = arith.select %ne3A_2044, %roll3A_2046, %roll3A_2048 : vector<16x1024xi1>, vector<16x1024xi32>
    %and3A_2050 = arith.constant 128 : i32
    %and3A_2051 = vector.broadcast %and3A_2050 : i32 to vector<16x1024xi32>
    %and3A_2052 = arith.andi %iota3A, %and3A_2051 : vector<16x1024xi32>
    %ne3A_2053 = arith.constant 0 : i32
    %ne3A_2054 = vector.broadcast %ne3A_2053 : i32 to vector<16x1024xi32>
    %ne3A_2055 = arith.cmpi ne, %and3A_2052, %ne3A_2054 : vector<16x1024xi32>
    %and3A_2056 = arith.constant 1024 : i32
    %and3A_2057 = vector.broadcast %and3A_2056 : i32 to vector<16x1024xi32>
    %and3A_2058 = arith.andi %iota3A, %and3A_2057 : vector<16x1024xi32>
    %ne3A_2059 = arith.constant 0 : i32
    %ne3A_2060 = vector.broadcast %ne3A_2059 : i32 to vector<16x1024xi32>
    %ne3A_2061 = arith.cmpi ne, %and3A_2058, %ne3A_2060 : vector<16x1024xi32>
    %gt3A_2062 = arith.cmpf ogt, %select_n3A_2038, %select_n3A_2026 : vector<16x1024xf32>
    %eq3A_2063 = arith.cmpf oeq, %select_n3A_2038, %select_n3A_2026 : vector<16x1024xf32>
    %lt3A_2064 = arith.cmpi slt, %select_n3A_2049, %select_n3A_2027 : vector<16x1024xi32>
    %and3A_2065 = arith.andi %eq3A_2063, %lt3A_2064 : vector<16x1024xi1>
    %or3A_2066 = arith.ori %gt3A_2062, %and3A_2065 : vector<16x1024xi1>
    %xor3A_2067 = arith.xori %or3A_2066, %ne3A_2055 : vector<16x1024xi1>
    %xor3A_2068 = arith.xori %xor3A_2067, %ne3A_2061 : vector<16x1024xi1>
    %select_n3A_2069 = arith.select %xor3A_2068, %select_n3A_2038, %select_n3A_2026 : vector<16x1024xi1>, vector<16x1024xf32>
    %select_n3A_2070 = arith.select %xor3A_2068, %select_n3A_2049, %select_n3A_2027 : vector<16x1024xi1>, vector<16x1024xi32>
    %and3A_2071 = arith.constant 64 : i32
    %and3A_2072 = vector.broadcast %and3A_2071 : i32 to vector<16x1024xi32>
    %and3A_2073 = arith.andi %iota3A, %and3A_2072 : vector<16x1024xi32>
    %ne3A_2074 = arith.constant 0 : i32
    %ne3A_2075 = vector.broadcast %ne3A_2074 : i32 to vector<16x1024xi32>
    %ne3A_2076 = arith.cmpi ne, %and3A_2073, %ne3A_2075 : vector<16x1024xi32>
    %roll3A_2077 = arith.constant 64 : i32
    %roll3A_2078 = tpu.dynamic_rotate %select_n3A_2069 by %roll3A_2077 dim 1 : vector<16x1024xf32>, i32 -> vector<16x1024xf32>
    %roll3A_2079 = arith.constant 960 : i32
    %roll3A_2080 = tpu.dynamic_rotate %select_n3A_2069 by %roll3A_2079 dim 1 : vector<16x1024xf32>, i32 -> vector<16x1024xf32>
    %select_n3A_2081 = arith.select %ne3A_2076, %roll3A_2078, %roll3A_2080 : vector<16x1024xi1>, vector<16x1024xf32>
    %and3A_2082 = arith.constant 64 : i32
    %and3A_2083 = vector.broadcast %and3A_2082 : i32 to vector<16x1024xi32>
    %and3A_2084 = arith.andi %iota3A, %and3A_2083 : vector<16x1024xi32>
    %ne3A_2085 = arith.constant 0 : i32
    %ne3A_2086 = vector.broadcast %ne3A_2085 : i32 to vector<16x1024xi32>
    %ne3A_2087 = arith.cmpi ne, %and3A_2084, %ne3A_2086 : vector<16x1024xi32>
    %roll3A_2088 = arith.constant 64 : i32
    %roll3A_2089 = tpu.dynamic_rotate %select_n3A_2070 by %roll3A_2088 dim 1 : vector<16x1024xi32>, i32 -> vector<16x1024xi32>
    %roll3A_2090 = arith.constant 960 : i32
    %roll3A_2091 = tpu.dynamic_rotate %select_n3A_2070 by %roll3A_2090 dim 1 : vector<16x1024xi32>, i32 -> vector<16x1024xi32>
    %select_n3A_2092 = arith.select %ne3A_2087, %roll3A_2089, %roll3A_2091 : vector<16x1024xi1>, vector<16x1024xi32>
    %and3A_2093 = arith.constant 64 : i32
    %and3A_2094 = vector.broadcast %and3A_2093 : i32 to vector<16x1024xi32>
    %and3A_2095 = arith.andi %iota3A, %and3A_2094 : vector<16x1024xi32>
    %ne3A_2096 = arith.constant 0 : i32
    %ne3A_2097 = vector.broadcast %ne3A_2096 : i32 to vector<16x1024xi32>
    %ne3A_2098 = arith.cmpi ne, %and3A_2095, %ne3A_2097 : vector<16x1024xi32>
    %and3A_2099 = arith.constant 1024 : i32
    %and3A_2100 = vector.broadcast %and3A_2099 : i32 to vector<16x1024xi32>
    %and3A_2101 = arith.andi %iota3A, %and3A_2100 : vector<16x1024xi32>
    %ne3A_2102 = arith.constant 0 : i32
    %ne3A_2103 = vector.broadcast %ne3A_2102 : i32 to vector<16x1024xi32>
    %ne3A_2104 = arith.cmpi ne, %and3A_2101, %ne3A_2103 : vector<16x1024xi32>
    %gt3A_2105 = arith.cmpf ogt, %select_n3A_2081, %select_n3A_2069 : vector<16x1024xf32>
    %eq3A_2106 = arith.cmpf oeq, %select_n3A_2081, %select_n3A_2069 : vector<16x1024xf32>
    %lt3A_2107 = arith.cmpi slt, %select_n3A_2092, %select_n3A_2070 : vector<16x1024xi32>
    %and3A_2108 = arith.andi %eq3A_2106, %lt3A_2107 : vector<16x1024xi1>
    %or3A_2109 = arith.ori %gt3A_2105, %and3A_2108 : vector<16x1024xi1>
    %xor3A_2110 = arith.xori %or3A_2109, %ne3A_2098 : vector<16x1024xi1>
    %xor3A_2111 = arith.xori %xor3A_2110, %ne3A_2104 : vector<16x1024xi1>
    %select_n3A_2112 = arith.select %xor3A_2111, %select_n3A_2081, %select_n3A_2069 : vector<16x1024xi1>, vector<16x1024xf32>
    %select_n3A_2113 = arith.select %xor3A_2111, %select_n3A_2092, %select_n3A_2070 : vector<16x1024xi1>, vector<16x1024xi32>
    %and3A_2114 = arith.constant 32 : i32
    %and3A_2115 = vector.broadcast %and3A_2114 : i32 to vector<16x1024xi32>
    %and3A_2116 = arith.andi %iota3A, %and3A_2115 : vector<16x1024xi32>
    %ne3A_2117 = arith.constant 0 : i32
    %ne3A_2118 = vector.broadcast %ne3A_2117 : i32 to vector<16x1024xi32>
    %ne3A_2119 = arith.cmpi ne, %and3A_2116, %ne3A_2118 : vector<16x1024xi32>
    %roll3A_2120 = arith.constant 32 : i32
    %roll3A_2121 = tpu.dynamic_rotate %select_n3A_2112 by %roll3A_2120 dim 1 : vector<16x1024xf32>, i32 -> vector<16x1024xf32>
    %roll3A_2122 = arith.constant 992 : i32
    %roll3A_2123 = tpu.dynamic_rotate %select_n3A_2112 by %roll3A_2122 dim 1 : vector<16x1024xf32>, i32 -> vector<16x1024xf32>
    %select_n3A_2124 = arith.select %ne3A_2119, %roll3A_2121, %roll3A_2123 : vector<16x1024xi1>, vector<16x1024xf32>
    %and3A_2125 = arith.constant 32 : i32
    %and3A_2126 = vector.broadcast %and3A_2125 : i32 to vector<16x1024xi32>
    %and3A_2127 = arith.andi %iota3A, %and3A_2126 : vector<16x1024xi32>
    %ne3A_2128 = arith.constant 0 : i32
    %ne3A_2129 = vector.broadcast %ne3A_2128 : i32 to vector<16x1024xi32>
    %ne3A_2130 = arith.cmpi ne, %and3A_2127, %ne3A_2129 : vector<16x1024xi32>
    %roll3A_2131 = arith.constant 32 : i32
    %roll3A_2132 = tpu.dynamic_rotate %select_n3A_2113 by %roll3A_2131 dim 1 : vector<16x1024xi32>, i32 -> vector<16x1024xi32>
    %roll3A_2133 = arith.constant 992 : i32
    %roll3A_2134 = tpu.dynamic_rotate %select_n3A_2113 by %roll3A_2133 dim 1 : vector<16x1024xi32>, i32 -> vector<16x1024xi32>
    %select_n3A_2135 = arith.select %ne3A_2130, %roll3A_2132, %roll3A_2134 : vector<16x1024xi1>, vector<16x1024xi32>
    %and3A_2136 = arith.constant 32 : i32
    %and3A_2137 = vector.broadcast %and3A_2136 : i32 to vector<16x1024xi32>
    %and3A_2138 = arith.andi %iota3A, %and3A_2137 : vector<16x1024xi32>
    %ne3A_2139 = arith.constant 0 : i32
    %ne3A_2140 = vector.broadcast %ne3A_2139 : i32 to vector<16x1024xi32>
    %ne3A_2141 = arith.cmpi ne, %and3A_2138, %ne3A_2140 : vector<16x1024xi32>
    %and3A_2142 = arith.constant 1024 : i32
    %and3A_2143 = vector.broadcast %and3A_2142 : i32 to vector<16x1024xi32>
    %and3A_2144 = arith.andi %iota3A, %and3A_2143 : vector<16x1024xi32>
    %ne3A_2145 = arith.constant 0 : i32
    %ne3A_2146 = vector.broadcast %ne3A_2145 : i32 to vector<16x1024xi32>
    %ne3A_2147 = arith.cmpi ne, %and3A_2144, %ne3A_2146 : vector<16x1024xi32>
    %gt3A_2148 = arith.cmpf ogt, %select_n3A_2124, %select_n3A_2112 : vector<16x1024xf32>
    %eq3A_2149 = arith.cmpf oeq, %select_n3A_2124, %select_n3A_2112 : vector<16x1024xf32>
    %lt3A_2150 = arith.cmpi slt, %select_n3A_2135, %select_n3A_2113 : vector<16x1024xi32>
    %and3A_2151 = arith.andi %eq3A_2149, %lt3A_2150 : vector<16x1024xi1>
    %or3A_2152 = arith.ori %gt3A_2148, %and3A_2151 : vector<16x1024xi1>
    %xor3A_2153 = arith.xori %or3A_2152, %ne3A_2141 : vector<16x1024xi1>
    %xor3A_2154 = arith.xori %xor3A_2153, %ne3A_2147 : vector<16x1024xi1>
    %select_n3A_2155 = arith.select %xor3A_2154, %select_n3A_2124, %select_n3A_2112 : vector<16x1024xi1>, vector<16x1024xf32>
    %select_n3A_2156 = arith.select %xor3A_2154, %select_n3A_2135, %select_n3A_2113 : vector<16x1024xi1>, vector<16x1024xi32>
    %and3A_2157 = arith.constant 16 : i32
    %and3A_2158 = vector.broadcast %and3A_2157 : i32 to vector<16x1024xi32>
    %and3A_2159 = arith.andi %iota3A, %and3A_2158 : vector<16x1024xi32>
    %ne3A_2160 = arith.constant 0 : i32
    %ne3A_2161 = vector.broadcast %ne3A_2160 : i32 to vector<16x1024xi32>
    %ne3A_2162 = arith.cmpi ne, %and3A_2159, %ne3A_2161 : vector<16x1024xi32>
    %roll3A_2163 = arith.constant 16 : i32
    %roll3A_2164 = tpu.dynamic_rotate %select_n3A_2155 by %roll3A_2163 dim 1 : vector<16x1024xf32>, i32 -> vector<16x1024xf32>
    %roll3A_2165 = arith.constant 1008 : i32
    %roll3A_2166 = tpu.dynamic_rotate %select_n3A_2155 by %roll3A_2165 dim 1 : vector<16x1024xf32>, i32 -> vector<16x1024xf32>
    %select_n3A_2167 = arith.select %ne3A_2162, %roll3A_2164, %roll3A_2166 : vector<16x1024xi1>, vector<16x1024xf32>
    %and3A_2168 = arith.constant 16 : i32
    %and3A_2169 = vector.broadcast %and3A_2168 : i32 to vector<16x1024xi32>
    %and3A_2170 = arith.andi %iota3A, %and3A_2169 : vector<16x1024xi32>
    %ne3A_2171 = arith.constant 0 : i32
    %ne3A_2172 = vector.broadcast %ne3A_2171 : i32 to vector<16x1024xi32>
    %ne3A_2173 = arith.cmpi ne, %and3A_2170, %ne3A_2172 : vector<16x1024xi32>
    %roll3A_2174 = arith.constant 16 : i32
    %roll3A_2175 = tpu.dynamic_rotate %select_n3A_2156 by %roll3A_2174 dim 1 : vector<16x1024xi32>, i32 -> vector<16x1024xi32>
    %roll3A_2176 = arith.constant 1008 : i32
    %roll3A_2177 = tpu.dynamic_rotate %select_n3A_2156 by %roll3A_2176 dim 1 : vector<16x1024xi32>, i32 -> vector<16x1024xi32>
    %select_n3A_2178 = arith.select %ne3A_2173, %roll3A_2175, %roll3A_2177 : vector<16x1024xi1>, vector<16x1024xi32>
    %and3A_2179 = arith.constant 16 : i32
    %and3A_2180 = vector.broadcast %and3A_2179 : i32 to vector<16x1024xi32>
    %and3A_2181 = arith.andi %iota3A, %and3A_2180 : vector<16x1024xi32>
    %ne3A_2182 = arith.constant 0 : i32
    %ne3A_2183 = vector.broadcast %ne3A_2182 : i32 to vector<16x1024xi32>
    %ne3A_2184 = arith.cmpi ne, %and3A_2181, %ne3A_2183 : vector<16x1024xi32>
    %and3A_2185 = arith.constant 1024 : i32
    %and3A_2186 = vector.broadcast %and3A_2185 : i32 to vector<16x1024xi32>
    %and3A_2187 = arith.andi %iota3A, %and3A_2186 : vector<16x1024xi32>
    %ne3A_2188 = arith.constant 0 : i32
    %ne3A_2189 = vector.broadcast %ne3A_2188 : i32 to vector<16x1024xi32>
    %ne3A_2190 = arith.cmpi ne, %and3A_2187, %ne3A_2189 : vector<16x1024xi32>
    %gt3A_2191 = arith.cmpf ogt, %select_n3A_2167, %select_n3A_2155 : vector<16x1024xf32>
    %eq3A_2192 = arith.cmpf oeq, %select_n3A_2167, %select_n3A_2155 : vector<16x1024xf32>
    %lt3A_2193 = arith.cmpi slt, %select_n3A_2178, %select_n3A_2156 : vector<16x1024xi32>
    %and3A_2194 = arith.andi %eq3A_2192, %lt3A_2193 : vector<16x1024xi1>
    %or3A_2195 = arith.ori %gt3A_2191, %and3A_2194 : vector<16x1024xi1>
    %xor3A_2196 = arith.xori %or3A_2195, %ne3A_2184 : vector<16x1024xi1>
    %xor3A_2197 = arith.xori %xor3A_2196, %ne3A_2190 : vector<16x1024xi1>
    %select_n3A_2198 = arith.select %xor3A_2197, %select_n3A_2167, %select_n3A_2155 : vector<16x1024xi1>, vector<16x1024xf32>
    %select_n3A_2199 = arith.select %xor3A_2197, %select_n3A_2178, %select_n3A_2156 : vector<16x1024xi1>, vector<16x1024xi32>
    %and3A_2200 = arith.constant 8 : i32
    %and3A_2201 = vector.broadcast %and3A_2200 : i32 to vector<16x1024xi32>
    %and3A_2202 = arith.andi %iota3A, %and3A_2201 : vector<16x1024xi32>
    %ne3A_2203 = arith.constant 0 : i32
    %ne3A_2204 = vector.broadcast %ne3A_2203 : i32 to vector<16x1024xi32>
    %ne3A_2205 = arith.cmpi ne, %and3A_2202, %ne3A_2204 : vector<16x1024xi32>
    %roll3A_2206 = arith.constant 8 : i32
    %roll3A_2207 = tpu.dynamic_rotate %select_n3A_2198 by %roll3A_2206 dim 1 : vector<16x1024xf32>, i32 -> vector<16x1024xf32>
    %roll3A_2208 = arith.constant 1016 : i32
    %roll3A_2209 = tpu.dynamic_rotate %select_n3A_2198 by %roll3A_2208 dim 1 : vector<16x1024xf32>, i32 -> vector<16x1024xf32>
    %select_n3A_2210 = arith.select %ne3A_2205, %roll3A_2207, %roll3A_2209 : vector<16x1024xi1>, vector<16x1024xf32>
    %and3A_2211 = arith.constant 8 : i32
    %and3A_2212 = vector.broadcast %and3A_2211 : i32 to vector<16x1024xi32>
    %and3A_2213 = arith.andi %iota3A, %and3A_2212 : vector<16x1024xi32>
    %ne3A_2214 = arith.constant 0 : i32
    %ne3A_2215 = vector.broadcast %ne3A_2214 : i32 to vector<16x1024xi32>
    %ne3A_2216 = arith.cmpi ne, %and3A_2213, %ne3A_2215 : vector<16x1024xi32>
    %roll3A_2217 = arith.constant 8 : i32
    %roll3A_2218 = tpu.dynamic_rotate %select_n3A_2199 by %roll3A_2217 dim 1 : vector<16x1024xi32>, i32 -> vector<16x1024xi32>
    %roll3A_2219 = arith.constant 1016 : i32
    %roll3A_2220 = tpu.dynamic_rotate %select_n3A_2199 by %roll3A_2219 dim 1 : vector<16x1024xi32>, i32 -> vector<16x1024xi32>
    %select_n3A_2221 = arith.select %ne3A_2216, %roll3A_2218, %roll3A_2220 : vector<16x1024xi1>, vector<16x1024xi32>
    %and3A_2222 = arith.constant 8 : i32
    %and3A_2223 = vector.broadcast %and3A_2222 : i32 to vector<16x1024xi32>
    %and3A_2224 = arith.andi %iota3A, %and3A_2223 : vector<16x1024xi32>
    %ne3A_2225 = arith.constant 0 : i32
    %ne3A_2226 = vector.broadcast %ne3A_2225 : i32 to vector<16x1024xi32>
    %ne3A_2227 = arith.cmpi ne, %and3A_2224, %ne3A_2226 : vector<16x1024xi32>
    %and3A_2228 = arith.constant 1024 : i32
    %and3A_2229 = vector.broadcast %and3A_2228 : i32 to vector<16x1024xi32>
    %and3A_2230 = arith.andi %iota3A, %and3A_2229 : vector<16x1024xi32>
    %ne3A_2231 = arith.constant 0 : i32
    %ne3A_2232 = vector.broadcast %ne3A_2231 : i32 to vector<16x1024xi32>
    %ne3A_2233 = arith.cmpi ne, %and3A_2230, %ne3A_2232 : vector<16x1024xi32>
    %gt3A_2234 = arith.cmpf ogt, %select_n3A_2210, %select_n3A_2198 : vector<16x1024xf32>
    %eq3A_2235 = arith.cmpf oeq, %select_n3A_2210, %select_n3A_2198 : vector<16x1024xf32>
    %lt3A_2236 = arith.cmpi slt, %select_n3A_2221, %select_n3A_2199 : vector<16x1024xi32>
    %and3A_2237 = arith.andi %eq3A_2235, %lt3A_2236 : vector<16x1024xi1>
    %or3A_2238 = arith.ori %gt3A_2234, %and3A_2237 : vector<16x1024xi1>
    %xor3A_2239 = arith.xori %or3A_2238, %ne3A_2227 : vector<16x1024xi1>
    %xor3A_2240 = arith.xori %xor3A_2239, %ne3A_2233 : vector<16x1024xi1>
    %select_n3A_2241 = arith.select %xor3A_2240, %select_n3A_2210, %select_n3A_2198 : vector<16x1024xi1>, vector<16x1024xf32>
    %select_n3A_2242 = arith.select %xor3A_2240, %select_n3A_2221, %select_n3A_2199 : vector<16x1024xi1>, vector<16x1024xi32>
    %and3A_2243 = arith.constant 4 : i32
    %and3A_2244 = vector.broadcast %and3A_2243 : i32 to vector<16x1024xi32>
    %and3A_2245 = arith.andi %iota3A, %and3A_2244 : vector<16x1024xi32>
    %ne3A_2246 = arith.constant 0 : i32
    %ne3A_2247 = vector.broadcast %ne3A_2246 : i32 to vector<16x1024xi32>
    %ne3A_2248 = arith.cmpi ne, %and3A_2245, %ne3A_2247 : vector<16x1024xi32>
    %roll3A_2249 = arith.constant 4 : i32
    %roll3A_2250 = tpu.dynamic_rotate %select_n3A_2241 by %roll3A_2249 dim 1 : vector<16x1024xf32>, i32 -> vector<16x1024xf32>
    %roll3A_2251 = arith.constant 1020 : i32
    %roll3A_2252 = tpu.dynamic_rotate %select_n3A_2241 by %roll3A_2251 dim 1 : vector<16x1024xf32>, i32 -> vector<16x1024xf32>
    %select_n3A_2253 = arith.select %ne3A_2248, %roll3A_2250, %roll3A_2252 : vector<16x1024xi1>, vector<16x1024xf32>
    %and3A_2254 = arith.constant 4 : i32
    %and3A_2255 = vector.broadcast %and3A_2254 : i32 to vector<16x1024xi32>
    %and3A_2256 = arith.andi %iota3A, %and3A_2255 : vector<16x1024xi32>
    %ne3A_2257 = arith.constant 0 : i32
    %ne3A_2258 = vector.broadcast %ne3A_2257 : i32 to vector<16x1024xi32>
    %ne3A_2259 = arith.cmpi ne, %and3A_2256, %ne3A_2258 : vector<16x1024xi32>
    %roll3A_2260 = arith.constant 4 : i32
    %roll3A_2261 = tpu.dynamic_rotate %select_n3A_2242 by %roll3A_2260 dim 1 : vector<16x1024xi32>, i32 -> vector<16x1024xi32>
    %roll3A_2262 = arith.constant 1020 : i32
    %roll3A_2263 = tpu.dynamic_rotate %select_n3A_2242 by %roll3A_2262 dim 1 : vector<16x1024xi32>, i32 -> vector<16x1024xi32>
    %select_n3A_2264 = arith.select %ne3A_2259, %roll3A_2261, %roll3A_2263 : vector<16x1024xi1>, vector<16x1024xi32>
    %and3A_2265 = arith.constant 4 : i32
    %and3A_2266 = vector.broadcast %and3A_2265 : i32 to vector<16x1024xi32>
    %and3A_2267 = arith.andi %iota3A, %and3A_2266 : vector<16x1024xi32>
    %ne3A_2268 = arith.constant 0 : i32
    %ne3A_2269 = vector.broadcast %ne3A_2268 : i32 to vector<16x1024xi32>
    %ne3A_2270 = arith.cmpi ne, %and3A_2267, %ne3A_2269 : vector<16x1024xi32>
    %and3A_2271 = arith.constant 1024 : i32
    %and3A_2272 = vector.broadcast %and3A_2271 : i32 to vector<16x1024xi32>
    %and3A_2273 = arith.andi %iota3A, %and3A_2272 : vector<16x1024xi32>
    %ne3A_2274 = arith.constant 0 : i32
    %ne3A_2275 = vector.broadcast %ne3A_2274 : i32 to vector<16x1024xi32>
    %ne3A_2276 = arith.cmpi ne, %and3A_2273, %ne3A_2275 : vector<16x1024xi32>
    %gt3A_2277 = arith.cmpf ogt, %select_n3A_2253, %select_n3A_2241 : vector<16x1024xf32>
    %eq3A_2278 = arith.cmpf oeq, %select_n3A_2253, %select_n3A_2241 : vector<16x1024xf32>
    %lt3A_2279 = arith.cmpi slt, %select_n3A_2264, %select_n3A_2242 : vector<16x1024xi32>
    %and3A_2280 = arith.andi %eq3A_2278, %lt3A_2279 : vector<16x1024xi1>
    %or3A_2281 = arith.ori %gt3A_2277, %and3A_2280 : vector<16x1024xi1>
    %xor3A_2282 = arith.xori %or3A_2281, %ne3A_2270 : vector<16x1024xi1>
    %xor3A_2283 = arith.xori %xor3A_2282, %ne3A_2276 : vector<16x1024xi1>
    %select_n3A_2284 = arith.select %xor3A_2283, %select_n3A_2253, %select_n3A_2241 : vector<16x1024xi1>, vector<16x1024xf32>
    %select_n3A_2285 = arith.select %xor3A_2283, %select_n3A_2264, %select_n3A_2242 : vector<16x1024xi1>, vector<16x1024xi32>
    %and3A_2286 = arith.constant 2 : i32
    %and3A_2287 = vector.broadcast %and3A_2286 : i32 to vector<16x1024xi32>
    %and3A_2288 = arith.andi %iota3A, %and3A_2287 : vector<16x1024xi32>
    %ne3A_2289 = arith.constant 0 : i32
    %ne3A_2290 = vector.broadcast %ne3A_2289 : i32 to vector<16x1024xi32>
    %ne3A_2291 = arith.cmpi ne, %and3A_2288, %ne3A_2290 : vector<16x1024xi32>
    %roll3A_2292 = arith.constant 2 : i32
    %roll3A_2293 = tpu.dynamic_rotate %select_n3A_2284 by %roll3A_2292 dim 1 : vector<16x1024xf32>, i32 -> vector<16x1024xf32>
    %roll3A_2294 = arith.constant 1022 : i32
    %roll3A_2295 = tpu.dynamic_rotate %select_n3A_2284 by %roll3A_2294 dim 1 : vector<16x1024xf32>, i32 -> vector<16x1024xf32>
    %select_n3A_2296 = arith.select %ne3A_2291, %roll3A_2293, %roll3A_2295 : vector<16x1024xi1>, vector<16x1024xf32>
    %and3A_2297 = arith.constant 2 : i32
    %and3A_2298 = vector.broadcast %and3A_2297 : i32 to vector<16x1024xi32>
    %and3A_2299 = arith.andi %iota3A, %and3A_2298 : vector<16x1024xi32>
    %ne3A_2300 = arith.constant 0 : i32
    %ne3A_2301 = vector.broadcast %ne3A_2300 : i32 to vector<16x1024xi32>
    %ne3A_2302 = arith.cmpi ne, %and3A_2299, %ne3A_2301 : vector<16x1024xi32>
    %roll3A_2303 = arith.constant 2 : i32
    %roll3A_2304 = tpu.dynamic_rotate %select_n3A_2285 by %roll3A_2303 dim 1 : vector<16x1024xi32>, i32 -> vector<16x1024xi32>
    %roll3A_2305 = arith.constant 1022 : i32
    %roll3A_2306 = tpu.dynamic_rotate %select_n3A_2285 by %roll3A_2305 dim 1 : vector<16x1024xi32>, i32 -> vector<16x1024xi32>
    %select_n3A_2307 = arith.select %ne3A_2302, %roll3A_2304, %roll3A_2306 : vector<16x1024xi1>, vector<16x1024xi32>
    %and3A_2308 = arith.constant 2 : i32
    %and3A_2309 = vector.broadcast %and3A_2308 : i32 to vector<16x1024xi32>
    %and3A_2310 = arith.andi %iota3A, %and3A_2309 : vector<16x1024xi32>
    %ne3A_2311 = arith.constant 0 : i32
    %ne3A_2312 = vector.broadcast %ne3A_2311 : i32 to vector<16x1024xi32>
    %ne3A_2313 = arith.cmpi ne, %and3A_2310, %ne3A_2312 : vector<16x1024xi32>
    %and3A_2314 = arith.constant 1024 : i32
    %and3A_2315 = vector.broadcast %and3A_2314 : i32 to vector<16x1024xi32>
    %and3A_2316 = arith.andi %iota3A, %and3A_2315 : vector<16x1024xi32>
    %ne3A_2317 = arith.constant 0 : i32
    %ne3A_2318 = vector.broadcast %ne3A_2317 : i32 to vector<16x1024xi32>
    %ne3A_2319 = arith.cmpi ne, %and3A_2316, %ne3A_2318 : vector<16x1024xi32>
    %gt3A_2320 = arith.cmpf ogt, %select_n3A_2296, %select_n3A_2284 : vector<16x1024xf32>
    %eq3A_2321 = arith.cmpf oeq, %select_n3A_2296, %select_n3A_2284 : vector<16x1024xf32>
    %lt3A_2322 = arith.cmpi slt, %select_n3A_2307, %select_n3A_2285 : vector<16x1024xi32>
    %and3A_2323 = arith.andi %eq3A_2321, %lt3A_2322 : vector<16x1024xi1>
    %or3A_2324 = arith.ori %gt3A_2320, %and3A_2323 : vector<16x1024xi1>
    %xor3A_2325 = arith.xori %or3A_2324, %ne3A_2313 : vector<16x1024xi1>
    %xor3A_2326 = arith.xori %xor3A_2325, %ne3A_2319 : vector<16x1024xi1>
    %select_n3A_2327 = arith.select %xor3A_2326, %select_n3A_2296, %select_n3A_2284 : vector<16x1024xi1>, vector<16x1024xf32>
    %select_n3A_2328 = arith.select %xor3A_2326, %select_n3A_2307, %select_n3A_2285 : vector<16x1024xi1>, vector<16x1024xi32>
    %and3A_2329 = arith.constant 1 : i32
    %and3A_2330 = vector.broadcast %and3A_2329 : i32 to vector<16x1024xi32>
    %and3A_2331 = arith.andi %iota3A, %and3A_2330 : vector<16x1024xi32>
    %ne3A_2332 = arith.constant 0 : i32
    %ne3A_2333 = vector.broadcast %ne3A_2332 : i32 to vector<16x1024xi32>
    %ne3A_2334 = arith.cmpi ne, %and3A_2331, %ne3A_2333 : vector<16x1024xi32>
    %roll3A_2335 = arith.constant 1 : i32
    %roll3A_2336 = tpu.dynamic_rotate %select_n3A_2327 by %roll3A_2335 dim 1 : vector<16x1024xf32>, i32 -> vector<16x1024xf32>
    %roll3A_2337 = arith.constant 1023 : i32
    %roll3A_2338 = tpu.dynamic_rotate %select_n3A_2327 by %roll3A_2337 dim 1 : vector<16x1024xf32>, i32 -> vector<16x1024xf32>
    %select_n3A_2339 = arith.select %ne3A_2334, %roll3A_2336, %roll3A_2338 : vector<16x1024xi1>, vector<16x1024xf32>
    %and3A_2340 = arith.constant 1 : i32
    %and3A_2341 = vector.broadcast %and3A_2340 : i32 to vector<16x1024xi32>
    %and3A_2342 = arith.andi %iota3A, %and3A_2341 : vector<16x1024xi32>
    %ne3A_2343 = arith.constant 0 : i32
    %ne3A_2344 = vector.broadcast %ne3A_2343 : i32 to vector<16x1024xi32>
    %ne3A_2345 = arith.cmpi ne, %and3A_2342, %ne3A_2344 : vector<16x1024xi32>
    %roll3A_2346 = arith.constant 1 : i32
    %roll3A_2347 = tpu.dynamic_rotate %select_n3A_2328 by %roll3A_2346 dim 1 : vector<16x1024xi32>, i32 -> vector<16x1024xi32>
    %roll3A_2348 = arith.constant 1023 : i32
    %roll3A_2349 = tpu.dynamic_rotate %select_n3A_2328 by %roll3A_2348 dim 1 : vector<16x1024xi32>, i32 -> vector<16x1024xi32>
    %select_n3A_2350 = arith.select %ne3A_2345, %roll3A_2347, %roll3A_2349 : vector<16x1024xi1>, vector<16x1024xi32>
    %and3A_2351 = arith.constant 1 : i32
    %and3A_2352 = vector.broadcast %and3A_2351 : i32 to vector<16x1024xi32>
    %and3A_2353 = arith.andi %iota3A, %and3A_2352 : vector<16x1024xi32>
    %ne3A_2354 = arith.constant 0 : i32
    %ne3A_2355 = vector.broadcast %ne3A_2354 : i32 to vector<16x1024xi32>
    %ne3A_2356 = arith.cmpi ne, %and3A_2353, %ne3A_2355 : vector<16x1024xi32>
    %and3A_2357 = arith.constant 1024 : i32
    %and3A_2358 = vector.broadcast %and3A_2357 : i32 to vector<16x1024xi32>
    %and3A_2359 = arith.andi %iota3A, %and3A_2358 : vector<16x1024xi32>
    %ne3A_2360 = arith.constant 0 : i32
    %ne3A_2361 = vector.broadcast %ne3A_2360 : i32 to vector<16x1024xi32>
    %ne3A_2362 = arith.cmpi ne, %and3A_2359, %ne3A_2361 : vector<16x1024xi32>
    %gt3A_2363 = arith.cmpf ogt, %select_n3A_2339, %select_n3A_2327 : vector<16x1024xf32>
    %eq3A_2364 = arith.cmpf oeq, %select_n3A_2339, %select_n3A_2327 : vector<16x1024xf32>
    %lt3A_2365 = arith.cmpi slt, %select_n3A_2350, %select_n3A_2328 : vector<16x1024xi32>
    %and3A_2366 = arith.andi %eq3A_2364, %lt3A_2365 : vector<16x1024xi1>
    %or3A_2367 = arith.ori %gt3A_2363, %and3A_2366 : vector<16x1024xi1>
    %xor3A_2368 = arith.xori %or3A_2367, %ne3A_2356 : vector<16x1024xi1>
    %xor3A_2369 = arith.xori %xor3A_2368, %ne3A_2362 : vector<16x1024xi1>
    %select_n3A_2370 = arith.select %xor3A_2369, %select_n3A_2339, %select_n3A_2327 : vector<16x1024xi1>, vector<16x1024xf32>
    %select_n3A_2371 = arith.select %xor3A_2369, %select_n3A_2350, %select_n3A_2328 : vector<16x1024xi1>, vector<16x1024xi32>
    %get3A_2372 = arith.constant 0 : index
    %get3A_2373 = arith.constant 0 : index
    %get3A_2374 = arith.constant 0 : index
    %get3A_2375 = vector.load %arg4[%get3A_2372, %get3A_2373, %get3A_2374] : memref<1x16x128xf32, #tpu.memory_space<vmem>>, vector<1x16x128xf32>
    %get3A_2376 = vector.shape_cast %get3A_2375 : vector<1x16x128xf32> to vector<16x128xf32>
    %slice3A = vector.extract_strided_slice %get3A_2376 {offsets = [0, 0], sizes = [16, 1], strides = [1, 1]} : vector<16x128xf32> to vector<16x1xf32>
    %sub3A = vector.broadcast %slice3A : vector<16x1xf32> to vector<16x1024xf32>
    %sub3A_2377 = arith.subf %select_n3A_2370, %sub3A : vector<16x1024xf32>
    %lt3A_2378 = arith.constant 1000 : i32
    %lt3A_2379 = vector.broadcast %lt3A_2378 : i32 to vector<16x1024xi32>
    %lt3A_2380 = arith.cmpi slt, %iota3A, %lt3A_2379 : vector<16x1024xi32>
    %get3A_2381 = arith.constant 0 : index
    %get3A_2382 = arith.constant 0 : index
    %get3A_2383 = arith.constant 0 : index
    %get3A_2384 = vector.load %arg3[%get3A_2381, %get3A_2382, %get3A_2383] : memref<1x16x1024xf32, #tpu.memory_space<vmem>>, vector<1x16x1024xf32>
    %get3A_2385 = vector.shape_cast %get3A_2384 : vector<1x16x1024xf32> to vector<16x1024xf32>
    %add3A = arith.addf %sub3A_2377, %get3A_2385 : vector<16x1024xf32>
    %jit3A_2386 = arith.constant -3.000000e+38 : f32
    %broadcast_in_dim3A_2387 = vector.broadcast %jit3A_2386 : f32 to vector<16x1024xf32>
    %select_n3A_2388 = arith.select %lt3A_2380, %add3A, %broadcast_in_dim3A_2387 : vector<16x1024xi1>, vector<16x1024xf32>
    %reduce_max3A = arith.constant dense<0xFF800000> : vector<16xf32>
    %reduce_max3A_2389 = vector.multi_reduction <maximumf>, %select_n3A_2388, %reduce_max3A [1] : vector<16x1024xf32> to vector<16xf32>
    %broadcast_in_dim3A_2390 = vector.shape_cast %reduce_max3A_2389 : vector<16xf32> to vector<16x1xf32>
    %eq3A_2391 = vector.broadcast %broadcast_in_dim3A_2390 : vector<16x1xf32> to vector<16x1024xf32>
    %eq3A_2392 = arith.cmpf oeq, %select_n3A_2388, %eq3A_2391 : vector<16x1024xf32>
    %jit3A_2393 = arith.constant 1024 : i32
    %broadcast_in_dim3A_2394 = vector.broadcast %jit3A_2393 : i32 to vector<16x1024xi32>
    %select_n3A_2395 = arith.select %eq3A_2392, %iota3A, %broadcast_in_dim3A_2394 : vector<16x1024xi1>, vector<16x1024xi32>
    %reduce_min3A = arith.constant dense<2147483647> : vector<16xi32>
    %reduce_min3A_2396 = vector.multi_reduction <minsi>, %select_n3A_2395, %reduce_min3A [1] : vector<16x1024xi32> to vector<16xi32>
    %broadcast_in_dim3A_2397 = vector.shape_cast %reduce_min3A_2396 : vector<16xi32> to vector<16x1xi32>
    %eq3A_2398 = vector.broadcast %broadcast_in_dim3A_2397 : vector<16x1xi32> to vector<16x1024xi32>
    %eq3A_2399 = arith.cmpi eq, %iota3A, %eq3A_2398 : vector<16x1024xi32>
    %jit3A_2400 = arith.constant 0.000000e+00 : f32
    %broadcast_in_dim3A_2401 = vector.broadcast %jit3A_2400 : f32 to vector<16x1024xf32>
    %select_n3A_2402 = arith.select %eq3A_2399, %sub3A_2377, %broadcast_in_dim3A_2401 : vector<16x1024xi1>, vector<16x1024xf32>
    %reduce_sum3A = arith.constant dense<0.000000e+00> : vector<16xf32>
    %reduce_sum3A_2403 = vector.multi_reduction <add>, %select_n3A_2402, %reduce_sum3A [1] : vector<16x1024xf32> to vector<16xf32>
    %broadcast_in_dim3A_2404 = vector.shape_cast %reduce_sum3A_2403 : vector<16xf32> to vector<16x1xf32>
    %jit3A_2405 = arith.constant 0 : i32
    %broadcast_in_dim3A_2406 = vector.broadcast %jit3A_2405 : i32 to vector<16x1024xi32>
    %select_n3A_2407 = arith.select %eq3A_2399, %select_n3A_2371, %broadcast_in_dim3A_2406 : vector<16x1024xi1>, vector<16x1024xi32>
    %reduce_sum3A_2408 = arith.constant dense<0> : vector<16xi32>
    %reduce_sum3A_2409 = vector.multi_reduction <add>, %select_n3A_2407, %reduce_sum3A_2408 [1] : vector<16x1024xi32> to vector<16xi32>
    %broadcast_in_dim3A_2410 = vector.shape_cast %reduce_sum3A_2409 : vector<16xi32> to vector<16x1xi32>
    %broadcast_in_dim3A_2411 = vector.shape_cast %broadcast_in_dim3A_2404 : vector<16x1xf32> to vector<16x1xf32>
    %broadcast_in_dim3A_2412 = vector.broadcast %broadcast_in_dim3A_2411 : vector<16x1xf32> to vector<16x128xf32>
    %broadcast_in_dim3A_2413 = vector.shape_cast %broadcast_in_dim3A_2412 : vector<16x128xf32> to vector<1x16x128xf32>
    %swap3A = arith.constant 0 : index
    %swap3A_2414 = arith.constant 0 : index
    %swap3A_2415 = arith.constant 0 : index
    %swap3A_2416 = vector.load %arg8[%swap3A, %swap3A_2414, %swap3A_2415] : memref<1x16x128xf32, #tpu.memory_space<vmem>>, vector<1x16x128xf32>
    tpu.vector_store %arg8[%swap3A, %swap3A_2414, %swap3A_2415], %broadcast_in_dim3A_2413 {strides = array<i32>} : memref<1x16x128xf32, #tpu.memory_space<vmem>>, vector<1x16x128xf32>,
    %broadcast_in_dim3A_2417 = vector.shape_cast %broadcast_in_dim3A_2410 : vector<16x1xi32> to vector<16x1xi32>
    %broadcast_in_dim3A_2418 = vector.broadcast %broadcast_in_dim3A_2417 : vector<16x1xi32> to vector<16x128xi32>
    %broadcast_in_dim3A_2419 = vector.shape_cast %broadcast_in_dim3A_2418 : vector<16x128xi32> to vector<1x16x128xi32>
    %swap3A_2420 = arith.constant 0 : index
    %swap3A_2421 = arith.constant 0 : index
    %swap3A_2422 = arith.constant 0 : index
    %swap3A_2423 = vector.load %arg9[%swap3A_2420, %swap3A_2421, %swap3A_2422] : memref<1x16x128xi32, #tpu.memory_space<vmem>>, vector<1x16x128xi32>
    tpu.vector_store %arg9[%swap3A_2420, %swap3A_2421, %swap3A_2422], %broadcast_in_dim3A_2419 {strides = array<i32>} : memref<1x16x128xi32, #tpu.memory_space<vmem>>, vector<1x16x128xi32>,
    %get3A_2424 = arith.constant 0 : index
    %get3A_2425 = arith.constant 0 : index
    %get3A_2426 = arith.constant 0 : index
    %get3A_2427 = vector.load %arg5[%get3A_2424, %get3A_2425, %get3A_2426] : memref<1x1x16xi32, #tpu.memory_space<vmem>>, vector<1x1x16xi32>
    %get3A_2428 = vector.shape_cast %get3A_2427 : vector<1x1x16xi32> to vector<1x16xi32>
    %concatenate3A = tpu.concatenate %get3A_2428, %get3A_2428, %get3A_2428, %get3A_2428, %get3A_2428, %get3A_2428, %get3A_2428, %get3A_2428 in 1 : vector<1x16xi32>, vector<1x16xi32>, vector<1x16xi32>, vector<1x16xi32>, vector<1x16xi32>, vector<1x16xi32>, vector<1x16xi32>, vector<1x16xi32> -> vector<1x128xi32>
    %get3A_2429 = arith.constant 0 : index
    %get3A_2430 = arith.constant 0 : index
    %get3A_2431 = arith.constant 0 : index
    %get3A_2432 = vector.load %arg6[%get3A_2429, %get3A_2430, %get3A_2431] : memref<1x1x16xi32, #tpu.memory_space<vmem>>, vector<1x1x16xi32>
    %get3A_2433 = vector.shape_cast %get3A_2432 : vector<1x1x16xi32> to vector<1x16xi32>
    %concatenate3A_2434 = tpu.concatenate %get3A_2433, %get3A_2433, %get3A_2433, %get3A_2433, %get3A_2433, %get3A_2433, %get3A_2433, %get3A_2433 in 1 : vector<1x16xi32>, vector<1x16xi32>, vector<1x16xi32>, vector<1x16xi32>, vector<1x16xi32>, vector<1x16xi32>, vector<1x16xi32>, vector<1x16xi32> -> vector<1x128xi32>
    %get3A_2435 = arith.constant 0 : index
    %get3A_2436 = arith.constant 0 : index
    %get3A_2437 = arith.constant 0 : index
    %get3A_2438 = vector.load %arg7[%get3A_2435, %get3A_2436, %get3A_2437] : memref<1x1x16xi32, #tpu.memory_space<vmem>>, vector<1x1x16xi32>
    %get3A_2439 = vector.shape_cast %get3A_2438 : vector<1x1x16xi32> to vector<1x16xi32>
    %concatenate3A_2440 = tpu.concatenate %get3A_2439, %get3A_2439, %get3A_2439, %get3A_2439, %get3A_2439, %get3A_2439, %get3A_2439, %get3A_2439 in 1 : vector<1x16xi32>, vector<1x16xi32>, vector<1x16xi32>, vector<1x16xi32>, vector<1x16xi32>, vector<1x16xi32>, vector<1x16xi32>, vector<1x16xi32> -> vector<1x128xi32>
    %iota3A_2441 = tpu.iota {dimensions = array<i32: 1>} : vector<1x128xi32>
    %jit3A_2442 = arith.constant 16 : i32
    %eq3A_2443 = arith.constant 0 : i32
    %eq3A_2444 = arith.cmpi eq, %jit3A_2442, %eq3A_2443 : i32
    %jit3A_2445 = arith.constant 1 : i32
    %select_n3A_2446 = arith.select %eq3A_2444, %jit3A_2445, %jit3A_2442 : i32
    %rem3A = vector.broadcast %select_n3A_2446 : i32 to vector<1x128xi32>
    %rem3A_2447 = arith.remsi %iota3A_2441, %rem3A : vector<1x128xi32>
    %ne3A_2448 = arith.constant 0 : i32
    %ne3A_2449 = vector.broadcast %ne3A_2448 : i32 to vector<1x128xi32>
    %ne3A_2450 = arith.cmpi ne, %rem3A_2447, %ne3A_2449 : vector<1x128xi32>
    %lt3A_2451 = arith.constant 0 : i32
    %lt3A_2452 = vector.broadcast %lt3A_2451 : i32 to vector<1x128xi32>
    %lt3A_2453 = arith.cmpi slt, %rem3A_2447, %lt3A_2452 : vector<1x128xi32>
    %lt3A_2454 = arith.constant 0 : i32
    %lt3A_2455 = arith.cmpi slt, %select_n3A_2446, %lt3A_2454 : i32
    %ne3A_2456 = vector.broadcast %lt3A_2455 : i1 to vector<1x128xi1>
    %ne3A_2457 = vector.broadcast %ne3A_2456 : vector<1x128xi1> to vector<1x128xi1>
    %ne3A_2458 = arith.xori %lt3A_2453, %ne3A_2457 : vector<1x128xi1>
    %and3A_2459 = arith.andi %ne3A_2458, %ne3A_2450 : vector<1x128xi1>
    %add3A_2460 = vector.broadcast %select_n3A_2446 : i32 to vector<1x128xi32>
    %add3A_2461 = arith.addi %rem3A_2447, %add3A_2460 : vector<1x128xi32>
    %select_n3A_2462 = arith.select %and3A_2459, %add3A_2461, %rem3A_2447 : vector<1x128xi1>, vector<1x128xi32>
    %broadcast_in_dim3A_2463 = arith.constant 0 : i32
    %broadcast_in_dim3A_2464 = vector.broadcast %broadcast_in_dim3A_2463 : i32 to vector<1x128xi32>
    %roll3A_2465 = arith.constant 1 : i32
    %roll3A_2466 = tpu.dynamic_rotate %concatenate3A by %roll3A_2465 dim 1 : vector<1x128xi32>, i32 -> vector<1x128xi32>
    %ge3A = arith.constant 1 : i32
    %ge3A_2467 = vector.broadcast %ge3A : i32 to vector<1x128xi32>
    %ge3A_2468 = arith.cmpi sge, %select_n3A_2462, %ge3A_2467 : vector<1x128xi32>
    %lt3A_2469 = arith.cmpi slt, %roll3A_2466, %concatenate3A : vector<1x128xi32>
    %eq3A_2470 = arith.cmpi eq, %roll3A_2466, %concatenate3A : vector<1x128xi32>
    %and3A_2471 = arith.andi %eq3A_2470, %ge3A_2468 : vector<1x128xi1>
    %or3A_2472 = arith.ori %lt3A_2469, %and3A_2471 : vector<1x128xi1>
    %convert_element_type3A = arith.extui %or3A_2472 : vector<1x128xi1> to vector<1x128xi32>
    %add3A_2473 = arith.addi %broadcast_in_dim3A_2464, %convert_element_type3A : vector<1x128xi32>
    %roll3A_2474 = arith.constant 2 : i32
    %roll3A_2475 = tpu.dynamic_rotate %concatenate3A by %roll3A_2474 dim 1 : vector<1x128xi32>, i32 -> vector<1x128xi32>
    %ge3A_2476 = arith.constant 2 : i32
    %ge3A_2477 = vector.broadcast %ge3A_2476 : i32 to vector<1x128xi32>
    %ge3A_2478 = arith.cmpi sge, %select_n3A_2462, %ge3A_2477 : vector<1x128xi32>
    %lt3A_2479 = arith.cmpi slt, %roll3A_2475, %concatenate3A : vector<1x128xi32>
    %eq3A_2480 = arith.cmpi eq, %roll3A_2475, %concatenate3A : vector<1x128xi32>
    %and3A_2481 = arith.andi %eq3A_2480, %ge3A_2478 : vector<1x128xi1>
    %or3A_2482 = arith.ori %lt3A_2479, %and3A_2481 : vector<1x128xi1>
    %convert_element_type3A_2483 = arith.extui %or3A_2482 : vector<1x128xi1> to vector<1x128xi32>
    %add3A_2484 = arith.addi %add3A_2473, %convert_element_type3A_2483 : vector<1x128xi32>
    %roll3A_2485 = arith.constant 3 : i32
    %roll3A_2486 = tpu.dynamic_rotate %concatenate3A by %roll3A_2485 dim 1 : vector<1x128xi32>, i32 -> vector<1x128xi32>
    %ge3A_2487 = arith.constant 3 : i32
    %ge3A_2488 = vector.broadcast %ge3A_2487 : i32 to vector<1x128xi32>
    %ge3A_2489 = arith.cmpi sge, %select_n3A_2462, %ge3A_2488 : vector<1x128xi32>
    %lt3A_2490 = arith.cmpi slt, %roll3A_2486, %concatenate3A : vector<1x128xi32>
    %eq3A_2491 = arith.cmpi eq, %roll3A_2486, %concatenate3A : vector<1x128xi32>
    %and3A_2492 = arith.andi %eq3A_2491, %ge3A_2489 : vector<1x128xi1>
    %or3A_2493 = arith.ori %lt3A_2490, %and3A_2492 : vector<1x128xi1>
    %convert_element_type3A_2494 = arith.extui %or3A_2493 : vector<1x128xi1> to vector<1x128xi32>
    %add3A_2495 = arith.addi %add3A_2484, %convert_element_type3A_2494 : vector<1x128xi32>
    %roll3A_2496 = arith.constant 4 : i32
    %roll3A_2497 = tpu.dynamic_rotate %concatenate3A by %roll3A_2496 dim 1 : vector<1x128xi32>, i32 -> vector<1x128xi32>
    %ge3A_2498 = arith.constant 4 : i32
    %ge3A_2499 = vector.broadcast %ge3A_2498 : i32 to vector<1x128xi32>
    %ge3A_2500 = arith.cmpi sge, %select_n3A_2462, %ge3A_2499 : vector<1x128xi32>
    %lt3A_2501 = arith.cmpi slt, %roll3A_2497, %concatenate3A : vector<1x128xi32>
    %eq3A_2502 = arith.cmpi eq, %roll3A_2497, %concatenate3A : vector<1x128xi32>
    %and3A_2503 = arith.andi %eq3A_2502, %ge3A_2500 : vector<1x128xi1>
    %or3A_2504 = arith.ori %lt3A_2501, %and3A_2503 : vector<1x128xi1>
    %convert_element_type3A_2505 = arith.extui %or3A_2504 : vector<1x128xi1> to vector<1x128xi32>
    %add3A_2506 = arith.addi %add3A_2495, %convert_element_type3A_2505 : vector<1x128xi32>
    %roll3A_2507 = arith.constant 5 : i32
    %roll3A_2508 = tpu.dynamic_rotate %concatenate3A by %roll3A_2507 dim 1 : vector<1x128xi32>, i32 -> vector<1x128xi32>
    %ge3A_2509 = arith.constant 5 : i32
    %ge3A_2510 = vector.broadcast %ge3A_2509 : i32 to vector<1x128xi32>
    %ge3A_2511 = arith.cmpi sge, %select_n3A_2462, %ge3A_2510 : vector<1x128xi32>
    %lt3A_2512 = arith.cmpi slt, %roll3A_2508, %concatenate3A : vector<1x128xi32>
    %eq3A_2513 = arith.cmpi eq, %roll3A_2508, %concatenate3A : vector<1x128xi32>
    %and3A_2514 = arith.andi %eq3A_2513, %ge3A_2511 : vector<1x128xi1>
    %or3A_2515 = arith.ori %lt3A_2512, %and3A_2514 : vector<1x128xi1>
    %convert_element_type3A_2516 = arith.extui %or3A_2515 : vector<1x128xi1> to vector<1x128xi32>
    %add3A_2517 = arith.addi %add3A_2506, %convert_element_type3A_2516 : vector<1x128xi32>
    %roll3A_2518 = arith.constant 6 : i32
    %roll3A_2519 = tpu.dynamic_rotate %concatenate3A by %roll3A_2518 dim 1 : vector<1x128xi32>, i32 -> vector<1x128xi32>
    %ge3A_2520 = arith.constant 6 : i32
    %ge3A_2521 = vector.broadcast %ge3A_2520 : i32 to vector<1x128xi32>
    %ge3A_2522 = arith.cmpi sge, %select_n3A_2462, %ge3A_2521 : vector<1x128xi32>
    %lt3A_2523 = arith.cmpi slt, %roll3A_2519, %concatenate3A : vector<1x128xi32>
    %eq3A_2524 = arith.cmpi eq, %roll3A_2519, %concatenate3A : vector<1x128xi32>
    %and3A_2525 = arith.andi %eq3A_2524, %ge3A_2522 : vector<1x128xi1>
    %or3A_2526 = arith.ori %lt3A_2523, %and3A_2525 : vector<1x128xi1>
    %convert_element_type3A_2527 = arith.extui %or3A_2526 : vector<1x128xi1> to vector<1x128xi32>
    %add3A_2528 = arith.addi %add3A_2517, %convert_element_type3A_2527 : vector<1x128xi32>
    %roll3A_2529 = arith.constant 7 : i32
    %roll3A_2530 = tpu.dynamic_rotate %concatenate3A by %roll3A_2529 dim 1 : vector<1x128xi32>, i32 -> vector<1x128xi32>
    %ge3A_2531 = arith.constant 7 : i32
    %ge3A_2532 = vector.broadcast %ge3A_2531 : i32 to vector<1x128xi32>
    %ge3A_2533 = arith.cmpi sge, %select_n3A_2462, %ge3A_2532 : vector<1x128xi32>
    %lt3A_2534 = arith.cmpi slt, %roll3A_2530, %concatenate3A : vector<1x128xi32>
    %eq3A_2535 = arith.cmpi eq, %roll3A_2530, %concatenate3A : vector<1x128xi32>
    %and3A_2536 = arith.andi %eq3A_2535, %ge3A_2533 : vector<1x128xi1>
    %or3A_2537 = arith.ori %lt3A_2534, %and3A_2536 : vector<1x128xi1>
    %convert_element_type3A_2538 = arith.extui %or3A_2537 : vector<1x128xi1> to vector<1x128xi32>
    %add3A_2539 = arith.addi %add3A_2528, %convert_element_type3A_2538 : vector<1x128xi32>
    %roll3A_2540 = arith.constant 8 : i32
    %roll3A_2541 = tpu.dynamic_rotate %concatenate3A by %roll3A_2540 dim 1 : vector<1x128xi32>, i32 -> vector<1x128xi32>
    %ge3A_2542 = arith.constant 8 : i32
    %ge3A_2543 = vector.broadcast %ge3A_2542 : i32 to vector<1x128xi32>
    %ge3A_2544 = arith.cmpi sge, %select_n3A_2462, %ge3A_2543 : vector<1x128xi32>
    %lt3A_2545 = arith.cmpi slt, %roll3A_2541, %concatenate3A : vector<1x128xi32>
    %eq3A_2546 = arith.cmpi eq, %roll3A_2541, %concatenate3A : vector<1x128xi32>
    %and3A_2547 = arith.andi %eq3A_2546, %ge3A_2544 : vector<1x128xi1>
    %or3A_2548 = arith.ori %lt3A_2545, %and3A_2547 : vector<1x128xi1>
    %convert_element_type3A_2549 = arith.extui %or3A_2548 : vector<1x128xi1> to vector<1x128xi32>
    %add3A_2550 = arith.addi %add3A_2539, %convert_element_type3A_2549 : vector<1x128xi32>
    %roll3A_2551 = arith.constant 9 : i32
    %roll3A_2552 = tpu.dynamic_rotate %concatenate3A by %roll3A_2551 dim 1 : vector<1x128xi32>, i32 -> vector<1x128xi32>
    %ge3A_2553 = arith.constant 9 : i32
    %ge3A_2554 = vector.broadcast %ge3A_2553 : i32 to vector<1x128xi32>
    %ge3A_2555 = arith.cmpi sge, %select_n3A_2462, %ge3A_2554 : vector<1x128xi32>
    %lt3A_2556 = arith.cmpi slt, %roll3A_2552, %concatenate3A : vector<1x128xi32>
    %eq3A_2557 = arith.cmpi eq, %roll3A_2552, %concatenate3A : vector<1x128xi32>
    %and3A_2558 = arith.andi %eq3A_2557, %ge3A_2555 : vector<1x128xi1>
    %or3A_2559 = arith.ori %lt3A_2556, %and3A_2558 : vector<1x128xi1>
    %convert_element_type3A_2560 = arith.extui %or3A_2559 : vector<1x128xi1> to vector<1x128xi32>
    %add3A_2561 = arith.addi %add3A_2550, %convert_element_type3A_2560 : vector<1x128xi32>
    %roll3A_2562 = arith.constant 10 : i32
    %roll3A_2563 = tpu.dynamic_rotate %concatenate3A by %roll3A_2562 dim 1 : vector<1x128xi32>, i32 -> vector<1x128xi32>
    %ge3A_2564 = arith.constant 10 : i32
    %ge3A_2565 = vector.broadcast %ge3A_2564 : i32 to vector<1x128xi32>
    %ge3A_2566 = arith.cmpi sge, %select_n3A_2462, %ge3A_2565 : vector<1x128xi32>
    %lt3A_2567 = arith.cmpi slt, %roll3A_2563, %concatenate3A : vector<1x128xi32>
    %eq3A_2568 = arith.cmpi eq, %roll3A_2563, %concatenate3A : vector<1x128xi32>
    %and3A_2569 = arith.andi %eq3A_2568, %ge3A_2566 : vector<1x128xi1>
    %or3A_2570 = arith.ori %lt3A_2567, %and3A_2569 : vector<1x128xi1>
    %convert_element_type3A_2571 = arith.extui %or3A_2570 : vector<1x128xi1> to vector<1x128xi32>
    %add3A_2572 = arith.addi %add3A_2561, %convert_element_type3A_2571 : vector<1x128xi32>
    %roll3A_2573 = arith.constant 11 : i32
    %roll3A_2574 = tpu.dynamic_rotate %concatenate3A by %roll3A_2573 dim 1 : vector<1x128xi32>, i32 -> vector<1x128xi32>
    %ge3A_2575 = arith.constant 11 : i32
    %ge3A_2576 = vector.broadcast %ge3A_2575 : i32 to vector<1x128xi32>
    %ge3A_2577 = arith.cmpi sge, %select_n3A_2462, %ge3A_2576 : vector<1x128xi32>
    %lt3A_2578 = arith.cmpi slt, %roll3A_2574, %concatenate3A : vector<1x128xi32>
    %eq3A_2579 = arith.cmpi eq, %roll3A_2574, %concatenate3A : vector<1x128xi32>
    %and3A_2580 = arith.andi %eq3A_2579, %ge3A_2577 : vector<1x128xi1>
    %or3A_2581 = arith.ori %lt3A_2578, %and3A_2580 : vector<1x128xi1>
    %convert_element_type3A_2582 = arith.extui %or3A_2581 : vector<1x128xi1> to vector<1x128xi32>
    %add3A_2583 = arith.addi %add3A_2572, %convert_element_type3A_2582 : vector<1x128xi32>
    %roll3A_2584 = arith.constant 12 : i32
    %roll3A_2585 = tpu.dynamic_rotate %concatenate3A by %roll3A_2584 dim 1 : vector<1x128xi32>, i32 -> vector<1x128xi32>
    %ge3A_2586 = arith.constant 12 : i32
    %ge3A_2587 = vector.broadcast %ge3A_2586 : i32 to vector<1x128xi32>
    %ge3A_2588 = arith.cmpi sge, %select_n3A_2462, %ge3A_2587 : vector<1x128xi32>
    %lt3A_2589 = arith.cmpi slt, %roll3A_2585, %concatenate3A : vector<1x128xi32>
    %eq3A_2590 = arith.cmpi eq, %roll3A_2585, %concatenate3A : vector<1x128xi32>
    %and3A_2591 = arith.andi %eq3A_2590, %ge3A_2588 : vector<1x128xi1>
    %or3A_2592 = arith.ori %lt3A_2589, %and3A_2591 : vector<1x128xi1>
    %convert_element_type3A_2593 = arith.extui %or3A_2592 : vector<1x128xi1> to vector<1x128xi32>
    %add3A_2594 = arith.addi %add3A_2583, %convert_element_type3A_2593 : vector<1x128xi32>
    %roll3A_2595 = arith.constant 13 : i32
    %roll3A_2596 = tpu.dynamic_rotate %concatenate3A by %roll3A_2595 dim 1 : vector<1x128xi32>, i32 -> vector<1x128xi32>
    %ge3A_2597 = arith.constant 13 : i32
    %ge3A_2598 = vector.broadcast %ge3A_2597 : i32 to vector<1x128xi32>
    %ge3A_2599 = arith.cmpi sge, %select_n3A_2462, %ge3A_2598 : vector<1x128xi32>
    %lt3A_2600 = arith.cmpi slt, %roll3A_2596, %concatenate3A : vector<1x128xi32>
    %eq3A_2601 = arith.cmpi eq, %roll3A_2596, %concatenate3A : vector<1x128xi32>
    %and3A_2602 = arith.andi %eq3A_2601, %ge3A_2599 : vector<1x128xi1>
    %or3A_2603 = arith.ori %lt3A_2600, %and3A_2602 : vector<1x128xi1>
    %convert_element_type3A_2604 = arith.extui %or3A_2603 : vector<1x128xi1> to vector<1x128xi32>
    %add3A_2605 = arith.addi %add3A_2594, %convert_element_type3A_2604 : vector<1x128xi32>
    %roll3A_2606 = arith.constant 14 : i32
    %roll3A_2607 = tpu.dynamic_rotate %concatenate3A by %roll3A_2606 dim 1 : vector<1x128xi32>, i32 -> vector<1x128xi32>
    %ge3A_2608 = arith.constant 14 : i32
    %ge3A_2609 = vector.broadcast %ge3A_2608 : i32 to vector<1x128xi32>
    %ge3A_2610 = arith.cmpi sge, %select_n3A_2462, %ge3A_2609 : vector<1x128xi32>
    %lt3A_2611 = arith.cmpi slt, %roll3A_2607, %concatenate3A : vector<1x128xi32>
    %eq3A_2612 = arith.cmpi eq, %roll3A_2607, %concatenate3A : vector<1x128xi32>
    %and3A_2613 = arith.andi %eq3A_2612, %ge3A_2610 : vector<1x128xi1>
    %or3A_2614 = arith.ori %lt3A_2611, %and3A_2613 : vector<1x128xi1>
    %convert_element_type3A_2615 = arith.extui %or3A_2614 : vector<1x128xi1> to vector<1x128xi32>
    %add3A_2616 = arith.addi %add3A_2605, %convert_element_type3A_2615 : vector<1x128xi32>
    %roll3A_2617 = arith.constant 15 : i32
    %roll3A_2618 = tpu.dynamic_rotate %concatenate3A by %roll3A_2617 dim 1 : vector<1x128xi32>, i32 -> vector<1x128xi32>
    %ge3A_2619 = arith.constant 15 : i32
    %ge3A_2620 = vector.broadcast %ge3A_2619 : i32 to vector<1x128xi32>
    %ge3A_2621 = arith.cmpi sge, %select_n3A_2462, %ge3A_2620 : vector<1x128xi32>
    %lt3A_2622 = arith.cmpi slt, %roll3A_2618, %concatenate3A : vector<1x128xi32>
    %eq3A_2623 = arith.cmpi eq, %roll3A_2618, %concatenate3A : vector<1x128xi32>
    %and3A_2624 = arith.andi %eq3A_2623, %ge3A_2621 : vector<1x128xi1>
    %or3A_2625 = arith.ori %lt3A_2622, %and3A_2624 : vector<1x128xi1>
    %convert_element_type3A_2626 = arith.extui %or3A_2625 : vector<1x128xi1> to vector<1x128xi32>
    %add3A_2627 = arith.addi %add3A_2616, %convert_element_type3A_2626 : vector<1x128xi32>
    %broadcast_in_dim3A_2628 = arith.constant 0 : i32
    %broadcast_in_dim3A_2629 = vector.broadcast %broadcast_in_dim3A_2628 : i32 to vector<1x128xi32>
    %broadcast_in_dim3A_2630 = arith.constant 0 : i32
    %broadcast_in_dim3A_2631 = vector.broadcast %broadcast_in_dim3A_2630 : i32 to vector<1x128xi32>
    %broadcast_in_dim3A_2632 = arith.constant 0 : i32
    %broadcast_in_dim3A_2633 = vector.broadcast %broadcast_in_dim3A_2632 : i32 to vector<1x128xi32>
    %roll3A_2634 = arith.constant 0 : i32
    %roll3A_2635 = tpu.dynamic_rotate %add3A_2627 by %roll3A_2634 dim 1 : vector<1x128xi32>, i32 -> vector<1x128xi32>
    %eq3A_2636 = arith.cmpi eq, %roll3A_2635, %select_n3A_2462 : vector<1x128xi32>
    %roll3A_2637 = arith.constant 0 : i32
    %roll3A_2638 = tpu.dynamic_rotate %concatenate3A by %roll3A_2637 dim 1 : vector<1x128xi32>, i32 -> vector<1x128xi32>
    %jit3A_2639 = arith.constant 0 : i32
    %broadcast_in_dim3A_2640 = vector.broadcast %jit3A_2639 : i32 to vector<1x128xi32>
    %select_n3A_2641 = arith.select %eq3A_2636, %roll3A_2638, %broadcast_in_dim3A_2640 : vector<1x128xi1>, vector<1x128xi32>
    %add3A_2642 = arith.addi %broadcast_in_dim3A_2629, %select_n3A_2641 : vector<1x128xi32>
    %roll3A_2643 = arith.constant 0 : i32
    %roll3A_2644 = tpu.dynamic_rotate %concatenate3A_2434 by %roll3A_2643 dim 1 : vector<1x128xi32>, i32 -> vector<1x128xi32>
    %jit3A_2645 = arith.constant 0 : i32
    %broadcast_in_dim3A_2646 = vector.broadcast %jit3A_2645 : i32 to vector<1x128xi32>
    %select_n3A_2647 = arith.select %eq3A_2636, %roll3A_2644, %broadcast_in_dim3A_2646 : vector<1x128xi1>, vector<1x128xi32>
    %add3A_2648 = arith.addi %broadcast_in_dim3A_2631, %select_n3A_2647 : vector<1x128xi32>
    %roll3A_2649 = arith.constant 0 : i32
    %roll3A_2650 = tpu.dynamic_rotate %concatenate3A_2440 by %roll3A_2649 dim 1 : vector<1x128xi32>, i32 -> vector<1x128xi32>
    %jit3A_2651 = arith.constant 0 : i32
    %broadcast_in_dim3A_2652 = vector.broadcast %jit3A_2651 : i32 to vector<1x128xi32>
    %select_n3A_2653 = arith.select %eq3A_2636, %roll3A_2650, %broadcast_in_dim3A_2652 : vector<1x128xi1>, vector<1x128xi32>
    %add3A_2654 = arith.addi %broadcast_in_dim3A_2633, %select_n3A_2653 : vector<1x128xi32>
    %roll3A_2655 = arith.constant 1 : i32
    %roll3A_2656 = tpu.dynamic_rotate %add3A_2627 by %roll3A_2655 dim 1 : vector<1x128xi32>, i32 -> vector<1x128xi32>
    %eq3A_2657 = arith.cmpi eq, %roll3A_2656, %select_n3A_2462 : vector<1x128xi32>
    %roll3A_2658 = arith.constant 1 : i32
    %roll3A_2659 = tpu.dynamic_rotate %concatenate3A by %roll3A_2658 dim 1 : vector<1x128xi32>, i32 -> vector<1x128xi32>
    %jit3A_2660 = arith.constant 0 : i32
    %broadcast_in_dim3A_2661 = vector.broadcast %jit3A_2660 : i32 to vector<1x128xi32>
    %select_n3A_2662 = arith.select %eq3A_2657, %roll3A_2659, %broadcast_in_dim3A_2661 : vector<1x128xi1>, vector<1x128xi32>
    %add3A_2663 = arith.addi %add3A_2642, %select_n3A_2662 : vector<1x128xi32>
    %roll3A_2664 = arith.constant 1 : i32
    %roll3A_2665 = tpu.dynamic_rotate %concatenate3A_2434 by %roll3A_2664 dim 1 : vector<1x128xi32>, i32 -> vector<1x128xi32>
    %jit3A_2666 = arith.constant 0 : i32
    %broadcast_in_dim3A_2667 = vector.broadcast %jit3A_2666 : i32 to vector<1x128xi32>
    %select_n3A_2668 = arith.select %eq3A_2657, %roll3A_2665, %broadcast_in_dim3A_2667 : vector<1x128xi1>, vector<1x128xi32>
    %add3A_2669 = arith.addi %add3A_2648, %select_n3A_2668 : vector<1x128xi32>
    %roll3A_2670 = arith.constant 1 : i32
    %roll3A_2671 = tpu.dynamic_rotate %concatenate3A_2440 by %roll3A_2670 dim 1 : vector<1x128xi32>, i32 -> vector<1x128xi32>
    %jit3A_2672 = arith.constant 0 : i32
    %broadcast_in_dim3A_2673 = vector.broadcast %jit3A_2672 : i32 to vector<1x128xi32>
    %select_n3A_2674 = arith.select %eq3A_2657, %roll3A_2671, %broadcast_in_dim3A_2673 : vector<1x128xi1>, vector<1x128xi32>
    %add3A_2675 = arith.addi %add3A_2654, %select_n3A_2674 : vector<1x128xi32>
    %roll3A_2676 = arith.constant 2 : i32
    %roll3A_2677 = tpu.dynamic_rotate %add3A_2627 by %roll3A_2676 dim 1 : vector<1x128xi32>, i32 -> vector<1x128xi32>
    %eq3A_2678 = arith.cmpi eq, %roll3A_2677, %select_n3A_2462 : vector<1x128xi32>
    %roll3A_2679 = arith.constant 2 : i32
    %roll3A_2680 = tpu.dynamic_rotate %concatenate3A by %roll3A_2679 dim 1 : vector<1x128xi32>, i32 -> vector<1x128xi32>
    %jit3A_2681 = arith.constant 0 : i32
    %broadcast_in_dim3A_2682 = vector.broadcast %jit3A_2681 : i32 to vector<1x128xi32>
    %select_n3A_2683 = arith.select %eq3A_2678, %roll3A_2680, %broadcast_in_dim3A_2682 : vector<1x128xi1>, vector<1x128xi32>
    %add3A_2684 = arith.addi %add3A_2663, %select_n3A_2683 : vector<1x128xi32>
    %roll3A_2685 = arith.constant 2 : i32
    %roll3A_2686 = tpu.dynamic_rotate %concatenate3A_2434 by %roll3A_2685 dim 1 : vector<1x128xi32>, i32 -> vector<1x128xi32>
    %jit3A_2687 = arith.constant 0 : i32
    %broadcast_in_dim3A_2688 = vector.broadcast %jit3A_2687 : i32 to vector<1x128xi32>
    %select_n3A_2689 = arith.select %eq3A_2678, %roll3A_2686, %broadcast_in_dim3A_2688 : vector<1x128xi1>, vector<1x128xi32>
    %add3A_2690 = arith.addi %add3A_2669, %select_n3A_2689 : vector<1x128xi32>
    %roll3A_2691 = arith.constant 2 : i32
    %roll3A_2692 = tpu.dynamic_rotate %concatenate3A_2440 by %roll3A_2691 dim 1 : vector<1x128xi32>, i32 -> vector<1x128xi32>
    %jit3A_2693 = arith.constant 0 : i32
    %broadcast_in_dim3A_2694 = vector.broadcast %jit3A_2693 : i32 to vector<1x128xi32>
    %select_n3A_2695 = arith.select %eq3A_2678, %roll3A_2692, %broadcast_in_dim3A_2694 : vector<1x128xi1>, vector<1x128xi32>
    %add3A_2696 = arith.addi %add3A_2675, %select_n3A_2695 : vector<1x128xi32>
    %roll3A_2697 = arith.constant 3 : i32
    %roll3A_2698 = tpu.dynamic_rotate %add3A_2627 by %roll3A_2697 dim 1 : vector<1x128xi32>, i32 -> vector<1x128xi32>
    %eq3A_2699 = arith.cmpi eq, %roll3A_2698, %select_n3A_2462 : vector<1x128xi32>
    %roll3A_2700 = arith.constant 3 : i32
    %roll3A_2701 = tpu.dynamic_rotate %concatenate3A by %roll3A_2700 dim 1 : vector<1x128xi32>, i32 -> vector<1x128xi32>
    %jit3A_2702 = arith.constant 0 : i32
    %broadcast_in_dim3A_2703 = vector.broadcast %jit3A_2702 : i32 to vector<1x128xi32>
    %select_n3A_2704 = arith.select %eq3A_2699, %roll3A_2701, %broadcast_in_dim3A_2703 : vector<1x128xi1>, vector<1x128xi32>
    %add3A_2705 = arith.addi %add3A_2684, %select_n3A_2704 : vector<1x128xi32>
    %roll3A_2706 = arith.constant 3 : i32
    %roll3A_2707 = tpu.dynamic_rotate %concatenate3A_2434 by %roll3A_2706 dim 1 : vector<1x128xi32>, i32 -> vector<1x128xi32>
    %jit3A_2708 = arith.constant 0 : i32
    %broadcast_in_dim3A_2709 = vector.broadcast %jit3A_2708 : i32 to vector<1x128xi32>
    %select_n3A_2710 = arith.select %eq3A_2699, %roll3A_2707, %broadcast_in_dim3A_2709 : vector<1x128xi1>, vector<1x128xi32>
    %add3A_2711 = arith.addi %add3A_2690, %select_n3A_2710 : vector<1x128xi32>
    %roll3A_2712 = arith.constant 3 : i32
    %roll3A_2713 = tpu.dynamic_rotate %concatenate3A_2440 by %roll3A_2712 dim 1 : vector<1x128xi32>, i32 -> vector<1x128xi32>
    %jit3A_2714 = arith.constant 0 : i32
    %broadcast_in_dim3A_2715 = vector.broadcast %jit3A_2714 : i32 to vector<1x128xi32>
    %select_n3A_2716 = arith.select %eq3A_2699, %roll3A_2713, %broadcast_in_dim3A_2715 : vector<1x128xi1>, vector<1x128xi32>
    %add3A_2717 = arith.addi %add3A_2696, %select_n3A_2716 : vector<1x128xi32>
    %roll3A_2718 = arith.constant 4 : i32
    %roll3A_2719 = tpu.dynamic_rotate %add3A_2627 by %roll3A_2718 dim 1 : vector<1x128xi32>, i32 -> vector<1x128xi32>
    %eq3A_2720 = arith.cmpi eq, %roll3A_2719, %select_n3A_2462 : vector<1x128xi32>
    %roll3A_2721 = arith.constant 4 : i32
    %roll3A_2722 = tpu.dynamic_rotate %concatenate3A by %roll3A_2721 dim 1 : vector<1x128xi32>, i32 -> vector<1x128xi32>
    %jit3A_2723 = arith.constant 0 : i32
    %broadcast_in_dim3A_2724 = vector.broadcast %jit3A_2723 : i32 to vector<1x128xi32>
    %select_n3A_2725 = arith.select %eq3A_2720, %roll3A_2722, %broadcast_in_dim3A_2724 : vector<1x128xi1>, vector<1x128xi32>
    %add3A_2726 = arith.addi %add3A_2705, %select_n3A_2725 : vector<1x128xi32>
    %roll3A_2727 = arith.constant 4 : i32
    %roll3A_2728 = tpu.dynamic_rotate %concatenate3A_2434 by %roll3A_2727 dim 1 : vector<1x128xi32>, i32 -> vector<1x128xi32>
    %jit3A_2729 = arith.constant 0 : i32
    %broadcast_in_dim3A_2730 = vector.broadcast %jit3A_2729 : i32 to vector<1x128xi32>
    %select_n3A_2731 = arith.select %eq3A_2720, %roll3A_2728, %broadcast_in_dim3A_2730 : vector<1x128xi1>, vector<1x128xi32>
    %add3A_2732 = arith.addi %add3A_2711, %select_n3A_2731 : vector<1x128xi32>
    %roll3A_2733 = arith.constant 4 : i32
    %roll3A_2734 = tpu.dynamic_rotate %concatenate3A_2440 by %roll3A_2733 dim 1 : vector<1x128xi32>, i32 -> vector<1x128xi32>
    %jit3A_2735 = arith.constant 0 : i32
    %broadcast_in_dim3A_2736 = vector.broadcast %jit3A_2735 : i32 to vector<1x128xi32>
    %select_n3A_2737 = arith.select %eq3A_2720, %roll3A_2734, %broadcast_in_dim3A_2736 : vector<1x128xi1>, vector<1x128xi32>
    %add3A_2738 = arith.addi %add3A_2717, %select_n3A_2737 : vector<1x128xi32>
    %roll3A_2739 = arith.constant 5 : i32
    %roll3A_2740 = tpu.dynamic_rotate %add3A_2627 by %roll3A_2739 dim 1 : vector<1x128xi32>, i32 -> vector<1x128xi32>
    %eq3A_2741 = arith.cmpi eq, %roll3A_2740, %select_n3A_2462 : vector<1x128xi32>
    %roll3A_2742 = arith.constant 5 : i32
    %roll3A_2743 = tpu.dynamic_rotate %concatenate3A by %roll3A_2742 dim 1 : vector<1x128xi32>, i32 -> vector<1x128xi32>
    %jit3A_2744 = arith.constant 0 : i32
    %broadcast_in_dim3A_2745 = vector.broadcast %jit3A_2744 : i32 to vector<1x128xi32>
    %select_n3A_2746 = arith.select %eq3A_2741, %roll3A_2743, %broadcast_in_dim3A_2745 : vector<1x128xi1>, vector<1x128xi32>
    %add3A_2747 = arith.addi %add3A_2726, %select_n3A_2746 : vector<1x128xi32>
    %roll3A_2748 = arith.constant 5 : i32
    %roll3A_2749 = tpu.dynamic_rotate %concatenate3A_2434 by %roll3A_2748 dim 1 : vector<1x128xi32>, i32 -> vector<1x128xi32>
    %jit3A_2750 = arith.constant 0 : i32
    %broadcast_in_dim3A_2751 = vector.broadcast %jit3A_2750 : i32 to vector<1x128xi32>
    %select_n3A_2752 = arith.select %eq3A_2741, %roll3A_2749, %broadcast_in_dim3A_2751 : vector<1x128xi1>, vector<1x128xi32>
    %add3A_2753 = arith.addi %add3A_2732, %select_n3A_2752 : vector<1x128xi32>
    %roll3A_2754 = arith.constant 5 : i32
    %roll3A_2755 = tpu.dynamic_rotate %concatenate3A_2440 by %roll3A_2754 dim 1 : vector<1x128xi32>, i32 -> vector<1x128xi32>
    %jit3A_2756 = arith.constant 0 : i32
    %broadcast_in_dim3A_2757 = vector.broadcast %jit3A_2756 : i32 to vector<1x128xi32>
    %select_n3A_2758 = arith.select %eq3A_2741, %roll3A_2755, %broadcast_in_dim3A_2757 : vector<1x128xi1>, vector<1x128xi32>
    %add3A_2759 = arith.addi %add3A_2738, %select_n3A_2758 : vector<1x128xi32>
    %roll3A_2760 = arith.constant 6 : i32
    %roll3A_2761 = tpu.dynamic_rotate %add3A_2627 by %roll3A_2760 dim 1 : vector<1x128xi32>, i32 -> vector<1x128xi32>
    %eq3A_2762 = arith.cmpi eq, %roll3A_2761, %select_n3A_2462 : vector<1x128xi32>
    %roll3A_2763 = arith.constant 6 : i32
    %roll3A_2764 = tpu.dynamic_rotate %concatenate3A by %roll3A_2763 dim 1 : vector<1x128xi32>, i32 -> vector<1x128xi32>
    %jit3A_2765 = arith.constant 0 : i32
    %broadcast_in_dim3A_2766 = vector.broadcast %jit3A_2765 : i32 to vector<1x128xi32>
    %select_n3A_2767 = arith.select %eq3A_2762, %roll3A_2764, %broadcast_in_dim3A_2766 : vector<1x128xi1>, vector<1x128xi32>
    %add3A_2768 = arith.addi %add3A_2747, %select_n3A_2767 : vector<1x128xi32>
    %roll3A_2769 = arith.constant 6 : i32
    %roll3A_2770 = tpu.dynamic_rotate %concatenate3A_2434 by %roll3A_2769 dim 1 : vector<1x128xi32>, i32 -> vector<1x128xi32>
    %jit3A_2771 = arith.constant 0 : i32
    %broadcast_in_dim3A_2772 = vector.broadcast %jit3A_2771 : i32 to vector<1x128xi32>
    %select_n3A_2773 = arith.select %eq3A_2762, %roll3A_2770, %broadcast_in_dim3A_2772 : vector<1x128xi1>, vector<1x128xi32>
    %add3A_2774 = arith.addi %add3A_2753, %select_n3A_2773 : vector<1x128xi32>
    %roll3A_2775 = arith.constant 6 : i32
    %roll3A_2776 = tpu.dynamic_rotate %concatenate3A_2440 by %roll3A_2775 dim 1 : vector<1x128xi32>, i32 -> vector<1x128xi32>
    %jit3A_2777 = arith.constant 0 : i32
    %broadcast_in_dim3A_2778 = vector.broadcast %jit3A_2777 : i32 to vector<1x128xi32>
    %select_n3A_2779 = arith.select %eq3A_2762, %roll3A_2776, %broadcast_in_dim3A_2778 : vector<1x128xi1>, vector<1x128xi32>
    %add3A_2780 = arith.addi %add3A_2759, %select_n3A_2779 : vector<1x128xi32>
    %roll3A_2781 = arith.constant 7 : i32
    %roll3A_2782 = tpu.dynamic_rotate %add3A_2627 by %roll3A_2781 dim 1 : vector<1x128xi32>, i32 -> vector<1x128xi32>
    %eq3A_2783 = arith.cmpi eq, %roll3A_2782, %select_n3A_2462 : vector<1x128xi32>
    %roll3A_2784 = arith.constant 7 : i32
    %roll3A_2785 = tpu.dynamic_rotate %concatenate3A by %roll3A_2784 dim 1 : vector<1x128xi32>, i32 -> vector<1x128xi32>
    %jit3A_2786 = arith.constant 0 : i32
    %broadcast_in_dim3A_2787 = vector.broadcast %jit3A_2786 : i32 to vector<1x128xi32>
    %select_n3A_2788 = arith.select %eq3A_2783, %roll3A_2785, %broadcast_in_dim3A_2787 : vector<1x128xi1>, vector<1x128xi32>
    %add3A_2789 = arith.addi %add3A_2768, %select_n3A_2788 : vector<1x128xi32>
    %roll3A_2790 = arith.constant 7 : i32
    %roll3A_2791 = tpu.dynamic_rotate %concatenate3A_2434 by %roll3A_2790 dim 1 : vector<1x128xi32>, i32 -> vector<1x128xi32>
    %jit3A_2792 = arith.constant 0 : i32
    %broadcast_in_dim3A_2793 = vector.broadcast %jit3A_2792 : i32 to vector<1x128xi32>
    %select_n3A_2794 = arith.select %eq3A_2783, %roll3A_2791, %broadcast_in_dim3A_2793 : vector<1x128xi1>, vector<1x128xi32>
    %add3A_2795 = arith.addi %add3A_2774, %select_n3A_2794 : vector<1x128xi32>
    %roll3A_2796 = arith.constant 7 : i32
    %roll3A_2797 = tpu.dynamic_rotate %concatenate3A_2440 by %roll3A_2796 dim 1 : vector<1x128xi32>, i32 -> vector<1x128xi32>
    %jit3A_2798 = arith.constant 0 : i32
    %broadcast_in_dim3A_2799 = vector.broadcast %jit3A_2798 : i32 to vector<1x128xi32>
    %select_n3A_2800 = arith.select %eq3A_2783, %roll3A_2797, %broadcast_in_dim3A_2799 : vector<1x128xi1>, vector<1x128xi32>
    %add3A_2801 = arith.addi %add3A_2780, %select_n3A_2800 : vector<1x128xi32>
    %roll3A_2802 = arith.constant 8 : i32
    %roll3A_2803 = tpu.dynamic_rotate %add3A_2627 by %roll3A_2802 dim 1 : vector<1x128xi32>, i32 -> vector<1x128xi32>
    %eq3A_2804 = arith.cmpi eq, %roll3A_2803, %select_n3A_2462 : vector<1x128xi32>
    %roll3A_2805 = arith.constant 8 : i32
    %roll3A_2806 = tpu.dynamic_rotate %concatenate3A by %roll3A_2805 dim 1 : vector<1x128xi32>, i32 -> vector<1x128xi32>
    %jit3A_2807 = arith.constant 0 : i32
    %broadcast_in_dim3A_2808 = vector.broadcast %jit3A_2807 : i32 to vector<1x128xi32>
    %select_n3A_2809 = arith.select %eq3A_2804, %roll3A_2806, %broadcast_in_dim3A_2808 : vector<1x128xi1>, vector<1x128xi32>
    %add3A_2810 = arith.addi %add3A_2789, %select_n3A_2809 : vector<1x128xi32>
    %roll3A_2811 = arith.constant 8 : i32
    %roll3A_2812 = tpu.dynamic_rotate %concatenate3A_2434 by %roll3A_2811 dim 1 : vector<1x128xi32>, i32 -> vector<1x128xi32>
    %jit3A_2813 = arith.constant 0 : i32
    %broadcast_in_dim3A_2814 = vector.broadcast %jit3A_2813 : i32 to vector<1x128xi32>
    %select_n3A_2815 = arith.select %eq3A_2804, %roll3A_2812, %broadcast_in_dim3A_2814 : vector<1x128xi1>, vector<1x128xi32>
    %add3A_2816 = arith.addi %add3A_2795, %select_n3A_2815 : vector<1x128xi32>
    %roll3A_2817 = arith.constant 8 : i32
    %roll3A_2818 = tpu.dynamic_rotate %concatenate3A_2440 by %roll3A_2817 dim 1 : vector<1x128xi32>, i32 -> vector<1x128xi32>
    %jit3A_2819 = arith.constant 0 : i32
    %broadcast_in_dim3A_2820 = vector.broadcast %jit3A_2819 : i32 to vector<1x128xi32>
    %select_n3A_2821 = arith.select %eq3A_2804, %roll3A_2818, %broadcast_in_dim3A_2820 : vector<1x128xi1>, vector<1x128xi32>
    %add3A_2822 = arith.addi %add3A_2801, %select_n3A_2821 : vector<1x128xi32>
    %roll3A_2823 = arith.constant 9 : i32
    %roll3A_2824 = tpu.dynamic_rotate %add3A_2627 by %roll3A_2823 dim 1 : vector<1x128xi32>, i32 -> vector<1x128xi32>
    %eq3A_2825 = arith.cmpi eq, %roll3A_2824, %select_n3A_2462 : vector<1x128xi32>
    %roll3A_2826 = arith.constant 9 : i32
    %roll3A_2827 = tpu.dynamic_rotate %concatenate3A by %roll3A_2826 dim 1 : vector<1x128xi32>, i32 -> vector<1x128xi32>
    %jit3A_2828 = arith.constant 0 : i32
    %broadcast_in_dim3A_2829 = vector.broadcast %jit3A_2828 : i32 to vector<1x128xi32>
    %select_n3A_2830 = arith.select %eq3A_2825, %roll3A_2827, %broadcast_in_dim3A_2829 : vector<1x128xi1>, vector<1x128xi32>
    %add3A_2831 = arith.addi %add3A_2810, %select_n3A_2830 : vector<1x128xi32>
    %roll3A_2832 = arith.constant 9 : i32
    %roll3A_2833 = tpu.dynamic_rotate %concatenate3A_2434 by %roll3A_2832 dim 1 : vector<1x128xi32>, i32 -> vector<1x128xi32>
    %jit3A_2834 = arith.constant 0 : i32
    %broadcast_in_dim3A_2835 = vector.broadcast %jit3A_2834 : i32 to vector<1x128xi32>
    %select_n3A_2836 = arith.select %eq3A_2825, %roll3A_2833, %broadcast_in_dim3A_2835 : vector<1x128xi1>, vector<1x128xi32>
    %add3A_2837 = arith.addi %add3A_2816, %select_n3A_2836 : vector<1x128xi32>
    %roll3A_2838 = arith.constant 9 : i32
    %roll3A_2839 = tpu.dynamic_rotate %concatenate3A_2440 by %roll3A_2838 dim 1 : vector<1x128xi32>, i32 -> vector<1x128xi32>
    %jit3A_2840 = arith.constant 0 : i32
    %broadcast_in_dim3A_2841 = vector.broadcast %jit3A_2840 : i32 to vector<1x128xi32>
    %select_n3A_2842 = arith.select %eq3A_2825, %roll3A_2839, %broadcast_in_dim3A_2841 : vector<1x128xi1>, vector<1x128xi32>
    %add3A_2843 = arith.addi %add3A_2822, %select_n3A_2842 : vector<1x128xi32>
    %roll3A_2844 = arith.constant 10 : i32
    %roll3A_2845 = tpu.dynamic_rotate %add3A_2627 by %roll3A_2844 dim 1 : vector<1x128xi32>, i32 -> vector<1x128xi32>
    %eq3A_2846 = arith.cmpi eq, %roll3A_2845, %select_n3A_2462 : vector<1x128xi32>
    %roll3A_2847 = arith.constant 10 : i32
    %roll3A_2848 = tpu.dynamic_rotate %concatenate3A by %roll3A_2847 dim 1 : vector<1x128xi32>, i32 -> vector<1x128xi32>
    %jit3A_2849 = arith.constant 0 : i32
    %broadcast_in_dim3A_2850 = vector.broadcast %jit3A_2849 : i32 to vector<1x128xi32>
    %select_n3A_2851 = arith.select %eq3A_2846, %roll3A_2848, %broadcast_in_dim3A_2850 : vector<1x128xi1>, vector<1x128xi32>
    %add3A_2852 = arith.addi %add3A_2831, %select_n3A_2851 : vector<1x128xi32>
    %roll3A_2853 = arith.constant 10 : i32
    %roll3A_2854 = tpu.dynamic_rotate %concatenate3A_2434 by %roll3A_2853 dim 1 : vector<1x128xi32>, i32 -> vector<1x128xi32>
    %jit3A_2855 = arith.constant 0 : i32
    %broadcast_in_dim3A_2856 = vector.broadcast %jit3A_2855 : i32 to vector<1x128xi32>
    %select_n3A_2857 = arith.select %eq3A_2846, %roll3A_2854, %broadcast_in_dim3A_2856 : vector<1x128xi1>, vector<1x128xi32>
    %add3A_2858 = arith.addi %add3A_2837, %select_n3A_2857 : vector<1x128xi32>
    %roll3A_2859 = arith.constant 10 : i32
    %roll3A_2860 = tpu.dynamic_rotate %concatenate3A_2440 by %roll3A_2859 dim 1 : vector<1x128xi32>, i32 -> vector<1x128xi32>
    %jit3A_2861 = arith.constant 0 : i32
    %broadcast_in_dim3A_2862 = vector.broadcast %jit3A_2861 : i32 to vector<1x128xi32>
    %select_n3A_2863 = arith.select %eq3A_2846, %roll3A_2860, %broadcast_in_dim3A_2862 : vector<1x128xi1>, vector<1x128xi32>
    %add3A_2864 = arith.addi %add3A_2843, %select_n3A_2863 : vector<1x128xi32>
    %roll3A_2865 = arith.constant 11 : i32
    %roll3A_2866 = tpu.dynamic_rotate %add3A_2627 by %roll3A_2865 dim 1 : vector<1x128xi32>, i32 -> vector<1x128xi32>
    %eq3A_2867 = arith.cmpi eq, %roll3A_2866, %select_n3A_2462 : vector<1x128xi32>
    %roll3A_2868 = arith.constant 11 : i32
    %roll3A_2869 = tpu.dynamic_rotate %concatenate3A by %roll3A_2868 dim 1 : vector<1x128xi32>, i32 -> vector<1x128xi32>
    %jit3A_2870 = arith.constant 0 : i32
    %broadcast_in_dim3A_2871 = vector.broadcast %jit3A_2870 : i32 to vector<1x128xi32>
    %select_n3A_2872 = arith.select %eq3A_2867, %roll3A_2869, %broadcast_in_dim3A_2871 : vector<1x128xi1>, vector<1x128xi32>
    %add3A_2873 = arith.addi %add3A_2852, %select_n3A_2872 : vector<1x128xi32>
    %roll3A_2874 = arith.constant 11 : i32
    %roll3A_2875 = tpu.dynamic_rotate %concatenate3A_2434 by %roll3A_2874 dim 1 : vector<1x128xi32>, i32 -> vector<1x128xi32>
    %jit3A_2876 = arith.constant 0 : i32
    %broadcast_in_dim3A_2877 = vector.broadcast %jit3A_2876 : i32 to vector<1x128xi32>
    %select_n3A_2878 = arith.select %eq3A_2867, %roll3A_2875, %broadcast_in_dim3A_2877 : vector<1x128xi1>, vector<1x128xi32>
    %add3A_2879 = arith.addi %add3A_2858, %select_n3A_2878 : vector<1x128xi32>
    %roll3A_2880 = arith.constant 11 : i32
    %roll3A_2881 = tpu.dynamic_rotate %concatenate3A_2440 by %roll3A_2880 dim 1 : vector<1x128xi32>, i32 -> vector<1x128xi32>
    %jit3A_2882 = arith.constant 0 : i32
    %broadcast_in_dim3A_2883 = vector.broadcast %jit3A_2882 : i32 to vector<1x128xi32>
    %select_n3A_2884 = arith.select %eq3A_2867, %roll3A_2881, %broadcast_in_dim3A_2883 : vector<1x128xi1>, vector<1x128xi32>
    %add3A_2885 = arith.addi %add3A_2864, %select_n3A_2884 : vector<1x128xi32>
    %roll3A_2886 = arith.constant 12 : i32
    %roll3A_2887 = tpu.dynamic_rotate %add3A_2627 by %roll3A_2886 dim 1 : vector<1x128xi32>, i32 -> vector<1x128xi32>
    %eq3A_2888 = arith.cmpi eq, %roll3A_2887, %select_n3A_2462 : vector<1x128xi32>
    %roll3A_2889 = arith.constant 12 : i32
    %roll3A_2890 = tpu.dynamic_rotate %concatenate3A by %roll3A_2889 dim 1 : vector<1x128xi32>, i32 -> vector<1x128xi32>
    %jit3A_2891 = arith.constant 0 : i32
    %broadcast_in_dim3A_2892 = vector.broadcast %jit3A_2891 : i32 to vector<1x128xi32>
    %select_n3A_2893 = arith.select %eq3A_2888, %roll3A_2890, %broadcast_in_dim3A_2892 : vector<1x128xi1>, vector<1x128xi32>
    %add3A_2894 = arith.addi %add3A_2873, %select_n3A_2893 : vector<1x128xi32>
    %roll3A_2895 = arith.constant 12 : i32
    %roll3A_2896 = tpu.dynamic_rotate %concatenate3A_2434 by %roll3A_2895 dim 1 : vector<1x128xi32>, i32 -> vector<1x128xi32>
    %jit3A_2897 = arith.constant 0 : i32
    %broadcast_in_dim3A_2898 = vector.broadcast %jit3A_2897 : i32 to vector<1x128xi32>
    %select_n3A_2899 = arith.select %eq3A_2888, %roll3A_2896, %broadcast_in_dim3A_2898 : vector<1x128xi1>, vector<1x128xi32>
    %add3A_2900 = arith.addi %add3A_2879, %select_n3A_2899 : vector<1x128xi32>
    %roll3A_2901 = arith.constant 12 : i32
    %roll3A_2902 = tpu.dynamic_rotate %concatenate3A_2440 by %roll3A_2901 dim 1 : vector<1x128xi32>, i32 -> vector<1x128xi32>
    %jit3A_2903 = arith.constant 0 : i32
    %broadcast_in_dim3A_2904 = vector.broadcast %jit3A_2903 : i32 to vector<1x128xi32>
    %select_n3A_2905 = arith.select %eq3A_2888, %roll3A_2902, %broadcast_in_dim3A_2904 : vector<1x128xi1>, vector<1x128xi32>
    %add3A_2906 = arith.addi %add3A_2885, %select_n3A_2905 : vector<1x128xi32>
    %roll3A_2907 = arith.constant 13 : i32
    %roll3A_2908 = tpu.dynamic_rotate %add3A_2627 by %roll3A_2907 dim 1 : vector<1x128xi32>, i32 -> vector<1x128xi32>
    %eq3A_2909 = arith.cmpi eq, %roll3A_2908, %select_n3A_2462 : vector<1x128xi32>
    %roll3A_2910 = arith.constant 13 : i32
    %roll3A_2911 = tpu.dynamic_rotate %concatenate3A by %roll3A_2910 dim 1 : vector<1x128xi32>, i32 -> vector<1x128xi32>
    %jit3A_2912 = arith.constant 0 : i32
    %broadcast_in_dim3A_2913 = vector.broadcast %jit3A_2912 : i32 to vector<1x128xi32>
    %select_n3A_2914 = arith.select %eq3A_2909, %roll3A_2911, %broadcast_in_dim3A_2913 : vector<1x128xi1>, vector<1x128xi32>
    %add3A_2915 = arith.addi %add3A_2894, %select_n3A_2914 : vector<1x128xi32>
    %roll3A_2916 = arith.constant 13 : i32
    %roll3A_2917 = tpu.dynamic_rotate %concatenate3A_2434 by %roll3A_2916 dim 1 : vector<1x128xi32>, i32 -> vector<1x128xi32>
    %jit3A_2918 = arith.constant 0 : i32
    %broadcast_in_dim3A_2919 = vector.broadcast %jit3A_2918 : i32 to vector<1x128xi32>
    %select_n3A_2920 = arith.select %eq3A_2909, %roll3A_2917, %broadcast_in_dim3A_2919 : vector<1x128xi1>, vector<1x128xi32>
    %add3A_2921 = arith.addi %add3A_2900, %select_n3A_2920 : vector<1x128xi32>
    %roll3A_2922 = arith.constant 13 : i32
    %roll3A_2923 = tpu.dynamic_rotate %concatenate3A_2440 by %roll3A_2922 dim 1 : vector<1x128xi32>, i32 -> vector<1x128xi32>
    %jit3A_2924 = arith.constant 0 : i32
    %broadcast_in_dim3A_2925 = vector.broadcast %jit3A_2924 : i32 to vector<1x128xi32>
    %select_n3A_2926 = arith.select %eq3A_2909, %roll3A_2923, %broadcast_in_dim3A_2925 : vector<1x128xi1>, vector<1x128xi32>
    %add3A_2927 = arith.addi %add3A_2906, %select_n3A_2926 : vector<1x128xi32>
    %roll3A_2928 = arith.constant 14 : i32
    %roll3A_2929 = tpu.dynamic_rotate %add3A_2627 by %roll3A_2928 dim 1 : vector<1x128xi32>, i32 -> vector<1x128xi32>
    %eq3A_2930 = arith.cmpi eq, %roll3A_2929, %select_n3A_2462 : vector<1x128xi32>
    %roll3A_2931 = arith.constant 14 : i32
    %roll3A_2932 = tpu.dynamic_rotate %concatenate3A by %roll3A_2931 dim 1 : vector<1x128xi32>, i32 -> vector<1x128xi32>
    %jit3A_2933 = arith.constant 0 : i32
    %broadcast_in_dim3A_2934 = vector.broadcast %jit3A_2933 : i32 to vector<1x128xi32>
    %select_n3A_2935 = arith.select %eq3A_2930, %roll3A_2932, %broadcast_in_dim3A_2934 : vector<1x128xi1>, vector<1x128xi32>
    %add3A_2936 = arith.addi %add3A_2915, %select_n3A_2935 : vector<1x128xi32>
    %roll3A_2937 = arith.constant 14 : i32
    %roll3A_2938 = tpu.dynamic_rotate %concatenate3A_2434 by %roll3A_2937 dim 1 : vector<1x128xi32>, i32 -> vector<1x128xi32>
    %jit3A_2939 = arith.constant 0 : i32
    %broadcast_in_dim3A_2940 = vector.broadcast %jit3A_2939 : i32 to vector<1x128xi32>
    %select_n3A_2941 = arith.select %eq3A_2930, %roll3A_2938, %broadcast_in_dim3A_2940 : vector<1x128xi1>, vector<1x128xi32>
    %add3A_2942 = arith.addi %add3A_2921, %select_n3A_2941 : vector<1x128xi32>
    %roll3A_2943 = arith.constant 14 : i32
    %roll3A_2944 = tpu.dynamic_rotate %concatenate3A_2440 by %roll3A_2943 dim 1 : vector<1x128xi32>, i32 -> vector<1x128xi32>
    %jit3A_2945 = arith.constant 0 : i32
    %broadcast_in_dim3A_2946 = vector.broadcast %jit3A_2945 : i32 to vector<1x128xi32>
    %select_n3A_2947 = arith.select %eq3A_2930, %roll3A_2944, %broadcast_in_dim3A_2946 : vector<1x128xi1>, vector<1x128xi32>
    %add3A_2948 = arith.addi %add3A_2927, %select_n3A_2947 : vector<1x128xi32>
    %roll3A_2949 = arith.constant 15 : i32
    %roll3A_2950 = tpu.dynamic_rotate %add3A_2627 by %roll3A_2949 dim 1 : vector<1x128xi32>, i32 -> vector<1x128xi32>
    %eq3A_2951 = arith.cmpi eq, %roll3A_2950, %select_n3A_2462 : vector<1x128xi32>
    %roll3A_2952 = arith.constant 15 : i32
    %roll3A_2953 = tpu.dynamic_rotate %concatenate3A by %roll3A_2952 dim 1 : vector<1x128xi32>, i32 -> vector<1x128xi32>
    %jit3A_2954 = arith.constant 0 : i32
    %broadcast_in_dim3A_2955 = vector.broadcast %jit3A_2954 : i32 to vector<1x128xi32>
    %select_n3A_2956 = arith.select %eq3A_2951, %roll3A_2953, %broadcast_in_dim3A_2955 : vector<1x128xi1>, vector<1x128xi32>
    %add3A_2957 = arith.addi %add3A_2936, %select_n3A_2956 : vector<1x128xi32>
    %roll3A_2958 = arith.constant 15 : i32
    %roll3A_2959 = tpu.dynamic_rotate %concatenate3A_2434 by %roll3A_2958 dim 1 : vector<1x128xi32>, i32 -> vector<1x128xi32>
    %jit3A_2960 = arith.constant 0 : i32
    %broadcast_in_dim3A_2961 = vector.broadcast %jit3A_2960 : i32 to vector<1x128xi32>
    %select_n3A_2962 = arith.select %eq3A_2951, %roll3A_2959, %broadcast_in_dim3A_2961 : vector<1x128xi1>, vector<1x128xi32>
    %add3A_2963 = arith.addi %add3A_2942, %select_n3A_2962 : vector<1x128xi32>
    %roll3A_2964 = arith.constant 15 : i32
    %roll3A_2965 = tpu.dynamic_rotate %concatenate3A_2440 by %roll3A_2964 dim 1 : vector<1x128xi32>, i32 -> vector<1x128xi32>
    %jit3A_2966 = arith.constant 0 : i32
    %broadcast_in_dim3A_2967 = vector.broadcast %jit3A_2966 : i32 to vector<1x128xi32>
    %select_n3A_2968 = arith.select %eq3A_2951, %roll3A_2965, %broadcast_in_dim3A_2967 : vector<1x128xi1>, vector<1x128xi32>
    %add3A_2969 = arith.addi %add3A_2948, %select_n3A_2968 : vector<1x128xi32>
    %slice3A_2970 = vector.extract_strided_slice %add3A_2957 {offsets = [0, 0], sizes = [1, 16], strides = [1, 1]} : vector<1x128xi32> to vector<1x16xi32>
    %broadcast_in_dim3A_2971 = vector.shape_cast %slice3A_2970 : vector<1x16xi32> to vector<1x1x16xi32>
    %swap3A_2972 = arith.constant 0 : index
    %swap3A_2973 = arith.constant 0 : index
    %swap3A_2974 = arith.constant 0 : index
    %swap3A_2975 = vector.load %arg12[%swap3A_2972, %swap3A_2973, %swap3A_2974] : memref<1x1x16xi32, #tpu.memory_space<vmem>>, vector<1x1x16xi32>
    tpu.vector_store %arg12[%swap3A_2972, %swap3A_2973, %swap3A_2974], %broadcast_in_dim3A_2971 {strides = array<i32>} : memref<1x1x16xi32, #tpu.memory_space<vmem>>, vector<1x1x16xi32>,
    %slice3A_2976 = vector.extract_strided_slice %add3A_2963 {offsets = [0, 0], sizes = [1, 16], strides = [1, 1]} : vector<1x128xi32> to vector<1x16xi32>
    %broadcast_in_dim3A_2977 = vector.shape_cast %slice3A_2976 : vector<1x16xi32> to vector<1x1x16xi32>
    %swap3A_2978 = arith.constant 0 : index
    %swap3A_2979 = arith.constant 0 : index
    %swap3A_2980 = arith.constant 0 : index
    %swap3A_2981 = vector.load %arg10[%swap3A_2978, %swap3A_2979, %swap3A_2980] : memref<1x1x16xi32, #tpu.memory_space<vmem>>, vector<1x1x16xi32>
    tpu.vector_store %arg10[%swap3A_2978, %swap3A_2979, %swap3A_2980], %broadcast_in_dim3A_2977 {strides = array<i32>} : memref<1x1x16xi32, #tpu.memory_space<vmem>>, vector<1x1x16xi32>,
    %slice3A_2982 = vector.extract_strided_slice %add3A_2969 {offsets = [0, 0], sizes = [1, 16], strides = [1, 1]} : vector<1x128xi32> to vector<1x16xi32>
    %broadcast_in_dim3A_2983 = vector.shape_cast %slice3A_2982 : vector<1x16xi32> to vector<1x1x16xi32>
    %swap3A_2984 = arith.constant 0 : index
    %swap3A_2985 = arith.constant 0 : index
    %swap3A_2986 = arith.constant 0 : index
    %swap3A_2987 = vector.load %arg11[%swap3A_2984, %swap3A_2985, %swap3A_2986] : memref<1x1x16xi32, #tpu.memory_space<vmem>>, vector<1x1x16xi32>
    tpu.vector_store %arg11[%swap3A_2984, %swap3A_2985, %swap3A_2986], %broadcast_in_dim3A_2983 {strides = array<i32>} : memref<1x1x16xi32, #tpu.memory_space<vmem>>, vector<1x1x16xi32>,
    return
  }
  func.func @transform_0(%arg0: i32) -> (i32, i32, i32) {
    %c0_i32 = arith.constant 0 : i32
    %c0_i32_0 = arith.constant 0 : i32
    %c0_i32_1 = arith.constant 0 : i32
    return %arg0, %c0_i32, %c0_i32_0 : i32, i32, i32
  }
  func.func @transform_1(%arg0: i32) -> (i32, i32, i32) {
    %c0_i32 = arith.constant 0 : i32
    %c0_i32_0 = arith.constant 0 : i32
    %c0_i32_1 = arith.constant 0 : i32
    return %arg0, %c0_i32, %c0_i32_0 : i32, i32, i32
  }
  func.func @transform_2(%arg0: i32) -> (i32, i32, i32) {
    %c0_i32 = arith.constant 0 : i32
    %c0_i32_0 = arith.constant 0 : i32
    %c0_i32_1 = arith.constant 0 : i32
    return %arg0, %c0_i32, %c0_i32_0 : i32, i32, i32
  }
  func.func @transform_3(%arg0: i32) -> (i32, i32, i32) {
    %c0_i32 = arith.constant 0 : i32
    %c0_i32_0 = arith.constant 0 : i32
    %c0_i32_1 = arith.constant 0 : i32
    return %arg0, %c0_i32, %c0_i32_0 : i32, i32, i32
  }
  func.func @transform_4(%arg0: i32) -> (i32, i32, i32) {
    %c0_i32 = arith.constant 0 : i32
    %c0_i32_0 = arith.constant 0 : i32
    %c0_i32_1 = arith.constant 0 : i32
    return %arg0, %c0_i32, %c0_i32_0 : i32, i32, i32
  }
  func.func @transform_5(%arg0: i32) -> (i32, i32, i32) {
    %c0_i32 = arith.constant 0 : i32
    %c0_i32_0 = arith.constant 0 : i32
    %c0_i32_1 = arith.constant 0 : i32
    return %arg0, %c0_i32, %c0_i32_0 : i32, i32, i32
  }
  func.func @transform_6(%arg0: i32) -> (i32, i32, i32) {
    %c0_i32 = arith.constant 0 : i32
    %c0_i32_0 = arith.constant 0 : i32
    %c0_i32_1 = arith.constant 0 : i32
    return %arg0, %c0_i32, %c0_i32_0 : i32, i32, i32
  }
  func.func @transform_7(%arg0: i32) -> (i32, i32, i32) {
    %c0_i32 = arith.constant 0 : i32
    %c0_i32_0 = arith.constant 0 : i32
    %c0_i32_1 = arith.constant 0 : i32
    return %arg0, %c0_i32, %c0_i32_0 : i32, i32, i32
  }
  func.func @transform_8(%arg0: i32) -> (i32, i32, i32) {
    %c0_i32 = arith.constant 0 : i32
    %c0_i32_0 = arith.constant 0 : i32
    %c0_i32_1 = arith.constant 0 : i32
    return %arg0, %c0_i32, %c0_i32_0 : i32, i32, i32
  }
  func.func @transform_9(%arg0: i32) -> (i32, i32, i32) {
    %c0_i32 = arith.constant 0 : i32
    %c0_i32_0 = arith.constant 0 : i32
    %c0_i32_1 = arith.constant 0 : i32
    return %arg0, %c0_i32, %c0_i32_0 : i32, i32, i32
  }
  func.func @transform_10(%arg0: i32) -> (i32, i32, i32) {
    %c0_i32 = arith.constant 0 : i32
    %c0_i32_0 = arith.constant 0 : i32
    %c0_i32_1 = arith.constant 0 : i32
    return %arg0, %c0_i32, %c0_i32_0 : i32, i32, i32
  }
  func.func @transform_11(%arg0: i32) -> (i32, i32, i32) {
    %c0_i32 = arith.constant 0 : i32
    %c0_i32_0 = arith.constant 0 : i32
    %c0_i32_1 = arith.constant 0 : i32
    return %arg0, %c0_i32, %c0_i32_0 : i32, i32, i32
  }
}

</mosaic_0001>

<sc_bundles>
// kernel: kernel.7.cloned.1.call-start
scs
__scs_entry_jumppad:
0x0: {  	(pc) =	sbr.rel $0x88, $3  }
0x1: {  	(tag) =	ssettag $0x0;
	lr =	simm.s32 $0x1  }
0x2: {  	[smem:$0x3F9C] =	sst lr;
	_ =	strace $0xD0000000  }
0x3: {  	_ = 	snop  }
0x4: {  	_ = 	snop  }
0x5: {  	_ = 	snop  }
0x6: {  	_ = 	snop  }
0x7: {  	_ = 	snop  }
__scs_overlays_trampoline_lowered:
0x8: {  	[smem:$0x3FAB] =	sst s0  }
0x9: {  	[smem:$0x3FAC] =	sst s1  }
0xa: {  	[smem:$0x3FAD] =	sst s2  }
0xb: {  	[smem:$0x3FAE] =	sst s3  }
0xc: {  	[smem:$0x3FAF] =	sst s4  }
0xd: {  	[smem:$0x3FB0] =	sst s5  }
0xe: {  	[smem:$0x3FB1] =	sst s6  }
0xf: {  	[smem:$0x3FB2] =	sst s7  }
0x10: {  	[smem:$0x3FB3] =	sst s8  }
0x11: {  	[smem:$0x3FB4] =	sst s9;
	s0 =	simm.s32 @!p0 $0x0  }
0x12: {  	s1 =	sld [smem:$0x3F9A];
	s0 =	simm.s32 @p0 $0x1  }
0x13: {  	[smem:$0x3FB5] =	sst s0;
	s0 =	simm.s32 @!p1 $0x0  }
0x14: {  	s2 =	sld [smem:$0x3F99];
	s0 =	simm.s32 @p1 $0x1  }
0x15: {  	[smem:$0x3FB6] =	sst s0;
	s0 =	simm.s32 @!p2 $0x0  }
0x16: {  	s3 =	sld [smem:$0x3FDB];
	s0 =	simm.s32 @p2 $0x1  }
0x17: {  	s4 =	simm.s32 $0x1BF5;
	[smem:$0x3FB8] =	sst s0  }
0x18: {  	s0 =	sld [smem:$0x3F9B];
	_ =	swait.ge [sflag:s4], $0x0  }
0x19: {  	s7 =	sld [smem:$0x3F9C]  }
0x1a: {  	s8 =	sadd.s32 $0xFFFFE003, lr  }
0x1b: {  	s9 =	sadd.s32 $0xFFFFFEF7, lr;
	s5 =	simm.s32 $0xFFFFFFFF;
	p2 =	slt.u32 s8, $0xFFFFF086  }
0x1c: {  	p1 =	slt.u32 s9, $0xF7A;
	s5 =	simm.s32 @!p2 $0x0  }
0x1d: {  	s5 =	simm.s32 @p1 $0x1;
	p0 =	seq.s32 s7, s2  }
0x1e: {  	s7 =	smul.u32 @!p0 $0xF7A, s2;
	p2 =	seq.s32 @!p0 s5, $0x0  }
0x1f: {  	s9 =	smul.u32 $0xF7A, s1;
	s8 =	simm.s32 @!p0 $0x1BF5;
	p2 =	por !p2, p0  }
0x20: {  	[sflag:s8] =	ssyncset.s32 @!p0 $0xFFFFF086;
	s6 =	sadd.s32 @!p0 s3, s7;
	s7 =	simm.s32 @!p0 $0x108  }
0x21: {  	s3 =	sadd.s32 s3, s9;
	s6 =	sadd.s32 @!p0 $0x88, s6;
	s7 =	simm.s32 @p2 $0x1082  }
0x22: {  	[simem:s7], [sflag:s8] =	dma.local @!p0 [hbm:s6], $0xF7A  }
0x23: {  	s9 =	sor.u32 $0xD0000000, s2;
	s6 =	simm.s32 $0x108;
	_ =	swait.ge @!p0 [sflag:s8], $0x0  }
0x24: {  	s3 =	sadd.s32 $0x88, s3;
	s6 =	simm.s32 @!p1 $0x1082;
	[sflag:s4] =	ssyncset.s32 $0xFFFFF086  }
0x25: {  	[simem:s6], [sflag:s4] =	dma.local [hbm:s3], $0xF7A  }
0x26: {  	[smem:$0x3F9C] =	sst s1;
	(tag) =	ssettag s2;
	_ =	strace s9  }
0x27: {  	s1 =	sld [smem:$0x3FAC]  }
0x28: {  	s2 =	sld [smem:$0x3FAD]  }
0x29: {  	s4 =	sld [smem:$0x3FAF]  }
0x2a: {  	p0 =	seq.s32 s5, $0x0;
	s5 =	sld [smem:$0x3FB0]  }
0x2b: {  	s6 =	sld [smem:$0x3FB1]  }
0x2c: {  	s7 =	sld [smem:$0x3FB2]  }
0x2d: {  	s3 =	simm.s32 $0x108;
	s8 =	sld [smem:$0x3FB3]  }
0x2e: {  	s3 =	simm.s32 @!p0 $0x1082;
	s9 =	sld [smem:$0x3FB4]  }
0x2f: {  	lr =	sadd.s32 s0, s3;
	s0 =	sld [smem:$0x3FAB]  }
0x30: {  	s3 =	sld [smem:$0x3FAE]  }
0x31: {  	[smem:$0x3FB7] =	sst s10  }
0x32: {  	s10 =	sld [smem:$0x3FB5];
	_ =	sdelay $0x3  }
0x33: {  	p0 =	seq.s32 s10, $0x1;
	s10 =	sld [smem:$0x3FB7];
	_ =	sdelay $0x3  }
0x34: {  	[smem:$0x3FB7] =	sst s10  }
0x35: {  	s10 =	sld [smem:$0x3FB6];
	_ =	sdelay $0x3  }
0x36: {  	p1 =	seq.s32 s10, $0x1;
	s10 =	sld [smem:$0x3FB7];
	_ =	sdelay $0x3  }
0x37: {  	[smem:$0x3FB7] =	sst s10  }
0x38: {  	s10 =	sld [smem:$0x3FB8]  }
0x39: {  	_ = 	snop;
	(pc) =	sbr.ind lr, $3  }
0x3a: {  	_ = 	snop  }
0x3b: {  	_ = 	snop  }
0x3c: {  	p2 =	seq.s32 s10, $0x1;
	s10 =	sld [smem:$0x3FB7]  }
0x3d: {  	_ =	shalt  }
0x3e: {  	_ =	shalt  }
0x3f: {  	_ =	shalt  }
0x40: {  	_ =	shalt  }
0x41: {  	_ =	shalt  }
0x42: {  	_ =	shalt  }
0x43: {  	_ =	shalt  }
0x44: {  	_ =	shalt  }
0x45: {  	_ =	shalt  }
0x46: {  	_ =	shalt  }
0x47: {  	_ =	shalt  }
0x48: {  	_ =	shalt  }
0x49: {  	_ =	shalt  }
0x4a: {  	_ =	shalt  }
0x4b: {  	_ =	shalt  }
0x4c: {  	_ =	shalt  }
0x4d: {  	_ =	shalt  }
0x4e: {  	_ =	shalt  }
0x4f: {  	_ =	shalt  }
0x50: {  	_ =	shalt  }
0x51: {  	_ =	shalt  }
0x52: {  	_ =	shalt  }
0x53: {  	_ =	shalt  }
0x54: {  	_ =	shalt  }
0x55: {  	_ =	shalt  }
0x56: {  	_ =	shalt  }
0x57: {  	_ =	shalt  }
0x58: {  	_ =	shalt  }
0x59: {  	_ =	shalt  }
0x5a: {  	_ =	shalt  }
0x5b: {  	_ =	shalt  }
0x5c: {  	_ =	shalt  }
0x5d: {  	_ =	shalt  }
0x5e: {  	_ =	shalt  }
0x5f: {  	_ =	shalt  }
0x60: {  	_ =	shalt  }
0x61: {  	_ =	shalt  }
0x62: {  	_ =	shalt  }
0x63: {  	_ =	shalt  }
0x64: {  	_ =	shalt  }
0x65: {  	_ =	shalt  }
0x66: {  	_ =	shalt  }
0x67: {  	_ =	shalt  }
0x68: {  	_ =	shalt  }
0x69: {  	_ =	shalt  }
0x6a: {  	_ =	shalt  }
0x6b: {  	_ =	shalt  }
0x6c: {  	_ =	shalt  }
0x6d: {  	_ =	shalt  }
0x6e: {  	_ =	shalt  }
0x6f: {  	_ =	shalt  }
0x70: {  	_ =	shalt  }
0x71: {  	_ =	shalt  }
0x72: {  	_ =	shalt  }
0x73: {  	_ =	shalt  }
0x74: {  	_ =	shalt  }
0x75: {  	_ =	shalt  }
0x76: {  	_ =	shalt  }
0x77: {  	_ =	shalt  }
0x78: {  	_ =	shalt  }
0x79: {  	_ =	shalt  }
0x7a: {  	_ =	shalt  }
0x7b: {  	_ =	shalt  }
0x7c: {  	_ =	shalt  }
0x7d: {  	_ =	shalt  }
0x7e: {  	_ =	shalt  }
0x7f: {  	_ =	shalt  }
0x80: {  	_ =	shalt  }
0x81: {  	_ =	shalt  }
0x82: {  	_ =	shalt  }
0x83: {  	_ =	shalt  }
0x84: {  	_ =	shalt  }
0x85: {  	_ =	shalt  }
0x86: {  	_ =	shalt  }
0x87: {  	_ =	shalt  }
.Lfunc_end0:
.L_simem_size_0:
called_computation_lowered:
.L_overlay_start_0:
0x88: {  	s2 =	sld [smem:$0x3FD9]  }
0x89: {  	s3 =	sld [smem:$0x3FFE];
	_ =	sdelay $0x1  }
0x8a: {  	s1 =	srdreg.scid  }
0x8b: {  	s0 =	sand.u32 $0x1, s1  }
0x8c: {  	s16 =	sshll.u32 s0, $0xA;
	s2 =	sadd.s32 s3, s2  }
0x8d: {  	s2 =	sadd.s32 s2, s16  }
0x8e: {  	[smem:$0x3FC3] =	sst s2  }
0x8f: {  	_ = 	snop  }
0x90: {  	(tm) =	ssettm $0x1  }
0x91: {  	s17 =	sld [smem:$0x3FFB];
	_ =	sdelay $0x3  }
0x92: {  	_ =	strace s17  }
0x93: {  	s2 =	sld [smem:$0x3FFC];
	_ =	sdelay $0x3  }
0x94: {  	_ =	strace s2  }
0x95: {  	s2 =	sld [smem:$0x3FFD];
	_ =	sdelay $0x3  }
0x96: {  	_ =	strace s2  }
0x97: {  	_ =	strace $0x8FFFFFFF  }
0x98: {  	s18 =	sld [smem:$0x3FDB];
	_ =	sdelay $0x1  }
0x99: {  	s19 =	simm.s32 $_scs_section_size  }
0x9a: {  	s4 =	simm.s32 $_size__tile_overlayer_lowered;
	s5 =	simm.s32 $_tile_overlayer_lowered  }
0x9b: {  	s22 =	simm.s32 $0x1BFF;
	s21 =	sshll.u32 s5, $0x1;
	s2 =	sadd.s32 s19, s18  }
0x9c: {  	s6 =	simm.s32 $0x0;
	s20 =	sshll.u32 s4, $0x1;
	s4 =	sadd.s32 s21, s2  }
0x9d: {  	[timem:s6], [sflag:s22] =	dma.local [hbm:s4], s20  }
0x9e: {  	_ =	swait.ge [sflag:s22], s20  }
0x9f: {  	s3 =	ssub.s32 $0x0, s20;
	[sflag:s22] =	ssyncset.done $0x0  }
0xa0: {  	[sflag:s22] =	ssyncadd.s32 s3;
	_ =	sdelay $0x1  }
0xa1: {  	s23 =	simm.s32 $0x1B8B  }
0xa2: {  	_ =	swait.ge [sflag:s23], $0x1  }
0xa3: {  	[sflag:s23] =	ssyncset.done $0x0  }
0xa4: {  	s25 =	simm.s32 $0x1B8E;
	s24 =	sld [smem:$0x3FFE];
	[sflag:s23] =	ssyncadd.s32 $0xFFFFFFFF  }
0xa5: {  	s26 =	simm.s32 $execute0_lowered;
	[smem:$0x3FD2] =	sst s25  }
0xa6: {  	s4 =	sshll.u32 s26, $0x1;
	_ =	strace $0x80000046;
	[dreg:$0x1] =	wrdreg $0xFFFFFFFF  }
0xa7: {  	s28 =	simm.s32 $_size_execute0_lowered;
	s2 =	sadd.s32 s2, s4;
	[dreg:$0x0] =	wrdreg $0x0  }
0xa8: {  	s4 =	sshll.u32 s28, $0x1;
	[dreg:$0x2] =	wrdreg s2  }
0xa9: {  	[dreg:$0x3] =	wrdreg s4  }
0xaa: {  	[dreg:$0x4] =	wrdreg $0xC0  }
0xab: {  	_ =	task [dreg:s6], $0x5FFFF  }
0xac: {  	[dreg:$0x1] =	wrdreg $0xFFFFFFFF  }
0xad: {  	[dreg:$0x0] =	wrdreg $0x60  }
0xae: {  	[dreg:$0x2] =	wrdreg s24  }
0xaf: {  	[dreg:$0x3] =	wrdreg $0x9  }
0xb0: {  	_ =	task.clear_ibuf [dreg:s6], $0x4FFFF;
	_ =	strace $0x90000046  }
0xb1: {  	s29 =	simm.s32 $0x9;
	_ =	strace $0x80000048  }
0xb2: {  	_ =	swait.ge [sflag:s29], $0x1  }
0xb3: {  	[sflag:s29] =	ssyncadd.s32 $0xFFFFFFFF  }
0xb4: {  	_ =	strace $0x90000048  }
0xb5: {  	_ =	sfence  }
0xb6: {  	s30 =	sld [smem:$0x0];
	_ =	sdelay $0x2  }
0xb7: {  	s31 =	sshll.u32 s1, $0xD;
	s1 =	sshrl.u32 s1, $0x2  }
0xb8: {  	s3 =	sand.u32 $0x4000, s31;
	s1 =	sadd.s32 s1, s30  }
0xb9: {  	s0 =	sor.u32 s3, s0;
	s1 =	sshll.u32 s1, $0x11  }
0xba: {  	s0 =	sor.u32 s1, s0  }
0xbb: {  	s0 =	sadd.s32 $0x8F2B, s0  }
0xbc: {  	[sflag:s0] =	ssyncadd.remote.s32 $0x1  }
0xbd: {  	_ =	sfence.sel $0xFFFF  }
0xbe: {  	[dreg:$0x0] =	wrdreg $0xFFFFFFFF;
	(pc) =	sbr.abs _section_cstart, $3  }
0xbf: {  	[dreg:$0x1] =	wrdreg $0xFFFFFFFF  }
0xc0: {  	_ =	task.clear_ibuf [dreg:s6], $0x2FFFF;
	_ =	strace $0x9FFFFFFF  }
0xc1: {  	(tm) =	ssettm $0x7FFFFFFF  }
tec
execute0_lowered:
.L_overlay_start_1:
0x0: {  	(tag) =	ssettag $0x1  }
0x1: {  	s7 =	rddreg [dreg:$0x0]  }
0x2: {  	s0 =	rddreg [dreg:$0x1]  }
0x3: {  	s1 =	simm.s32 $0x0;
	s3 =	srdreg.scid;
	s11 =	simm.s32 $0x2  }
0x4: {  	s12 =	simm.s32 $0x8000;
	s13 =	simm.s32 $0x80;
	s14 =	simm.s32 $0x1  }
0x5: {  	s15 =	simm.s32 $0xFC00;
	s16 =	simm.s32 $0x7C00;
	s17 =	simm.s32 $0x17C00  }
0x6: {  	s18 =	simm.s32 $0xFC80;
	s19 =	simm.s32 $0x7C80;
	s20 =	simm.s32 $0x17C80  }
0x7: {  	s21 =	simm.s32 $0x0;
	[smem:$0x7FF] =	sst s1;
	s2 =	sadd.s32 $0x2E00, s7  }
0x8: {  	s8 =	sand.u32 $0x1, s3;
	s4 =	sadd.s32 $0x7EEE00, s7;
	s5 =	sadd.s32 $0x1E00, s7  }
0x9: {  	s6 =	sadd.s32 $0x402E00, s7;
	s3 =	stileid.u32;
	s9 =	ssub.s32 $0x2, s8  }
0xa: {  	s7 =	sadd.s32 $0x423E00, s7;
	_ =	strace $0x80000047;
	s10 =	sshrl.u32 s9, $0x1  }
0xb: {  	s31 =	sshll.u32 s3, $0x6;
	s8 =	sshll.u32 s8, $0x5;
	s9 =	ssub.s32 s9, s10  }
0xc: {  	s8 =	sor.u32 s8, s31;
	s10 =	simm.s32 $0x10000;
	s9 =	smax.u32 s9, $0x1  }
.LBB2_1:
0xd: {  	[tilespmem:s10], [sflag:$0x2] =	stream.linear.gather [hbm4b:s5+s1], $0x7D00, $0x38;
	[tilespmem:$0x18000] =	vst v63  }
0xe: {  	_ =	swait.ge [sflag:s11], $0x7D00  }
0xf: {  	[sflag:s11] =	ssyncset.done $0x0  }
0x10: {  	s22 =	simm.s32 $0x0;
	[sflag:s11] =	ssyncadd.s32 $0xFFFF8300  }
.LBB2_2:
0x11: {  	s23 =	sadd.s32 s8, s22  }
0x12: {  	s23 =	sshll.u32 s23, $0xC  }
0x13: {  	s25 =	simm.s32 $0x0;
	s24 =	sadd.s32 s2, s23  }
0x14: {  	[tilespmem:s25], [sflag:$0x2] =	stream.linear.gather [hbm4b:s24+s25], $0x7D00, $0x38;
	[tilespmem:$0x18000] =	vst v63  }
0x15: {  	_ =	swait.ge [sflag:s11], $0x7D00  }
0x16: {  	[sflag:s11] =	ssyncset.done $0x0  }
0x17: {  	s23 =	sadd.s32 s4, s23;
	[sflag:s11] =	ssyncadd.s32 $0xFFFF8300  }
0x18: {  	[tilespmem:s12], [sflag:$0x2] =	stream.linear.gather [hbm4b:s23+s25], $0x7D00, $0x38;
	[tilespmem:$0x18000] =	vst v63  }
0x19: {  	_ =	swait.ge [sflag:s11], $0x7D00  }
0x1a: {  	[sflag:s11] =	ssyncset.done $0x0  }
0x1b: {  	s26 =	simm.s32 $0x8000;
	s25 =	simm.s32 $0x0;
	[sflag:s11] =	ssyncadd.s32 $0xFFFF8300  }
0x1c: {  	[hbm4b:s6+s13] =	stream.indirect.scatter [tilespmem:s25], [sflag:$0x1], $0x1, s26, s13, $0xb8;
	[tilespmem:$0x18000] =	vst v63  }
0x1d: {  	s28 =	simm.s32 $0x10000  }
0x1e: {  	[hbm4b:s7+s13] =	stream.indirect.scatter [tilespmem:s28], [sflag:$0x1], $0x1, s26, s13, $0xb8;
	[tilespmem:$0x18000] =	vst v63  }
0x1f: {  	s29 =	simm.s32 $0x80;
	s30 =	simm.s32 $0x8080  }
0x20: {  	[hbm4b:s6+s13] =	stream.indirect.scatter [tilespmem:s29], [sflag:$0x1], $0x1, s30, s13, $0xb8;
	[tilespmem:$0x18000] =	vst v63  }
0x21: {  	s31 =	simm.s32 $0x10080  }
0x22: {  	[hbm4b:s7+s13] =	stream.indirect.scatter [tilespmem:s31], [sflag:$0x1], $0x1, s30, s13, $0xb8;
	[tilespmem:$0x18000] =	vst v63  }
0x23: {  	s25 =	simm.s32 $0x100;
	s26 =	simm.s32 $0x8100  }
0x24: {  	[hbm4b:s6+s13] =	stream.indirect.scatter [tilespmem:s25], [sflag:$0x1], $0x1, s26, s13, $0xb8;
	[tilespmem:$0x18000] =	vst v63  }
0x25: {  	s28 =	simm.s32 $0x10100  }
0x26: {  	[hbm4b:s7+s13] =	stream.indirect.scatter [tilespmem:s28], [sflag:$0x1], $0x1, s26, s13, $0xb8;
	[tilespmem:$0x18000] =	vst v63  }
0x27: {  	s29 =	simm.s32 $0x180;
	s30 =	simm.s32 $0x8180  }
0x28: {  	[hbm4b:s6+s13] =	stream.indirect.scatter [tilespmem:s29], [sflag:$0x1], $0x1, s30, s13, $0xb8;
	[tilespmem:$0x18000] =	vst v63  }
0x29: {  	s31 =	simm.s32 $0x10180  }
0x2a: {  	[hbm4b:s7+s13] =	stream.indirect.scatter [tilespmem:s31], [sflag:$0x1], $0x1, s30, s13, $0xb8;
	[tilespmem:$0x18000] =	vst v63  }
0x2b: {  	s25 =	simm.s32 $0x200;
	s26 =	simm.s32 $0x8200  }
0x2c: {  	[hbm4b:s6+s13] =	stream.indirect.scatter [tilespmem:s25], [sflag:$0x1], $0x1, s26, s13, $0xb8;
	[tilespmem:$0x18000] =	vst v63  }
0x2d: {  	s28 =	simm.s32 $0x10200  }
0x2e: {  	[hbm4b:s7+s13] =	stream.indirect.scatter [tilespmem:s28], [sflag:$0x1], $0x1, s26, s13, $0xb8;
	[tilespmem:$0x18000] =	vst v63  }
0x2f: {  	s29 =	simm.s32 $0x280;
	s30 =	simm.s32 $0x8280  }
0x30: {  	[hbm4b:s6+s13] =	stream.indirect.scatter [tilespmem:s29], [sflag:$0x1], $0x1, s30, s13, $0xb8;
	[tilespmem:$0x18000] =	vst v63  }
0x31: {  	s31 =	simm.s32 $0x10280  }
0x32: {  	[hbm4b:s7+s13] =	stream.indirect.scatter [tilespmem:s31], [sflag:$0x1], $0x1, s30, s13, $0xb8;
	[tilespmem:$0x18000] =	vst v63  }
0x33: {  	s25 =	simm.s32 $0x300;
	s26 =	simm.s32 $0x8300  }
0x34: {  	[hbm4b:s6+s13] =	stream.indirect.scatter [tilespmem:s25], [sflag:$0x1], $0x1, s26, s13, $0xb8;
	[tilespmem:$0x18000] =	vst v63  }
0x35: {  	s28 =	simm.s32 $0x10300  }
0x36: {  	[hbm4b:s7+s13] =	stream.indirect.scatter [tilespmem:s28], [sflag:$0x1], $0x1, s26, s13, $0xb8;
	[tilespmem:$0x18000] =	vst v63  }
0x37: {  	s29 =	simm.s32 $0x380;
	s30 =	simm.s32 $0x8380  }
0x38: {  	[hbm4b:s6+s13] =	stream.indirect.scatter [tilespmem:s29], [sflag:$0x1], $0x1, s30, s13, $0xb8;
	[tilespmem:$0x18000] =	vst v63  }
0x39: {  	s31 =	simm.s32 $0x10380  }
0x3a: {  	[hbm4b:s7+s13] =	stream.indirect.scatter [tilespmem:s31], [sflag:$0x1], $0x1, s30, s13, $0xb8;
	[tilespmem:$0x18000] =	vst v63  }
0x3b: {  	_ =	swait.ge [sflag:s14], $0x80  }
0x3c: {  	[sflag:s14] =	ssyncset.done $0x0  }
0x3d: {  	[sflag:s14] =	ssyncadd.s32 $0xFFFFFF80  }
0x3e: {  	_ =	swait.ge [sflag:s14], $0x80  }
0x3f: {  	[sflag:s14] =	ssyncset.done $0x0  }
0x40: {  	[sflag:s14] =	ssyncadd.s32 $0xFFFFFF80  }
0x41: {  	_ =	swait.ge [sflag:s14], $0x80  }
0x42: {  	[sflag:s14] =	ssyncset.done $0x0  }
0x43: {  	[sflag:s14] =	ssyncadd.s32 $0xFFFFFF80  }
0x44: {  	_ =	swait.ge [sflag:s14], $0x80  }
0x45: {  	[sflag:s14] =	ssyncset.done $0x0  }
0x46: {  	[sflag:s14] =	ssyncadd.s32 $0xFFFFFF80  }
0x47: {  	_ =	swait.ge [sflag:s14], $0x80  }
0x48: {  	[sflag:s14] =	ssyncset.done $0x0  }
0x49: {  	[sflag:s14] =	ssyncadd.s32 $0xFFFFFF80  }
0x4a: {  	_ =	swait.ge [sflag:s14], $0x80  }
0x4b: {  	[sflag:s14] =	ssyncset.done $0x0  }
0x4c: {  	[sflag:s14] =	ssyncadd.s32 $0xFFFFFF80  }
0x4d: {  	_ =	swait.ge [sflag:s14], $0x80  }
0x4e: {  	[sflag:s14] =	ssyncset.done $0x0  }
0x4f: {  	[sflag:s14] =	ssyncadd.s32 $0xFFFFFF80  }
0x50: {  	_ =	swait.ge [sflag:s14], $0x80  }
0x51: {  	[sflag:s14] =	ssyncset.done $0x0  }
0x52: {  	[sflag:s14] =	ssyncadd.s32 $0xFFFFFF80  }
0x53: {  	_ =	swait.ge [sflag:s14], $0x80  }
0x54: {  	[sflag:s14] =	ssyncset.done $0x0  }
0x55: {  	[sflag:s14] =	ssyncadd.s32 $0xFFFFFF80  }
0x56: {  	_ =	swait.ge [sflag:s14], $0x80  }
0x57: {  	[sflag:s14] =	ssyncset.done $0x0  }
0x58: {  	[sflag:s14] =	ssyncadd.s32 $0xFFFFFF80  }
0x59: {  	_ =	swait.ge [sflag:s14], $0x80  }
0x5a: {  	[sflag:s14] =	ssyncset.done $0x0  }
0x5b: {  	[sflag:s14] =	ssyncadd.s32 $0xFFFFFF80  }
0x5c: {  	_ =	swait.ge [sflag:s14], $0x80  }
0x5d: {  	[sflag:s14] =	ssyncset.done $0x0  }
0x5e: {  	[sflag:s14] =	ssyncadd.s32 $0xFFFFFF80  }
0x5f: {  	_ =	swait.ge [sflag:s14], $0x80  }
0x60: {  	[sflag:s14] =	ssyncset.done $0x0  }
0x61: {  	[sflag:s14] =	ssyncadd.s32 $0xFFFFFF80  }
0x62: {  	_ =	swait.ge [sflag:s14], $0x80  }
0x63: {  	[sflag:s14] =	ssyncset.done $0x0  }
0x64: {  	[sflag:s14] =	ssyncadd.s32 $0xFFFFFF80  }
0x65: {  	_ =	swait.ge [sflag:s14], $0x80  }
0x66: {  	[sflag:s14] =	ssyncset.done $0x0  }
0x67: {  	[sflag:s14] =	ssyncadd.s32 $0xFFFFFF80  }
0x68: {  	_ =	swait.ge [sflag:s14], $0x80  }
0x69: {  	s25 =	simm.s32 $0x400;
	s26 =	simm.s32 $0x2000;
	[sflag:s14] =	ssyncset.done $0x0  }
.LBB2_3:
0x6a: {  	s28 =	sadd.s32 $0x8000, s25  }
0x6b: {  	[sflag:s14] =	ssyncadd.s32 $0xFFFFFF80;
	s24 =	smov.u32 s26;
	s23 =	sadd.s32 $0x1000, s26  }
0x6c: {  	[hbm4b:s6+s13] =	stream.indirect.scatter [tilespmem:s25], [sflag:$0x1], $0x1, s28, s13, $0xb8;
	[tilespmem:$0x18000] =	vst v63  }
0x6d: {  	p0 =	sne.s32 s26, $0x1E000;
	s26 =	sadd.s32 $0x10000, s25  }
0x6e: {  	[hbm4b:s7+s13] =	stream.indirect.scatter [tilespmem:s26], [sflag:$0x1], $0x1, s28, s13, $0xb8;
	[tilespmem:$0x18000] =	vst v63  }
0x6f: {  	s26 =	sadd.s32 $0x80, s25;
	s28 =	sadd.s32 $0x8080, s25  }
0x70: {  	[hbm4b:s6+s13] =	stream.indirect.scatter [tilespmem:s26], [sflag:$0x1], $0x1, s28, s13, $0xb8;
	[tilespmem:$0x18000] =	vst v63  }
0x71: {  	s26 =	sadd.s32 $0x10080, s25  }
0x72: {  	[hbm4b:s7+s13] =	stream.indirect.scatter [tilespmem:s26], [sflag:$0x1], $0x1, s28, s13, $0xb8;
	[tilespmem:$0x18000] =	vst v63  }
0x73: {  	s26 =	sadd.s32 $0x100, s25;
	s28 =	sadd.s32 $0x8100, s25  }
0x74: {  	[hbm4b:s6+s13] =	stream.indirect.scatter [tilespmem:s26], [sflag:$0x1], $0x1, s28, s13, $0xb8;
	[tilespmem:$0x18000] =	vst v63  }
0x75: {  	s26 =	sadd.s32 $0x10100, s25  }
0x76: {  	[hbm4b:s7+s13] =	stream.indirect.scatter [tilespmem:s26], [sflag:$0x1], $0x1, s28, s13, $0xb8;
	[tilespmem:$0x18000] =	vst v63  }
0x77: {  	s26 =	sadd.s32 $0x180, s25;
	s28 =	sadd.s32 $0x8180, s25  }
0x78: {  	[hbm4b:s6+s13] =	stream.indirect.scatter [tilespmem:s26], [sflag:$0x1], $0x1, s28, s13, $0xb8;
	[tilespmem:$0x18000] =	vst v63  }
0x79: {  	s26 =	sadd.s32 $0x10180, s25  }
0x7a: {  	[hbm4b:s7+s13] =	stream.indirect.scatter [tilespmem:s26], [sflag:$0x1], $0x1, s28, s13, $0xb8;
	[tilespmem:$0x18000] =	vst v63  }
0x7b: {  	s26 =	sadd.s32 $0x200, s25;
	s28 =	sadd.s32 $0x8200, s25  }
0x7c: {  	[hbm4b:s6+s13] =	stream.indirect.scatter [tilespmem:s26], [sflag:$0x1], $0x1, s28, s13, $0xb8;
	[tilespmem:$0x18000] =	vst v63  }
0x7d: {  	s26 =	sadd.s32 $0x10200, s25  }
0x7e: {  	[hbm4b:s7+s13] =	stream.indirect.scatter [tilespmem:s26], [sflag:$0x1], $0x1, s28, s13, $0xb8;
	[tilespmem:$0x18000] =	vst v63  }
0x7f: {  	s26 =	sadd.s32 $0x280, s25;
	s28 =	sadd.s32 $0x8280, s25  }
0x80: {  	[hbm4b:s6+s13] =	stream.indirect.scatter [tilespmem:s26], [sflag:$0x1], $0x1, s28, s13, $0xb8;
	[tilespmem:$0x18000] =	vst v63  }
0x81: {  	s26 =	sadd.s32 $0x10280, s25  }
0x82: {  	[hbm4b:s7+s13] =	stream.indirect.scatter [tilespmem:s26], [sflag:$0x1], $0x1, s28, s13, $0xb8;
	[tilespmem:$0x18000] =	vst v63  }
0x83: {  	s26 =	sadd.s32 $0x300, s25;
	s28 =	sadd.s32 $0x8300, s25  }
0x84: {  	[hbm4b:s6+s13] =	stream.indirect.scatter [tilespmem:s26], [sflag:$0x1], $0x1, s28, s13, $0xb8;
	[tilespmem:$0x18000] =	vst v63  }
0x85: {  	s26 =	sadd.s32 $0x10300, s25  }
0x86: {  	[hbm4b:s7+s13] =	stream.indirect.scatter [tilespmem:s26], [sflag:$0x1], $0x1, s28, s13, $0xb8;
	[tilespmem:$0x18000] =	vst v63  }
0x87: {  	s26 =	sadd.s32 $0x380, s25;
	s28 =	sadd.s32 $0x8380, s25  }
0x88: {  	[hbm4b:s6+s13] =	stream.indirect.scatter [tilespmem:s26], [sflag:$0x1], $0x1, s28, s13, $0xb8;
	[tilespmem:$0x18000] =	vst v63  }
0x89: {  	s25 =	sadd.s32 $0x10380, s25  }
0x8a: {  	[hbm4b:s7+s13] =	stream.indirect.scatter [tilespmem:s25], [sflag:$0x1], $0x1, s28, s13, $0xb8;
	[tilespmem:$0x18000] =	vst v63  }
0x8b: {  	_ =	swait.ge [sflag:s14], $0x80  }
0x8c: {  	[sflag:s14] =	ssyncset.done $0x0  }
0x8d: {  	[sflag:s14] =	ssyncadd.s32 $0xFFFFFF80  }
0x8e: {  	_ =	swait.ge [sflag:s14], $0x80  }
0x8f: {  	[sflag:s14] =	ssyncset.done $0x0  }
0x90: {  	[sflag:s14] =	ssyncadd.s32 $0xFFFFFF80  }
0x91: {  	_ =	swait.ge [sflag:s14], $0x80  }
0x92: {  	[sflag:s14] =	ssyncset.done $0x0  }
0x93: {  	[sflag:s14] =	ssyncadd.s32 $0xFFFFFF80  }
0x94: {  	_ =	swait.ge [sflag:s14], $0x80  }
0x95: {  	[sflag:s14] =	ssyncset.done $0x0  }
0x96: {  	[sflag:s14] =	ssyncadd.s32 $0xFFFFFF80  }
0x97: {  	_ =	swait.ge [sflag:s14], $0x80  }
0x98: {  	[sflag:s14] =	ssyncset.done $0x0  }
0x99: {  	[sflag:s14] =	ssyncadd.s32 $0xFFFFFF80  }
0x9a: {  	_ =	swait.ge [sflag:s14], $0x80  }
0x9b: {  	[sflag:s14] =	ssyncset.done $0x0  }
0x9c: {  	[sflag:s14] =	ssyncadd.s32 $0xFFFFFF80  }
0x9d: {  	_ =	swait.ge [sflag:s14], $0x80  }
0x9e: {  	[sflag:s14] =	ssyncset.done $0x0  }
0x9f: {  	[sflag:s14] =	ssyncadd.s32 $0xFFFFFF80  }
0xa0: {  	_ =	swait.ge [sflag:s14], $0x80  }
0xa1: {  	[sflag:s14] =	ssyncset.done $0x0  }
0xa2: {  	[sflag:s14] =	ssyncadd.s32 $0xFFFFFF80  }
0xa3: {  	_ =	swait.ge [sflag:s14], $0x80  }
0xa4: {  	[sflag:s14] =	ssyncset.done $0x0  }
0xa5: {  	[sflag:s14] =	ssyncadd.s32 $0xFFFFFF80  }
0xa6: {  	_ =	swait.ge [sflag:s14], $0x80  }
0xa7: {  	[sflag:s14] =	ssyncset.done $0x0  }
0xa8: {  	[sflag:s14] =	ssyncadd.s32 $0xFFFFFF80  }
0xa9: {  	_ =	swait.ge [sflag:s14], $0x80  }
0xaa: {  	[sflag:s14] =	ssyncset.done $0x0  }
0xab: {  	[sflag:s14] =	ssyncadd.s32 $0xFFFFFF80  }
0xac: {  	_ =	swait.ge [sflag:s14], $0x80  }
0xad: {  	[sflag:s14] =	ssyncset.done $0x0  }
0xae: {  	[sflag:s14] =	ssyncadd.s32 $0xFFFFFF80  }
0xaf: {  	_ =	swait.ge [sflag:s14], $0x80  }
0xb0: {  	[sflag:s14] =	ssyncset.done $0x0  }
0xb1: {  	[sflag:s14] =	ssyncadd.s32 $0xFFFFFF80  }
0xb2: {  	_ =	swait.ge [sflag:s14], $0x80  }
0xb3: {  	[sflag:s14] =	ssyncset.done $0x0  }
0xb4: {  	[sflag:s14] =	ssyncadd.s32 $0xFFFFFF80  }
.Ltmp0:
0xb5: {  	_ =	swait.ge [sflag:s14], $0x80;
	(pc) =	sbr.rel @p0 .LBB2_3-.Ltmp0, $4  }
0xb6: {  	[sflag:s14] =	ssyncset.done $0x0  }
0xb7: {  	[sflag:s14] =	ssyncadd.s32 $0xFFFFFF80  }
0xb8: {  	_ =	swait.ge [sflag:s14], $0x80  }
0xb9: {  	s26 =	smov.u32 s23;
	s25 =	sshra.s32 s24, $0x2;
	[sflag:s14] =	ssyncset.done $0x0  }
0xba: {  	s23 =	sadd.s32 $0x8000, s25;
	[sflag:s14] =	ssyncadd.s32 $0xFFFFFF80  }
0xbb: {  	[hbm4b:s6+s13] =	stream.indirect.scatter [tilespmem:s25], [sflag:$0x1], $0x1, s23, s13, $0xb8;
	[tilespmem:$0x18000] =	vst v63  }
0xbc: {  	s24 =	sadd.s32 $0x10000, s25  }
0xbd: {  	[hbm4b:s7+s13] =	stream.indirect.scatter [tilespmem:s24], [sflag:$0x1], $0x1, s23, s13, $0xb8;
	[tilespmem:$0x18000] =	vst v63  }
0xbe: {  	s29 =	sadd.s32 $0x80, s25;
	s30 =	sadd.s32 $0x8080, s25  }
0xbf: {  	[hbm4b:s6+s13] =	stream.indirect.scatter [tilespmem:s29], [sflag:$0x1], $0x1, s30, s13, $0xb8;
	[tilespmem:$0x18000] =	vst v63  }
0xc0: {  	s31 =	sadd.s32 $0x10080, s25  }
0xc1: {  	[hbm4b:s7+s13] =	stream.indirect.scatter [tilespmem:s31], [sflag:$0x1], $0x1, s30, s13, $0xb8;
	[tilespmem:$0x18000] =	vst v63  }
0xc2: {  	s26 =	sadd.s32 $0x8100, s25;
	s24 =	sadd.s32 $0x100, s25  }
0xc3: {  	[hbm4b:s6+s13] =	stream.indirect.scatter [tilespmem:s24], [sflag:$0x1], $0x1, s26, s13, $0xb8;
	[tilespmem:$0x18000] =	vst v63  }
0xc4: {  	s28 =	sadd.s32 $0x10100, s25  }
0xc5: {  	[hbm4b:s7+s13] =	stream.indirect.scatter [tilespmem:s28], [sflag:$0x1], $0x1, s26, s13, $0xb8;
	[tilespmem:$0x18000] =	vst v63  }
0xc6: {  	s29 =	sadd.s32 $0x180, s25;
	s30 =	sadd.s32 $0x8180, s25  }
0xc7: {  	[hbm4b:s6+s13] =	stream.indirect.scatter [tilespmem:s29], [sflag:$0x1], $0x1, s30, s13, $0xb8;
	[tilespmem:$0x18000] =	vst v63  }
0xc8: {  	s31 =	sadd.s32 $0x10180, s25  }
0xc9: {  	[hbm4b:s7+s13] =	stream.indirect.scatter [tilespmem:s31], [sflag:$0x1], $0x1, s30, s13, $0xb8;
	[tilespmem:$0x18000] =	vst v63  }
0xca: {  	s24 =	sadd.s32 $0x200, s25;
	s26 =	sadd.s32 $0x8200, s25  }
0xcb: {  	[hbm4b:s6+s13] =	stream.indirect.scatter [tilespmem:s24], [sflag:$0x1], $0x1, s26, s13, $0xb8;
	[tilespmem:$0x18000] =	vst v63  }
0xcc: {  	s28 =	sadd.s32 $0x10200, s25  }
0xcd: {  	[hbm4b:s7+s13] =	stream.indirect.scatter [tilespmem:s28], [sflag:$0x1], $0x1, s26, s13, $0xb8;
	[tilespmem:$0x18000] =	vst v63  }
0xce: {  	s29 =	sadd.s32 $0x280, s25;
	s30 =	sadd.s32 $0x8280, s25  }
0xcf: {  	[hbm4b:s6+s13] =	stream.indirect.scatter [tilespmem:s29], [sflag:$0x1], $0x1, s30, s13, $0xb8;
	[tilespmem:$0x18000] =	vst v63  }
0xd0: {  	s31 =	sadd.s32 $0x10280, s25  }
0xd1: {  	[hbm4b:s7+s13] =	stream.indirect.scatter [tilespmem:s31], [sflag:$0x1], $0x1, s30, s13, $0xb8;
	[tilespmem:$0x18000] =	vst v63  }
0xd2: {  	s24 =	sadd.s32 $0x300, s25;
	s26 =	sadd.s32 $0x8300, s25  }
0xd3: {  	[hbm4b:s6+s13] =	stream.indirect.scatter [tilespmem:s24], [sflag:$0x1], $0x1, s26, s13, $0xb8;
	[tilespmem:$0x18000] =	vst v63  }
0xd4: {  	s28 =	sadd.s32 $0x10300, s25  }
0xd5: {  	[hbm4b:s7+s13] =	stream.indirect.scatter [tilespmem:s28], [sflag:$0x1], $0x1, s26, s13, $0xb8;
	[tilespmem:$0x18000] =	vst v63  }
0xd6: {  	s29 =	sadd.s32 $0x380, s25;
	s30 =	sadd.s32 $0x8380, s25  }
0xd7: {  	[hbm4b:s6+s13] =	stream.indirect.scatter [tilespmem:s29], [sflag:$0x1], $0x1, s30, s13, $0xb8;
	[tilespmem:$0x18000] =	vst v63  }
0xd8: {  	s31 =	sadd.s32 $0x10380, s25  }
0xd9: {  	[hbm4b:s7+s13] =	stream.indirect.scatter [tilespmem:s31], [sflag:$0x1], $0x1, s30, s13, $0xb8;
	[tilespmem:$0x18000] =	vst v63  }
0xda: {  	_ =	swait.ge [sflag:s14], $0x80  }
0xdb: {  	[sflag:s14] =	ssyncset.done $0x0  }
0xdc: {  	[sflag:s14] =	ssyncadd.s32 $0xFFFFFF80  }
0xdd: {  	_ =	swait.ge [sflag:s14], $0x80  }
0xde: {  	[sflag:s14] =	ssyncset.done $0x0  }
0xdf: {  	[sflag:s14] =	ssyncadd.s32 $0xFFFFFF80  }
0xe0: {  	_ =	swait.ge [sflag:s14], $0x80  }
0xe1: {  	[sflag:s14] =	ssyncset.done $0x0  }
0xe2: {  	[sflag:s14] =	ssyncadd.s32 $0xFFFFFF80  }
0xe3: {  	_ =	swait.ge [sflag:s14], $0x80  }
0xe4: {  	[sflag:s14] =	ssyncset.done $0x0  }
0xe5: {  	[sflag:s14] =	ssyncadd.s32 $0xFFFFFF80  }
0xe6: {  	_ =	swait.ge [sflag:s14], $0x80  }
0xe7: {  	[sflag:s14] =	ssyncset.done $0x0  }
0xe8: {  	[sflag:s14] =	ssyncadd.s32 $0xFFFFFF80  }
0xe9: {  	_ =	swait.ge [sflag:s14], $0x80  }
0xea: {  	[sflag:s14] =	ssyncset.done $0x0  }
0xeb: {  	[sflag:s14] =	ssyncadd.s32 $0xFFFFFF80  }
0xec: {  	_ =	swait.ge [sflag:s14], $0x80  }
0xed: {  	[sflag:s14] =	ssyncset.done $0x0  }
0xee: {  	[sflag:s14] =	ssyncadd.s32 $0xFFFFFF80  }
0xef: {  	_ =	swait.ge [sflag:s14], $0x80  }
0xf0: {  	[sflag:s14] =	ssyncset.done $0x0  }
0xf1: {  	[sflag:s14] =	ssyncadd.s32 $0xFFFFFF80  }
0xf2: {  	_ =	swait.ge [sflag:s14], $0x80  }
0xf3: {  	[sflag:s14] =	ssyncset.done $0x0  }
0xf4: {  	[sflag:s14] =	ssyncadd.s32 $0xFFFFFF80  }
0xf5: {  	_ =	swait.ge [sflag:s14], $0x80  }
0xf6: {  	[sflag:s14] =	ssyncset.done $0x0  }
0xf7: {  	[sflag:s14] =	ssyncadd.s32 $0xFFFFFF80  }
0xf8: {  	_ =	swait.ge [sflag:s14], $0x80  }
0xf9: {  	[sflag:s14] =	ssyncset.done $0x0  }
0xfa: {  	[sflag:s14] =	ssyncadd.s32 $0xFFFFFF80  }
0xfb: {  	_ =	swait.ge [sflag:s14], $0x80  }
0xfc: {  	[sflag:s14] =	ssyncset.done $0x0  }
0xfd: {  	[sflag:s14] =	ssyncadd.s32 $0xFFFFFF80  }
0xfe: {  	_ =	swait.ge [sflag:s14], $0x80  }
0xff: {  	[sflag:s14] =	ssyncset.done $0x0  }
0x100: {  	[sflag:s14] =	ssyncadd.s32 $0xFFFFFF80  }
0x101: {  	_ =	swait.ge [sflag:s14], $0x80  }
0x102: {  	[sflag:s14] =	ssyncset.done $0x0  }
0x103: {  	[sflag:s14] =	ssyncadd.s32 $0xFFFFFF80  }
0x104: {  	_ =	swait.ge [sflag:s14], $0x80  }
0x105: {  	[sflag:s14] =	ssyncset.done $0x0  }
0x106: {  	[sflag:s14] =	ssyncadd.s32 $0xFFFFFF80  }
0x107: {  	_ =	swait.ge [sflag:s14], $0x80  }
0x108: {  	[sflag:s14] =	ssyncset.done $0x0  }
0x109: {  	[sflag:s14] =	ssyncadd.s32 $0xFFFFFF80  }
0x10a: {  	[hbm4b:s6+s13] =	stream.indirect.scatter [tilespmem:s16], [sflag:$0x1], $0x1, s15, s13, $0xb8;
	[tilespmem:$0x18000] =	vst v63  }
0x10b: {  	_ = 	snop  }
0x10c: {  	[hbm4b:s7+s13] =	stream.indirect.scatter [tilespmem:s17], [sflag:$0x1], $0x1, s15, s13, $0xb8;
	[tilespmem:$0x18000] =	vst v63  }
0x10d: {  	_ = 	snop  }
0x10e: {  	[hbm4b:s6+s13] =	stream.indirect.scatter [tilespmem:s19], [sflag:$0x1], $0x1, s18, s13, $0xb8;
	[tilespmem:$0x18000] =	vst v63  }
0x10f: {  	_ = 	snop  }
0x110: {  	[hbm4b:s7+s13] =	stream.indirect.scatter [tilespmem:s20], [sflag:$0x1], $0x1, s18, s13, $0xb8;
	[tilespmem:$0x18000] =	vst v63  }
0x111: {  	_ =	swait.ge [sflag:s14], $0x80  }
0x112: {  	[sflag:s14] =	ssyncset.done $0x0  }
0x113: {  	[sflag:s14] =	ssyncadd.s32 $0xFFFFFF80  }
0x114: {  	_ =	swait.ge [sflag:s14], $0x80  }
0x115: {  	[sflag:s14] =	ssyncset.done $0x0  }
0x116: {  	s22 =	sadd.s32 $0x1, s22;
	[sflag:s14] =	ssyncadd.s32 $0xFFFFFF80  }
0x117: {  	p0 =	sne.s32 s22, $0x20;
	_ =	swait.ge [sflag:s14], $0x80  }
.Ltmp1:
0x118: {  	[sflag:s14] =	ssyncset.done $0x0;
	(pc) =	sbr.rel @p0 .LBB2_2-.Ltmp1, $4  }
0x119: {  	[sflag:s14] =	ssyncadd.s32 $0xFFFFFF80  }
0x11a: {  	_ =	swait.ge [sflag:s14], $0x80  }
0x11b: {  	[sflag:s14] =	ssyncset.done $0x0  }
0x11c: {  	[sflag:s14] =	ssyncadd.s32 $0xFFFFFF80  }
0x11d: {  	s21 =	sadd.s32 $0x1, s21  }
0x11e: {  	p0 =	sne.s32 s21, s9  }
.Ltmp2:
0x11f: {  	_ = 	snop;
	(pc) =	sbr.rel @p0 .LBB2_1-.Ltmp2, $1  }
0x120: {  	_ =	sdelay $0x3  }
0x121: {  	_ =	sfence.sel $0x180000  }
0x122: {  	[bflag:$0x0] =	sbarrier.arrive $0xFFFF  }
0x123: {  	p0 =	sne.s32 s3, $0x0;
	_ =	strace $0x90000047  }
0x124: {  	s0 =	sadd.s32 @!p0 $0x100000, s0;
	[bflag:$0x2] =	sbarrier.arrive $0xFFFF  }
0x125: {  	[sflag:s0] =	ssyncadd.tile.s32 @!p0 $0x1;
	_ =	shalt  }
.Lfunc_end2:
_tile_overlayer_lowered:
.L_overlay_start_2:
0x126: {  	(tag) =	ssettag $0x2  }
0x127: {  	s0 =	rddreg [dreg:$0x0];
	s2 =	stileid.u32  }
0x128: {  	s1 =	rddreg [dreg:$0x1];
	p0 =	sne.s32 s2, $0x0  }
0x129: {  	s3 =	rddreg [dreg:$0x2];
	[bflag:$0x3] =	sbarrier.arrive $0xFFFF;
	s2 =	simm.s32 @!p0 $0x1C02  }
0x12a: {  	[timem:s3], [sflag:s2] =	dma.local @!p0 [hbm:s0], s1  }
0x12b: {  	s0 =	simm.s32 @!p0 $0x2  }
0x12c: {  	_ =	swait.ge @!p0 [sflag:s0], s1  }
0x12d: {  	s1 =	ssub.s32 @!p0 $0x0, s1;
	[sflag:s0] =	ssyncset.done @!p0 $0x0  }
0x12e: {  	[sflag:s0] =	ssyncadd.s32 @!p0 s1  }
0x12f: {  	[bflag:$0x3] =	sbarrier.arrive $0xFFFF  }
0x130: {  	_ =	shalt  }

</sc_bundles>
